<compile_context>
chip_gen: v7x
topology: tpu7x:2x2x1
jax: 0.10.2.dev20260603
libtpu: 0.0.44.dev20260713+nightly
codegen_flags: <defaults>
</compile_context>

<pallas_src>
import functools

import jax
import jax.numpy as jnp
from jax import lax
from jax.experimental import pallas as pl
from jax.experimental.pallas import tpu as pltpu
from jax.experimental.pallas import tpu_sc as plsc

_NB, _SEQ = 16384, 200
_V, _D = 50000, 32
_B = _NB * _SEQ
_NC, _NS = 2, 16
_NW = _NC * _NS
_PER_W = _B // _NW
_CHUNK = 256
_NCHUNK = _PER_W // _CHUNK
_NPAIR = _NCHUNK // 2
_Q = 128 // _D
_MB = _NB // _Q
_RBLK = _MB // _CHUNK

_mesh = plsc.VectorSubcoreMesh(core_axis_name="c", subcore_axis_name="s")

_P = 4
_NSP = _SEQ // _P


def _make_lookup(piece):
    s0 = piece * _NSP
    nchunk = _NSP * _Q * _RBLK // _NW
    npair = nchunk // 2

    @functools.partial(
        pl.kernel,
        out_type=jax.ShapeDtypeStruct((_NSP, _MB, _Q, _D), jnp.float32),
        mesh=_mesh,
        scratch_types=[
            pltpu.VMEM((2, _CHUNK), jnp.int32),
            pltpu.VMEM((2, _CHUNK, _D), jnp.float32),
            pltpu.VMEM_SHARED((_V, _D), jnp.float32),
            pltpu.SemaphoreType.DMA,
            pltpu.SemaphoreType.DMA,
            pltpu.SemaphoreType.DMA,
            pltpu.SemaphoreType.DMA,
            pltpu.SemaphoreType.DMA,
            pltpu.SemaphoreType.DMA,
        ],
        compiler_params=pltpu.CompilerParams(use_tc_tiling_on_sc=False),
    )
    def _lookup(idx_hbm, table_hbm, out_hbm, idx_v, rows_v, table_sp,
                si0, si1, sg0, sg1, ss0, ss1):
        wid = lax.axis_index("s") * _NC + lax.axis_index("c")
        base = wid * nchunk
        sis = (si0, si1)
        sgs = (sg0, sg1)
        sss = (ss0, ss1)

        sid = lax.axis_index("s")
        rows_per_sub = _V // _NS
        pltpu.sync_copy(
            table_hbm.at[pl.ds(sid * rows_per_sub, rows_per_sub)],
            table_sp.at[pl.ds(sid * rows_per_sub, rows_per_sub)])
        plsc.subcore_barrier()

        def icopy(c, b):
            n = base + c
            return pltpu.make_async_copy(
                idx_hbm.at[pl.ds(s0 * _NB + n * _CHUNK, _CHUNK)],
                idx_v.at[b], sis[b])

        def gcopy(b):
            return pltpu.make_async_copy(table_sp.at[idx_v.at[b]],
                                         rows_v.at[b], sgs[b])

        def scopy(c, b):
            n = base + c
            s = n // (_Q * _RBLK)
            q = (n // _RBLK) % _Q
            rb = n % _RBLK
            return pltpu.make_async_copy(
                rows_v.at[b], out_hbm.at[s, pl.ds(rb * _CHUNK, _CHUNK), q],
                sss[b])

        icopy(0, 0).start()
        icopy(1, 1).start()
        icopy(0, 0).wait()
        gcopy(0).start()

        def body(g, carry):
            c0 = 2 * g
            c1 = c0 + 1
            n0 = (c0 + 2) % nchunk
            n1 = (c0 + 3) % nchunk
            icopy(c1, 1).wait()
            gcopy(0).wait()
            icopy(n0, 0).start()
            gcopy(1).start()
            scopy(c0, 0).start()
            gcopy(1).wait()
            icopy(n1, 1).start()
            scopy(c0, 0).wait()
            icopy(n0, 0).wait()
            gcopy(0).start()
            scopy(c1, 1).start()
            scopy(c1, 1).wait()
            return carry

        lax.fori_loop(0, npair, body, 0)
        gcopy(0).wait()
        icopy(1, 1).wait()

    return _lookup


_lookups = [_make_lookup(p) for p in range(_P)]


def _transpose_body(in_ref, out_ref):
    x = in_ref[...]
    xt = x.T
    for q in range(_Q):
        out_ref[0, :, q * _MB:(q + 1) * _MB] = xt[q * _D:(q + 1) * _D, :]


def _transpose_body_acc(in_ref, buf_ref, out_ref):
    del buf_ref
    _transpose_body(in_ref, out_ref)


def _make_tc(piece):
    out_shape = jax.ShapeDtypeStruct((_SEQ, _D, _NB), jnp.float32)
    in_spec = pl.BlockSpec((_MB, 128), lambda s: (s, 0))
    out_spec = pl.BlockSpec((1, _D, _NB),
                            lambda s, p=piece: (p * _NSP + s, 0, 0))
    if piece == 0:
        return pl.pallas_call(
            _transpose_body, grid=(_NSP,), in_specs=[in_spec],
            out_specs=out_spec, out_shape=out_shape)
    return pl.pallas_call(
        _transpose_body_acc, grid=(_NSP,),
        in_specs=[in_spec, pl.BlockSpec(memory_space=pl.ANY)],
        out_specs=out_spec, out_shape=out_shape,
        input_output_aliases={1: 0})


_tcs = [_make_tc(p) for p in range(_P)]


def kernel(inputs, embedding_matrix):
    flat = inputs.T.reshape(-1).astype(jnp.int32)
    mids = [lk(flat, embedding_matrix) for lk in _lookups]
    mids128 = [m.reshape(_NSP * _MB, 128) for m in mids]
    buf = _tcs[0](mids128[0])
    for p in range(1, _P):
        buf = _tcs[p](mids128[p], buf)
    return buf.transpose(2, 0, 1)

# --- scband reference (transcript-rebuilt; emitter-appended) ---
"""Pipeline reference for scband-embedding-lookup-66606352827119 (READ-ONLY COPY).

The authoritative reference and input builder live on the scoring server;
editing this copy changes nothing except your own understanding.
"""

import jax, jax.numpy as jnp
import numpy as np

VOCABULARY_SIZE = 50000
EMBED_SIZE = 32

def setup_inputs(seed: int = 0) -> dict:
    key = jax.random.key(seed)
    k1, k2 = jax.random.split(key)
    inputs = jax.random.randint(k1, (16384, 200), 0, VOCABULARY_SIZE, dtype=jnp.int64 if jax.config.jax_enable_x64 else jnp.int32)
    # Glorot uniform init for the embedding table
    limit = float(np.sqrt(6.0 / (VOCABULARY_SIZE + EMBED_SIZE)))
    embedding_matrix = jax.random.uniform(k2, (VOCABULARY_SIZE, EMBED_SIZE), dtype=jnp.float32, minval=-limit, maxval=limit)
    return {"inputs": inputs, "embedding_matrix": embedding_matrix}

def reference(inputs, embedding_matrix):
    # tf.nn.embedding_lookup(embedding_matrix, center_words)
    embedding = jnp.take(embedding_matrix, inputs, axis=0)
    return embedding

if __name__ == "__main__":
    import jax
    _d = setup_inputs()
    print(jax.jit(kernel)(*tuple(_d.values())))

</pallas_src>

<mosaic_0001>
#map = affine_map<(d0, d1) -> (0)>
#map1 = affine_map<(d0, d1) -> (0, 0)>
#map2 = affine_map<(d0, d1) -> (0, 0, 0, 0)>
module attributes {stable_mosaic.version = 14 : i64} {
  func.func @_lookup(%arg0: i32, %arg1: i32, %arg2: memref<3276800xi32, #tpu.memory_space<hbm>>, %arg3: memref<50000x32xf32, #tpu.memory_space<hbm>>, %arg4: memref<50x4096x4x32xf32, #tpu.memory_space<hbm>>, %arg5: memref<2x256xi32, #tpu.memory_space<vmem>>, %arg6: memref<2x256x32xf32, #tpu.memory_space<vmem>>, %arg7: memref<50000x32xf32, #tpu.memory_space<vmem_shared>>, %arg8: memref<!tpu.dma_semaphore, #tpu.memory_space<semaphore_mem>>, %arg9: memref<!tpu.dma_semaphore, #tpu.memory_space<semaphore_mem>>, %arg10: memref<!tpu.dma_semaphore, #tpu.memory_space<semaphore_mem>>, %arg11: memref<!tpu.dma_semaphore, #tpu.memory_space<semaphore_mem>>, %arg12: memref<!tpu.dma_semaphore, #tpu.memory_space<semaphore_mem>>, %arg13: memref<!tpu.dma_semaphore, #tpu.memory_space<semaphore_mem>>) attributes {dimension_semantics = [#tpu.dimension_semantics<core_parallel>, #tpu.dimension_semantics<subcore_parallel>], iteration_bounds = array<i64: 2, 16>, scalar_prefetch = 0 : i64, scratch_operands = 9 : i64, tpu.core_type = #tpu.core_type<sc_vector_subcore>, window_params = [{transform_indices = #map}, {transform_indices = #map1}, {transform_indices = #map2}]} {
    %mul3A = arith.constant 2 : i32
    %mul3A_0 = arith.muli %arg1, %mul3A : i32
    %add3A = arith.addi %mul3A_0, %arg0 : i32
    %mul3A_1 = arith.constant 100 : i32
    %mul3A_2 = arith.muli %add3A, %mul3A_1 : i32
    %mul3A_3 = arith.constant 3125 : i32
    %mul3A_4 = arith.muli %arg1, %mul3A_3 : i32
    %mul3A_5 = arith.constant 3125 : i32
    %mul3A_6 = arith.muli %arg1, %mul3A_5 : i32
    "tpu.region"() ({
      %run_scoped3A = tpu.sem_alloc : memref<!tpu.dma_semaphore, #tpu.memory_space<semaphore_mem>>
      %dma_start3A_94 = arith.constant 0 : i32
      %dma_start3A_95 = tpu.memref_slice %arg7[%mul3A_6, %dma_start3A_94] : memref<50000x32xf32, #tpu.memory_space<vmem_shared>> -> memref<3125x32xf32, #tpu.memory_space<vmem_shared>>
      %dma_start3A_96 = arith.constant 0 : i32
      %dma_start3A_97 = tpu.memref_slice %arg3[%mul3A_4, %dma_start3A_96] : memref<50000x32xf32, #tpu.memory_space<hbm>> -> memref<3125x32xf32, #tpu.memory_space<hbm>>
      tpu.enqueue_dma source(%dma_start3A_97 : memref<3125x32xf32, #tpu.memory_space<hbm>>) target(%dma_start3A_95 : memref<3125x32xf32, #tpu.memory_space<vmem_shared>>) target_semaphore(%run_scoped3A : memref<!tpu.dma_semaphore, #tpu.memory_space<semaphore_mem>>)
      %dma_wait3A_98 = arith.constant 0 : i32
      %dma_wait3A_99 = tpu.memref_slice %arg7[%mul3A_6, %dma_wait3A_98] : memref<50000x32xf32, #tpu.memory_space<vmem_shared>> -> memref<3125x32xf32, #tpu.memory_space<vmem_shared>>
      %dma_wait3A_100 = arith.constant 0 : i32
      %dma_wait3A_101 = tpu.memref_slice %arg3[%mul3A_4, %dma_wait3A_100] : memref<50000x32xf32, #tpu.memory_space<hbm>> -> memref<3125x32xf32, #tpu.memory_space<hbm>>
      tpu.wait_dma2 semaphore(%run_scoped3A : memref<!tpu.dma_semaphore, #tpu.memory_space<semaphore_mem>>) src(%dma_wait3A_101 : memref<3125x32xf32, #tpu.memory_space<hbm>>) dst(%dma_wait3A_99 : memref<3125x32xf32, #tpu.memory_space<vmem_shared>>)
      tpu.yield
    }) : () -> ()
    %barrier3A = arith.constant 0 : index
    tpu.barrier barrier_id(%barrier3A)
    %add3A_7 = arith.constant 0 : i32
    %add3A_8 = arith.addi %mul3A_2, %add3A_7 : i32
    %mul3A_9 = arith.constant 256 : i32
    %mul3A_10 = arith.muli %add3A_8, %mul3A_9 : i32
    %add3A_11 = arith.constant 2457600 : i32
    %add3A_12 = arith.addi %add3A_11, %mul3A_10 : i32
    %dma_start3A = arith.constant 0 : i32
    %dma_start3A_13 = arith.constant 0 : i32
    %dma_start3A_14 = tpu.memref_slice %arg5[%dma_start3A, %dma_start3A_13] : memref<2x256xi32, #tpu.memory_space<vmem>> -> memref<1x256xi32, #tpu.memory_space<vmem>>
    %dma_start3A_15 = tpu.memref_squeeze %dma_start3A_14 : memref<1x256xi32, #tpu.memory_space<vmem>> -> memref<256xi32, #tpu.memory_space<vmem>>
    %dma_start3A_16 = tpu.memref_slice %arg2[%add3A_12] : memref<3276800xi32, #tpu.memory_space<hbm>> -> memref<256xi32, #tpu.memory_space<hbm>>
    %dma_start3A_17 = arith.constant 0 : i32
    %dma_start3A_18 = tpu.memref_slice %arg5[%dma_start3A, %dma_start3A_17] : memref<2x256xi32, #tpu.memory_space<vmem>> -> memref<1x256xi32, #tpu.memory_space<vmem>>
    %dma_start3A_19 = tpu.memref_squeeze %dma_start3A_18 : memref<1x256xi32, #tpu.memory_space<vmem>> -> memref<256xi32, #tpu.memory_space<vmem>>
    %dma_start3A_20 = tpu.memref_slice %arg2[%add3A_12] : memref<3276800xi32, #tpu.memory_space<hbm>> -> memref<256xi32, #tpu.memory_space<hbm>>
    tpu.enqueue_dma source(%dma_start3A_20 : memref<256xi32, #tpu.memory_space<hbm>>) target(%dma_start3A_19 : memref<256xi32, #tpu.memory_space<vmem>>) target_semaphore(%arg8 : memref<!tpu.dma_semaphore, #tpu.memory_space<semaphore_mem>>)
    %add3A_21 = arith.constant 1 : i32
    %add3A_22 = arith.addi %mul3A_2, %add3A_21 : i32
    %mul3A_23 = arith.constant 256 : i32
    %mul3A_24 = arith.muli %add3A_22, %mul3A_23 : i32
    %add3A_25 = arith.constant 2457600 : i32
    %add3A_26 = arith.addi %add3A_25, %mul3A_24 : i32
    %dma_start3A_27 = arith.constant 1 : i32
    %dma_start3A_28 = arith.constant 0 : i32
    %dma_start3A_29 = tpu.memref_slice %arg5[%dma_start3A_27, %dma_start3A_28] : memref<2x256xi32, #tpu.memory_space<vmem>> -> memref<1x256xi32, #tpu.memory_space<vmem>>
    %dma_start3A_30 = tpu.memref_squeeze %dma_start3A_29 : memref<1x256xi32, #tpu.memory_space<vmem>> -> memref<256xi32, #tpu.memory_space<vmem>>
    %dma_start3A_31 = tpu.memref_slice %arg2[%add3A_26] : memref<3276800xi32, #tpu.memory_space<hbm>> -> memref<256xi32, #tpu.memory_space<hbm>>
    %dma_start3A_32 = arith.constant 0 : i32
    %dma_start3A_33 = tpu.memref_slice %arg5[%dma_start3A_27, %dma_start3A_32] : memref<2x256xi32, #tpu.memory_space<vmem>> -> memref<1x256xi32, #tpu.memory_space<vmem>>
    %dma_start3A_34 = tpu.memref_squeeze %dma_start3A_33 : memref<1x256xi32, #tpu.memory_space<vmem>> -> memref<256xi32, #tpu.memory_space<vmem>>
    %dma_start3A_35 = tpu.memref_slice %arg2[%add3A_26] : memref<3276800xi32, #tpu.memory_space<hbm>> -> memref<256xi32, #tpu.memory_space<hbm>>
    tpu.enqueue_dma source(%dma_start3A_35 : memref<256xi32, #tpu.memory_space<hbm>>) target(%dma_start3A_34 : memref<256xi32, #tpu.memory_space<vmem>>) target_semaphore(%arg9 : memref<!tpu.dma_semaphore, #tpu.memory_space<semaphore_mem>>)
    %add3A_36 = arith.constant 0 : i32
    %add3A_37 = arith.addi %mul3A_2, %add3A_36 : i32
    %mul3A_38 = arith.constant 256 : i32
    %mul3A_39 = arith.muli %add3A_37, %mul3A_38 : i32
    %add3A_40 = arith.constant 2457600 : i32
    %add3A_41 = arith.addi %add3A_40, %mul3A_39 : i32
    %dma_wait3A = arith.constant 0 : i32
    %dma_wait3A_42 = arith.constant 0 : i32
    %dma_wait3A_43 = tpu.memref_slice %arg5[%dma_wait3A, %dma_wait3A_42] : memref<2x256xi32, #tpu.memory_space<vmem>> -> memref<1x256xi32, #tpu.memory_space<vmem>>
    %dma_wait3A_44 = tpu.memref_squeeze %dma_wait3A_43 : memref<1x256xi32, #tpu.memory_space<vmem>> -> memref<256xi32, #tpu.memory_space<vmem>>
    %dma_wait3A_45 = tpu.memref_slice %arg2[%add3A_41] : memref<3276800xi32, #tpu.memory_space<hbm>> -> memref<256xi32, #tpu.memory_space<hbm>>
    %dma_wait3A_46 = arith.constant 0 : i32
    %dma_wait3A_47 = tpu.memref_slice %arg5[%dma_wait3A, %dma_wait3A_46] : memref<2x256xi32, #tpu.memory_space<vmem>> -> memref<1x256xi32, #tpu.memory_space<vmem>>
    %dma_wait3A_48 = tpu.memref_squeeze %dma_wait3A_47 : memref<1x256xi32, #tpu.memory_space<vmem>> -> memref<256xi32, #tpu.memory_space<vmem>>
    %dma_wait3A_49 = tpu.memref_slice %arg2[%add3A_41] : memref<3276800xi32, #tpu.memory_space<hbm>> -> memref<256xi32, #tpu.memory_space<hbm>>
    tpu.wait_dma2 semaphore(%arg8 : memref<!tpu.dma_semaphore, #tpu.memory_space<semaphore_mem>>) src(%dma_wait3A_49 : memref<256xi32, #tpu.memory_space<hbm>>) dst(%dma_wait3A_48 : memref<256xi32, #tpu.memory_space<vmem>>)
    %dma_start3A_50 = arith.constant 0 : i32
    %dma_start3A_51 = arith.constant 0 : i32
    %dma_start3A_52 = arith.constant 0 : i32
    %dma_start3A_53 = arith.constant 0 : i32
    %dma_start3A_54 = tpu.memref_slice %arg6[%dma_start3A_51, %dma_start3A_52, %dma_start3A_53] : memref<2x256x32xf32, #tpu.memory_space<vmem>> -> memref<1x256x32xf32, #tpu.memory_space<vmem>>
    %dma_start3A_55 = tpu.memref_squeeze %dma_start3A_54 : memref<1x256x32xf32, #tpu.memory_space<vmem>> -> memref<256x32xf32, #tpu.memory_space<vmem>>
    %dma_start3A_56 = arith.constant 0 : i32
    %dma_start3A_57 = tpu.memref_slice %arg5[%dma_start3A_50, %dma_start3A_56] : memref<2x256xi32, #tpu.memory_space<vmem>> -> memref<1x256xi32, #tpu.memory_space<vmem>>
    %dma_start3A_58 = tpu.memref_squeeze %dma_start3A_57 : memref<1x256xi32, #tpu.memory_space<vmem>> -> memref<256xi32, #tpu.memory_space<vmem>>
    %dma_start3A_59 = arith.constant 0 : i32
    %dma_start3A_60 = arith.constant 0 : i32
    %dma_start3A_61 = tpu.memref_slice %arg7[%dma_start3A_59, %dma_start3A_60] : memref<50000x32xf32, #tpu.memory_space<vmem_shared>> -> memref<50000x32xf32, #tpu.memory_space<vmem_shared>>
    tpu.enqueue_indirect_dma source(%dma_start3A_61 : memref<50000x32xf32, #tpu.memory_space<vmem_shared>>) target(%dma_start3A_55 : memref<256x32xf32, #tpu.memory_space<vmem>>) offsets(%dma_start3A_58 : memref<256xi32, #tpu.memory_space<vmem>>) semaphore(%arg10 : memref<!tpu.dma_semaphore, #tpu.memory_space<semaphore_mem>>)
    %scan3A = arith.constant 0 : i32
    %scan3A_62 = arith.constant 0 : i32
    %scan3A_63 = arith.constant 50 : i32
    %scan3A_64 = arith.addi %scan3A_62, %scan3A_63 : i32
    %scan3A_65 = arith.constant 1 : i32
    scf.for %scan3A_94 = %scan3A_62 to %scan3A_64 step %scan3A_65  : i32 {
      %mul3A_95 = arith.constant 2 : i32
      %mul3A_96 = arith.muli %mul3A_95, %scan3A_94 : i32
      %add3A_97 = arith.constant 1 : i32
      %add3A_98 = arith.addi %mul3A_96, %add3A_97 : i32
      %add3A_99 = arith.constant 2 : i32
      %add3A_100 = arith.addi %mul3A_96, %add3A_99 : i32
      %jit3A = arith.constant 100 : i32
      %eq3A = arith.constant 0 : i32
      %eq3A_101 = arith.cmpi eq, %jit3A, %eq3A : i32
      %jit3A_102 = arith.constant 1 : i32
      %select_n3A = arith.select %eq3A_101, %jit3A_102, %jit3A : i32
      %rem3A = arith.remsi %add3A_100, %select_n3A : i32
      %ne3A = arith.constant 0 : i32
      %ne3A_103 = arith.cmpi ne, %rem3A, %ne3A : i32
      %lt3A = arith.constant 0 : i32
      %lt3A_104 = arith.cmpi slt, %rem3A, %lt3A : i32
      %lt3A_105 = arith.constant 0 : i32
      %lt3A_106 = arith.cmpi slt, %select_n3A, %lt3A_105 : i32
      %ne3A_107 = arith.xori %lt3A_104, %lt3A_106 : i1
      %and3A = arith.andi %ne3A_107, %ne3A_103 : i1
      %add3A_108 = arith.addi %rem3A, %select_n3A : i32
      %select_n3A_109 = arith.select %and3A, %add3A_108, %rem3A : i32
      %add3A_110 = arith.constant 3 : i32
      %add3A_111 = arith.addi %mul3A_96, %add3A_110 : i32
      %jit3A_112 = arith.constant 100 : i32
      %eq3A_113 = arith.constant 0 : i32
      %eq3A_114 = arith.cmpi eq, %jit3A_112, %eq3A_113 : i32
      %jit3A_115 = arith.constant 1 : i32
      %select_n3A_116 = arith.select %eq3A_114, %jit3A_115, %jit3A_112 : i32
      %rem3A_117 = arith.remsi %add3A_111, %select_n3A_116 : i32
      %ne3A_118 = arith.constant 0 : i32
      %ne3A_119 = arith.cmpi ne, %rem3A_117, %ne3A_118 : i32
      %lt3A_120 = arith.constant 0 : i32
      %lt3A_121 = arith.cmpi slt, %rem3A_117, %lt3A_120 : i32
      %lt3A_122 = arith.constant 0 : i32
      %lt3A_123 = arith.cmpi slt, %select_n3A_116, %lt3A_122 : i32
      %ne3A_124 = arith.xori %lt3A_121, %lt3A_123 : i1
      %and3A_125 = arith.andi %ne3A_124, %ne3A_119 : i1
      %add3A_126 = arith.addi %rem3A_117, %select_n3A_116 : i32
      %select_n3A_127 = arith.select %and3A_125, %add3A_126, %rem3A_117 : i32
      %add3A_128 = arith.addi %mul3A_2, %add3A_98 : i32
      %mul3A_129 = arith.constant 256 : i32
      %mul3A_130 = arith.muli %add3A_128, %mul3A_129 : i32
      %add3A_131 = arith.constant 2457600 : i32
      %add3A_132 = arith.addi %add3A_131, %mul3A_130 : i32
      %dma_wait3A_133 = arith.constant 1 : i32
      %dma_wait3A_134 = arith.constant 0 : i32
      %dma_wait3A_135 = tpu.memref_slice %arg5[%dma_wait3A_133, %dma_wait3A_134] : memref<2x256xi32, #tpu.memory_space<vmem>> -> memref<1x256xi32, #tpu.memory_space<vmem>>
      %dma_wait3A_136 = tpu.memref_squeeze %dma_wait3A_135 : memref<1x256xi32, #tpu.memory_space<vmem>> -> memref<256xi32, #tpu.memory_space<vmem>>
      %dma_wait3A_137 = tpu.memref_slice %arg2[%add3A_132] : memref<3276800xi32, #tpu.memory_space<hbm>> -> memref<256xi32, #tpu.memory_space<hbm>>
      %dma_wait3A_138 = arith.constant 0 : i32
      %dma_wait3A_139 = tpu.memref_slice %arg5[%dma_wait3A_133, %dma_wait3A_138] : memref<2x256xi32, #tpu.memory_space<vmem>> -> memref<1x256xi32, #tpu.memory_space<vmem>>
      %dma_wait3A_140 = tpu.memref_squeeze %dma_wait3A_139 : memref<1x256xi32, #tpu.memory_space<vmem>> -> memref<256xi32, #tpu.memory_space<vmem>>
      %dma_wait3A_141 = tpu.memref_slice %arg2[%add3A_132] : memref<3276800xi32, #tpu.memory_space<hbm>> -> memref<256xi32, #tpu.memory_space<hbm>>
      tpu.wait_dma2 semaphore(%arg9 : memref<!tpu.dma_semaphore, #tpu.memory_space<semaphore_mem>>) src(%dma_wait3A_141 : memref<256xi32, #tpu.memory_space<hbm>>) dst(%dma_wait3A_140 : memref<256xi32, #tpu.memory_space<vmem>>)
      %dma_wait3A_142 = arith.constant 0 : i32
      %dma_wait3A_143 = arith.constant 0 : i32
      %dma_wait3A_144 = arith.constant 0 : i32
      %dma_wait3A_145 = arith.constant 0 : i32
      %dma_wait3A_146 = tpu.memref_slice %arg6[%dma_wait3A_143, %dma_wait3A_144, %dma_wait3A_145] : memref<2x256x32xf32, #tpu.memory_space<vmem>> -> memref<1x256x32xf32, #tpu.memory_space<vmem>>
      %dma_wait3A_147 = tpu.memref_squeeze %dma_wait3A_146 : memref<1x256x32xf32, #tpu.memory_space<vmem>> -> memref<256x32xf32, #tpu.memory_space<vmem>>
      %dma_wait3A_148 = arith.constant 0 : i32
      %dma_wait3A_149 = tpu.memref_slice %arg5[%dma_wait3A_142, %dma_wait3A_148] : memref<2x256xi32, #tpu.memory_space<vmem>> -> memref<1x256xi32, #tpu.memory_space<vmem>>
      %dma_wait3A_150 = tpu.memref_squeeze %dma_wait3A_149 : memref<1x256xi32, #tpu.memory_space<vmem>> -> memref<256xi32, #tpu.memory_space<vmem>>
      %dma_wait3A_151 = arith.constant 0 : i32
      %dma_wait3A_152 = arith.constant 0 : i32
      %dma_wait3A_153 = tpu.memref_slice %arg7[%dma_wait3A_151, %dma_wait3A_152] : memref<50000x32xf32, #tpu.memory_space<vmem_shared>> -> memref<50000x32xf32, #tpu.memory_space<vmem_shared>>
      tpu.wait_indirect_dma semaphore(%arg10 : memref<!tpu.dma_semaphore, #tpu.memory_space<semaphore_mem>>) src(%dma_wait3A_153 : memref<50000x32xf32, #tpu.memory_space<vmem_shared>>) dst(%dma_wait3A_147 : memref<256x32xf32, #tpu.memory_space<vmem>>)
      %add3A_154 = arith.addi %mul3A_2, %select_n3A_109 : i32
      %mul3A_155 = arith.constant 256 : i32
      %mul3A_156 = arith.muli %add3A_154, %mul3A_155 : i32
      %add3A_157 = arith.constant 2457600 : i32
      %add3A_158 = arith.addi %add3A_157, %mul3A_156 : i32
      %dma_start3A_159 = arith.constant 0 : i32
      %dma_start3A_160 = arith.constant 0 : i32
      %dma_start3A_161 = tpu.memref_slice %arg5[%dma_start3A_159, %dma_start3A_160] : memref<2x256xi32, #tpu.memory_space<vmem>> -> memref<1x256xi32, #tpu.memory_space<vmem>>
      %dma_start3A_162 = tpu.memref_squeeze %dma_start3A_161 : memref<1x256xi32, #tpu.memory_space<vmem>> -> memref<256xi32, #tpu.memory_space<vmem>>
      %dma_start3A_163 = tpu.memref_slice %arg2[%add3A_158] : memref<3276800xi32, #tpu.memory_space<hbm>> -> memref<256xi32, #tpu.memory_space<hbm>>
      %dma_start3A_164 = arith.constant 0 : i32
      %dma_start3A_165 = tpu.memref_slice %arg5[%dma_start3A_159, %dma_start3A_164] : memref<2x256xi32, #tpu.memory_space<vmem>> -> memref<1x256xi32, #tpu.memory_space<vmem>>
      %dma_start3A_166 = tpu.memref_squeeze %dma_start3A_165 : memref<1x256xi32, #tpu.memory_space<vmem>> -> memref<256xi32, #tpu.memory_space<vmem>>
      %dma_start3A_167 = tpu.memref_slice %arg2[%add3A_158] : memref<3276800xi32, #tpu.memory_space<hbm>> -> memref<256xi32, #tpu.memory_space<hbm>>
      tpu.enqueue_dma source(%dma_start3A_167 : memref<256xi32, #tpu.memory_space<hbm>>) target(%dma_start3A_166 : memref<256xi32, #tpu.memory_space<vmem>>) target_semaphore(%arg8 : memref<!tpu.dma_semaphore, #tpu.memory_space<semaphore_mem>>)
      %dma_start3A_168 = arith.constant 1 : i32
      %dma_start3A_169 = arith.constant 1 : i32
      %dma_start3A_170 = arith.constant 0 : i32
      %dma_start3A_171 = arith.constant 0 : i32
      %dma_start3A_172 = tpu.memref_slice %arg6[%dma_start3A_169, %dma_start3A_170, %dma_start3A_171] : memref<2x256x32xf32, #tpu.memory_space<vmem>> -> memref<1x256x32xf32, #tpu.memory_space<vmem>>
      %dma_start3A_173 = tpu.memref_squeeze %dma_start3A_172 : memref<1x256x32xf32, #tpu.memory_space<vmem>> -> memref<256x32xf32, #tpu.memory_space<vmem>>
      %dma_start3A_174 = arith.constant 0 : i32
      %dma_start3A_175 = tpu.memref_slice %arg5[%dma_start3A_168, %dma_start3A_174] : memref<2x256xi32, #tpu.memory_space<vmem>> -> memref<1x256xi32, #tpu.memory_space<vmem>>
      %dma_start3A_176 = tpu.memref_squeeze %dma_start3A_175 : memref<1x256xi32, #tpu.memory_space<vmem>> -> memref<256xi32, #tpu.memory_space<vmem>>
      %dma_start3A_177 = arith.constant 0 : i32
      %dma_start3A_178 = arith.constant 0 : i32
      %dma_start3A_179 = tpu.memref_slice %arg7[%dma_start3A_177, %dma_start3A_178] : memref<50000x32xf32, #tpu.memory_space<vmem_shared>> -> memref<50000x32xf32, #tpu.memory_space<vmem_shared>>
      tpu.enqueue_indirect_dma source(%dma_start3A_179 : memref<50000x32xf32, #tpu.memory_space<vmem_shared>>) target(%dma_start3A_173 : memref<256x32xf32, #tpu.memory_space<vmem>>) offsets(%dma_start3A_176 : memref<256xi32, #tpu.memory_space<vmem>>) semaphore(%arg11 : memref<!tpu.dma_semaphore, #tpu.memory_space<semaphore_mem>>)
      %add3A_180 = arith.addi %mul3A_2, %mul3A_96 : i32
      %jit3A_181 = arith.constant 64 : i32
      %div3A = arith.divsi %add3A_180, %jit3A_181 : i32
      %sign3A = arith.constant 0 : i32
      %sign3A_182 = arith.cmpi sgt, %add3A_180, %sign3A : i32
      %sign3A_183 = arith.extui %sign3A_182 : i1 to i32
      %sign3A_184 = arith.constant 0 : i32
      %sign3A_185 = arith.cmpi slt, %add3A_180, %sign3A_184 : i32
      %sign3A_186 = arith.extui %sign3A_185 : i1 to i32
      %sign3A_187 = arith.subi %sign3A_183, %sign3A_186 : i32
      %sign3A_188 = arith.constant 0 : i32
      %sign3A_189 = arith.cmpi sgt, %jit3A_181, %sign3A_188 : i32
      %sign3A_190 = arith.extui %sign3A_189 : i1 to i32
      %sign3A_191 = arith.constant 0 : i32
      %sign3A_192 = arith.cmpi slt, %jit3A_181, %sign3A_191 : i32
      %sign3A_193 = arith.extui %sign3A_192 : i1 to i32
      %sign3A_194 = arith.subi %sign3A_190, %sign3A_193 : i32
      %ne3A_195 = arith.cmpi ne, %sign3A_187, %sign3A_194 : i32
      %rem3A_196 = arith.remsi %add3A_180, %jit3A_181 : i32
      %ne3A_197 = arith.constant 0 : i32
      %ne3A_198 = arith.cmpi ne, %rem3A_196, %ne3A_197 : i32
      %and3A_199 = arith.andi %ne3A_195, %ne3A_198 : i1
      %sub3A = arith.constant 1 : i32
      %sub3A_200 = arith.subi %div3A, %sub3A : i32
      %select_n3A_201 = arith.select %and3A_199, %sub3A_200, %div3A : i32
      %jit3A_202 = arith.constant 16 : i32
      %div3A_203 = arith.divsi %add3A_180, %jit3A_202 : i32
      %sign3A_204 = arith.constant 0 : i32
      %sign3A_205 = arith.cmpi sgt, %add3A_180, %sign3A_204 : i32
      %sign3A_206 = arith.extui %sign3A_205 : i1 to i32
      %sign3A_207 = arith.constant 0 : i32
      %sign3A_208 = arith.cmpi slt, %add3A_180, %sign3A_207 : i32
      %sign3A_209 = arith.extui %sign3A_208 : i1 to i32
      %sign3A_210 = arith.subi %sign3A_206, %sign3A_209 : i32
      %sign3A_211 = arith.constant 0 : i32
      %sign3A_212 = arith.cmpi sgt, %jit3A_202, %sign3A_211 : i32
      %sign3A_213 = arith.extui %sign3A_212 : i1 to i32
      %sign3A_214 = arith.constant 0 : i32
      %sign3A_215 = arith.cmpi slt, %jit3A_202, %sign3A_214 : i32
      %sign3A_216 = arith.extui %sign3A_215 : i1 to i32
      %sign3A_217 = arith.subi %sign3A_213, %sign3A_216 : i32
      %ne3A_218 = arith.cmpi ne, %sign3A_210, %sign3A_217 : i32
      %rem3A_219 = arith.remsi %add3A_180, %jit3A_202 : i32
      %ne3A_220 = arith.constant 0 : i32
      %ne3A_221 = arith.cmpi ne, %rem3A_219, %ne3A_220 : i32
      %and3A_222 = arith.andi %ne3A_218, %ne3A_221 : i1
      %sub3A_223 = arith.constant 1 : i32
      %sub3A_224 = arith.subi %div3A_203, %sub3A_223 : i32
      %select_n3A_225 = arith.select %and3A_222, %sub3A_224, %div3A_203 : i32
      %jit3A_226 = arith.constant 4 : i32
      %eq3A_227 = arith.constant 0 : i32
      %eq3A_228 = arith.cmpi eq, %jit3A_226, %eq3A_227 : i32
      %jit3A_229 = arith.constant 1 : i32
      %select_n3A_230 = arith.select %eq3A_228, %jit3A_229, %jit3A_226 : i32
      %rem3A_231 = arith.remsi %select_n3A_225, %select_n3A_230 : i32
      %ne3A_232 = arith.constant 0 : i32
      %ne3A_233 = arith.cmpi ne, %rem3A_231, %ne3A_232 : i32
      %lt3A_234 = arith.constant 0 : i32
      %lt3A_235 = arith.cmpi slt, %rem3A_231, %lt3A_234 : i32
      %lt3A_236 = arith.constant 0 : i32
      %lt3A_237 = arith.cmpi slt, %select_n3A_230, %lt3A_236 : i32
      %ne3A_238 = arith.xori %lt3A_235, %lt3A_237 : i1
      %and3A_239 = arith.andi %ne3A_238, %ne3A_233 : i1
      %add3A_240 = arith.addi %rem3A_231, %select_n3A_230 : i32
      %select_n3A_241 = arith.select %and3A_239, %add3A_240, %rem3A_231 : i32
      %jit3A_242 = arith.constant 16 : i32
      %eq3A_243 = arith.constant 0 : i32
      %eq3A_244 = arith.cmpi eq, %jit3A_242, %eq3A_243 : i32
      %jit3A_245 = arith.constant 1 : i32
      %select_n3A_246 = arith.select %eq3A_244, %jit3A_245, %jit3A_242 : i32
      %rem3A_247 = arith.remsi %add3A_180, %select_n3A_246 : i32
      %ne3A_248 = arith.constant 0 : i32
      %ne3A_249 = arith.cmpi ne, %rem3A_247, %ne3A_248 : i32
      %lt3A_250 = arith.constant 0 : i32
      %lt3A_251 = arith.cmpi slt, %rem3A_247, %lt3A_250 : i32
      %lt3A_252 = arith.constant 0 : i32
      %lt3A_253 = arith.cmpi slt, %select_n3A_246, %lt3A_252 : i32
      %ne3A_254 = arith.xori %lt3A_251, %lt3A_253 : i1
      %and3A_255 = arith.andi %ne3A_254, %ne3A_249 : i1
      %add3A_256 = arith.addi %rem3A_247, %select_n3A_246 : i32
      %select_n3A_257 = arith.select %and3A_255, %add3A_256, %rem3A_247 : i32
      %mul3A_258 = arith.constant 256 : i32
      %mul3A_259 = arith.muli %select_n3A_257, %mul3A_258 : i32
      %dma_start3A_260 = arith.constant 0 : i32
      %dma_start3A_261 = arith.constant 0 : i32
      %dma_start3A_262 = arith.constant 0 : i32
      %dma_start3A_263 = tpu.memref_slice %arg6[%dma_start3A_260, %dma_start3A_261, %dma_start3A_262] : memref<2x256x32xf32, #tpu.memory_space<vmem>> -> memref<1x256x32xf32, #tpu.memory_space<vmem>>
      %dma_start3A_264 = tpu.memref_squeeze %dma_start3A_263 : memref<1x256x32xf32, #tpu.memory_space<vmem>> -> memref<256x32xf32, #tpu.memory_space<vmem>>
      %dma_start3A_265 = arith.constant 0 : i32
      %dma_start3A_266 = tpu.memref_slice %arg4[%select_n3A_201, %mul3A_259, %select_n3A_241, %dma_start3A_265] : memref<50x4096x4x32xf32, #tpu.memory_space<hbm>> -> memref<1x256x1x32xf32, #tpu.memory_space<hbm>>
      %dma_start3A_267 = tpu.memref_squeeze %dma_start3A_266 : memref<1x256x1x32xf32, #tpu.memory_space<hbm>> -> memref<256x32xf32, #tpu.memory_space<hbm>>
      %dma_start3A_268 = arith.constant 0 : i32
      %dma_start3A_269 = tpu.memref_slice %arg4[%select_n3A_201, %mul3A_259, %select_n3A_241, %dma_start3A_268] : memref<50x4096x4x32xf32, #tpu.memory_space<hbm>> -> memref<1x256x1x32xf32, #tpu.memory_space<hbm>>
      %dma_start3A_270 = tpu.memref_squeeze %dma_start3A_269 : memref<1x256x1x32xf32, #tpu.memory_space<hbm>> -> memref<256x32xf32, #tpu.memory_space<hbm>>
      %dma_start3A_271 = arith.constant 0 : i32
      %dma_start3A_272 = arith.constant 0 : i32
      %dma_start3A_273 = tpu.memref_slice %arg6[%dma_start3A_260, %dma_start3A_271, %dma_start3A_272] : memref<2x256x32xf32, #tpu.memory_space<vmem>> -> memref<1x256x32xf32, #tpu.memory_space<vmem>>
      %dma_start3A_274 = tpu.memref_squeeze %dma_start3A_273 : memref<1x256x32xf32, #tpu.memory_space<vmem>> -> memref<256x32xf32, #tpu.memory_space<vmem>>
      tpu.enqueue_dma source(%dma_start3A_274 : memref<256x32xf32, #tpu.memory_space<vmem>>) target(%dma_start3A_270 : memref<256x32xf32, #tpu.memory_space<hbm>>) target_semaphore(%arg12 : memref<!tpu.dma_semaphore, #tpu.memory_space<semaphore_mem>>)
      %dma_wait3A_275 = arith.constant 1 : i32
      %dma_wait3A_276 = arith.constant 1 : i32
      %dma_wait3A_277 = arith.constant 0 : i32
      %dma_wait3A_278 = arith.constant 0 : i32
      %dma_wait3A_279 = tpu.memref_slice %arg6[%dma_wait3A_276, %dma_wait3A_277, %dma_wait3A_278] : memref<2x256x32xf32, #tpu.memory_space<vmem>> -> memref<1x256x32xf32, #tpu.memory_space<vmem>>
      %dma_wait3A_280 = tpu.memref_squeeze %dma_wait3A_279 : memref<1x256x32xf32, #tpu.memory_space<vmem>> -> memref<256x32xf32, #tpu.memory_space<vmem>>
      %dma_wait3A_281 = arith.constant 0 : i32
      %dma_wait3A_282 = tpu.memref_slice %arg5[%dma_wait3A_275, %dma_wait3A_281] : memref<2x256xi32, #tpu.memory_space<vmem>> -> memref<1x256xi32, #tpu.memory_space<vmem>>
      %dma_wait3A_283 = tpu.memref_squeeze %dma_wait3A_282 : memref<1x256xi32, #tpu.memory_space<vmem>> -> memref<256xi32, #tpu.memory_space<vmem>>
      %dma_wait3A_284 = arith.constant 0 : i32
      %dma_wait3A_285 = arith.constant 0 : i32
      %dma_wait3A_286 = tpu.memref_slice %arg7[%dma_wait3A_284, %dma_wait3A_285] : memref<50000x32xf32, #tpu.memory_space<vmem_shared>> -> memref<50000x32xf32, #tpu.memory_space<vmem_shared>>
      tpu.wait_indirect_dma semaphore(%arg11 : memref<!tpu.dma_semaphore, #tpu.memory_space<semaphore_mem>>) src(%dma_wait3A_286 : memref<50000x32xf32, #tpu.memory_space<vmem_shared>>) dst(%dma_wait3A_280 : memref<256x32xf32, #tpu.memory_space<vmem>>)
      %add3A_287 = arith.addi %mul3A_2, %select_n3A_127 : i32
      %mul3A_288 = arith.constant 256 : i32
      %mul3A_289 = arith.muli %add3A_287, %mul3A_288 : i32
      %add3A_290 = arith.constant 2457600 : i32
      %add3A_291 = arith.addi %add3A_290, %mul3A_289 : i32
      %dma_start3A_292 = arith.constant 1 : i32
      %dma_start3A_293 = arith.constant 0 : i32
      %dma_start3A_294 = tpu.memref_slice %arg5[%dma_start3A_292, %dma_start3A_293] : memref<2x256xi32, #tpu.memory_space<vmem>> -> memref<1x256xi32, #tpu.memory_space<vmem>>
      %dma_start3A_295 = tpu.memref_squeeze %dma_start3A_294 : memref<1x256xi32, #tpu.memory_space<vmem>> -> memref<256xi32, #tpu.memory_space<vmem>>
      %dma_start3A_296 = tpu.memref_slice %arg2[%add3A_291] : memref<3276800xi32, #tpu.memory_space<hbm>> -> memref<256xi32, #tpu.memory_space<hbm>>
      %dma_start3A_297 = arith.constant 0 : i32
      %dma_start3A_298 = tpu.memref_slice %arg5[%dma_start3A_292, %dma_start3A_297] : memref<2x256xi32, #tpu.memory_space<vmem>> -> memref<1x256xi32, #tpu.memory_space<vmem>>
      %dma_start3A_299 = tpu.memref_squeeze %dma_start3A_298 : memref<1x256xi32, #tpu.memory_space<vmem>> -> memref<256xi32, #tpu.memory_space<vmem>>
      %dma_start3A_300 = tpu.memref_slice %arg2[%add3A_291] : memref<3276800xi32, #tpu.memory_space<hbm>> -> memref<256xi32, #tpu.memory_space<hbm>>
      tpu.enqueue_dma source(%dma_start3A_300 : memref<256xi32, #tpu.memory_space<hbm>>) target(%dma_start3A_299 : memref<256xi32, #tpu.memory_space<vmem>>) target_semaphore(%arg9 : memref<!tpu.dma_semaphore, #tpu.memory_space<semaphore_mem>>)
      %add3A_301 = arith.addi %mul3A_2, %mul3A_96 : i32
      %jit3A_302 = arith.constant 64 : i32
      %div3A_303 = arith.divsi %add3A_301, %jit3A_302 : i32
      %sign3A_304 = arith.constant 0 : i32
      %sign3A_305 = arith.cmpi sgt, %add3A_301, %sign3A_304 : i32
      %sign3A_306 = arith.extui %sign3A_305 : i1 to i32
      %sign3A_307 = arith.constant 0 : i32
      %sign3A_308 = arith.cmpi slt, %add3A_301, %sign3A_307 : i32
      %sign3A_309 = arith.extui %sign3A_308 : i1 to i32
      %sign3A_310 = arith.subi %sign3A_306, %sign3A_309 : i32
      %sign3A_311 = arith.constant 0 : i32
      %sign3A_312 = arith.cmpi sgt, %jit3A_302, %sign3A_311 : i32
      %sign3A_313 = arith.extui %sign3A_312 : i1 to i32
      %sign3A_314 = arith.constant 0 : i32
      %sign3A_315 = arith.cmpi slt, %jit3A_302, %sign3A_314 : i32
      %sign3A_316 = arith.extui %sign3A_315 : i1 to i32
      %sign3A_317 = arith.subi %sign3A_313, %sign3A_316 : i32
      %ne3A_318 = arith.cmpi ne, %sign3A_310, %sign3A_317 : i32
      %rem3A_319 = arith.remsi %add3A_301, %jit3A_302 : i32
      %ne3A_320 = arith.constant 0 : i32
      %ne3A_321 = arith.cmpi ne, %rem3A_319, %ne3A_320 : i32
      %and3A_322 = arith.andi %ne3A_318, %ne3A_321 : i1
      %sub3A_323 = arith.constant 1 : i32
      %sub3A_324 = arith.subi %div3A_303, %sub3A_323 : i32
      %select_n3A_325 = arith.select %and3A_322, %sub3A_324, %div3A_303 : i32
      %jit3A_326 = arith.constant 16 : i32
      %div3A_327 = arith.divsi %add3A_301, %jit3A_326 : i32
      %sign3A_328 = arith.constant 0 : i32
      %sign3A_329 = arith.cmpi sgt, %add3A_301, %sign3A_328 : i32
      %sign3A_330 = arith.extui %sign3A_329 : i1 to i32
      %sign3A_331 = arith.constant 0 : i32
      %sign3A_332 = arith.cmpi slt, %add3A_301, %sign3A_331 : i32
      %sign3A_333 = arith.extui %sign3A_332 : i1 to i32
      %sign3A_334 = arith.subi %sign3A_330, %sign3A_333 : i32
      %sign3A_335 = arith.constant 0 : i32
      %sign3A_336 = arith.cmpi sgt, %jit3A_326, %sign3A_335 : i32
      %sign3A_337 = arith.extui %sign3A_336 : i1 to i32
      %sign3A_338 = arith.constant 0 : i32
      %sign3A_339 = arith.cmpi slt, %jit3A_326, %sign3A_338 : i32
      %sign3A_340 = arith.extui %sign3A_339 : i1 to i32
      %sign3A_341 = arith.subi %sign3A_337, %sign3A_340 : i32
      %ne3A_342 = arith.cmpi ne, %sign3A_334, %sign3A_341 : i32
      %rem3A_343 = arith.remsi %add3A_301, %jit3A_326 : i32
      %ne3A_344 = arith.constant 0 : i32
      %ne3A_345 = arith.cmpi ne, %rem3A_343, %ne3A_344 : i32
      %and3A_346 = arith.andi %ne3A_342, %ne3A_345 : i1
      %sub3A_347 = arith.constant 1 : i32
      %sub3A_348 = arith.subi %div3A_327, %sub3A_347 : i32
      %select_n3A_349 = arith.select %and3A_346, %sub3A_348, %div3A_327 : i32
      %jit3A_350 = arith.constant 4 : i32
      %eq3A_351 = arith.constant 0 : i32
      %eq3A_352 = arith.cmpi eq, %jit3A_350, %eq3A_351 : i32
      %jit3A_353 = arith.constant 1 : i32
      %select_n3A_354 = arith.select %eq3A_352, %jit3A_353, %jit3A_350 : i32
      %rem3A_355 = arith.remsi %select_n3A_349, %select_n3A_354 : i32
      %ne3A_356 = arith.constant 0 : i32
      %ne3A_357 = arith.cmpi ne, %rem3A_355, %ne3A_356 : i32
      %lt3A_358 = arith.constant 0 : i32
      %lt3A_359 = arith.cmpi slt, %rem3A_355, %lt3A_358 : i32
      %lt3A_360 = arith.constant 0 : i32
      %lt3A_361 = arith.cmpi slt, %select_n3A_354, %lt3A_360 : i32
      %ne3A_362 = arith.xori %lt3A_359, %lt3A_361 : i1
      %and3A_363 = arith.andi %ne3A_362, %ne3A_357 : i1
      %add3A_364 = arith.addi %rem3A_355, %select_n3A_354 : i32
      %select_n3A_365 = arith.select %and3A_363, %add3A_364, %rem3A_355 : i32
      %jit3A_366 = arith.constant 16 : i32
      %eq3A_367 = arith.constant 0 : i32
      %eq3A_368 = arith.cmpi eq, %jit3A_366, %eq3A_367 : i32
      %jit3A_369 = arith.constant 1 : i32
      %select_n3A_370 = arith.select %eq3A_368, %jit3A_369, %jit3A_366 : i32
      %rem3A_371 = arith.remsi %add3A_301, %select_n3A_370 : i32
      %ne3A_372 = arith.constant 0 : i32
      %ne3A_373 = arith.cmpi ne, %rem3A_371, %ne3A_372 : i32
      %lt3A_374 = arith.constant 0 : i32
      %lt3A_375 = arith.cmpi slt, %rem3A_371, %lt3A_374 : i32
      %lt3A_376 = arith.constant 0 : i32
      %lt3A_377 = arith.cmpi slt, %select_n3A_370, %lt3A_376 : i32
      %ne3A_378 = arith.xori %lt3A_375, %lt3A_377 : i1
      %and3A_379 = arith.andi %ne3A_378, %ne3A_373 : i1
      %add3A_380 = arith.addi %rem3A_371, %select_n3A_370 : i32
      %select_n3A_381 = arith.select %and3A_379, %add3A_380, %rem3A_371 : i32
      %mul3A_382 = arith.constant 256 : i32
      %mul3A_383 = arith.muli %select_n3A_381, %mul3A_382 : i32
      %dma_wait3A_384 = arith.constant 0 : i32
      %dma_wait3A_385 = arith.constant 0 : i32
      %dma_wait3A_386 = arith.constant 0 : i32
      %dma_wait3A_387 = tpu.memref_slice %arg6[%dma_wait3A_384, %dma_wait3A_385, %dma_wait3A_386] : memref<2x256x32xf32, #tpu.memory_space<vmem>> -> memref<1x256x32xf32, #tpu.memory_space<vmem>>
      %dma_wait3A_388 = tpu.memref_squeeze %dma_wait3A_387 : memref<1x256x32xf32, #tpu.memory_space<vmem>> -> memref<256x32xf32, #tpu.memory_space<vmem>>
      %dma_wait3A_389 = arith.constant 0 : i32
      %dma_wait3A_390 = tpu.memref_slice %arg4[%select_n3A_325, %mul3A_383, %select_n3A_365, %dma_wait3A_389] : memref<50x4096x4x32xf32, #tpu.memory_space<hbm>> -> memref<1x256x1x32xf32, #tpu.memory_space<hbm>>
      %dma_wait3A_391 = tpu.memref_squeeze %dma_wait3A_390 : memref<1x256x1x32xf32, #tpu.memory_space<hbm>> -> memref<256x32xf32, #tpu.memory_space<hbm>>
      %dma_wait3A_392 = arith.constant 0 : i32
      %dma_wait3A_393 = tpu.memref_slice %arg4[%select_n3A_325, %mul3A_383, %select_n3A_365, %dma_wait3A_392] : memref<50x4096x4x32xf32, #tpu.memory_space<hbm>> -> memref<1x256x1x32xf32, #tpu.memory_space<hbm>>
      %dma_wait3A_394 = tpu.memref_squeeze %dma_wait3A_393 : memref<1x256x1x32xf32, #tpu.memory_space<hbm>> -> memref<256x32xf32, #tpu.memory_space<hbm>>
      %dma_wait3A_395 = arith.constant 0 : i32
      %dma_wait3A_396 = arith.constant 0 : i32
      %dma_wait3A_397 = tpu.memref_slice %arg6[%dma_wait3A_384, %dma_wait3A_395, %dma_wait3A_396] : memref<2x256x32xf32, #tpu.memory_space<vmem>> -> memref<1x256x32xf32, #tpu.memory_space<vmem>>
      %dma_wait3A_398 = tpu.memref_squeeze %dma_wait3A_397 : memref<1x256x32xf32, #tpu.memory_space<vmem>> -> memref<256x32xf32, #tpu.memory_space<vmem>>
      tpu.wait_dma2 semaphore(%arg12 : memref<!tpu.dma_semaphore, #tpu.memory_space<semaphore_mem>>) src(%dma_wait3A_398 : memref<256x32xf32, #tpu.memory_space<vmem>>) dst(%dma_wait3A_394 : memref<256x32xf32, #tpu.memory_space<hbm>>)
      %add3A_399 = arith.addi %mul3A_2, %select_n3A_109 : i32
      %mul3A_400 = arith.constant 256 : i32
      %mul3A_401 = arith.muli %add3A_399, %mul3A_400 : i32
      %add3A_402 = arith.constant 2457600 : i32
      %add3A_403 = arith.addi %add3A_402, %mul3A_401 : i32
      %dma_wait3A_404 = arith.constant 0 : i32
      %dma_wait3A_405 = arith.constant 0 : i32
      %dma_wait3A_406 = tpu.memref_slice %arg5[%dma_wait3A_404, %dma_wait3A_405] : memref<2x256xi32, #tpu.memory_space<vmem>> -> memref<1x256xi32, #tpu.memory_space<vmem>>
      %dma_wait3A_407 = tpu.memref_squeeze %dma_wait3A_406 : memref<1x256xi32, #tpu.memory_space<vmem>> -> memref<256xi32, #tpu.memory_space<vmem>>
      %dma_wait3A_408 = tpu.memref_slice %arg2[%add3A_403] : memref<3276800xi32, #tpu.memory_space<hbm>> -> memref<256xi32, #tpu.memory_space<hbm>>
      %dma_wait3A_409 = arith.constant 0 : i32
      %dma_wait3A_410 = tpu.memref_slice %arg5[%dma_wait3A_404, %dma_wait3A_409] : memref<2x256xi32, #tpu.memory_space<vmem>> -> memref<1x256xi32, #tpu.memory_space<vmem>>
      %dma_wait3A_411 = tpu.memref_squeeze %dma_wait3A_410 : memref<1x256xi32, #tpu.memory_space<vmem>> -> memref<256xi32, #tpu.memory_space<vmem>>
      %dma_wait3A_412 = tpu.memref_slice %arg2[%add3A_403] : memref<3276800xi32, #tpu.memory_space<hbm>> -> memref<256xi32, #tpu.memory_space<hbm>>
      tpu.wait_dma2 semaphore(%arg8 : memref<!tpu.dma_semaphore, #tpu.memory_space<semaphore_mem>>) src(%dma_wait3A_412 : memref<256xi32, #tpu.memory_space<hbm>>) dst(%dma_wait3A_411 : memref<256xi32, #tpu.memory_space<vmem>>)
      %dma_start3A_413 = arith.constant 0 : i32
      %dma_start3A_414 = arith.constant 0 : i32
      %dma_start3A_415 = arith.constant 0 : i32
      %dma_start3A_416 = arith.constant 0 : i32
      %dma_start3A_417 = tpu.memref_slice %arg6[%dma_start3A_414, %dma_start3A_415, %dma_start3A_416] : memref<2x256x32xf32, #tpu.memory_space<vmem>> -> memref<1x256x32xf32, #tpu.memory_space<vmem>>
      %dma_start3A_418 = tpu.memref_squeeze %dma_start3A_417 : memref<1x256x32xf32, #tpu.memory_space<vmem>> -> memref<256x32xf32, #tpu.memory_space<vmem>>
      %dma_start3A_419 = arith.constant 0 : i32
      %dma_start3A_420 = tpu.memref_slice %arg5[%dma_start3A_413, %dma_start3A_419] : memref<2x256xi32, #tpu.memory_space<vmem>> -> memref<1x256xi32, #tpu.memory_space<vmem>>
      %dma_start3A_421 = tpu.memref_squeeze %dma_start3A_420 : memref<1x256xi32, #tpu.memory_space<vmem>> -> memref<256xi32, #tpu.memory_space<vmem>>
      %dma_start3A_422 = arith.constant 0 : i32
      %dma_start3A_423 = arith.constant 0 : i32
      %dma_start3A_424 = tpu.memref_slice %arg7[%dma_start3A_422, %dma_start3A_423] : memref<50000x32xf32, #tpu.memory_space<vmem_shared>> -> memref<50000x32xf32, #tpu.memory_space<vmem_shared>>
      tpu.enqueue_indirect_dma source(%dma_start3A_424 : memref<50000x32xf32, #tpu.memory_space<vmem_shared>>) target(%dma_start3A_418 : memref<256x32xf32, #tpu.memory_space<vmem>>) offsets(%dma_start3A_421 : memref<256xi32, #tpu.memory_space<vmem>>) semaphore(%arg10 : memref<!tpu.dma_semaphore, #tpu.memory_space<semaphore_mem>>)
      %add3A_425 = arith.addi %mul3A_2, %add3A_98 : i32
      %jit3A_426 = arith.constant 64 : i32
      %div3A_427 = arith.divsi %add3A_425, %jit3A_426 : i32
      %sign3A_428 = arith.constant 0 : i32
      %sign3A_429 = arith.cmpi sgt, %add3A_425, %sign3A_428 : i32
      %sign3A_430 = arith.extui %sign3A_429 : i1 to i32
      %sign3A_431 = arith.constant 0 : i32
      %sign3A_432 = arith.cmpi slt, %add3A_425, %sign3A_431 : i32
      %sign3A_433 = arith.extui %sign3A_432 : i1 to i32
      %sign3A_434 = arith.subi %sign3A_430, %sign3A_433 : i32
      %sign3A_435 = arith.constant 0 : i32
      %sign3A_436 = arith.cmpi sgt, %jit3A_426, %sign3A_435 : i32
      %sign3A_437 = arith.extui %sign3A_436 : i1 to i32
      %sign3A_438 = arith.constant 0 : i32
      %sign3A_439 = arith.cmpi slt, %jit3A_426, %sign3A_438 : i32
      %sign3A_440 = arith.extui %sign3A_439 : i1 to i32
      %sign3A_441 = arith.subi %sign3A_437, %sign3A_440 : i32
      %ne3A_442 = arith.cmpi ne, %sign3A_434, %sign3A_441 : i32
      %rem3A_443 = arith.remsi %add3A_425, %jit3A_426 : i32
      %ne3A_444 = arith.constant 0 : i32
      %ne3A_445 = arith.cmpi ne, %rem3A_443, %ne3A_444 : i32
      %and3A_446 = arith.andi %ne3A_442, %ne3A_445 : i1
      %sub3A_447 = arith.constant 1 : i32
      %sub3A_448 = arith.subi %div3A_427, %sub3A_447 : i32
      %select_n3A_449 = arith.select %and3A_446, %sub3A_448, %div3A_427 : i32
      %jit3A_450 = arith.constant 16 : i32
      %div3A_451 = arith.divsi %add3A_425, %jit3A_450 : i32
      %sign3A_452 = arith.constant 0 : i32
      %sign3A_453 = arith.cmpi sgt, %add3A_425, %sign3A_452 : i32
      %sign3A_454 = arith.extui %sign3A_453 : i1 to i32
      %sign3A_455 = arith.constant 0 : i32
      %sign3A_456 = arith.cmpi slt, %add3A_425, %sign3A_455 : i32
      %sign3A_457 = arith.extui %sign3A_456 : i1 to i32
      %sign3A_458 = arith.subi %sign3A_454, %sign3A_457 : i32
      %sign3A_459 = arith.constant 0 : i32
      %sign3A_460 = arith.cmpi sgt, %jit3A_450, %sign3A_459 : i32
      %sign3A_461 = arith.extui %sign3A_460 : i1 to i32
      %sign3A_462 = arith.constant 0 : i32
      %sign3A_463 = arith.cmpi slt, %jit3A_450, %sign3A_462 : i32
      %sign3A_464 = arith.extui %sign3A_463 : i1 to i32
      %sign3A_465 = arith.subi %sign3A_461, %sign3A_464 : i32
      %ne3A_466 = arith.cmpi ne, %sign3A_458, %sign3A_465 : i32
      %rem3A_467 = arith.remsi %add3A_425, %jit3A_450 : i32
      %ne3A_468 = arith.constant 0 : i32
      %ne3A_469 = arith.cmpi ne, %rem3A_467, %ne3A_468 : i32
      %and3A_470 = arith.andi %ne3A_466, %ne3A_469 : i1
      %sub3A_471 = arith.constant 1 : i32
      %sub3A_472 = arith.subi %div3A_451, %sub3A_471 : i32
      %select_n3A_473 = arith.select %and3A_470, %sub3A_472, %div3A_451 : i32
      %jit3A_474 = arith.constant 4 : i32
      %eq3A_475 = arith.constant 0 : i32
      %eq3A_476 = arith.cmpi eq, %jit3A_474, %eq3A_475 : i32
      %jit3A_477 = arith.constant 1 : i32
      %select_n3A_478 = arith.select %eq3A_476, %jit3A_477, %jit3A_474 : i32
      %rem3A_479 = arith.remsi %select_n3A_473, %select_n3A_478 : i32
      %ne3A_480 = arith.constant 0 : i32
      %ne3A_481 = arith.cmpi ne, %rem3A_479, %ne3A_480 : i32
      %lt3A_482 = arith.constant 0 : i32
      %lt3A_483 = arith.cmpi slt, %rem3A_479, %lt3A_482 : i32
      %lt3A_484 = arith.constant 0 : i32
      %lt3A_485 = arith.cmpi slt, %select_n3A_478, %lt3A_484 : i32
      %ne3A_486 = arith.xori %lt3A_483, %lt3A_485 : i1
      %and3A_487 = arith.andi %ne3A_486, %ne3A_481 : i1
      %add3A_488 = arith.addi %rem3A_479, %select_n3A_478 : i32
      %select_n3A_489 = arith.select %and3A_487, %add3A_488, %rem3A_479 : i32
      %jit3A_490 = arith.constant 16 : i32
      %eq3A_491 = arith.constant 0 : i32
      %eq3A_492 = arith.cmpi eq, %jit3A_490, %eq3A_491 : i32
      %jit3A_493 = arith.constant 1 : i32
      %select_n3A_494 = arith.select %eq3A_492, %jit3A_493, %jit3A_490 : i32
      %rem3A_495 = arith.remsi %add3A_425, %select_n3A_494 : i32
      %ne3A_496 = arith.constant 0 : i32
      %ne3A_497 = arith.cmpi ne, %rem3A_495, %ne3A_496 : i32
      %lt3A_498 = arith.constant 0 : i32
      %lt3A_499 = arith.cmpi slt, %rem3A_495, %lt3A_498 : i32
      %lt3A_500 = arith.constant 0 : i32
      %lt3A_501 = arith.cmpi slt, %select_n3A_494, %lt3A_500 : i32
      %ne3A_502 = arith.xori %lt3A_499, %lt3A_501 : i1
      %and3A_503 = arith.andi %ne3A_502, %ne3A_497 : i1
      %add3A_504 = arith.addi %rem3A_495, %select_n3A_494 : i32
      %select_n3A_505 = arith.select %and3A_503, %add3A_504, %rem3A_495 : i32
      %mul3A_506 = arith.constant 256 : i32
      %mul3A_507 = arith.muli %select_n3A_505, %mul3A_506 : i32
      %dma_start3A_508 = arith.constant 1 : i32
      %dma_start3A_509 = arith.constant 0 : i32
      %dma_start3A_510 = arith.constant 0 : i32
      %dma_start3A_511 = tpu.memref_slice %arg6[%dma_start3A_508, %dma_start3A_509, %dma_start3A_510] : memref<2x256x32xf32, #tpu.memory_space<vmem>> -> memref<1x256x32xf32, #tpu.memory_space<vmem>>
      %dma_start3A_512 = tpu.memref_squeeze %dma_start3A_511 : memref<1x256x32xf32, #tpu.memory_space<vmem>> -> memref<256x32xf32, #tpu.memory_space<vmem>>
      %dma_start3A_513 = arith.constant 0 : i32
      %dma_start3A_514 = tpu.memref_slice %arg4[%select_n3A_449, %mul3A_507, %select_n3A_489, %dma_start3A_513] : memref<50x4096x4x32xf32, #tpu.memory_space<hbm>> -> memref<1x256x1x32xf32, #tpu.memory_space<hbm>>
      %dma_start3A_515 = tpu.memref_squeeze %dma_start3A_514 : memref<1x256x1x32xf32, #tpu.memory_space<hbm>> -> memref<256x32xf32, #tpu.memory_space<hbm>>
      %dma_start3A_516 = arith.constant 0 : i32
      %dma_start3A_517 = tpu.memref_slice %arg4[%select_n3A_449, %mul3A_507, %select_n3A_489, %dma_start3A_516] : memref<50x4096x4x32xf32, #tpu.memory_space<hbm>> -> memref<1x256x1x32xf32, #tpu.memory_space<hbm>>
      %dma_start3A_518 = tpu.memref_squeeze %dma_start3A_517 : memref<1x256x1x32xf32, #tpu.memory_space<hbm>> -> memref<256x32xf32, #tpu.memory_space<hbm>>
      %dma_start3A_519 = arith.constant 0 : i32
      %dma_start3A_520 = arith.constant 0 : i32
      %dma_start3A_521 = tpu.memref_slice %arg6[%dma_start3A_508, %dma_start3A_519, %dma_start3A_520] : memref<2x256x32xf32, #tpu.memory_space<vmem>> -> memref<1x256x32xf32, #tpu.memory_space<vmem>>
      %dma_start3A_522 = tpu.memref_squeeze %dma_start3A_521 : memref<1x256x32xf32, #tpu.memory_space<vmem>> -> memref<256x32xf32, #tpu.memory_space<vmem>>
      tpu.enqueue_dma source(%dma_start3A_522 : memref<256x32xf32, #tpu.memory_space<vmem>>) target(%dma_start3A_518 : memref<256x32xf32, #tpu.memory_space<hbm>>) target_semaphore(%arg13 : memref<!tpu.dma_semaphore, #tpu.memory_space<semaphore_mem>>)
      %add3A_523 = arith.addi %mul3A_2, %add3A_98 : i32
      %jit3A_524 = arith.constant 64 : i32
      %div3A_525 = arith.divsi %add3A_523, %jit3A_524 : i32
      %sign3A_526 = arith.constant 0 : i32
      %sign3A_527 = arith.cmpi sgt, %add3A_523, %sign3A_526 : i32
      %sign3A_528 = arith.extui %sign3A_527 : i1 to i32
      %sign3A_529 = arith.constant 0 : i32
      %sign3A_530 = arith.cmpi slt, %add3A_523, %sign3A_529 : i32
      %sign3A_531 = arith.extui %sign3A_530 : i1 to i32
      %sign3A_532 = arith.subi %sign3A_528, %sign3A_531 : i32
      %sign3A_533 = arith.constant 0 : i32
      %sign3A_534 = arith.cmpi sgt, %jit3A_524, %sign3A_533 : i32
      %sign3A_535 = arith.extui %sign3A_534 : i1 to i32
      %sign3A_536 = arith.constant 0 : i32
      %sign3A_537 = arith.cmpi slt, %jit3A_524, %sign3A_536 : i32
      %sign3A_538 = arith.extui %sign3A_537 : i1 to i32
      %sign3A_539 = arith.subi %sign3A_535, %sign3A_538 : i32
      %ne3A_540 = arith.cmpi ne, %sign3A_532, %sign3A_539 : i32
      %rem3A_541 = arith.remsi %add3A_523, %jit3A_524 : i32
      %ne3A_542 = arith.constant 0 : i32
      %ne3A_543 = arith.cmpi ne, %rem3A_541, %ne3A_542 : i32
      %and3A_544 = arith.andi %ne3A_540, %ne3A_543 : i1
      %sub3A_545 = arith.constant 1 : i32
      %sub3A_546 = arith.subi %div3A_525, %sub3A_545 : i32
      %select_n3A_547 = arith.select %and3A_544, %sub3A_546, %div3A_525 : i32
      %jit3A_548 = arith.constant 16 : i32
      %div3A_549 = arith.divsi %add3A_523, %jit3A_548 : i32
      %sign3A_550 = arith.constant 0 : i32
      %sign3A_551 = arith.cmpi sgt, %add3A_523, %sign3A_550 : i32
      %sign3A_552 = arith.extui %sign3A_551 : i1 to i32
      %sign3A_553 = arith.constant 0 : i32
      %sign3A_554 = arith.cmpi slt, %add3A_523, %sign3A_553 : i32
      %sign3A_555 = arith.extui %sign3A_554 : i1 to i32
      %sign3A_556 = arith.subi %sign3A_552, %sign3A_555 : i32
      %sign3A_557 = arith.constant 0 : i32
      %sign3A_558 = arith.cmpi sgt, %jit3A_548, %sign3A_557 : i32
      %sign3A_559 = arith.extui %sign3A_558 : i1 to i32
      %sign3A_560 = arith.constant 0 : i32
      %sign3A_561 = arith.cmpi slt, %jit3A_548, %sign3A_560 : i32
      %sign3A_562 = arith.extui %sign3A_561 : i1 to i32
      %sign3A_563 = arith.subi %sign3A_559, %sign3A_562 : i32
      %ne3A_564 = arith.cmpi ne, %sign3A_556, %sign3A_563 : i32
      %rem3A_565 = arith.remsi %add3A_523, %jit3A_548 : i32
      %ne3A_566 = arith.constant 0 : i32
      %ne3A_567 = arith.cmpi ne, %rem3A_565, %ne3A_566 : i32
      %and3A_568 = arith.andi %ne3A_564, %ne3A_567 : i1
      %sub3A_569 = arith.constant 1 : i32
      %sub3A_570 = arith.subi %div3A_549, %sub3A_569 : i32
      %select_n3A_571 = arith.select %and3A_568, %sub3A_570, %div3A_549 : i32
      %jit3A_572 = arith.constant 4 : i32
      %eq3A_573 = arith.constant 0 : i32
      %eq3A_574 = arith.cmpi eq, %jit3A_572, %eq3A_573 : i32
      %jit3A_575 = arith.constant 1 : i32
      %select_n3A_576 = arith.select %eq3A_574, %jit3A_575, %jit3A_572 : i32
      %rem3A_577 = arith.remsi %select_n3A_571, %select_n3A_576 : i32
      %ne3A_578 = arith.constant 0 : i32
      %ne3A_579 = arith.cmpi ne, %rem3A_577, %ne3A_578 : i32
      %lt3A_580 = arith.constant 0 : i32
      %lt3A_581 = arith.cmpi slt, %rem3A_577, %lt3A_580 : i32
      %lt3A_582 = arith.constant 0 : i32
      %lt3A_583 = arith.cmpi slt, %select_n3A_576, %lt3A_582 : i32
      %ne3A_584 = arith.xori %lt3A_581, %lt3A_583 : i1
      %and3A_585 = arith.andi %ne3A_584, %ne3A_579 : i1
      %add3A_586 = arith.addi %rem3A_577, %select_n3A_576 : i32
      %select_n3A_587 = arith.select %and3A_585, %add3A_586, %rem3A_577 : i32
      %jit3A_588 = arith.constant 16 : i32
      %eq3A_589 = arith.constant 0 : i32
      %eq3A_590 = arith.cmpi eq, %jit3A_588, %eq3A_589 : i32
      %jit3A_591 = arith.constant 1 : i32
      %select_n3A_592 = arith.select %eq3A_590, %jit3A_591, %jit3A_588 : i32
      %rem3A_593 = arith.remsi %add3A_523, %select_n3A_592 : i32
      %ne3A_594 = arith.constant 0 : i32
      %ne3A_595 = arith.cmpi ne, %rem3A_593, %ne3A_594 : i32
      %lt3A_596 = arith.constant 0 : i32
      %lt3A_597 = arith.cmpi slt, %rem3A_593, %lt3A_596 : i32
      %lt3A_598 = arith.constant 0 : i32
      %lt3A_599 = arith.cmpi slt, %select_n3A_592, %lt3A_598 : i32
      %ne3A_600 = arith.xori %lt3A_597, %lt3A_599 : i1
      %and3A_601 = arith.andi %ne3A_600, %ne3A_595 : i1
      %add3A_602 = arith.addi %rem3A_593, %select_n3A_592 : i32
      %select_n3A_603 = arith.select %and3A_601, %add3A_602, %rem3A_593 : i32
      %mul3A_604 = arith.constant 256 : i32
      %mul3A_605 = arith.muli %select_n3A_603, %mul3A_604 : i32
      %dma_wait3A_606 = arith.constant 1 : i32
      %dma_wait3A_607 = arith.constant 0 : i32
      %dma_wait3A_608 = arith.constant 0 : i32
      %dma_wait3A_609 = tpu.memref_slice %arg6[%dma_wait3A_606, %dma_wait3A_607, %dma_wait3A_608] : memref<2x256x32xf32, #tpu.memory_space<vmem>> -> memref<1x256x32xf32, #tpu.memory_space<vmem>>
      %dma_wait3A_610 = tpu.memref_squeeze %dma_wait3A_609 : memref<1x256x32xf32, #tpu.memory_space<vmem>> -> memref<256x32xf32, #tpu.memory_space<vmem>>
      %dma_wait3A_611 = arith.constant 0 : i32
      %dma_wait3A_612 = tpu.memref_slice %arg4[%select_n3A_547, %mul3A_605, %select_n3A_587, %dma_wait3A_611] : memref<50x4096x4x32xf32, #tpu.memory_space<hbm>> -> memref<1x256x1x32xf32, #tpu.memory_space<hbm>>
      %dma_wait3A_613 = tpu.memref_squeeze %dma_wait3A_612 : memref<1x256x1x32xf32, #tpu.memory_space<hbm>> -> memref<256x32xf32, #tpu.memory_space<hbm>>
      %dma_wait3A_614 = arith.constant 0 : i32
      %dma_wait3A_615 = tpu.memref_slice %arg4[%select_n3A_547, %mul3A_605, %select_n3A_587, %dma_wait3A_614] : memref<50x4096x4x32xf32, #tpu.memory_space<hbm>> -> memref<1x256x1x32xf32, #tpu.memory_space<hbm>>
      %dma_wait3A_616 = tpu.memref_squeeze %dma_wait3A_615 : memref<1x256x1x32xf32, #tpu.memory_space<hbm>> -> memref<256x32xf32, #tpu.memory_space<hbm>>
      %dma_wait3A_617 = arith.constant 0 : i32
      %dma_wait3A_618 = arith.constant 0 : i32
      %dma_wait3A_619 = tpu.memref_slice %arg6[%dma_wait3A_606, %dma_wait3A_617, %dma_wait3A_618] : memref<2x256x32xf32, #tpu.memory_space<vmem>> -> memref<1x256x32xf32, #tpu.memory_space<vmem>>
      %dma_wait3A_620 = tpu.memref_squeeze %dma_wait3A_619 : memref<1x256x32xf32, #tpu.memory_space<vmem>> -> memref<256x32xf32, #tpu.memory_space<vmem>>
      tpu.wait_dma2 semaphore(%arg13 : memref<!tpu.dma_semaphore, #tpu.memory_space<semaphore_mem>>) src(%dma_wait3A_620 : memref<256x32xf32, #tpu.memory_space<vmem>>) dst(%dma_wait3A_616 : memref<256x32xf32, #tpu.memory_space<hbm>>)
    }
    %scan3A_66 = arith.constant 50 : i32
    %dma_wait3A_67 = arith.constant 0 : i32
    %dma_wait3A_68 = arith.constant 0 : i32
    %dma_wait3A_69 = arith.constant 0 : i32
    %dma_wait3A_70 = arith.constant 0 : i32
    %dma_wait3A_71 = tpu.memref_slice %arg6[%dma_wait3A_68, %dma_wait3A_69, %dma_wait3A_70] : memref<2x256x32xf32, #tpu.memory_space<vmem>> -> memref<1x256x32xf32, #tpu.memory_space<vmem>>
    %dma_wait3A_72 = tpu.memref_squeeze %dma_wait3A_71 : memref<1x256x32xf32, #tpu.memory_space<vmem>> -> memref<256x32xf32, #tpu.memory_space<vmem>>
    %dma_wait3A_73 = arith.constant 0 : i32
    %dma_wait3A_74 = tpu.memref_slice %arg5[%dma_wait3A_67, %dma_wait3A_73] : memref<2x256xi32, #tpu.memory_space<vmem>> -> memref<1x256xi32, #tpu.memory_space<vmem>>
    %dma_wait3A_75 = tpu.memref_squeeze %dma_wait3A_74 : memref<1x256xi32, #tpu.memory_space<vmem>> -> memref<256xi32, #tpu.memory_space<vmem>>
    %dma_wait3A_76 = arith.constant 0 : i32
    %dma_wait3A_77 = arith.constant 0 : i32
    %dma_wait3A_78 = tpu.memref_slice %arg7[%dma_wait3A_76, %dma_wait3A_77] : memref<50000x32xf32, #tpu.memory_space<vmem_shared>> -> memref<50000x32xf32, #tpu.memory_space<vmem_shared>>
    tpu.wait_indirect_dma semaphore(%arg10 : memref<!tpu.dma_semaphore, #tpu.memory_space<semaphore_mem>>) src(%dma_wait3A_78 : memref<50000x32xf32, #tpu.memory_space<vmem_shared>>) dst(%dma_wait3A_72 : memref<256x32xf32, #tpu.memory_space<vmem>>)
    %add3A_79 = arith.constant 1 : i32
    %add3A_80 = arith.addi %mul3A_2, %add3A_79 : i32
    %mul3A_81 = arith.constant 256 : i32
    %mul3A_82 = arith.muli %add3A_80, %mul3A_81 : i32
    %add3A_83 = arith.constant 2457600 : i32
    %add3A_84 = arith.addi %add3A_83, %mul3A_82 : i32
    %dma_wait3A_85 = arith.constant 1 : i32
    %dma_wait3A_86 = arith.constant 0 : i32
    %dma_wait3A_87 = tpu.memref_slice %arg5[%dma_wait3A_85, %dma_wait3A_86] : memref<2x256xi32, #tpu.memory_space<vmem>> -> memref<1x256xi32, #tpu.memory_space<vmem>>
    %dma_wait3A_88 = tpu.memref_squeeze %dma_wait3A_87 : memref<1x256xi32, #tpu.memory_space<vmem>> -> memref<256xi32, #tpu.memory_space<vmem>>
    %dma_wait3A_89 = tpu.memref_slice %arg2[%add3A_84] : memref<3276800xi32, #tpu.memory_space<hbm>> -> memref<256xi32, #tpu.memory_space<hbm>>
    %dma_wait3A_90 = arith.constant 0 : i32
    %dma_wait3A_91 = tpu.memref_slice %arg5[%dma_wait3A_85, %dma_wait3A_90] : memref<2x256xi32, #tpu.memory_space<vmem>> -> memref<1x256xi32, #tpu.memory_space<vmem>>
    %dma_wait3A_92 = tpu.memref_squeeze %dma_wait3A_91 : memref<1x256xi32, #tpu.memory_space<vmem>> -> memref<256xi32, #tpu.memory_space<vmem>>
    %dma_wait3A_93 = tpu.memref_slice %arg2[%add3A_84] : memref<3276800xi32, #tpu.memory_space<hbm>> -> memref<256xi32, #tpu.memory_space<hbm>>
    tpu.wait_dma2 semaphore(%arg9 : memref<!tpu.dma_semaphore, #tpu.memory_space<semaphore_mem>>) src(%dma_wait3A_93 : memref<256xi32, #tpu.memory_space<hbm>>) dst(%dma_wait3A_92 : memref<256xi32, #tpu.memory_space<vmem>>)
    return
  }
}

#map = affine_map<(d0, d1) -> (0)>
#map1 = affine_map<(d0, d1) -> (0, 0)>
#map2 = affine_map<(d0, d1) -> (0, 0, 0, 0)>
module attributes {stable_mosaic.version = 14 : i64} {
  func.func @_lookup(%arg0: i32, %arg1: i32, %arg2: memref<3276800xi32, #tpu.memory_space<hbm>>, %arg3: memref<50000x32xf32, #tpu.memory_space<hbm>>, %arg4: memref<50x4096x4x32xf32, #tpu.memory_space<hbm>>, %arg5: memref<2x256xi32, #tpu.memory_space<vmem>>, %arg6: memref<2x256x32xf32, #tpu.memory_space<vmem>>, %arg7: memref<50000x32xf32, #tpu.memory_space<vmem_shared>>, %arg8: memref<!tpu.dma_semaphore, #tpu.memory_space<semaphore_mem>>, %arg9: memref<!tpu.dma_semaphore, #tpu.memory_space<semaphore_mem>>, %arg10: memref<!tpu.dma_semaphore, #tpu.memory_space<semaphore_mem>>, %arg11: memref<!tpu.dma_semaphore, #tpu.memory_space<semaphore_mem>>, %arg12: memref<!tpu.dma_semaphore, #tpu.memory_space<semaphore_mem>>, %arg13: memref<!tpu.dma_semaphore, #tpu.memory_space<semaphore_mem>>) attributes {dimension_semantics = [#tpu.dimension_semantics<core_parallel>, #tpu.dimension_semantics<subcore_parallel>], iteration_bounds = array<i64: 2, 16>, scalar_prefetch = 0 : i64, scratch_operands = 9 : i64, tpu.core_type = #tpu.core_type<sc_vector_subcore>, window_params = [{transform_indices = #map}, {transform_indices = #map1}, {transform_indices = #map2}]} {
    %mul3A = arith.constant 2 : i32
    %mul3A_0 = arith.muli %arg1, %mul3A : i32
    %add3A = arith.addi %mul3A_0, %arg0 : i32
    %mul3A_1 = arith.constant 100 : i32
    %mul3A_2 = arith.muli %add3A, %mul3A_1 : i32
    %mul3A_3 = arith.constant 3125 : i32
    %mul3A_4 = arith.muli %arg1, %mul3A_3 : i32
    %mul3A_5 = arith.constant 3125 : i32
    %mul3A_6 = arith.muli %arg1, %mul3A_5 : i32
    "tpu.region"() ({
      %run_scoped3A = tpu.sem_alloc : memref<!tpu.dma_semaphore, #tpu.memory_space<semaphore_mem>>
      %dma_start3A_94 = arith.constant 0 : i32
      %dma_start3A_95 = tpu.memref_slice %arg7[%mul3A_6, %dma_start3A_94] : memref<50000x32xf32, #tpu.memory_space<vmem_shared>> -> memref<3125x32xf32, #tpu.memory_space<vmem_shared>>
      %dma_start3A_96 = arith.constant 0 : i32
      %dma_start3A_97 = tpu.memref_slice %arg3[%mul3A_4, %dma_start3A_96] : memref<50000x32xf32, #tpu.memory_space<hbm>> -> memref<3125x32xf32, #tpu.memory_space<hbm>>
      tpu.enqueue_dma source(%dma_start3A_97 : memref<3125x32xf32, #tpu.memory_space<hbm>>) target(%dma_start3A_95 : memref<3125x32xf32, #tpu.memory_space<vmem_shared>>) target_semaphore(%run_scoped3A : memref<!tpu.dma_semaphore, #tpu.memory_space<semaphore_mem>>)
      %dma_wait3A_98 = arith.constant 0 : i32
      %dma_wait3A_99 = tpu.memref_slice %arg7[%mul3A_6, %dma_wait3A_98] : memref<50000x32xf32, #tpu.memory_space<vmem_shared>> -> memref<3125x32xf32, #tpu.memory_space<vmem_shared>>
      %dma_wait3A_100 = arith.constant 0 : i32
      %dma_wait3A_101 = tpu.memref_slice %arg3[%mul3A_4, %dma_wait3A_100] : memref<50000x32xf32, #tpu.memory_space<hbm>> -> memref<3125x32xf32, #tpu.memory_space<hbm>>
      tpu.wait_dma2 semaphore(%run_scoped3A : memref<!tpu.dma_semaphore, #tpu.memory_space<semaphore_mem>>) src(%dma_wait3A_101 : memref<3125x32xf32, #tpu.memory_space<hbm>>) dst(%dma_wait3A_99 : memref<3125x32xf32, #tpu.memory_space<vmem_shared>>)
      tpu.yield
    }) : () -> ()
    %barrier3A = arith.constant 0 : index
    tpu.barrier barrier_id(%barrier3A)
    %add3A_7 = arith.constant 0 : i32
    %add3A_8 = arith.addi %mul3A_2, %add3A_7 : i32
    %mul3A_9 = arith.constant 256 : i32
    %mul3A_10 = arith.muli %add3A_8, %mul3A_9 : i32
    %add3A_11 = arith.constant 1638400 : i32
    %add3A_12 = arith.addi %add3A_11, %mul3A_10 : i32
    %dma_start3A = arith.constant 0 : i32
    %dma_start3A_13 = arith.constant 0 : i32
    %dma_start3A_14 = tpu.memref_slice %arg5[%dma_start3A, %dma_start3A_13] : memref<2x256xi32, #tpu.memory_space<vmem>> -> memref<1x256xi32, #tpu.memory_space<vmem>>
    %dma_start3A_15 = tpu.memref_squeeze %dma_start3A_14 : memref<1x256xi32, #tpu.memory_space<vmem>> -> memref<256xi32, #tpu.memory_space<vmem>>
    %dma_start3A_16 = tpu.memref_slice %arg2[%add3A_12] : memref<3276800xi32, #tpu.memory_space<hbm>> -> memref<256xi32, #tpu.memory_space<hbm>>
    %dma_start3A_17 = arith.constant 0 : i32
    %dma_start3A_18 = tpu.memref_slice %arg5[%dma_start3A, %dma_start3A_17] : memref<2x256xi32, #tpu.memory_space<vmem>> -> memref<1x256xi32, #tpu.memory_space<vmem>>
    %dma_start3A_19 = tpu.memref_squeeze %dma_start3A_18 : memref<1x256xi32, #tpu.memory_space<vmem>> -> memref<256xi32, #tpu.memory_space<vmem>>
    %dma_start3A_20 = tpu.memref_slice %arg2[%add3A_12] : memref<3276800xi32, #tpu.memory_space<hbm>> -> memref<256xi32, #tpu.memory_space<hbm>>
    tpu.enqueue_dma source(%dma_start3A_20 : memref<256xi32, #tpu.memory_space<hbm>>) target(%dma_start3A_19 : memref<256xi32, #tpu.memory_space<vmem>>) target_semaphore(%arg8 : memref<!tpu.dma_semaphore, #tpu.memory_space<semaphore_mem>>)
    %add3A_21 = arith.constant 1 : i32
    %add3A_22 = arith.addi %mul3A_2, %add3A_21 : i32
    %mul3A_23 = arith.constant 256 : i32
    %mul3A_24 = arith.muli %add3A_22, %mul3A_23 : i32
    %add3A_25 = arith.constant 1638400 : i32
    %add3A_26 = arith.addi %add3A_25, %mul3A_24 : i32
    %dma_start3A_27 = arith.constant 1 : i32
    %dma_start3A_28 = arith.constant 0 : i32
    %dma_start3A_29 = tpu.memref_slice %arg5[%dma_start3A_27, %dma_start3A_28] : memref<2x256xi32, #tpu.memory_space<vmem>> -> memref<1x256xi32, #tpu.memory_space<vmem>>
    %dma_start3A_30 = tpu.memref_squeeze %dma_start3A_29 : memref<1x256xi32, #tpu.memory_space<vmem>> -> memref<256xi32, #tpu.memory_space<vmem>>
    %dma_start3A_31 = tpu.memref_slice %arg2[%add3A_26] : memref<3276800xi32, #tpu.memory_space<hbm>> -> memref<256xi32, #tpu.memory_space<hbm>>
    %dma_start3A_32 = arith.constant 0 : i32
    %dma_start3A_33 = tpu.memref_slice %arg5[%dma_start3A_27, %dma_start3A_32] : memref<2x256xi32, #tpu.memory_space<vmem>> -> memref<1x256xi32, #tpu.memory_space<vmem>>
    %dma_start3A_34 = tpu.memref_squeeze %dma_start3A_33 : memref<1x256xi32, #tpu.memory_space<vmem>> -> memref<256xi32, #tpu.memory_space<vmem>>
    %dma_start3A_35 = tpu.memref_slice %arg2[%add3A_26] : memref<3276800xi32, #tpu.memory_space<hbm>> -> memref<256xi32, #tpu.memory_space<hbm>>
    tpu.enqueue_dma source(%dma_start3A_35 : memref<256xi32, #tpu.memory_space<hbm>>) target(%dma_start3A_34 : memref<256xi32, #tpu.memory_space<vmem>>) target_semaphore(%arg9 : memref<!tpu.dma_semaphore, #tpu.memory_space<semaphore_mem>>)
    %add3A_36 = arith.constant 0 : i32
    %add3A_37 = arith.addi %mul3A_2, %add3A_36 : i32
    %mul3A_38 = arith.constant 256 : i32
    %mul3A_39 = arith.muli %add3A_37, %mul3A_38 : i32
    %add3A_40 = arith.constant 1638400 : i32
    %add3A_41 = arith.addi %add3A_40, %mul3A_39 : i32
    %dma_wait3A = arith.constant 0 : i32
    %dma_wait3A_42 = arith.constant 0 : i32
    %dma_wait3A_43 = tpu.memref_slice %arg5[%dma_wait3A, %dma_wait3A_42] : memref<2x256xi32, #tpu.memory_space<vmem>> -> memref<1x256xi32, #tpu.memory_space<vmem>>
    %dma_wait3A_44 = tpu.memref_squeeze %dma_wait3A_43 : memref<1x256xi32, #tpu.memory_space<vmem>> -> memref<256xi32, #tpu.memory_space<vmem>>
    %dma_wait3A_45 = tpu.memref_slice %arg2[%add3A_41] : memref<3276800xi32, #tpu.memory_space<hbm>> -> memref<256xi32, #tpu.memory_space<hbm>>
    %dma_wait3A_46 = arith.constant 0 : i32
    %dma_wait3A_47 = tpu.memref_slice %arg5[%dma_wait3A, %dma_wait3A_46] : memref<2x256xi32, #tpu.memory_space<vmem>> -> memref<1x256xi32, #tpu.memory_space<vmem>>
    %dma_wait3A_48 = tpu.memref_squeeze %dma_wait3A_47 : memref<1x256xi32, #tpu.memory_space<vmem>> -> memref<256xi32, #tpu.memory_space<vmem>>
    %dma_wait3A_49 = tpu.memref_slice %arg2[%add3A_41] : memref<3276800xi32, #tpu.memory_space<hbm>> -> memref<256xi32, #tpu.memory_space<hbm>>
    tpu.wait_dma2 semaphore(%arg8 : memref<!tpu.dma_semaphore, #tpu.memory_space<semaphore_mem>>) src(%dma_wait3A_49 : memref<256xi32, #tpu.memory_space<hbm>>) dst(%dma_wait3A_48 : memref<256xi32, #tpu.memory_space<vmem>>)
    %dma_start3A_50 = arith.constant 0 : i32
    %dma_start3A_51 = arith.constant 0 : i32
    %dma_start3A_52 = arith.constant 0 : i32
    %dma_start3A_53 = arith.constant 0 : i32
    %dma_start3A_54 = tpu.memref_slice %arg6[%dma_start3A_51, %dma_start3A_52, %dma_start3A_53] : memref<2x256x32xf32, #tpu.memory_space<vmem>> -> memref<1x256x32xf32, #tpu.memory_space<vmem>>
    %dma_start3A_55 = tpu.memref_squeeze %dma_start3A_54 : memref<1x256x32xf32, #tpu.memory_space<vmem>> -> memref<256x32xf32, #tpu.memory_space<vmem>>
    %dma_start3A_56 = arith.constant 0 : i32
    %dma_start3A_57 = tpu.memref_slice %arg5[%dma_start3A_50, %dma_start3A_56] : memref<2x256xi32, #tpu.memory_space<vmem>> -> memref<1x256xi32, #tpu.memory_space<vmem>>
    %dma_start3A_58 = tpu.memref_squeeze %dma_start3A_57 : memref<1x256xi32, #tpu.memory_space<vmem>> -> memref<256xi32, #tpu.memory_space<vmem>>
    %dma_start3A_59 = arith.constant 0 : i32
    %dma_start3A_60 = arith.constant 0 : i32
    %dma_start3A_61 = tpu.memref_slice %arg7[%dma_start3A_59, %dma_start3A_60] : memref<50000x32xf32, #tpu.memory_space<vmem_shared>> -> memref<50000x32xf32, #tpu.memory_space<vmem_shared>>
    tpu.enqueue_indirect_dma source(%dma_start3A_61 : memref<50000x32xf32, #tpu.memory_space<vmem_shared>>) target(%dma_start3A_55 : memref<256x32xf32, #tpu.memory_space<vmem>>) offsets(%dma_start3A_58 : memref<256xi32, #tpu.memory_space<vmem>>) semaphore(%arg10 : memref<!tpu.dma_semaphore, #tpu.memory_space<semaphore_mem>>)
    %scan3A = arith.constant 0 : i32
    %scan3A_62 = arith.constant 0 : i32
    %scan3A_63 = arith.constant 50 : i32
    %scan3A_64 = arith.addi %scan3A_62, %scan3A_63 : i32
    %scan3A_65 = arith.constant 1 : i32
    scf.for %scan3A_94 = %scan3A_62 to %scan3A_64 step %scan3A_65  : i32 {
      %mul3A_95 = arith.constant 2 : i32
      %mul3A_96 = arith.muli %mul3A_95, %scan3A_94 : i32
      %add3A_97 = arith.constant 1 : i32
      %add3A_98 = arith.addi %mul3A_96, %add3A_97 : i32
      %add3A_99 = arith.constant 2 : i32
      %add3A_100 = arith.addi %mul3A_96, %add3A_99 : i32
      %jit3A = arith.constant 100 : i32
      %eq3A = arith.constant 0 : i32
      %eq3A_101 = arith.cmpi eq, %jit3A, %eq3A : i32
      %jit3A_102 = arith.constant 1 : i32
      %select_n3A = arith.select %eq3A_101, %jit3A_102, %jit3A : i32
      %rem3A = arith.remsi %add3A_100, %select_n3A : i32
      %ne3A = arith.constant 0 : i32
      %ne3A_103 = arith.cmpi ne, %rem3A, %ne3A : i32
      %lt3A = arith.constant 0 : i32
      %lt3A_104 = arith.cmpi slt, %rem3A, %lt3A : i32
      %lt3A_105 = arith.constant 0 : i32
      %lt3A_106 = arith.cmpi slt, %select_n3A, %lt3A_105 : i32
      %ne3A_107 = arith.xori %lt3A_104, %lt3A_106 : i1
      %and3A = arith.andi %ne3A_107, %ne3A_103 : i1
      %add3A_108 = arith.addi %rem3A, %select_n3A : i32
      %select_n3A_109 = arith.select %and3A, %add3A_108, %rem3A : i32
      %add3A_110 = arith.constant 3 : i32
      %add3A_111 = arith.addi %mul3A_96, %add3A_110 : i32
      %jit3A_112 = arith.constant 100 : i32
      %eq3A_113 = arith.constant 0 : i32
      %eq3A_114 = arith.cmpi eq, %jit3A_112, %eq3A_113 : i32
      %jit3A_115 = arith.constant 1 : i32
      %select_n3A_116 = arith.select %eq3A_114, %jit3A_115, %jit3A_112 : i32
      %rem3A_117 = arith.remsi %add3A_111, %select_n3A_116 : i32
      %ne3A_118 = arith.constant 0 : i32
      %ne3A_119 = arith.cmpi ne, %rem3A_117, %ne3A_118 : i32
      %lt3A_120 = arith.constant 0 : i32
      %lt3A_121 = arith.cmpi slt, %rem3A_117, %lt3A_120 : i32
      %lt3A_122 = arith.constant 0 : i32
      %lt3A_123 = arith.cmpi slt, %select_n3A_116, %lt3A_122 : i32
      %ne3A_124 = arith.xori %lt3A_121, %lt3A_123 : i1
      %and3A_125 = arith.andi %ne3A_124, %ne3A_119 : i1
      %add3A_126 = arith.addi %rem3A_117, %select_n3A_116 : i32
      %select_n3A_127 = arith.select %and3A_125, %add3A_126, %rem3A_117 : i32
      %add3A_128 = arith.addi %mul3A_2, %add3A_98 : i32
      %mul3A_129 = arith.constant 256 : i32
      %mul3A_130 = arith.muli %add3A_128, %mul3A_129 : i32
      %add3A_131 = arith.constant 1638400 : i32
      %add3A_132 = arith.addi %add3A_131, %mul3A_130 : i32
      %dma_wait3A_133 = arith.constant 1 : i32
      %dma_wait3A_134 = arith.constant 0 : i32
      %dma_wait3A_135 = tpu.memref_slice %arg5[%dma_wait3A_133, %dma_wait3A_134] : memref<2x256xi32, #tpu.memory_space<vmem>> -> memref<1x256xi32, #tpu.memory_space<vmem>>
      %dma_wait3A_136 = tpu.memref_squeeze %dma_wait3A_135 : memref<1x256xi32, #tpu.memory_space<vmem>> -> memref<256xi32, #tpu.memory_space<vmem>>
      %dma_wait3A_137 = tpu.memref_slice %arg2[%add3A_132] : memref<3276800xi32, #tpu.memory_space<hbm>> -> memref<256xi32, #tpu.memory_space<hbm>>
      %dma_wait3A_138 = arith.constant 0 : i32
      %dma_wait3A_139 = tpu.memref_slice %arg5[%dma_wait3A_133, %dma_wait3A_138] : memref<2x256xi32, #tpu.memory_space<vmem>> -> memref<1x256xi32, #tpu.memory_space<vmem>>
      %dma_wait3A_140 = tpu.memref_squeeze %dma_wait3A_139 : memref<1x256xi32, #tpu.memory_space<vmem>> -> memref<256xi32, #tpu.memory_space<vmem>>
      %dma_wait3A_141 = tpu.memref_slice %arg2[%add3A_132] : memref<3276800xi32, #tpu.memory_space<hbm>> -> memref<256xi32, #tpu.memory_space<hbm>>
      tpu.wait_dma2 semaphore(%arg9 : memref<!tpu.dma_semaphore, #tpu.memory_space<semaphore_mem>>) src(%dma_wait3A_141 : memref<256xi32, #tpu.memory_space<hbm>>) dst(%dma_wait3A_140 : memref<256xi32, #tpu.memory_space<vmem>>)
      %dma_wait3A_142 = arith.constant 0 : i32
      %dma_wait3A_143 = arith.constant 0 : i32
      %dma_wait3A_144 = arith.constant 0 : i32
      %dma_wait3A_145 = arith.constant 0 : i32
      %dma_wait3A_146 = tpu.memref_slice %arg6[%dma_wait3A_143, %dma_wait3A_144, %dma_wait3A_145] : memref<2x256x32xf32, #tpu.memory_space<vmem>> -> memref<1x256x32xf32, #tpu.memory_space<vmem>>
      %dma_wait3A_147 = tpu.memref_squeeze %dma_wait3A_146 : memref<1x256x32xf32, #tpu.memory_space<vmem>> -> memref<256x32xf32, #tpu.memory_space<vmem>>
      %dma_wait3A_148 = arith.constant 0 : i32
      %dma_wait3A_149 = tpu.memref_slice %arg5[%dma_wait3A_142, %dma_wait3A_148] : memref<2x256xi32, #tpu.memory_space<vmem>> -> memref<1x256xi32, #tpu.memory_space<vmem>>
      %dma_wait3A_150 = tpu.memref_squeeze %dma_wait3A_149 : memref<1x256xi32, #tpu.memory_space<vmem>> -> memref<256xi32, #tpu.memory_space<vmem>>
      %dma_wait3A_151 = arith.constant 0 : i32
      %dma_wait3A_152 = arith.constant 0 : i32
      %dma_wait3A_153 = tpu.memref_slice %arg7[%dma_wait3A_151, %dma_wait3A_152] : memref<50000x32xf32, #tpu.memory_space<vmem_shared>> -> memref<50000x32xf32, #tpu.memory_space<vmem_shared>>
      tpu.wait_indirect_dma semaphore(%arg10 : memref<!tpu.dma_semaphore, #tpu.memory_space<semaphore_mem>>) src(%dma_wait3A_153 : memref<50000x32xf32, #tpu.memory_space<vmem_shared>>) dst(%dma_wait3A_147 : memref<256x32xf32, #tpu.memory_space<vmem>>)
      %add3A_154 = arith.addi %mul3A_2, %select_n3A_109 : i32
      %mul3A_155 = arith.constant 256 : i32
      %mul3A_156 = arith.muli %add3A_154, %mul3A_155 : i32
      %add3A_157 = arith.constant 1638400 : i32
      %add3A_158 = arith.addi %add3A_157, %mul3A_156 : i32
      %dma_start3A_159 = arith.constant 0 : i32
      %dma_start3A_160 = arith.constant 0 : i32
      %dma_start3A_161 = tpu.memref_slice %arg5[%dma_start3A_159, %dma_start3A_160] : memref<2x256xi32, #tpu.memory_space<vmem>> -> memref<1x256xi32, #tpu.memory_space<vmem>>
      %dma_start3A_162 = tpu.memref_squeeze %dma_start3A_161 : memref<1x256xi32, #tpu.memory_space<vmem>> -> memref<256xi32, #tpu.memory_space<vmem>>
      %dma_start3A_163 = tpu.memref_slice %arg2[%add3A_158] : memref<3276800xi32, #tpu.memory_space<hbm>> -> memref<256xi32, #tpu.memory_space<hbm>>
      %dma_start3A_164 = arith.constant 0 : i32
      %dma_start3A_165 = tpu.memref_slice %arg5[%dma_start3A_159, %dma_start3A_164] : memref<2x256xi32, #tpu.memory_space<vmem>> -> memref<1x256xi32, #tpu.memory_space<vmem>>
      %dma_start3A_166 = tpu.memref_squeeze %dma_start3A_165 : memref<1x256xi32, #tpu.memory_space<vmem>> -> memref<256xi32, #tpu.memory_space<vmem>>
      %dma_start3A_167 = tpu.memref_slice %arg2[%add3A_158] : memref<3276800xi32, #tpu.memory_space<hbm>> -> memref<256xi32, #tpu.memory_space<hbm>>
      tpu.enqueue_dma source(%dma_start3A_167 : memref<256xi32, #tpu.memory_space<hbm>>) target(%dma_start3A_166 : memref<256xi32, #tpu.memory_space<vmem>>) target_semaphore(%arg8 : memref<!tpu.dma_semaphore, #tpu.memory_space<semaphore_mem>>)
      %dma_start3A_168 = arith.constant 1 : i32
      %dma_start3A_169 = arith.constant 1 : i32
      %dma_start3A_170 = arith.constant 0 : i32
      %dma_start3A_171 = arith.constant 0 : i32
      %dma_start3A_172 = tpu.memref_slice %arg6[%dma_start3A_169, %dma_start3A_170, %dma_start3A_171] : memref<2x256x32xf32, #tpu.memory_space<vmem>> -> memref<1x256x32xf32, #tpu.memory_space<vmem>>
      %dma_start3A_173 = tpu.memref_squeeze %dma_start3A_172 : memref<1x256x32xf32, #tpu.memory_space<vmem>> -> memref<256x32xf32, #tpu.memory_space<vmem>>
      %dma_start3A_174 = arith.constant 0 : i32
      %dma_start3A_175 = tpu.memref_slice %arg5[%dma_start3A_168, %dma_start3A_174] : memref<2x256xi32, #tpu.memory_space<vmem>> -> memref<1x256xi32, #tpu.memory_space<vmem>>
      %dma_start3A_176 = tpu.memref_squeeze %dma_start3A_175 : memref<1x256xi32, #tpu.memory_space<vmem>> -> memref<256xi32, #tpu.memory_space<vmem>>
      %dma_start3A_177 = arith.constant 0 : i32
      %dma_start3A_178 = arith.constant 0 : i32
      %dma_start3A_179 = tpu.memref_slice %arg7[%dma_start3A_177, %dma_start3A_178] : memref<50000x32xf32, #tpu.memory_space<vmem_shared>> -> memref<50000x32xf32, #tpu.memory_space<vmem_shared>>
      tpu.enqueue_indirect_dma source(%dma_start3A_179 : memref<50000x32xf32, #tpu.memory_space<vmem_shared>>) target(%dma_start3A_173 : memref<256x32xf32, #tpu.memory_space<vmem>>) offsets(%dma_start3A_176 : memref<256xi32, #tpu.memory_space<vmem>>) semaphore(%arg11 : memref<!tpu.dma_semaphore, #tpu.memory_space<semaphore_mem>>)
      %add3A_180 = arith.addi %mul3A_2, %mul3A_96 : i32
      %jit3A_181 = arith.constant 64 : i32
      %div3A = arith.divsi %add3A_180, %jit3A_181 : i32
      %sign3A = arith.constant 0 : i32
      %sign3A_182 = arith.cmpi sgt, %add3A_180, %sign3A : i32
      %sign3A_183 = arith.extui %sign3A_182 : i1 to i32
      %sign3A_184 = arith.constant 0 : i32
      %sign3A_185 = arith.cmpi slt, %add3A_180, %sign3A_184 : i32
      %sign3A_186 = arith.extui %sign3A_185 : i1 to i32
      %sign3A_187 = arith.subi %sign3A_183, %sign3A_186 : i32
      %sign3A_188 = arith.constant 0 : i32
      %sign3A_189 = arith.cmpi sgt, %jit3A_181, %sign3A_188 : i32
      %sign3A_190 = arith.extui %sign3A_189 : i1 to i32
      %sign3A_191 = arith.constant 0 : i32
      %sign3A_192 = arith.cmpi slt, %jit3A_181, %sign3A_191 : i32
      %sign3A_193 = arith.extui %sign3A_192 : i1 to i32
      %sign3A_194 = arith.subi %sign3A_190, %sign3A_193 : i32
      %ne3A_195 = arith.cmpi ne, %sign3A_187, %sign3A_194 : i32
      %rem3A_196 = arith.remsi %add3A_180, %jit3A_181 : i32
      %ne3A_197 = arith.constant 0 : i32
      %ne3A_198 = arith.cmpi ne, %rem3A_196, %ne3A_197 : i32
      %and3A_199 = arith.andi %ne3A_195, %ne3A_198 : i1
      %sub3A = arith.constant 1 : i32
      %sub3A_200 = arith.subi %div3A, %sub3A : i32
      %select_n3A_201 = arith.select %and3A_199, %sub3A_200, %div3A : i32
      %jit3A_202 = arith.constant 16 : i32
      %div3A_203 = arith.divsi %add3A_180, %jit3A_202 : i32
      %sign3A_204 = arith.constant 0 : i32
      %sign3A_205 = arith.cmpi sgt, %add3A_180, %sign3A_204 : i32
      %sign3A_206 = arith.extui %sign3A_205 : i1 to i32
      %sign3A_207 = arith.constant 0 : i32
      %sign3A_208 = arith.cmpi slt, %add3A_180, %sign3A_207 : i32
      %sign3A_209 = arith.extui %sign3A_208 : i1 to i32
      %sign3A_210 = arith.subi %sign3A_206, %sign3A_209 : i32
      %sign3A_211 = arith.constant 0 : i32
      %sign3A_212 = arith.cmpi sgt, %jit3A_202, %sign3A_211 : i32
      %sign3A_213 = arith.extui %sign3A_212 : i1 to i32
      %sign3A_214 = arith.constant 0 : i32
      %sign3A_215 = arith.cmpi slt, %jit3A_202, %sign3A_214 : i32
      %sign3A_216 = arith.extui %sign3A_215 : i1 to i32
      %sign3A_217 = arith.subi %sign3A_213, %sign3A_216 : i32
      %ne3A_218 = arith.cmpi ne, %sign3A_210, %sign3A_217 : i32
      %rem3A_219 = arith.remsi %add3A_180, %jit3A_202 : i32
      %ne3A_220 = arith.constant 0 : i32
      %ne3A_221 = arith.cmpi ne, %rem3A_219, %ne3A_220 : i32
      %and3A_222 = arith.andi %ne3A_218, %ne3A_221 : i1
      %sub3A_223 = arith.constant 1 : i32
      %sub3A_224 = arith.subi %div3A_203, %sub3A_223 : i32
      %select_n3A_225 = arith.select %and3A_222, %sub3A_224, %div3A_203 : i32
      %jit3A_226 = arith.constant 4 : i32
      %eq3A_227 = arith.constant 0 : i32
      %eq3A_228 = arith.cmpi eq, %jit3A_226, %eq3A_227 : i32
      %jit3A_229 = arith.constant 1 : i32
      %select_n3A_230 = arith.select %eq3A_228, %jit3A_229, %jit3A_226 : i32
      %rem3A_231 = arith.remsi %select_n3A_225, %select_n3A_230 : i32
      %ne3A_232 = arith.constant 0 : i32
      %ne3A_233 = arith.cmpi ne, %rem3A_231, %ne3A_232 : i32
      %lt3A_234 = arith.constant 0 : i32
      %lt3A_235 = arith.cmpi slt, %rem3A_231, %lt3A_234 : i32
      %lt3A_236 = arith.constant 0 : i32
      %lt3A_237 = arith.cmpi slt, %select_n3A_230, %lt3A_236 : i32
      %ne3A_238 = arith.xori %lt3A_235, %lt3A_237 : i1
      %and3A_239 = arith.andi %ne3A_238, %ne3A_233 : i1
      %add3A_240 = arith.addi %rem3A_231, %select_n3A_230 : i32
      %select_n3A_241 = arith.select %and3A_239, %add3A_240, %rem3A_231 : i32
      %jit3A_242 = arith.constant 16 : i32
      %eq3A_243 = arith.constant 0 : i32
      %eq3A_244 = arith.cmpi eq, %jit3A_242, %eq3A_243 : i32
      %jit3A_245 = arith.constant 1 : i32
      %select_n3A_246 = arith.select %eq3A_244, %jit3A_245, %jit3A_242 : i32
      %rem3A_247 = arith.remsi %add3A_180, %select_n3A_246 : i32
      %ne3A_248 = arith.constant 0 : i32
      %ne3A_249 = arith.cmpi ne, %rem3A_247, %ne3A_248 : i32
      %lt3A_250 = arith.constant 0 : i32
      %lt3A_251 = arith.cmpi slt, %rem3A_247, %lt3A_250 : i32
      %lt3A_252 = arith.constant 0 : i32
      %lt3A_253 = arith.cmpi slt, %select_n3A_246, %lt3A_252 : i32
      %ne3A_254 = arith.xori %lt3A_251, %lt3A_253 : i1
      %and3A_255 = arith.andi %ne3A_254, %ne3A_249 : i1
      %add3A_256 = arith.addi %rem3A_247, %select_n3A_246 : i32
      %select_n3A_257 = arith.select %and3A_255, %add3A_256, %rem3A_247 : i32
      %mul3A_258 = arith.constant 256 : i32
      %mul3A_259 = arith.muli %select_n3A_257, %mul3A_258 : i32
      %dma_start3A_260 = arith.constant 0 : i32
      %dma_start3A_261 = arith.constant 0 : i32
      %dma_start3A_262 = arith.constant 0 : i32
      %dma_start3A_263 = tpu.memref_slice %arg6[%dma_start3A_260, %dma_start3A_261, %dma_start3A_262] : memref<2x256x32xf32, #tpu.memory_space<vmem>> -> memref<1x256x32xf32, #tpu.memory_space<vmem>>
      %dma_start3A_264 = tpu.memref_squeeze %dma_start3A_263 : memref<1x256x32xf32, #tpu.memory_space<vmem>> -> memref<256x32xf32, #tpu.memory_space<vmem>>
      %dma_start3A_265 = arith.constant 0 : i32
      %dma_start3A_266 = tpu.memref_slice %arg4[%select_n3A_201, %mul3A_259, %select_n3A_241, %dma_start3A_265] : memref<50x4096x4x32xf32, #tpu.memory_space<hbm>> -> memref<1x256x1x32xf32, #tpu.memory_space<hbm>>
      %dma_start3A_267 = tpu.memref_squeeze %dma_start3A_266 : memref<1x256x1x32xf32, #tpu.memory_space<hbm>> -> memref<256x32xf32, #tpu.memory_space<hbm>>
      %dma_start3A_268 = arith.constant 0 : i32
      %dma_start3A_269 = tpu.memref_slice %arg4[%select_n3A_201, %mul3A_259, %select_n3A_241, %dma_start3A_268] : memref<50x4096x4x32xf32, #tpu.memory_space<hbm>> -> memref<1x256x1x32xf32, #tpu.memory_space<hbm>>
      %dma_start3A_270 = tpu.memref_squeeze %dma_start3A_269 : memref<1x256x1x32xf32, #tpu.memory_space<hbm>> -> memref<256x32xf32, #tpu.memory_space<hbm>>
      %dma_start3A_271 = arith.constant 0 : i32
      %dma_start3A_272 = arith.constant 0 : i32
      %dma_start3A_273 = tpu.memref_slice %arg6[%dma_start3A_260, %dma_start3A_271, %dma_start3A_272] : memref<2x256x32xf32, #tpu.memory_space<vmem>> -> memref<1x256x32xf32, #tpu.memory_space<vmem>>
      %dma_start3A_274 = tpu.memref_squeeze %dma_start3A_273 : memref<1x256x32xf32, #tpu.memory_space<vmem>> -> memref<256x32xf32, #tpu.memory_space<vmem>>
      tpu.enqueue_dma source(%dma_start3A_274 : memref<256x32xf32, #tpu.memory_space<vmem>>) target(%dma_start3A_270 : memref<256x32xf32, #tpu.memory_space<hbm>>) target_semaphore(%arg12 : memref<!tpu.dma_semaphore, #tpu.memory_space<semaphore_mem>>)
      %dma_wait3A_275 = arith.constant 1 : i32
      %dma_wait3A_276 = arith.constant 1 : i32
      %dma_wait3A_277 = arith.constant 0 : i32
      %dma_wait3A_278 = arith.constant 0 : i32
      %dma_wait3A_279 = tpu.memref_slice %arg6[%dma_wait3A_276, %dma_wait3A_277, %dma_wait3A_278] : memref<2x256x32xf32, #tpu.memory_space<vmem>> -> memref<1x256x32xf32, #tpu.memory_space<vmem>>
      %dma_wait3A_280 = tpu.memref_squeeze %dma_wait3A_279 : memref<1x256x32xf32, #tpu.memory_space<vmem>> -> memref<256x32xf32, #tpu.memory_space<vmem>>
      %dma_wait3A_281 = arith.constant 0 : i32
      %dma_wait3A_282 = tpu.memref_slice %arg5[%dma_wait3A_275, %dma_wait3A_281] : memref<2x256xi32, #tpu.memory_space<vmem>> -> memref<1x256xi32, #tpu.memory_space<vmem>>
      %dma_wait3A_283 = tpu.memref_squeeze %dma_wait3A_282 : memref<1x256xi32, #tpu.memory_space<vmem>> -> memref<256xi32, #tpu.memory_space<vmem>>
      %dma_wait3A_284 = arith.constant 0 : i32
      %dma_wait3A_285 = arith.constant 0 : i32
      %dma_wait3A_286 = tpu.memref_slice %arg7[%dma_wait3A_284, %dma_wait3A_285] : memref<50000x32xf32, #tpu.memory_space<vmem_shared>> -> memref<50000x32xf32, #tpu.memory_space<vmem_shared>>
      tpu.wait_indirect_dma semaphore(%arg11 : memref<!tpu.dma_semaphore, #tpu.memory_space<semaphore_mem>>) src(%dma_wait3A_286 : memref<50000x32xf32, #tpu.memory_space<vmem_shared>>) dst(%dma_wait3A_280 : memref<256x32xf32, #tpu.memory_space<vmem>>)
      %add3A_287 = arith.addi %mul3A_2, %select_n3A_127 : i32
      %mul3A_288 = arith.constant 256 : i32
      %mul3A_289 = arith.muli %add3A_287, %mul3A_288 : i32
      %add3A_290 = arith.constant 1638400 : i32
      %add3A_291 = arith.addi %add3A_290, %mul3A_289 : i32
      %dma_start3A_292 = arith.constant 1 : i32
      %dma_start3A_293 = arith.constant 0 : i32
      %dma_start3A_294 = tpu.memref_slice %arg5[%dma_start3A_292, %dma_start3A_293] : memref<2x256xi32, #tpu.memory_space<vmem>> -> memref<1x256xi32, #tpu.memory_space<vmem>>
      %dma_start3A_295 = tpu.memref_squeeze %dma_start3A_294 : memref<1x256xi32, #tpu.memory_space<vmem>> -> memref<256xi32, #tpu.memory_space<vmem>>
      %dma_start3A_296 = tpu.memref_slice %arg2[%add3A_291] : memref<3276800xi32, #tpu.memory_space<hbm>> -> memref<256xi32, #tpu.memory_space<hbm>>
      %dma_start3A_297 = arith.constant 0 : i32
      %dma_start3A_298 = tpu.memref_slice %arg5[%dma_start3A_292, %dma_start3A_297] : memref<2x256xi32, #tpu.memory_space<vmem>> -> memref<1x256xi32, #tpu.memory_space<vmem>>
      %dma_start3A_299 = tpu.memref_squeeze %dma_start3A_298 : memref<1x256xi32, #tpu.memory_space<vmem>> -> memref<256xi32, #tpu.memory_space<vmem>>
      %dma_start3A_300 = tpu.memref_slice %arg2[%add3A_291] : memref<3276800xi32, #tpu.memory_space<hbm>> -> memref<256xi32, #tpu.memory_space<hbm>>
      tpu.enqueue_dma source(%dma_start3A_300 : memref<256xi32, #tpu.memory_space<hbm>>) target(%dma_start3A_299 : memref<256xi32, #tpu.memory_space<vmem>>) target_semaphore(%arg9 : memref<!tpu.dma_semaphore, #tpu.memory_space<semaphore_mem>>)
      %add3A_301 = arith.addi %mul3A_2, %mul3A_96 : i32
      %jit3A_302 = arith.constant 64 : i32
      %div3A_303 = arith.divsi %add3A_301, %jit3A_302 : i32
      %sign3A_304 = arith.constant 0 : i32
      %sign3A_305 = arith.cmpi sgt, %add3A_301, %sign3A_304 : i32
      %sign3A_306 = arith.extui %sign3A_305 : i1 to i32
      %sign3A_307 = arith.constant 0 : i32
      %sign3A_308 = arith.cmpi slt, %add3A_301, %sign3A_307 : i32
      %sign3A_309 = arith.extui %sign3A_308 : i1 to i32
      %sign3A_310 = arith.subi %sign3A_306, %sign3A_309 : i32
      %sign3A_311 = arith.constant 0 : i32
      %sign3A_312 = arith.cmpi sgt, %jit3A_302, %sign3A_311 : i32
      %sign3A_313 = arith.extui %sign3A_312 : i1 to i32
      %sign3A_314 = arith.constant 0 : i32
      %sign3A_315 = arith.cmpi slt, %jit3A_302, %sign3A_314 : i32
      %sign3A_316 = arith.extui %sign3A_315 : i1 to i32
      %sign3A_317 = arith.subi %sign3A_313, %sign3A_316 : i32
      %ne3A_318 = arith.cmpi ne, %sign3A_310, %sign3A_317 : i32
      %rem3A_319 = arith.remsi %add3A_301, %jit3A_302 : i32
      %ne3A_320 = arith.constant 0 : i32
      %ne3A_321 = arith.cmpi ne, %rem3A_319, %ne3A_320 : i32
      %and3A_322 = arith.andi %ne3A_318, %ne3A_321 : i1
      %sub3A_323 = arith.constant 1 : i32
      %sub3A_324 = arith.subi %div3A_303, %sub3A_323 : i32
      %select_n3A_325 = arith.select %and3A_322, %sub3A_324, %div3A_303 : i32
      %jit3A_326 = arith.constant 16 : i32
      %div3A_327 = arith.divsi %add3A_301, %jit3A_326 : i32
      %sign3A_328 = arith.constant 0 : i32
      %sign3A_329 = arith.cmpi sgt, %add3A_301, %sign3A_328 : i32
      %sign3A_330 = arith.extui %sign3A_329 : i1 to i32
      %sign3A_331 = arith.constant 0 : i32
      %sign3A_332 = arith.cmpi slt, %add3A_301, %sign3A_331 : i32
      %sign3A_333 = arith.extui %sign3A_332 : i1 to i32
      %sign3A_334 = arith.subi %sign3A_330, %sign3A_333 : i32
      %sign3A_335 = arith.constant 0 : i32
      %sign3A_336 = arith.cmpi sgt, %jit3A_326, %sign3A_335 : i32
      %sign3A_337 = arith.extui %sign3A_336 : i1 to i32
      %sign3A_338 = arith.constant 0 : i32
      %sign3A_339 = arith.cmpi slt, %jit3A_326, %sign3A_338 : i32
      %sign3A_340 = arith.extui %sign3A_339 : i1 to i32
      %sign3A_341 = arith.subi %sign3A_337, %sign3A_340 : i32
      %ne3A_342 = arith.cmpi ne, %sign3A_334, %sign3A_341 : i32
      %rem3A_343 = arith.remsi %add3A_301, %jit3A_326 : i32
      %ne3A_344 = arith.constant 0 : i32
      %ne3A_345 = arith.cmpi ne, %rem3A_343, %ne3A_344 : i32
      %and3A_346 = arith.andi %ne3A_342, %ne3A_345 : i1
      %sub3A_347 = arith.constant 1 : i32
      %sub3A_348 = arith.subi %div3A_327, %sub3A_347 : i32
      %select_n3A_349 = arith.select %and3A_346, %sub3A_348, %div3A_327 : i32
      %jit3A_350 = arith.constant 4 : i32
      %eq3A_351 = arith.constant 0 : i32
      %eq3A_352 = arith.cmpi eq, %jit3A_350, %eq3A_351 : i32
      %jit3A_353 = arith.constant 1 : i32
      %select_n3A_354 = arith.select %eq3A_352, %jit3A_353, %jit3A_350 : i32
      %rem3A_355 = arith.remsi %select_n3A_349, %select_n3A_354 : i32
      %ne3A_356 = arith.constant 0 : i32
      %ne3A_357 = arith.cmpi ne, %rem3A_355, %ne3A_356 : i32
      %lt3A_358 = arith.constant 0 : i32
      %lt3A_359 = arith.cmpi slt, %rem3A_355, %lt3A_358 : i32
      %lt3A_360 = arith.constant 0 : i32
      %lt3A_361 = arith.cmpi slt, %select_n3A_354, %lt3A_360 : i32
      %ne3A_362 = arith.xori %lt3A_359, %lt3A_361 : i1
      %and3A_363 = arith.andi %ne3A_362, %ne3A_357 : i1
      %add3A_364 = arith.addi %rem3A_355, %select_n3A_354 : i32
      %select_n3A_365 = arith.select %and3A_363, %add3A_364, %rem3A_355 : i32
      %jit3A_366 = arith.constant 16 : i32
      %eq3A_367 = arith.constant 0 : i32
      %eq3A_368 = arith.cmpi eq, %jit3A_366, %eq3A_367 : i32
      %jit3A_369 = arith.constant 1 : i32
      %select_n3A_370 = arith.select %eq3A_368, %jit3A_369, %jit3A_366 : i32
      %rem3A_371 = arith.remsi %add3A_301, %select_n3A_370 : i32
      %ne3A_372 = arith.constant 0 : i32
      %ne3A_373 = arith.cmpi ne, %rem3A_371, %ne3A_372 : i32
      %lt3A_374 = arith.constant 0 : i32
      %lt3A_375 = arith.cmpi slt, %rem3A_371, %lt3A_374 : i32
      %lt3A_376 = arith.constant 0 : i32
      %lt3A_377 = arith.cmpi slt, %select_n3A_370, %lt3A_376 : i32
      %ne3A_378 = arith.xori %lt3A_375, %lt3A_377 : i1
      %and3A_379 = arith.andi %ne3A_378, %ne3A_373 : i1
      %add3A_380 = arith.addi %rem3A_371, %select_n3A_370 : i32
      %select_n3A_381 = arith.select %and3A_379, %add3A_380, %rem3A_371 : i32
      %mul3A_382 = arith.constant 256 : i32
      %mul3A_383 = arith.muli %select_n3A_381, %mul3A_382 : i32
      %dma_wait3A_384 = arith.constant 0 : i32
      %dma_wait3A_385 = arith.constant 0 : i32
      %dma_wait3A_386 = arith.constant 0 : i32
      %dma_wait3A_387 = tpu.memref_slice %arg6[%dma_wait3A_384, %dma_wait3A_385, %dma_wait3A_386] : memref<2x256x32xf32, #tpu.memory_space<vmem>> -> memref<1x256x32xf32, #tpu.memory_space<vmem>>
      %dma_wait3A_388 = tpu.memref_squeeze %dma_wait3A_387 : memref<1x256x32xf32, #tpu.memory_space<vmem>> -> memref<256x32xf32, #tpu.memory_space<vmem>>
      %dma_wait3A_389 = arith.constant 0 : i32
      %dma_wait3A_390 = tpu.memref_slice %arg4[%select_n3A_325, %mul3A_383, %select_n3A_365, %dma_wait3A_389] : memref<50x4096x4x32xf32, #tpu.memory_space<hbm>> -> memref<1x256x1x32xf32, #tpu.memory_space<hbm>>
      %dma_wait3A_391 = tpu.memref_squeeze %dma_wait3A_390 : memref<1x256x1x32xf32, #tpu.memory_space<hbm>> -> memref<256x32xf32, #tpu.memory_space<hbm>>
      %dma_wait3A_392 = arith.constant 0 : i32
      %dma_wait3A_393 = tpu.memref_slice %arg4[%select_n3A_325, %mul3A_383, %select_n3A_365, %dma_wait3A_392] : memref<50x4096x4x32xf32, #tpu.memory_space<hbm>> -> memref<1x256x1x32xf32, #tpu.memory_space<hbm>>
      %dma_wait3A_394 = tpu.memref_squeeze %dma_wait3A_393 : memref<1x256x1x32xf32, #tpu.memory_space<hbm>> -> memref<256x32xf32, #tpu.memory_space<hbm>>
      %dma_wait3A_395 = arith.constant 0 : i32
      %dma_wait3A_396 = arith.constant 0 : i32
      %dma_wait3A_397 = tpu.memref_slice %arg6[%dma_wait3A_384, %dma_wait3A_395, %dma_wait3A_396] : memref<2x256x32xf32, #tpu.memory_space<vmem>> -> memref<1x256x32xf32, #tpu.memory_space<vmem>>
      %dma_wait3A_398 = tpu.memref_squeeze %dma_wait3A_397 : memref<1x256x32xf32, #tpu.memory_space<vmem>> -> memref<256x32xf32, #tpu.memory_space<vmem>>
      tpu.wait_dma2 semaphore(%arg12 : memref<!tpu.dma_semaphore, #tpu.memory_space<semaphore_mem>>) src(%dma_wait3A_398 : memref<256x32xf32, #tpu.memory_space<vmem>>) dst(%dma_wait3A_394 : memref<256x32xf32, #tpu.memory_space<hbm>>)
      %add3A_399 = arith.addi %mul3A_2, %select_n3A_109 : i32
      %mul3A_400 = arith.constant 256 : i32
      %mul3A_401 = arith.muli %add3A_399, %mul3A_400 : i32
      %add3A_402 = arith.constant 1638400 : i32
      %add3A_403 = arith.addi %add3A_402, %mul3A_401 : i32
      %dma_wait3A_404 = arith.constant 0 : i32
      %dma_wait3A_405 = arith.constant 0 : i32
      %dma_wait3A_406 = tpu.memref_slice %arg5[%dma_wait3A_404, %dma_wait3A_405] : memref<2x256xi32, #tpu.memory_space<vmem>> -> memref<1x256xi32, #tpu.memory_space<vmem>>
      %dma_wait3A_407 = tpu.memref_squeeze %dma_wait3A_406 : memref<1x256xi32, #tpu.memory_space<vmem>> -> memref<256xi32, #tpu.memory_space<vmem>>
      %dma_wait3A_408 = tpu.memref_slice %arg2[%add3A_403] : memref<3276800xi32, #tpu.memory_space<hbm>> -> memref<256xi32, #tpu.memory_space<hbm>>
      %dma_wait3A_409 = arith.constant 0 : i32
      %dma_wait3A_410 = tpu.memref_slice %arg5[%dma_wait3A_404, %dma_wait3A_409] : memref<2x256xi32, #tpu.memory_space<vmem>> -> memref<1x256xi32, #tpu.memory_space<vmem>>
      %dma_wait3A_411 = tpu.memref_squeeze %dma_wait3A_410 : memref<1x256xi32, #tpu.memory_space<vmem>> -> memref<256xi32, #tpu.memory_space<vmem>>
      %dma_wait3A_412 = tpu.memref_slice %arg2[%add3A_403] : memref<3276800xi32, #tpu.memory_space<hbm>> -> memref<256xi32, #tpu.memory_space<hbm>>
      tpu.wait_dma2 semaphore(%arg8 : memref<!tpu.dma_semaphore, #tpu.memory_space<semaphore_mem>>) src(%dma_wait3A_412 : memref<256xi32, #tpu.memory_space<hbm>>) dst(%dma_wait3A_411 : memref<256xi32, #tpu.memory_space<vmem>>)
      %dma_start3A_413 = arith.constant 0 : i32
      %dma_start3A_414 = arith.constant 0 : i32
      %dma_start3A_415 = arith.constant 0 : i32
      %dma_start3A_416 = arith.constant 0 : i32
      %dma_start3A_417 = tpu.memref_slice %arg6[%dma_start3A_414, %dma_start3A_415, %dma_start3A_416] : memref<2x256x32xf32, #tpu.memory_space<vmem>> -> memref<1x256x32xf32, #tpu.memory_space<vmem>>
      %dma_start3A_418 = tpu.memref_squeeze %dma_start3A_417 : memref<1x256x32xf32, #tpu.memory_space<vmem>> -> memref<256x32xf32, #tpu.memory_space<vmem>>
      %dma_start3A_419 = arith.constant 0 : i32
      %dma_start3A_420 = tpu.memref_slice %arg5[%dma_start3A_413, %dma_start3A_419] : memref<2x256xi32, #tpu.memory_space<vmem>> -> memref<1x256xi32, #tpu.memory_space<vmem>>
      %dma_start3A_421 = tpu.memref_squeeze %dma_start3A_420 : memref<1x256xi32, #tpu.memory_space<vmem>> -> memref<256xi32, #tpu.memory_space<vmem>>
      %dma_start3A_422 = arith.constant 0 : i32
      %dma_start3A_423 = arith.constant 0 : i32
      %dma_start3A_424 = tpu.memref_slice %arg7[%dma_start3A_422, %dma_start3A_423] : memref<50000x32xf32, #tpu.memory_space<vmem_shared>> -> memref<50000x32xf32, #tpu.memory_space<vmem_shared>>
      tpu.enqueue_indirect_dma source(%dma_start3A_424 : memref<50000x32xf32, #tpu.memory_space<vmem_shared>>) target(%dma_start3A_418 : memref<256x32xf32, #tpu.memory_space<vmem>>) offsets(%dma_start3A_421 : memref<256xi32, #tpu.memory_space<vmem>>) semaphore(%arg10 : memref<!tpu.dma_semaphore, #tpu.memory_space<semaphore_mem>>)
      %add3A_425 = arith.addi %mul3A_2, %add3A_98 : i32
      %jit3A_426 = arith.constant 64 : i32
      %div3A_427 = arith.divsi %add3A_425, %jit3A_426 : i32
      %sign3A_428 = arith.constant 0 : i32
      %sign3A_429 = arith.cmpi sgt, %add3A_425, %sign3A_428 : i32
      %sign3A_430 = arith.extui %sign3A_429 : i1 to i32
      %sign3A_431 = arith.constant 0 : i32
      %sign3A_432 = arith.cmpi slt, %add3A_425, %sign3A_431 : i32
      %sign3A_433 = arith.extui %sign3A_432 : i1 to i32
      %sign3A_434 = arith.subi %sign3A_430, %sign3A_433 : i32
      %sign3A_435 = arith.constant 0 : i32
      %sign3A_436 = arith.cmpi sgt, %jit3A_426, %sign3A_435 : i32
      %sign3A_437 = arith.extui %sign3A_436 : i1 to i32
      %sign3A_438 = arith.constant 0 : i32
      %sign3A_439 = arith.cmpi slt, %jit3A_426, %sign3A_438 : i32
      %sign3A_440 = arith.extui %sign3A_439 : i1 to i32
      %sign3A_441 = arith.subi %sign3A_437, %sign3A_440 : i32
      %ne3A_442 = arith.cmpi ne, %sign3A_434, %sign3A_441 : i32
      %rem3A_443 = arith.remsi %add3A_425, %jit3A_426 : i32
      %ne3A_444 = arith.constant 0 : i32
      %ne3A_445 = arith.cmpi ne, %rem3A_443, %ne3A_444 : i32
      %and3A_446 = arith.andi %ne3A_442, %ne3A_445 : i1
      %sub3A_447 = arith.constant 1 : i32
      %sub3A_448 = arith.subi %div3A_427, %sub3A_447 : i32
      %select_n3A_449 = arith.select %and3A_446, %sub3A_448, %div3A_427 : i32
      %jit3A_450 = arith.constant 16 : i32
      %div3A_451 = arith.divsi %add3A_425, %jit3A_450 : i32
      %sign3A_452 = arith.constant 0 : i32
      %sign3A_453 = arith.cmpi sgt, %add3A_425, %sign3A_452 : i32
      %sign3A_454 = arith.extui %sign3A_453 : i1 to i32
      %sign3A_455 = arith.constant 0 : i32
      %sign3A_456 = arith.cmpi slt, %add3A_425, %sign3A_455 : i32
      %sign3A_457 = arith.extui %sign3A_456 : i1 to i32
      %sign3A_458 = arith.subi %sign3A_454, %sign3A_457 : i32
      %sign3A_459 = arith.constant 0 : i32
      %sign3A_460 = arith.cmpi sgt, %jit3A_450, %sign3A_459 : i32
      %sign3A_461 = arith.extui %sign3A_460 : i1 to i32
      %sign3A_462 = arith.constant 0 : i32
      %sign3A_463 = arith.cmpi slt, %jit3A_450, %sign3A_462 : i32
      %sign3A_464 = arith.extui %sign3A_463 : i1 to i32
      %sign3A_465 = arith.subi %sign3A_461, %sign3A_464 : i32
      %ne3A_466 = arith.cmpi ne, %sign3A_458, %sign3A_465 : i32
      %rem3A_467 = arith.remsi %add3A_425, %jit3A_450 : i32
      %ne3A_468 = arith.constant 0 : i32
      %ne3A_469 = arith.cmpi ne, %rem3A_467, %ne3A_468 : i32
      %and3A_470 = arith.andi %ne3A_466, %ne3A_469 : i1
      %sub3A_471 = arith.constant 1 : i32
      %sub3A_472 = arith.subi %div3A_451, %sub3A_471 : i32
      %select_n3A_473 = arith.select %and3A_470, %sub3A_472, %div3A_451 : i32
      %jit3A_474 = arith.constant 4 : i32
      %eq3A_475 = arith.constant 0 : i32
      %eq3A_476 = arith.cmpi eq, %jit3A_474, %eq3A_475 : i32
      %jit3A_477 = arith.constant 1 : i32
      %select_n3A_478 = arith.select %eq3A_476, %jit3A_477, %jit3A_474 : i32
      %rem3A_479 = arith.remsi %select_n3A_473, %select_n3A_478 : i32
      %ne3A_480 = arith.constant 0 : i32
      %ne3A_481 = arith.cmpi ne, %rem3A_479, %ne3A_480 : i32
      %lt3A_482 = arith.constant 0 : i32
      %lt3A_483 = arith.cmpi slt, %rem3A_479, %lt3A_482 : i32
      %lt3A_484 = arith.constant 0 : i32
      %lt3A_485 = arith.cmpi slt, %select_n3A_478, %lt3A_484 : i32
      %ne3A_486 = arith.xori %lt3A_483, %lt3A_485 : i1
      %and3A_487 = arith.andi %ne3A_486, %ne3A_481 : i1
      %add3A_488 = arith.addi %rem3A_479, %select_n3A_478 : i32
      %select_n3A_489 = arith.select %and3A_487, %add3A_488, %rem3A_479 : i32
      %jit3A_490 = arith.constant 16 : i32
      %eq3A_491 = arith.constant 0 : i32
      %eq3A_492 = arith.cmpi eq, %jit3A_490, %eq3A_491 : i32
      %jit3A_493 = arith.constant 1 : i32
      %select_n3A_494 = arith.select %eq3A_492, %jit3A_493, %jit3A_490 : i32
      %rem3A_495 = arith.remsi %add3A_425, %select_n3A_494 : i32
      %ne3A_496 = arith.constant 0 : i32
      %ne3A_497 = arith.cmpi ne, %rem3A_495, %ne3A_496 : i32
      %lt3A_498 = arith.constant 0 : i32
      %lt3A_499 = arith.cmpi slt, %rem3A_495, %lt3A_498 : i32
      %lt3A_500 = arith.constant 0 : i32
      %lt3A_501 = arith.cmpi slt, %select_n3A_494, %lt3A_500 : i32
      %ne3A_502 = arith.xori %lt3A_499, %lt3A_501 : i1
      %and3A_503 = arith.andi %ne3A_502, %ne3A_497 : i1
      %add3A_504 = arith.addi %rem3A_495, %select_n3A_494 : i32
      %select_n3A_505 = arith.select %and3A_503, %add3A_504, %rem3A_495 : i32
      %mul3A_506 = arith.constant 256 : i32
      %mul3A_507 = arith.muli %select_n3A_505, %mul3A_506 : i32
      %dma_start3A_508 = arith.constant 1 : i32
      %dma_start3A_509 = arith.constant 0 : i32
      %dma_start3A_510 = arith.constant 0 : i32
      %dma_start3A_511 = tpu.memref_slice %arg6[%dma_start3A_508, %dma_start3A_509, %dma_start3A_510] : memref<2x256x32xf32, #tpu.memory_space<vmem>> -> memref<1x256x32xf32, #tpu.memory_space<vmem>>
      %dma_start3A_512 = tpu.memref_squeeze %dma_start3A_511 : memref<1x256x32xf32, #tpu.memory_space<vmem>> -> memref<256x32xf32, #tpu.memory_space<vmem>>
      %dma_start3A_513 = arith.constant 0 : i32
      %dma_start3A_514 = tpu.memref_slice %arg4[%select_n3A_449, %mul3A_507, %select_n3A_489, %dma_start3A_513] : memref<50x4096x4x32xf32, #tpu.memory_space<hbm>> -> memref<1x256x1x32xf32, #tpu.memory_space<hbm>>
      %dma_start3A_515 = tpu.memref_squeeze %dma_start3A_514 : memref<1x256x1x32xf32, #tpu.memory_space<hbm>> -> memref<256x32xf32, #tpu.memory_space<hbm>>
      %dma_start3A_516 = arith.constant 0 : i32
      %dma_start3A_517 = tpu.memref_slice %arg4[%select_n3A_449, %mul3A_507, %select_n3A_489, %dma_start3A_516] : memref<50x4096x4x32xf32, #tpu.memory_space<hbm>> -> memref<1x256x1x32xf32, #tpu.memory_space<hbm>>
      %dma_start3A_518 = tpu.memref_squeeze %dma_start3A_517 : memref<1x256x1x32xf32, #tpu.memory_space<hbm>> -> memref<256x32xf32, #tpu.memory_space<hbm>>
      %dma_start3A_519 = arith.constant 0 : i32
      %dma_start3A_520 = arith.constant 0 : i32
      %dma_start3A_521 = tpu.memref_slice %arg6[%dma_start3A_508, %dma_start3A_519, %dma_start3A_520] : memref<2x256x32xf32, #tpu.memory_space<vmem>> -> memref<1x256x32xf32, #tpu.memory_space<vmem>>
      %dma_start3A_522 = tpu.memref_squeeze %dma_start3A_521 : memref<1x256x32xf32, #tpu.memory_space<vmem>> -> memref<256x32xf32, #tpu.memory_space<vmem>>
      tpu.enqueue_dma source(%dma_start3A_522 : memref<256x32xf32, #tpu.memory_space<vmem>>) target(%dma_start3A_518 : memref<256x32xf32, #tpu.memory_space<hbm>>) target_semaphore(%arg13 : memref<!tpu.dma_semaphore, #tpu.memory_space<semaphore_mem>>)
      %add3A_523 = arith.addi %mul3A_2, %add3A_98 : i32
      %jit3A_524 = arith.constant 64 : i32
      %div3A_525 = arith.divsi %add3A_523, %jit3A_524 : i32
      %sign3A_526 = arith.constant 0 : i32
      %sign3A_527 = arith.cmpi sgt, %add3A_523, %sign3A_526 : i32
      %sign3A_528 = arith.extui %sign3A_527 : i1 to i32
      %sign3A_529 = arith.constant 0 : i32
      %sign3A_530 = arith.cmpi slt, %add3A_523, %sign3A_529 : i32
      %sign3A_531 = arith.extui %sign3A_530 : i1 to i32
      %sign3A_532 = arith.subi %sign3A_528, %sign3A_531 : i32
      %sign3A_533 = arith.constant 0 : i32
      %sign3A_534 = arith.cmpi sgt, %jit3A_524, %sign3A_533 : i32
      %sign3A_535 = arith.extui %sign3A_534 : i1 to i32
      %sign3A_536 = arith.constant 0 : i32
      %sign3A_537 = arith.cmpi slt, %jit3A_524, %sign3A_536 : i32
      %sign3A_538 = arith.extui %sign3A_537 : i1 to i32
      %sign3A_539 = arith.subi %sign3A_535, %sign3A_538 : i32
      %ne3A_540 = arith.cmpi ne, %sign3A_532, %sign3A_539 : i32
      %rem3A_541 = arith.remsi %add3A_523, %jit3A_524 : i32
      %ne3A_542 = arith.constant 0 : i32
      %ne3A_543 = arith.cmpi ne, %rem3A_541, %ne3A_542 : i32
      %and3A_544 = arith.andi %ne3A_540, %ne3A_543 : i1
      %sub3A_545 = arith.constant 1 : i32
      %sub3A_546 = arith.subi %div3A_525, %sub3A_545 : i32
      %select_n3A_547 = arith.select %and3A_544, %sub3A_546, %div3A_525 : i32
      %jit3A_548 = arith.constant 16 : i32
      %div3A_549 = arith.divsi %add3A_523, %jit3A_548 : i32
      %sign3A_550 = arith.constant 0 : i32
      %sign3A_551 = arith.cmpi sgt, %add3A_523, %sign3A_550 : i32
      %sign3A_552 = arith.extui %sign3A_551 : i1 to i32
      %sign3A_553 = arith.constant 0 : i32
      %sign3A_554 = arith.cmpi slt, %add3A_523, %sign3A_553 : i32
      %sign3A_555 = arith.extui %sign3A_554 : i1 to i32
      %sign3A_556 = arith.subi %sign3A_552, %sign3A_555 : i32
      %sign3A_557 = arith.constant 0 : i32
      %sign3A_558 = arith.cmpi sgt, %jit3A_548, %sign3A_557 : i32
      %sign3A_559 = arith.extui %sign3A_558 : i1 to i32
      %sign3A_560 = arith.constant 0 : i32
      %sign3A_561 = arith.cmpi slt, %jit3A_548, %sign3A_560 : i32
      %sign3A_562 = arith.extui %sign3A_561 : i1 to i32
      %sign3A_563 = arith.subi %sign3A_559, %sign3A_562 : i32
      %ne3A_564 = arith.cmpi ne, %sign3A_556, %sign3A_563 : i32
      %rem3A_565 = arith.remsi %add3A_523, %jit3A_548 : i32
      %ne3A_566 = arith.constant 0 : i32
      %ne3A_567 = arith.cmpi ne, %rem3A_565, %ne3A_566 : i32
      %and3A_568 = arith.andi %ne3A_564, %ne3A_567 : i1
      %sub3A_569 = arith.constant 1 : i32
      %sub3A_570 = arith.subi %div3A_549, %sub3A_569 : i32
      %select_n3A_571 = arith.select %and3A_568, %sub3A_570, %div3A_549 : i32
      %jit3A_572 = arith.constant 4 : i32
      %eq3A_573 = arith.constant 0 : i32
      %eq3A_574 = arith.cmpi eq, %jit3A_572, %eq3A_573 : i32
      %jit3A_575 = arith.constant 1 : i32
      %select_n3A_576 = arith.select %eq3A_574, %jit3A_575, %jit3A_572 : i32
      %rem3A_577 = arith.remsi %select_n3A_571, %select_n3A_576 : i32
      %ne3A_578 = arith.constant 0 : i32
      %ne3A_579 = arith.cmpi ne, %rem3A_577, %ne3A_578 : i32
      %lt3A_580 = arith.constant 0 : i32
      %lt3A_581 = arith.cmpi slt, %rem3A_577, %lt3A_580 : i32
      %lt3A_582 = arith.constant 0 : i32
      %lt3A_583 = arith.cmpi slt, %select_n3A_576, %lt3A_582 : i32
      %ne3A_584 = arith.xori %lt3A_581, %lt3A_583 : i1
      %and3A_585 = arith.andi %ne3A_584, %ne3A_579 : i1
      %add3A_586 = arith.addi %rem3A_577, %select_n3A_576 : i32
      %select_n3A_587 = arith.select %and3A_585, %add3A_586, %rem3A_577 : i32
      %jit3A_588 = arith.constant 16 : i32
      %eq3A_589 = arith.constant 0 : i32
      %eq3A_590 = arith.cmpi eq, %jit3A_588, %eq3A_589 : i32
      %jit3A_591 = arith.constant 1 : i32
      %select_n3A_592 = arith.select %eq3A_590, %jit3A_591, %jit3A_588 : i32
      %rem3A_593 = arith.remsi %add3A_523, %select_n3A_592 : i32
      %ne3A_594 = arith.constant 0 : i32
      %ne3A_595 = arith.cmpi ne, %rem3A_593, %ne3A_594 : i32
      %lt3A_596 = arith.constant 0 : i32
      %lt3A_597 = arith.cmpi slt, %rem3A_593, %lt3A_596 : i32
      %lt3A_598 = arith.constant 0 : i32
      %lt3A_599 = arith.cmpi slt, %select_n3A_592, %lt3A_598 : i32
      %ne3A_600 = arith.xori %lt3A_597, %lt3A_599 : i1
      %and3A_601 = arith.andi %ne3A_600, %ne3A_595 : i1
      %add3A_602 = arith.addi %rem3A_593, %select_n3A_592 : i32
      %select_n3A_603 = arith.select %and3A_601, %add3A_602, %rem3A_593 : i32
      %mul3A_604 = arith.constant 256 : i32
      %mul3A_605 = arith.muli %select_n3A_603, %mul3A_604 : i32
      %dma_wait3A_606 = arith.constant 1 : i32
      %dma_wait3A_607 = arith.constant 0 : i32
      %dma_wait3A_608 = arith.constant 0 : i32
      %dma_wait3A_609 = tpu.memref_slice %arg6[%dma_wait3A_606, %dma_wait3A_607, %dma_wait3A_608] : memref<2x256x32xf32, #tpu.memory_space<vmem>> -> memref<1x256x32xf32, #tpu.memory_space<vmem>>
      %dma_wait3A_610 = tpu.memref_squeeze %dma_wait3A_609 : memref<1x256x32xf32, #tpu.memory_space<vmem>> -> memref<256x32xf32, #tpu.memory_space<vmem>>
      %dma_wait3A_611 = arith.constant 0 : i32
      %dma_wait3A_612 = tpu.memref_slice %arg4[%select_n3A_547, %mul3A_605, %select_n3A_587, %dma_wait3A_611] : memref<50x4096x4x32xf32, #tpu.memory_space<hbm>> -> memref<1x256x1x32xf32, #tpu.memory_space<hbm>>
      %dma_wait3A_613 = tpu.memref_squeeze %dma_wait3A_612 : memref<1x256x1x32xf32, #tpu.memory_space<hbm>> -> memref<256x32xf32, #tpu.memory_space<hbm>>
      %dma_wait3A_614 = arith.constant 0 : i32
      %dma_wait3A_615 = tpu.memref_slice %arg4[%select_n3A_547, %mul3A_605, %select_n3A_587, %dma_wait3A_614] : memref<50x4096x4x32xf32, #tpu.memory_space<hbm>> -> memref<1x256x1x32xf32, #tpu.memory_space<hbm>>
      %dma_wait3A_616 = tpu.memref_squeeze %dma_wait3A_615 : memref<1x256x1x32xf32, #tpu.memory_space<hbm>> -> memref<256x32xf32, #tpu.memory_space<hbm>>
      %dma_wait3A_617 = arith.constant 0 : i32
      %dma_wait3A_618 = arith.constant 0 : i32
      %dma_wait3A_619 = tpu.memref_slice %arg6[%dma_wait3A_606, %dma_wait3A_617, %dma_wait3A_618] : memref<2x256x32xf32, #tpu.memory_space<vmem>> -> memref<1x256x32xf32, #tpu.memory_space<vmem>>
      %dma_wait3A_620 = tpu.memref_squeeze %dma_wait3A_619 : memref<1x256x32xf32, #tpu.memory_space<vmem>> -> memref<256x32xf32, #tpu.memory_space<vmem>>
      tpu.wait_dma2 semaphore(%arg13 : memref<!tpu.dma_semaphore, #tpu.memory_space<semaphore_mem>>) src(%dma_wait3A_620 : memref<256x32xf32, #tpu.memory_space<vmem>>) dst(%dma_wait3A_616 : memref<256x32xf32, #tpu.memory_space<hbm>>)
    }
    %scan3A_66 = arith.constant 50 : i32
    %dma_wait3A_67 = arith.constant 0 : i32
    %dma_wait3A_68 = arith.constant 0 : i32
    %dma_wait3A_69 = arith.constant 0 : i32
    %dma_wait3A_70 = arith.constant 0 : i32
    %dma_wait3A_71 = tpu.memref_slice %arg6[%dma_wait3A_68, %dma_wait3A_69, %dma_wait3A_70] : memref<2x256x32xf32, #tpu.memory_space<vmem>> -> memref<1x256x32xf32, #tpu.memory_space<vmem>>
    %dma_wait3A_72 = tpu.memref_squeeze %dma_wait3A_71 : memref<1x256x32xf32, #tpu.memory_space<vmem>> -> memref<256x32xf32, #tpu.memory_space<vmem>>
    %dma_wait3A_73 = arith.constant 0 : i32
    %dma_wait3A_74 = tpu.memref_slice %arg5[%dma_wait3A_67, %dma_wait3A_73] : memref<2x256xi32, #tpu.memory_space<vmem>> -> memref<1x256xi32, #tpu.memory_space<vmem>>
    %dma_wait3A_75 = tpu.memref_squeeze %dma_wait3A_74 : memref<1x256xi32, #tpu.memory_space<vmem>> -> memref<256xi32, #tpu.memory_space<vmem>>
    %dma_wait3A_76 = arith.constant 0 : i32
    %dma_wait3A_77 = arith.constant 0 : i32
    %dma_wait3A_78 = tpu.memref_slice %arg7[%dma_wait3A_76, %dma_wait3A_77] : memref<50000x32xf32, #tpu.memory_space<vmem_shared>> -> memref<50000x32xf32, #tpu.memory_space<vmem_shared>>
    tpu.wait_indirect_dma semaphore(%arg10 : memref<!tpu.dma_semaphore, #tpu.memory_space<semaphore_mem>>) src(%dma_wait3A_78 : memref<50000x32xf32, #tpu.memory_space<vmem_shared>>) dst(%dma_wait3A_72 : memref<256x32xf32, #tpu.memory_space<vmem>>)
    %add3A_79 = arith.constant 1 : i32
    %add3A_80 = arith.addi %mul3A_2, %add3A_79 : i32
    %mul3A_81 = arith.constant 256 : i32
    %mul3A_82 = arith.muli %add3A_80, %mul3A_81 : i32
    %add3A_83 = arith.constant 1638400 : i32
    %add3A_84 = arith.addi %add3A_83, %mul3A_82 : i32
    %dma_wait3A_85 = arith.constant 1 : i32
    %dma_wait3A_86 = arith.constant 0 : i32
    %dma_wait3A_87 = tpu.memref_slice %arg5[%dma_wait3A_85, %dma_wait3A_86] : memref<2x256xi32, #tpu.memory_space<vmem>> -> memref<1x256xi32, #tpu.memory_space<vmem>>
    %dma_wait3A_88 = tpu.memref_squeeze %dma_wait3A_87 : memref<1x256xi32, #tpu.memory_space<vmem>> -> memref<256xi32, #tpu.memory_space<vmem>>
    %dma_wait3A_89 = tpu.memref_slice %arg2[%add3A_84] : memref<3276800xi32, #tpu.memory_space<hbm>> -> memref<256xi32, #tpu.memory_space<hbm>>
    %dma_wait3A_90 = arith.constant 0 : i32
    %dma_wait3A_91 = tpu.memref_slice %arg5[%dma_wait3A_85, %dma_wait3A_90] : memref<2x256xi32, #tpu.memory_space<vmem>> -> memref<1x256xi32, #tpu.memory_space<vmem>>
    %dma_wait3A_92 = tpu.memref_squeeze %dma_wait3A_91 : memref<1x256xi32, #tpu.memory_space<vmem>> -> memref<256xi32, #tpu.memory_space<vmem>>
    %dma_wait3A_93 = tpu.memref_slice %arg2[%add3A_84] : memref<3276800xi32, #tpu.memory_space<hbm>> -> memref<256xi32, #tpu.memory_space<hbm>>
    tpu.wait_dma2 semaphore(%arg9 : memref<!tpu.dma_semaphore, #tpu.memory_space<semaphore_mem>>) src(%dma_wait3A_93 : memref<256xi32, #tpu.memory_space<hbm>>) dst(%dma_wait3A_92 : memref<256xi32, #tpu.memory_space<vmem>>)
    return
  }
}

#map = affine_map<(d0, d1) -> (0)>
#map1 = affine_map<(d0, d1) -> (0, 0)>
#map2 = affine_map<(d0, d1) -> (0, 0, 0, 0)>
module attributes {stable_mosaic.version = 14 : i64} {
  func.func @_lookup(%arg0: i32, %arg1: i32, %arg2: memref<3276800xi32, #tpu.memory_space<hbm>>, %arg3: memref<50000x32xf32, #tpu.memory_space<hbm>>, %arg4: memref<50x4096x4x32xf32, #tpu.memory_space<hbm>>, %arg5: memref<2x256xi32, #tpu.memory_space<vmem>>, %arg6: memref<2x256x32xf32, #tpu.memory_space<vmem>>, %arg7: memref<50000x32xf32, #tpu.memory_space<vmem_shared>>, %arg8: memref<!tpu.dma_semaphore, #tpu.memory_space<semaphore_mem>>, %arg9: memref<!tpu.dma_semaphore, #tpu.memory_space<semaphore_mem>>, %arg10: memref<!tpu.dma_semaphore, #tpu.memory_space<semaphore_mem>>, %arg11: memref<!tpu.dma_semaphore, #tpu.memory_space<semaphore_mem>>, %arg12: memref<!tpu.dma_semaphore, #tpu.memory_space<semaphore_mem>>, %arg13: memref<!tpu.dma_semaphore, #tpu.memory_space<semaphore_mem>>) attributes {dimension_semantics = [#tpu.dimension_semantics<core_parallel>, #tpu.dimension_semantics<subcore_parallel>], iteration_bounds = array<i64: 2, 16>, scalar_prefetch = 0 : i64, scratch_operands = 9 : i64, tpu.core_type = #tpu.core_type<sc_vector_subcore>, window_params = [{transform_indices = #map}, {transform_indices = #map1}, {transform_indices = #map2}]} {
    %mul3A = arith.constant 2 : i32
    %mul3A_0 = arith.muli %arg1, %mul3A : i32
    %add3A = arith.addi %mul3A_0, %arg0 : i32
    %mul3A_1 = arith.constant 100 : i32
    %mul3A_2 = arith.muli %add3A, %mul3A_1 : i32
    %mul3A_3 = arith.constant 3125 : i32
    %mul3A_4 = arith.muli %arg1, %mul3A_3 : i32
    %mul3A_5 = arith.constant 3125 : i32
    %mul3A_6 = arith.muli %arg1, %mul3A_5 : i32
    "tpu.region"() ({
      %run_scoped3A = tpu.sem_alloc : memref<!tpu.dma_semaphore, #tpu.memory_space<semaphore_mem>>
      %dma_start3A_94 = arith.constant 0 : i32
      %dma_start3A_95 = tpu.memref_slice %arg7[%mul3A_6, %dma_start3A_94] : memref<50000x32xf32, #tpu.memory_space<vmem_shared>> -> memref<3125x32xf32, #tpu.memory_space<vmem_shared>>
      %dma_start3A_96 = arith.constant 0 : i32
      %dma_start3A_97 = tpu.memref_slice %arg3[%mul3A_4, %dma_start3A_96] : memref<50000x32xf32, #tpu.memory_space<hbm>> -> memref<3125x32xf32, #tpu.memory_space<hbm>>
      tpu.enqueue_dma source(%dma_start3A_97 : memref<3125x32xf32, #tpu.memory_space<hbm>>) target(%dma_start3A_95 : memref<3125x32xf32, #tpu.memory_space<vmem_shared>>) target_semaphore(%run_scoped3A : memref<!tpu.dma_semaphore, #tpu.memory_space<semaphore_mem>>)
      %dma_wait3A_98 = arith.constant 0 : i32
      %dma_wait3A_99 = tpu.memref_slice %arg7[%mul3A_6, %dma_wait3A_98] : memref<50000x32xf32, #tpu.memory_space<vmem_shared>> -> memref<3125x32xf32, #tpu.memory_space<vmem_shared>>
      %dma_wait3A_100 = arith.constant 0 : i32
      %dma_wait3A_101 = tpu.memref_slice %arg3[%mul3A_4, %dma_wait3A_100] : memref<50000x32xf32, #tpu.memory_space<hbm>> -> memref<3125x32xf32, #tpu.memory_space<hbm>>
      tpu.wait_dma2 semaphore(%run_scoped3A : memref<!tpu.dma_semaphore, #tpu.memory_space<semaphore_mem>>) src(%dma_wait3A_101 : memref<3125x32xf32, #tpu.memory_space<hbm>>) dst(%dma_wait3A_99 : memref<3125x32xf32, #tpu.memory_space<vmem_shared>>)
      tpu.yield
    }) : () -> ()
    %barrier3A = arith.constant 0 : index
    tpu.barrier barrier_id(%barrier3A)
    %add3A_7 = arith.constant 0 : i32
    %add3A_8 = arith.addi %mul3A_2, %add3A_7 : i32
    %mul3A_9 = arith.constant 256 : i32
    %mul3A_10 = arith.muli %add3A_8, %mul3A_9 : i32
    %add3A_11 = arith.constant 819200 : i32
    %add3A_12 = arith.addi %add3A_11, %mul3A_10 : i32
    %dma_start3A = arith.constant 0 : i32
    %dma_start3A_13 = arith.constant 0 : i32
    %dma_start3A_14 = tpu.memref_slice %arg5[%dma_start3A, %dma_start3A_13] : memref<2x256xi32, #tpu.memory_space<vmem>> -> memref<1x256xi32, #tpu.memory_space<vmem>>
    %dma_start3A_15 = tpu.memref_squeeze %dma_start3A_14 : memref<1x256xi32, #tpu.memory_space<vmem>> -> memref<256xi32, #tpu.memory_space<vmem>>
    %dma_start3A_16 = tpu.memref_slice %arg2[%add3A_12] : memref<3276800xi32, #tpu.memory_space<hbm>> -> memref<256xi32, #tpu.memory_space<hbm>>
    %dma_start3A_17 = arith.constant 0 : i32
    %dma_start3A_18 = tpu.memref_slice %arg5[%dma_start3A, %dma_start3A_17] : memref<2x256xi32, #tpu.memory_space<vmem>> -> memref<1x256xi32, #tpu.memory_space<vmem>>
    %dma_start3A_19 = tpu.memref_squeeze %dma_start3A_18 : memref<1x256xi32, #tpu.memory_space<vmem>> -> memref<256xi32, #tpu.memory_space<vmem>>
    %dma_start3A_20 = tpu.memref_slice %arg2[%add3A_12] : memref<3276800xi32, #tpu.memory_space<hbm>> -> memref<256xi32, #tpu.memory_space<hbm>>
    tpu.enqueue_dma source(%dma_start3A_20 : memref<256xi32, #tpu.memory_space<hbm>>) target(%dma_start3A_19 : memref<256xi32, #tpu.memory_space<vmem>>) target_semaphore(%arg8 : memref<!tpu.dma_semaphore, #tpu.memory_space<semaphore_mem>>)
    %add3A_21 = arith.constant 1 : i32
    %add3A_22 = arith.addi %mul3A_2, %add3A_21 : i32
    %mul3A_23 = arith.constant 256 : i32
    %mul3A_24 = arith.muli %add3A_22, %mul3A_23 : i32
    %add3A_25 = arith.constant 819200 : i32
    %add3A_26 = arith.addi %add3A_25, %mul3A_24 : i32
    %dma_start3A_27 = arith.constant 1 : i32
    %dma_start3A_28 = arith.constant 0 : i32
    %dma_start3A_29 = tpu.memref_slice %arg5[%dma_start3A_27, %dma_start3A_28] : memref<2x256xi32, #tpu.memory_space<vmem>> -> memref<1x256xi32, #tpu.memory_space<vmem>>
    %dma_start3A_30 = tpu.memref_squeeze %dma_start3A_29 : memref<1x256xi32, #tpu.memory_space<vmem>> -> memref<256xi32, #tpu.memory_space<vmem>>
    %dma_start3A_31 = tpu.memref_slice %arg2[%add3A_26] : memref<3276800xi32, #tpu.memory_space<hbm>> -> memref<256xi32, #tpu.memory_space<hbm>>
    %dma_start3A_32 = arith.constant 0 : i32
    %dma_start3A_33 = tpu.memref_slice %arg5[%dma_start3A_27, %dma_start3A_32] : memref<2x256xi32, #tpu.memory_space<vmem>> -> memref<1x256xi32, #tpu.memory_space<vmem>>
    %dma_start3A_34 = tpu.memref_squeeze %dma_start3A_33 : memref<1x256xi32, #tpu.memory_space<vmem>> -> memref<256xi32, #tpu.memory_space<vmem>>
    %dma_start3A_35 = tpu.memref_slice %arg2[%add3A_26] : memref<3276800xi32, #tpu.memory_space<hbm>> -> memref<256xi32, #tpu.memory_space<hbm>>
    tpu.enqueue_dma source(%dma_start3A_35 : memref<256xi32, #tpu.memory_space<hbm>>) target(%dma_start3A_34 : memref<256xi32, #tpu.memory_space<vmem>>) target_semaphore(%arg9 : memref<!tpu.dma_semaphore, #tpu.memory_space<semaphore_mem>>)
    %add3A_36 = arith.constant 0 : i32
    %add3A_37 = arith.addi %mul3A_2, %add3A_36 : i32
    %mul3A_38 = arith.constant 256 : i32
    %mul3A_39 = arith.muli %add3A_37, %mul3A_38 : i32
    %add3A_40 = arith.constant 819200 : i32
    %add3A_41 = arith.addi %add3A_40, %mul3A_39 : i32
    %dma_wait3A = arith.constant 0 : i32
    %dma_wait3A_42 = arith.constant 0 : i32
    %dma_wait3A_43 = tpu.memref_slice %arg5[%dma_wait3A, %dma_wait3A_42] : memref<2x256xi32, #tpu.memory_space<vmem>> -> memref<1x256xi32, #tpu.memory_space<vmem>>
    %dma_wait3A_44 = tpu.memref_squeeze %dma_wait3A_43 : memref<1x256xi32, #tpu.memory_space<vmem>> -> memref<256xi32, #tpu.memory_space<vmem>>
    %dma_wait3A_45 = tpu.memref_slice %arg2[%add3A_41] : memref<3276800xi32, #tpu.memory_space<hbm>> -> memref<256xi32, #tpu.memory_space<hbm>>
    %dma_wait3A_46 = arith.constant 0 : i32
    %dma_wait3A_47 = tpu.memref_slice %arg5[%dma_wait3A, %dma_wait3A_46] : memref<2x256xi32, #tpu.memory_space<vmem>> -> memref<1x256xi32, #tpu.memory_space<vmem>>
    %dma_wait3A_48 = tpu.memref_squeeze %dma_wait3A_47 : memref<1x256xi32, #tpu.memory_space<vmem>> -> memref<256xi32, #tpu.memory_space<vmem>>
    %dma_wait3A_49 = tpu.memref_slice %arg2[%add3A_41] : memref<3276800xi32, #tpu.memory_space<hbm>> -> memref<256xi32, #tpu.memory_space<hbm>>
    tpu.wait_dma2 semaphore(%arg8 : memref<!tpu.dma_semaphore, #tpu.memory_space<semaphore_mem>>) src(%dma_wait3A_49 : memref<256xi32, #tpu.memory_space<hbm>>) dst(%dma_wait3A_48 : memref<256xi32, #tpu.memory_space<vmem>>)
    %dma_start3A_50 = arith.constant 0 : i32
    %dma_start3A_51 = arith.constant 0 : i32
    %dma_start3A_52 = arith.constant 0 : i32
    %dma_start3A_53 = arith.constant 0 : i32
    %dma_start3A_54 = tpu.memref_slice %arg6[%dma_start3A_51, %dma_start3A_52, %dma_start3A_53] : memref<2x256x32xf32, #tpu.memory_space<vmem>> -> memref<1x256x32xf32, #tpu.memory_space<vmem>>
    %dma_start3A_55 = tpu.memref_squeeze %dma_start3A_54 : memref<1x256x32xf32, #tpu.memory_space<vmem>> -> memref<256x32xf32, #tpu.memory_space<vmem>>
    %dma_start3A_56 = arith.constant 0 : i32
    %dma_start3A_57 = tpu.memref_slice %arg5[%dma_start3A_50, %dma_start3A_56] : memref<2x256xi32, #tpu.memory_space<vmem>> -> memref<1x256xi32, #tpu.memory_space<vmem>>
    %dma_start3A_58 = tpu.memref_squeeze %dma_start3A_57 : memref<1x256xi32, #tpu.memory_space<vmem>> -> memref<256xi32, #tpu.memory_space<vmem>>
    %dma_start3A_59 = arith.constant 0 : i32
    %dma_start3A_60 = arith.constant 0 : i32
    %dma_start3A_61 = tpu.memref_slice %arg7[%dma_start3A_59, %dma_start3A_60] : memref<50000x32xf32, #tpu.memory_space<vmem_shared>> -> memref<50000x32xf32, #tpu.memory_space<vmem_shared>>
    tpu.enqueue_indirect_dma source(%dma_start3A_61 : memref<50000x32xf32, #tpu.memory_space<vmem_shared>>) target(%dma_start3A_55 : memref<256x32xf32, #tpu.memory_space<vmem>>) offsets(%dma_start3A_58 : memref<256xi32, #tpu.memory_space<vmem>>) semaphore(%arg10 : memref<!tpu.dma_semaphore, #tpu.memory_space<semaphore_mem>>)
    %scan3A = arith.constant 0 : i32
    %scan3A_62 = arith.constant 0 : i32
    %scan3A_63 = arith.constant 50 : i32
    %scan3A_64 = arith.addi %scan3A_62, %scan3A_63 : i32
    %scan3A_65 = arith.constant 1 : i32
    scf.for %scan3A_94 = %scan3A_62 to %scan3A_64 step %scan3A_65  : i32 {
      %mul3A_95 = arith.constant 2 : i32
      %mul3A_96 = arith.muli %mul3A_95, %scan3A_94 : i32
      %add3A_97 = arith.constant 1 : i32
      %add3A_98 = arith.addi %mul3A_96, %add3A_97 : i32
      %add3A_99 = arith.constant 2 : i32
      %add3A_100 = arith.addi %mul3A_96, %add3A_99 : i32
      %jit3A = arith.constant 100 : i32
      %eq3A = arith.constant 0 : i32
      %eq3A_101 = arith.cmpi eq, %jit3A, %eq3A : i32
      %jit3A_102 = arith.constant 1 : i32
      %select_n3A = arith.select %eq3A_101, %jit3A_102, %jit3A : i32
      %rem3A = arith.remsi %add3A_100, %select_n3A : i32
      %ne3A = arith.constant 0 : i32
      %ne3A_103 = arith.cmpi ne, %rem3A, %ne3A : i32
      %lt3A = arith.constant 0 : i32
      %lt3A_104 = arith.cmpi slt, %rem3A, %lt3A : i32
      %lt3A_105 = arith.constant 0 : i32
      %lt3A_106 = arith.cmpi slt, %select_n3A, %lt3A_105 : i32
      %ne3A_107 = arith.xori %lt3A_104, %lt3A_106 : i1
      %and3A = arith.andi %ne3A_107, %ne3A_103 : i1
      %add3A_108 = arith.addi %rem3A, %select_n3A : i32
      %select_n3A_109 = arith.select %and3A, %add3A_108, %rem3A : i32
      %add3A_110 = arith.constant 3 : i32
      %add3A_111 = arith.addi %mul3A_96, %add3A_110 : i32
      %jit3A_112 = arith.constant 100 : i32
      %eq3A_113 = arith.constant 0 : i32
      %eq3A_114 = arith.cmpi eq, %jit3A_112, %eq3A_113 : i32
      %jit3A_115 = arith.constant 1 : i32
      %select_n3A_116 = arith.select %eq3A_114, %jit3A_115, %jit3A_112 : i32
      %rem3A_117 = arith.remsi %add3A_111, %select_n3A_116 : i32
      %ne3A_118 = arith.constant 0 : i32
      %ne3A_119 = arith.cmpi ne, %rem3A_117, %ne3A_118 : i32
      %lt3A_120 = arith.constant 0 : i32
      %lt3A_121 = arith.cmpi slt, %rem3A_117, %lt3A_120 : i32
      %lt3A_122 = arith.constant 0 : i32
      %lt3A_123 = arith.cmpi slt, %select_n3A_116, %lt3A_122 : i32
      %ne3A_124 = arith.xori %lt3A_121, %lt3A_123 : i1
      %and3A_125 = arith.andi %ne3A_124, %ne3A_119 : i1
      %add3A_126 = arith.addi %rem3A_117, %select_n3A_116 : i32
      %select_n3A_127 = arith.select %and3A_125, %add3A_126, %rem3A_117 : i32
      %add3A_128 = arith.addi %mul3A_2, %add3A_98 : i32
      %mul3A_129 = arith.constant 256 : i32
      %mul3A_130 = arith.muli %add3A_128, %mul3A_129 : i32
      %add3A_131 = arith.constant 819200 : i32
      %add3A_132 = arith.addi %add3A_131, %mul3A_130 : i32
      %dma_wait3A_133 = arith.constant 1 : i32
      %dma_wait3A_134 = arith.constant 0 : i32
      %dma_wait3A_135 = tpu.memref_slice %arg5[%dma_wait3A_133, %dma_wait3A_134] : memref<2x256xi32, #tpu.memory_space<vmem>> -> memref<1x256xi32, #tpu.memory_space<vmem>>
      %dma_wait3A_136 = tpu.memref_squeeze %dma_wait3A_135 : memref<1x256xi32, #tpu.memory_space<vmem>> -> memref<256xi32, #tpu.memory_space<vmem>>
      %dma_wait3A_137 = tpu.memref_slice %arg2[%add3A_132] : memref<3276800xi32, #tpu.memory_space<hbm>> -> memref<256xi32, #tpu.memory_space<hbm>>
      %dma_wait3A_138 = arith.constant 0 : i32
      %dma_wait3A_139 = tpu.memref_slice %arg5[%dma_wait3A_133, %dma_wait3A_138] : memref<2x256xi32, #tpu.memory_space<vmem>> -> memref<1x256xi32, #tpu.memory_space<vmem>>
      %dma_wait3A_140 = tpu.memref_squeeze %dma_wait3A_139 : memref<1x256xi32, #tpu.memory_space<vmem>> -> memref<256xi32, #tpu.memory_space<vmem>>
      %dma_wait3A_141 = tpu.memref_slice %arg2[%add3A_132] : memref<3276800xi32, #tpu.memory_space<hbm>> -> memref<256xi32, #tpu.memory_space<hbm>>
      tpu.wait_dma2 semaphore(%arg9 : memref<!tpu.dma_semaphore, #tpu.memory_space<semaphore_mem>>) src(%dma_wait3A_141 : memref<256xi32, #tpu.memory_space<hbm>>) dst(%dma_wait3A_140 : memref<256xi32, #tpu.memory_space<vmem>>)
      %dma_wait3A_142 = arith.constant 0 : i32
      %dma_wait3A_143 = arith.constant 0 : i32
      %dma_wait3A_144 = arith.constant 0 : i32
      %dma_wait3A_145 = arith.constant 0 : i32
      %dma_wait3A_146 = tpu.memref_slice %arg6[%dma_wait3A_143, %dma_wait3A_144, %dma_wait3A_145] : memref<2x256x32xf32, #tpu.memory_space<vmem>> -> memref<1x256x32xf32, #tpu.memory_space<vmem>>
      %dma_wait3A_147 = tpu.memref_squeeze %dma_wait3A_146 : memref<1x256x32xf32, #tpu.memory_space<vmem>> -> memref<256x32xf32, #tpu.memory_space<vmem>>
      %dma_wait3A_148 = arith.constant 0 : i32
      %dma_wait3A_149 = tpu.memref_slice %arg5[%dma_wait3A_142, %dma_wait3A_148] : memref<2x256xi32, #tpu.memory_space<vmem>> -> memref<1x256xi32, #tpu.memory_space<vmem>>
      %dma_wait3A_150 = tpu.memref_squeeze %dma_wait3A_149 : memref<1x256xi32, #tpu.memory_space<vmem>> -> memref<256xi32, #tpu.memory_space<vmem>>
      %dma_wait3A_151 = arith.constant 0 : i32
      %dma_wait3A_152 = arith.constant 0 : i32
      %dma_wait3A_153 = tpu.memref_slice %arg7[%dma_wait3A_151, %dma_wait3A_152] : memref<50000x32xf32, #tpu.memory_space<vmem_shared>> -> memref<50000x32xf32, #tpu.memory_space<vmem_shared>>
      tpu.wait_indirect_dma semaphore(%arg10 : memref<!tpu.dma_semaphore, #tpu.memory_space<semaphore_mem>>) src(%dma_wait3A_153 : memref<50000x32xf32, #tpu.memory_space<vmem_shared>>) dst(%dma_wait3A_147 : memref<256x32xf32, #tpu.memory_space<vmem>>)
      %add3A_154 = arith.addi %mul3A_2, %select_n3A_109 : i32
      %mul3A_155 = arith.constant 256 : i32
      %mul3A_156 = arith.muli %add3A_154, %mul3A_155 : i32
      %add3A_157 = arith.constant 819200 : i32
      %add3A_158 = arith.addi %add3A_157, %mul3A_156 : i32
      %dma_start3A_159 = arith.constant 0 : i32
      %dma_start3A_160 = arith.constant 0 : i32
      %dma_start3A_161 = tpu.memref_slice %arg5[%dma_start3A_159, %dma_start3A_160] : memref<2x256xi32, #tpu.memory_space<vmem>> -> memref<1x256xi32, #tpu.memory_space<vmem>>
      %dma_start3A_162 = tpu.memref_squeeze %dma_start3A_161 : memref<1x256xi32, #tpu.memory_space<vmem>> -> memref<256xi32, #tpu.memory_space<vmem>>
      %dma_start3A_163 = tpu.memref_slice %arg2[%add3A_158] : memref<3276800xi32, #tpu.memory_space<hbm>> -> memref<256xi32, #tpu.memory_space<hbm>>
      %dma_start3A_164 = arith.constant 0 : i32
      %dma_start3A_165 = tpu.memref_slice %arg5[%dma_start3A_159, %dma_start3A_164] : memref<2x256xi32, #tpu.memory_space<vmem>> -> memref<1x256xi32, #tpu.memory_space<vmem>>
      %dma_start3A_166 = tpu.memref_squeeze %dma_start3A_165 : memref<1x256xi32, #tpu.memory_space<vmem>> -> memref<256xi32, #tpu.memory_space<vmem>>
      %dma_start3A_167 = tpu.memref_slice %arg2[%add3A_158] : memref<3276800xi32, #tpu.memory_space<hbm>> -> memref<256xi32, #tpu.memory_space<hbm>>
      tpu.enqueue_dma source(%dma_start3A_167 : memref<256xi32, #tpu.memory_space<hbm>>) target(%dma_start3A_166 : memref<256xi32, #tpu.memory_space<vmem>>) target_semaphore(%arg8 : memref<!tpu.dma_semaphore, #tpu.memory_space<semaphore_mem>>)
      %dma_start3A_168 = arith.constant 1 : i32
      %dma_start3A_169 = arith.constant 1 : i32
      %dma_start3A_170 = arith.constant 0 : i32
      %dma_start3A_171 = arith.constant 0 : i32
      %dma_start3A_172 = tpu.memref_slice %arg6[%dma_start3A_169, %dma_start3A_170, %dma_start3A_171] : memref<2x256x32xf32, #tpu.memory_space<vmem>> -> memref<1x256x32xf32, #tpu.memory_space<vmem>>
      %dma_start3A_173 = tpu.memref_squeeze %dma_start3A_172 : memref<1x256x32xf32, #tpu.memory_space<vmem>> -> memref<256x32xf32, #tpu.memory_space<vmem>>
      %dma_start3A_174 = arith.constant 0 : i32
      %dma_start3A_175 = tpu.memref_slice %arg5[%dma_start3A_168, %dma_start3A_174] : memref<2x256xi32, #tpu.memory_space<vmem>> -> memref<1x256xi32, #tpu.memory_space<vmem>>
      %dma_start3A_176 = tpu.memref_squeeze %dma_start3A_175 : memref<1x256xi32, #tpu.memory_space<vmem>> -> memref<256xi32, #tpu.memory_space<vmem>>
      %dma_start3A_177 = arith.constant 0 : i32
      %dma_start3A_178 = arith.constant 0 : i32
      %dma_start3A_179 = tpu.memref_slice %arg7[%dma_start3A_177, %dma_start3A_178] : memref<50000x32xf32, #tpu.memory_space<vmem_shared>> -> memref<50000x32xf32, #tpu.memory_space<vmem_shared>>
      tpu.enqueue_indirect_dma source(%dma_start3A_179 : memref<50000x32xf32, #tpu.memory_space<vmem_shared>>) target(%dma_start3A_173 : memref<256x32xf32, #tpu.memory_space<vmem>>) offsets(%dma_start3A_176 : memref<256xi32, #tpu.memory_space<vmem>>) semaphore(%arg11 : memref<!tpu.dma_semaphore, #tpu.memory_space<semaphore_mem>>)
      %add3A_180 = arith.addi %mul3A_2, %mul3A_96 : i32
      %jit3A_181 = arith.constant 64 : i32
      %div3A = arith.divsi %add3A_180, %jit3A_181 : i32
      %sign3A = arith.constant 0 : i32
      %sign3A_182 = arith.cmpi sgt, %add3A_180, %sign3A : i32
      %sign3A_183 = arith.extui %sign3A_182 : i1 to i32
      %sign3A_184 = arith.constant 0 : i32
      %sign3A_185 = arith.cmpi slt, %add3A_180, %sign3A_184 : i32
      %sign3A_186 = arith.extui %sign3A_185 : i1 to i32
      %sign3A_187 = arith.subi %sign3A_183, %sign3A_186 : i32
      %sign3A_188 = arith.constant 0 : i32
      %sign3A_189 = arith.cmpi sgt, %jit3A_181, %sign3A_188 : i32
      %sign3A_190 = arith.extui %sign3A_189 : i1 to i32
      %sign3A_191 = arith.constant 0 : i32
      %sign3A_192 = arith.cmpi slt, %jit3A_181, %sign3A_191 : i32
      %sign3A_193 = arith.extui %sign3A_192 : i1 to i32
      %sign3A_194 = arith.subi %sign3A_190, %sign3A_193 : i32
      %ne3A_195 = arith.cmpi ne, %sign3A_187, %sign3A_194 : i32
      %rem3A_196 = arith.remsi %add3A_180, %jit3A_181 : i32
      %ne3A_197 = arith.constant 0 : i32
      %ne3A_198 = arith.cmpi ne, %rem3A_196, %ne3A_197 : i32
      %and3A_199 = arith.andi %ne3A_195, %ne3A_198 : i1
      %sub3A = arith.constant 1 : i32
      %sub3A_200 = arith.subi %div3A, %sub3A : i32
      %select_n3A_201 = arith.select %and3A_199, %sub3A_200, %div3A : i32
      %jit3A_202 = arith.constant 16 : i32
      %div3A_203 = arith.divsi %add3A_180, %jit3A_202 : i32
      %sign3A_204 = arith.constant 0 : i32
      %sign3A_205 = arith.cmpi sgt, %add3A_180, %sign3A_204 : i32
      %sign3A_206 = arith.extui %sign3A_205 : i1 to i32
      %sign3A_207 = arith.constant 0 : i32
      %sign3A_208 = arith.cmpi slt, %add3A_180, %sign3A_207 : i32
      %sign3A_209 = arith.extui %sign3A_208 : i1 to i32
      %sign3A_210 = arith.subi %sign3A_206, %sign3A_209 : i32
      %sign3A_211 = arith.constant 0 : i32
      %sign3A_212 = arith.cmpi sgt, %jit3A_202, %sign3A_211 : i32
      %sign3A_213 = arith.extui %sign3A_212 : i1 to i32
      %sign3A_214 = arith.constant 0 : i32
      %sign3A_215 = arith.cmpi slt, %jit3A_202, %sign3A_214 : i32
      %sign3A_216 = arith.extui %sign3A_215 : i1 to i32
      %sign3A_217 = arith.subi %sign3A_213, %sign3A_216 : i32
      %ne3A_218 = arith.cmpi ne, %sign3A_210, %sign3A_217 : i32
      %rem3A_219 = arith.remsi %add3A_180, %jit3A_202 : i32
      %ne3A_220 = arith.constant 0 : i32
      %ne3A_221 = arith.cmpi ne, %rem3A_219, %ne3A_220 : i32
      %and3A_222 = arith.andi %ne3A_218, %ne3A_221 : i1
      %sub3A_223 = arith.constant 1 : i32
      %sub3A_224 = arith.subi %div3A_203, %sub3A_223 : i32
      %select_n3A_225 = arith.select %and3A_222, %sub3A_224, %div3A_203 : i32
      %jit3A_226 = arith.constant 4 : i32
      %eq3A_227 = arith.constant 0 : i32
      %eq3A_228 = arith.cmpi eq, %jit3A_226, %eq3A_227 : i32
      %jit3A_229 = arith.constant 1 : i32
      %select_n3A_230 = arith.select %eq3A_228, %jit3A_229, %jit3A_226 : i32
      %rem3A_231 = arith.remsi %select_n3A_225, %select_n3A_230 : i32
      %ne3A_232 = arith.constant 0 : i32
      %ne3A_233 = arith.cmpi ne, %rem3A_231, %ne3A_232 : i32
      %lt3A_234 = arith.constant 0 : i32
      %lt3A_235 = arith.cmpi slt, %rem3A_231, %lt3A_234 : i32
      %lt3A_236 = arith.constant 0 : i32
      %lt3A_237 = arith.cmpi slt, %select_n3A_230, %lt3A_236 : i32
      %ne3A_238 = arith.xori %lt3A_235, %lt3A_237 : i1
      %and3A_239 = arith.andi %ne3A_238, %ne3A_233 : i1
      %add3A_240 = arith.addi %rem3A_231, %select_n3A_230 : i32
      %select_n3A_241 = arith.select %and3A_239, %add3A_240, %rem3A_231 : i32
      %jit3A_242 = arith.constant 16 : i32
      %eq3A_243 = arith.constant 0 : i32
      %eq3A_244 = arith.cmpi eq, %jit3A_242, %eq3A_243 : i32
      %jit3A_245 = arith.constant 1 : i32
      %select_n3A_246 = arith.select %eq3A_244, %jit3A_245, %jit3A_242 : i32
      %rem3A_247 = arith.remsi %add3A_180, %select_n3A_246 : i32
      %ne3A_248 = arith.constant 0 : i32
      %ne3A_249 = arith.cmpi ne, %rem3A_247, %ne3A_248 : i32
      %lt3A_250 = arith.constant 0 : i32
      %lt3A_251 = arith.cmpi slt, %rem3A_247, %lt3A_250 : i32
      %lt3A_252 = arith.constant 0 : i32
      %lt3A_253 = arith.cmpi slt, %select_n3A_246, %lt3A_252 : i32
      %ne3A_254 = arith.xori %lt3A_251, %lt3A_253 : i1
      %and3A_255 = arith.andi %ne3A_254, %ne3A_249 : i1
      %add3A_256 = arith.addi %rem3A_247, %select_n3A_246 : i32
      %select_n3A_257 = arith.select %and3A_255, %add3A_256, %rem3A_247 : i32
      %mul3A_258 = arith.constant 256 : i32
      %mul3A_259 = arith.muli %select_n3A_257, %mul3A_258 : i32
      %dma_start3A_260 = arith.constant 0 : i32
      %dma_start3A_261 = arith.constant 0 : i32
      %dma_start3A_262 = arith.constant 0 : i32
      %dma_start3A_263 = tpu.memref_slice %arg6[%dma_start3A_260, %dma_start3A_261, %dma_start3A_262] : memref<2x256x32xf32, #tpu.memory_space<vmem>> -> memref<1x256x32xf32, #tpu.memory_space<vmem>>
      %dma_start3A_264 = tpu.memref_squeeze %dma_start3A_263 : memref<1x256x32xf32, #tpu.memory_space<vmem>> -> memref<256x32xf32, #tpu.memory_space<vmem>>
      %dma_start3A_265 = arith.constant 0 : i32
      %dma_start3A_266 = tpu.memref_slice %arg4[%select_n3A_201, %mul3A_259, %select_n3A_241, %dma_start3A_265] : memref<50x4096x4x32xf32, #tpu.memory_space<hbm>> -> memref<1x256x1x32xf32, #tpu.memory_space<hbm>>
      %dma_start3A_267 = tpu.memref_squeeze %dma_start3A_266 : memref<1x256x1x32xf32, #tpu.memory_space<hbm>> -> memref<256x32xf32, #tpu.memory_space<hbm>>
      %dma_start3A_268 = arith.constant 0 : i32
      %dma_start3A_269 = tpu.memref_slice %arg4[%select_n3A_201, %mul3A_259, %select_n3A_241, %dma_start3A_268] : memref<50x4096x4x32xf32, #tpu.memory_space<hbm>> -> memref<1x256x1x32xf32, #tpu.memory_space<hbm>>
      %dma_start3A_270 = tpu.memref_squeeze %dma_start3A_269 : memref<1x256x1x32xf32, #tpu.memory_space<hbm>> -> memref<256x32xf32, #tpu.memory_space<hbm>>
      %dma_start3A_271 = arith.constant 0 : i32
      %dma_start3A_272 = arith.constant 0 : i32
      %dma_start3A_273 = tpu.memref_slice %arg6[%dma_start3A_260, %dma_start3A_271, %dma_start3A_272] : memref<2x256x32xf32, #tpu.memory_space<vmem>> -> memref<1x256x32xf32, #tpu.memory_space<vmem>>
      %dma_start3A_274 = tpu.memref_squeeze %dma_start3A_273 : memref<1x256x32xf32, #tpu.memory_space<vmem>> -> memref<256x32xf32, #tpu.memory_space<vmem>>
      tpu.enqueue_dma source(%dma_start3A_274 : memref<256x32xf32, #tpu.memory_space<vmem>>) target(%dma_start3A_270 : memref<256x32xf32, #tpu.memory_space<hbm>>) target_semaphore(%arg12 : memref<!tpu.dma_semaphore, #tpu.memory_space<semaphore_mem>>)
      %dma_wait3A_275 = arith.constant 1 : i32
      %dma_wait3A_276 = arith.constant 1 : i32
      %dma_wait3A_277 = arith.constant 0 : i32
      %dma_wait3A_278 = arith.constant 0 : i32
      %dma_wait3A_279 = tpu.memref_slice %arg6[%dma_wait3A_276, %dma_wait3A_277, %dma_wait3A_278] : memref<2x256x32xf32, #tpu.memory_space<vmem>> -> memref<1x256x32xf32, #tpu.memory_space<vmem>>
      %dma_wait3A_280 = tpu.memref_squeeze %dma_wait3A_279 : memref<1x256x32xf32, #tpu.memory_space<vmem>> -> memref<256x32xf32, #tpu.memory_space<vmem>>
      %dma_wait3A_281 = arith.constant 0 : i32
      %dma_wait3A_282 = tpu.memref_slice %arg5[%dma_wait3A_275, %dma_wait3A_281] : memref<2x256xi32, #tpu.memory_space<vmem>> -> memref<1x256xi32, #tpu.memory_space<vmem>>
      %dma_wait3A_283 = tpu.memref_squeeze %dma_wait3A_282 : memref<1x256xi32, #tpu.memory_space<vmem>> -> memref<256xi32, #tpu.memory_space<vmem>>
      %dma_wait3A_284 = arith.constant 0 : i32
      %dma_wait3A_285 = arith.constant 0 : i32
      %dma_wait3A_286 = tpu.memref_slice %arg7[%dma_wait3A_284, %dma_wait3A_285] : memref<50000x32xf32, #tpu.memory_space<vmem_shared>> -> memref<50000x32xf32, #tpu.memory_space<vmem_shared>>
      tpu.wait_indirect_dma semaphore(%arg11 : memref<!tpu.dma_semaphore, #tpu.memory_space<semaphore_mem>>) src(%dma_wait3A_286 : memref<50000x32xf32, #tpu.memory_space<vmem_shared>>) dst(%dma_wait3A_280 : memref<256x32xf32, #tpu.memory_space<vmem>>)
      %add3A_287 = arith.addi %mul3A_2, %select_n3A_127 : i32
      %mul3A_288 = arith.constant 256 : i32
      %mul3A_289 = arith.muli %add3A_287, %mul3A_288 : i32
      %add3A_290 = arith.constant 819200 : i32
      %add3A_291 = arith.addi %add3A_290, %mul3A_289 : i32
      %dma_start3A_292 = arith.constant 1 : i32
      %dma_start3A_293 = arith.constant 0 : i32
      %dma_start3A_294 = tpu.memref_slice %arg5[%dma_start3A_292, %dma_start3A_293] : memref<2x256xi32, #tpu.memory_space<vmem>> -> memref<1x256xi32, #tpu.memory_space<vmem>>
      %dma_start3A_295 = tpu.memref_squeeze %dma_start3A_294 : memref<1x256xi32, #tpu.memory_space<vmem>> -> memref<256xi32, #tpu.memory_space<vmem>>
      %dma_start3A_296 = tpu.memref_slice %arg2[%add3A_291] : memref<3276800xi32, #tpu.memory_space<hbm>> -> memref<256xi32, #tpu.memory_space<hbm>>
      %dma_start3A_297 = arith.constant 0 : i32
      %dma_start3A_298 = tpu.memref_slice %arg5[%dma_start3A_292, %dma_start3A_297] : memref<2x256xi32, #tpu.memory_space<vmem>> -> memref<1x256xi32, #tpu.memory_space<vmem>>
      %dma_start3A_299 = tpu.memref_squeeze %dma_start3A_298 : memref<1x256xi32, #tpu.memory_space<vmem>> -> memref<256xi32, #tpu.memory_space<vmem>>
      %dma_start3A_300 = tpu.memref_slice %arg2[%add3A_291] : memref<3276800xi32, #tpu.memory_space<hbm>> -> memref<256xi32, #tpu.memory_space<hbm>>
      tpu.enqueue_dma source(%dma_start3A_300 : memref<256xi32, #tpu.memory_space<hbm>>) target(%dma_start3A_299 : memref<256xi32, #tpu.memory_space<vmem>>) target_semaphore(%arg9 : memref<!tpu.dma_semaphore, #tpu.memory_space<semaphore_mem>>)
      %add3A_301 = arith.addi %mul3A_2, %mul3A_96 : i32
      %jit3A_302 = arith.constant 64 : i32
      %div3A_303 = arith.divsi %add3A_301, %jit3A_302 : i32
      %sign3A_304 = arith.constant 0 : i32
      %sign3A_305 = arith.cmpi sgt, %add3A_301, %sign3A_304 : i32
      %sign3A_306 = arith.extui %sign3A_305 : i1 to i32
      %sign3A_307 = arith.constant 0 : i32
      %sign3A_308 = arith.cmpi slt, %add3A_301, %sign3A_307 : i32
      %sign3A_309 = arith.extui %sign3A_308 : i1 to i32
      %sign3A_310 = arith.subi %sign3A_306, %sign3A_309 : i32
      %sign3A_311 = arith.constant 0 : i32
      %sign3A_312 = arith.cmpi sgt, %jit3A_302, %sign3A_311 : i32
      %sign3A_313 = arith.extui %sign3A_312 : i1 to i32
      %sign3A_314 = arith.constant 0 : i32
      %sign3A_315 = arith.cmpi slt, %jit3A_302, %sign3A_314 : i32
      %sign3A_316 = arith.extui %sign3A_315 : i1 to i32
      %sign3A_317 = arith.subi %sign3A_313, %sign3A_316 : i32
      %ne3A_318 = arith.cmpi ne, %sign3A_310, %sign3A_317 : i32
      %rem3A_319 = arith.remsi %add3A_301, %jit3A_302 : i32
      %ne3A_320 = arith.constant 0 : i32
      %ne3A_321 = arith.cmpi ne, %rem3A_319, %ne3A_320 : i32
      %and3A_322 = arith.andi %ne3A_318, %ne3A_321 : i1
      %sub3A_323 = arith.constant 1 : i32
      %sub3A_324 = arith.subi %div3A_303, %sub3A_323 : i32
      %select_n3A_325 = arith.select %and3A_322, %sub3A_324, %div3A_303 : i32
      %jit3A_326 = arith.constant 16 : i32
      %div3A_327 = arith.divsi %add3A_301, %jit3A_326 : i32
      %sign3A_328 = arith.constant 0 : i32
      %sign3A_329 = arith.cmpi sgt, %add3A_301, %sign3A_328 : i32
      %sign3A_330 = arith.extui %sign3A_329 : i1 to i32
      %sign3A_331 = arith.constant 0 : i32
      %sign3A_332 = arith.cmpi slt, %add3A_301, %sign3A_331 : i32
      %sign3A_333 = arith.extui %sign3A_332 : i1 to i32
      %sign3A_334 = arith.subi %sign3A_330, %sign3A_333 : i32
      %sign3A_335 = arith.constant 0 : i32
      %sign3A_336 = arith.cmpi sgt, %jit3A_326, %sign3A_335 : i32
      %sign3A_337 = arith.extui %sign3A_336 : i1 to i32
      %sign3A_338 = arith.constant 0 : i32
      %sign3A_339 = arith.cmpi slt, %jit3A_326, %sign3A_338 : i32
      %sign3A_340 = arith.extui %sign3A_339 : i1 to i32
      %sign3A_341 = arith.subi %sign3A_337, %sign3A_340 : i32
      %ne3A_342 = arith.cmpi ne, %sign3A_334, %sign3A_341 : i32
      %rem3A_343 = arith.remsi %add3A_301, %jit3A_326 : i32
      %ne3A_344 = arith.constant 0 : i32
      %ne3A_345 = arith.cmpi ne, %rem3A_343, %ne3A_344 : i32
      %and3A_346 = arith.andi %ne3A_342, %ne3A_345 : i1
      %sub3A_347 = arith.constant 1 : i32
      %sub3A_348 = arith.subi %div3A_327, %sub3A_347 : i32
      %select_n3A_349 = arith.select %and3A_346, %sub3A_348, %div3A_327 : i32
      %jit3A_350 = arith.constant 4 : i32
      %eq3A_351 = arith.constant 0 : i32
      %eq3A_352 = arith.cmpi eq, %jit3A_350, %eq3A_351 : i32
      %jit3A_353 = arith.constant 1 : i32
      %select_n3A_354 = arith.select %eq3A_352, %jit3A_353, %jit3A_350 : i32
      %rem3A_355 = arith.remsi %select_n3A_349, %select_n3A_354 : i32
      %ne3A_356 = arith.constant 0 : i32
      %ne3A_357 = arith.cmpi ne, %rem3A_355, %ne3A_356 : i32
      %lt3A_358 = arith.constant 0 : i32
      %lt3A_359 = arith.cmpi slt, %rem3A_355, %lt3A_358 : i32
      %lt3A_360 = arith.constant 0 : i32
      %lt3A_361 = arith.cmpi slt, %select_n3A_354, %lt3A_360 : i32
      %ne3A_362 = arith.xori %lt3A_359, %lt3A_361 : i1
      %and3A_363 = arith.andi %ne3A_362, %ne3A_357 : i1
      %add3A_364 = arith.addi %rem3A_355, %select_n3A_354 : i32
      %select_n3A_365 = arith.select %and3A_363, %add3A_364, %rem3A_355 : i32
      %jit3A_366 = arith.constant 16 : i32
      %eq3A_367 = arith.constant 0 : i32
      %eq3A_368 = arith.cmpi eq, %jit3A_366, %eq3A_367 : i32
      %jit3A_369 = arith.constant 1 : i32
      %select_n3A_370 = arith.select %eq3A_368, %jit3A_369, %jit3A_366 : i32
      %rem3A_371 = arith.remsi %add3A_301, %select_n3A_370 : i32
      %ne3A_372 = arith.constant 0 : i32
      %ne3A_373 = arith.cmpi ne, %rem3A_371, %ne3A_372 : i32
      %lt3A_374 = arith.constant 0 : i32
      %lt3A_375 = arith.cmpi slt, %rem3A_371, %lt3A_374 : i32
      %lt3A_376 = arith.constant 0 : i32
      %lt3A_377 = arith.cmpi slt, %select_n3A_370, %lt3A_376 : i32
      %ne3A_378 = arith.xori %lt3A_375, %lt3A_377 : i1
      %and3A_379 = arith.andi %ne3A_378, %ne3A_373 : i1
      %add3A_380 = arith.addi %rem3A_371, %select_n3A_370 : i32
      %select_n3A_381 = arith.select %and3A_379, %add3A_380, %rem3A_371 : i32
      %mul3A_382 = arith.constant 256 : i32
      %mul3A_383 = arith.muli %select_n3A_381, %mul3A_382 : i32
      %dma_wait3A_384 = arith.constant 0 : i32
      %dma_wait3A_385 = arith.constant 0 : i32
      %dma_wait3A_386 = arith.constant 0 : i32
      %dma_wait3A_387 = tpu.memref_slice %arg6[%dma_wait3A_384, %dma_wait3A_385, %dma_wait3A_386] : memref<2x256x32xf32, #tpu.memory_space<vmem>> -> memref<1x256x32xf32, #tpu.memory_space<vmem>>
      %dma_wait3A_388 = tpu.memref_squeeze %dma_wait3A_387 : memref<1x256x32xf32, #tpu.memory_space<vmem>> -> memref<256x32xf32, #tpu.memory_space<vmem>>
      %dma_wait3A_389 = arith.constant 0 : i32
      %dma_wait3A_390 = tpu.memref_slice %arg4[%select_n3A_325, %mul3A_383, %select_n3A_365, %dma_wait3A_389] : memref<50x4096x4x32xf32, #tpu.memory_space<hbm>> -> memref<1x256x1x32xf32, #tpu.memory_space<hbm>>
      %dma_wait3A_391 = tpu.memref_squeeze %dma_wait3A_390 : memref<1x256x1x32xf32, #tpu.memory_space<hbm>> -> memref<256x32xf32, #tpu.memory_space<hbm>>
      %dma_wait3A_392 = arith.constant 0 : i32
      %dma_wait3A_393 = tpu.memref_slice %arg4[%select_n3A_325, %mul3A_383, %select_n3A_365, %dma_wait3A_392] : memref<50x4096x4x32xf32, #tpu.memory_space<hbm>> -> memref<1x256x1x32xf32, #tpu.memory_space<hbm>>
      %dma_wait3A_394 = tpu.memref_squeeze %dma_wait3A_393 : memref<1x256x1x32xf32, #tpu.memory_space<hbm>> -> memref<256x32xf32, #tpu.memory_space<hbm>>
      %dma_wait3A_395 = arith.constant 0 : i32
      %dma_wait3A_396 = arith.constant 0 : i32
      %dma_wait3A_397 = tpu.memref_slice %arg6[%dma_wait3A_384, %dma_wait3A_395, %dma_wait3A_396] : memref<2x256x32xf32, #tpu.memory_space<vmem>> -> memref<1x256x32xf32, #tpu.memory_space<vmem>>
      %dma_wait3A_398 = tpu.memref_squeeze %dma_wait3A_397 : memref<1x256x32xf32, #tpu.memory_space<vmem>> -> memref<256x32xf32, #tpu.memory_space<vmem>>
      tpu.wait_dma2 semaphore(%arg12 : memref<!tpu.dma_semaphore, #tpu.memory_space<semaphore_mem>>) src(%dma_wait3A_398 : memref<256x32xf32, #tpu.memory_space<vmem>>) dst(%dma_wait3A_394 : memref<256x32xf32, #tpu.memory_space<hbm>>)
      %add3A_399 = arith.addi %mul3A_2, %select_n3A_109 : i32
      %mul3A_400 = arith.constant 256 : i32
      %mul3A_401 = arith.muli %add3A_399, %mul3A_400 : i32
      %add3A_402 = arith.constant 819200 : i32
      %add3A_403 = arith.addi %add3A_402, %mul3A_401 : i32
      %dma_wait3A_404 = arith.constant 0 : i32
      %dma_wait3A_405 = arith.constant 0 : i32
      %dma_wait3A_406 = tpu.memref_slice %arg5[%dma_wait3A_404, %dma_wait3A_405] : memref<2x256xi32, #tpu.memory_space<vmem>> -> memref<1x256xi32, #tpu.memory_space<vmem>>
      %dma_wait3A_407 = tpu.memref_squeeze %dma_wait3A_406 : memref<1x256xi32, #tpu.memory_space<vmem>> -> memref<256xi32, #tpu.memory_space<vmem>>
      %dma_wait3A_408 = tpu.memref_slice %arg2[%add3A_403] : memref<3276800xi32, #tpu.memory_space<hbm>> -> memref<256xi32, #tpu.memory_space<hbm>>
      %dma_wait3A_409 = arith.constant 0 : i32
      %dma_wait3A_410 = tpu.memref_slice %arg5[%dma_wait3A_404, %dma_wait3A_409] : memref<2x256xi32, #tpu.memory_space<vmem>> -> memref<1x256xi32, #tpu.memory_space<vmem>>
      %dma_wait3A_411 = tpu.memref_squeeze %dma_wait3A_410 : memref<1x256xi32, #tpu.memory_space<vmem>> -> memref<256xi32, #tpu.memory_space<vmem>>
      %dma_wait3A_412 = tpu.memref_slice %arg2[%add3A_403] : memref<3276800xi32, #tpu.memory_space<hbm>> -> memref<256xi32, #tpu.memory_space<hbm>>
      tpu.wait_dma2 semaphore(%arg8 : memref<!tpu.dma_semaphore, #tpu.memory_space<semaphore_mem>>) src(%dma_wait3A_412 : memref<256xi32, #tpu.memory_space<hbm>>) dst(%dma_wait3A_411 : memref<256xi32, #tpu.memory_space<vmem>>)
      %dma_start3A_413 = arith.constant 0 : i32
      %dma_start3A_414 = arith.constant 0 : i32
      %dma_start3A_415 = arith.constant 0 : i32
      %dma_start3A_416 = arith.constant 0 : i32
      %dma_start3A_417 = tpu.memref_slice %arg6[%dma_start3A_414, %dma_start3A_415, %dma_start3A_416] : memref<2x256x32xf32, #tpu.memory_space<vmem>> -> memref<1x256x32xf32, #tpu.memory_space<vmem>>
      %dma_start3A_418 = tpu.memref_squeeze %dma_start3A_417 : memref<1x256x32xf32, #tpu.memory_space<vmem>> -> memref<256x32xf32, #tpu.memory_space<vmem>>
      %dma_start3A_419 = arith.constant 0 : i32
      %dma_start3A_420 = tpu.memref_slice %arg5[%dma_start3A_413, %dma_start3A_419] : memref<2x256xi32, #tpu.memory_space<vmem>> -> memref<1x256xi32, #tpu.memory_space<vmem>>
      %dma_start3A_421 = tpu.memref_squeeze %dma_start3A_420 : memref<1x256xi32, #tpu.memory_space<vmem>> -> memref<256xi32, #tpu.memory_space<vmem>>
      %dma_start3A_422 = arith.constant 0 : i32
      %dma_start3A_423 = arith.constant 0 : i32
      %dma_start3A_424 = tpu.memref_slice %arg7[%dma_start3A_422, %dma_start3A_423] : memref<50000x32xf32, #tpu.memory_space<vmem_shared>> -> memref<50000x32xf32, #tpu.memory_space<vmem_shared>>
      tpu.enqueue_indirect_dma source(%dma_start3A_424 : memref<50000x32xf32, #tpu.memory_space<vmem_shared>>) target(%dma_start3A_418 : memref<256x32xf32, #tpu.memory_space<vmem>>) offsets(%dma_start3A_421 : memref<256xi32, #tpu.memory_space<vmem>>) semaphore(%arg10 : memref<!tpu.dma_semaphore, #tpu.memory_space<semaphore_mem>>)
      %add3A_425 = arith.addi %mul3A_2, %add3A_98 : i32
      %jit3A_426 = arith.constant 64 : i32
      %div3A_427 = arith.divsi %add3A_425, %jit3A_426 : i32
      %sign3A_428 = arith.constant 0 : i32
      %sign3A_429 = arith.cmpi sgt, %add3A_425, %sign3A_428 : i32
      %sign3A_430 = arith.extui %sign3A_429 : i1 to i32
      %sign3A_431 = arith.constant 0 : i32
      %sign3A_432 = arith.cmpi slt, %add3A_425, %sign3A_431 : i32
      %sign3A_433 = arith.extui %sign3A_432 : i1 to i32
      %sign3A_434 = arith.subi %sign3A_430, %sign3A_433 : i32
      %sign3A_435 = arith.constant 0 : i32
      %sign3A_436 = arith.cmpi sgt, %jit3A_426, %sign3A_435 : i32
      %sign3A_437 = arith.extui %sign3A_436 : i1 to i32
      %sign3A_438 = arith.constant 0 : i32
      %sign3A_439 = arith.cmpi slt, %jit3A_426, %sign3A_438 : i32
      %sign3A_440 = arith.extui %sign3A_439 : i1 to i32
      %sign3A_441 = arith.subi %sign3A_437, %sign3A_440 : i32
      %ne3A_442 = arith.cmpi ne, %sign3A_434, %sign3A_441 : i32
      %rem3A_443 = arith.remsi %add3A_425, %jit3A_426 : i32
      %ne3A_444 = arith.constant 0 : i32
      %ne3A_445 = arith.cmpi ne, %rem3A_443, %ne3A_444 : i32
      %and3A_446 = arith.andi %ne3A_442, %ne3A_445 : i1
      %sub3A_447 = arith.constant 1 : i32
      %sub3A_448 = arith.subi %div3A_427, %sub3A_447 : i32
      %select_n3A_449 = arith.select %and3A_446, %sub3A_448, %div3A_427 : i32
      %jit3A_450 = arith.constant 16 : i32
      %div3A_451 = arith.divsi %add3A_425, %jit3A_450 : i32
      %sign3A_452 = arith.constant 0 : i32
      %sign3A_453 = arith.cmpi sgt, %add3A_425, %sign3A_452 : i32
      %sign3A_454 = arith.extui %sign3A_453 : i1 to i32
      %sign3A_455 = arith.constant 0 : i32
      %sign3A_456 = arith.cmpi slt, %add3A_425, %sign3A_455 : i32
      %sign3A_457 = arith.extui %sign3A_456 : i1 to i32
      %sign3A_458 = arith.subi %sign3A_454, %sign3A_457 : i32
      %sign3A_459 = arith.constant 0 : i32
      %sign3A_460 = arith.cmpi sgt, %jit3A_450, %sign3A_459 : i32
      %sign3A_461 = arith.extui %sign3A_460 : i1 to i32
      %sign3A_462 = arith.constant 0 : i32
      %sign3A_463 = arith.cmpi slt, %jit3A_450, %sign3A_462 : i32
      %sign3A_464 = arith.extui %sign3A_463 : i1 to i32
      %sign3A_465 = arith.subi %sign3A_461, %sign3A_464 : i32
      %ne3A_466 = arith.cmpi ne, %sign3A_458, %sign3A_465 : i32
      %rem3A_467 = arith.remsi %add3A_425, %jit3A_450 : i32
      %ne3A_468 = arith.constant 0 : i32
      %ne3A_469 = arith.cmpi ne, %rem3A_467, %ne3A_468 : i32
      %and3A_470 = arith.andi %ne3A_466, %ne3A_469 : i1
      %sub3A_471 = arith.constant 1 : i32
      %sub3A_472 = arith.subi %div3A_451, %sub3A_471 : i32
      %select_n3A_473 = arith.select %and3A_470, %sub3A_472, %div3A_451 : i32
      %jit3A_474 = arith.constant 4 : i32
      %eq3A_475 = arith.constant 0 : i32
      %eq3A_476 = arith.cmpi eq, %jit3A_474, %eq3A_475 : i32
      %jit3A_477 = arith.constant 1 : i32
      %select_n3A_478 = arith.select %eq3A_476, %jit3A_477, %jit3A_474 : i32
      %rem3A_479 = arith.remsi %select_n3A_473, %select_n3A_478 : i32
      %ne3A_480 = arith.constant 0 : i32
      %ne3A_481 = arith.cmpi ne, %rem3A_479, %ne3A_480 : i32
      %lt3A_482 = arith.constant 0 : i32
      %lt3A_483 = arith.cmpi slt, %rem3A_479, %lt3A_482 : i32
      %lt3A_484 = arith.constant 0 : i32
      %lt3A_485 = arith.cmpi slt, %select_n3A_478, %lt3A_484 : i32
      %ne3A_486 = arith.xori %lt3A_483, %lt3A_485 : i1
      %and3A_487 = arith.andi %ne3A_486, %ne3A_481 : i1
      %add3A_488 = arith.addi %rem3A_479, %select_n3A_478 : i32
      %select_n3A_489 = arith.select %and3A_487, %add3A_488, %rem3A_479 : i32
      %jit3A_490 = arith.constant 16 : i32
      %eq3A_491 = arith.constant 0 : i32
      %eq3A_492 = arith.cmpi eq, %jit3A_490, %eq3A_491 : i32
      %jit3A_493 = arith.constant 1 : i32
      %select_n3A_494 = arith.select %eq3A_492, %jit3A_493, %jit3A_490 : i32
      %rem3A_495 = arith.remsi %add3A_425, %select_n3A_494 : i32
      %ne3A_496 = arith.constant 0 : i32
      %ne3A_497 = arith.cmpi ne, %rem3A_495, %ne3A_496 : i32
      %lt3A_498 = arith.constant 0 : i32
      %lt3A_499 = arith.cmpi slt, %rem3A_495, %lt3A_498 : i32
      %lt3A_500 = arith.constant 0 : i32
      %lt3A_501 = arith.cmpi slt, %select_n3A_494, %lt3A_500 : i32
      %ne3A_502 = arith.xori %lt3A_499, %lt3A_501 : i1
      %and3A_503 = arith.andi %ne3A_502, %ne3A_497 : i1
      %add3A_504 = arith.addi %rem3A_495, %select_n3A_494 : i32
      %select_n3A_505 = arith.select %and3A_503, %add3A_504, %rem3A_495 : i32
      %mul3A_506 = arith.constant 256 : i32
      %mul3A_507 = arith.muli %select_n3A_505, %mul3A_506 : i32
      %dma_start3A_508 = arith.constant 1 : i32
      %dma_start3A_509 = arith.constant 0 : i32
      %dma_start3A_510 = arith.constant 0 : i32
      %dma_start3A_511 = tpu.memref_slice %arg6[%dma_start3A_508, %dma_start3A_509, %dma_start3A_510] : memref<2x256x32xf32, #tpu.memory_space<vmem>> -> memref<1x256x32xf32, #tpu.memory_space<vmem>>
      %dma_start3A_512 = tpu.memref_squeeze %dma_start3A_511 : memref<1x256x32xf32, #tpu.memory_space<vmem>> -> memref<256x32xf32, #tpu.memory_space<vmem>>
      %dma_start3A_513 = arith.constant 0 : i32
      %dma_start3A_514 = tpu.memref_slice %arg4[%select_n3A_449, %mul3A_507, %select_n3A_489, %dma_start3A_513] : memref<50x4096x4x32xf32, #tpu.memory_space<hbm>> -> memref<1x256x1x32xf32, #tpu.memory_space<hbm>>
      %dma_start3A_515 = tpu.memref_squeeze %dma_start3A_514 : memref<1x256x1x32xf32, #tpu.memory_space<hbm>> -> memref<256x32xf32, #tpu.memory_space<hbm>>
      %dma_start3A_516 = arith.constant 0 : i32
      %dma_start3A_517 = tpu.memref_slice %arg4[%select_n3A_449, %mul3A_507, %select_n3A_489, %dma_start3A_516] : memref<50x4096x4x32xf32, #tpu.memory_space<hbm>> -> memref<1x256x1x32xf32, #tpu.memory_space<hbm>>
      %dma_start3A_518 = tpu.memref_squeeze %dma_start3A_517 : memref<1x256x1x32xf32, #tpu.memory_space<hbm>> -> memref<256x32xf32, #tpu.memory_space<hbm>>
      %dma_start3A_519 = arith.constant 0 : i32
      %dma_start3A_520 = arith.constant 0 : i32
      %dma_start3A_521 = tpu.memref_slice %arg6[%dma_start3A_508, %dma_start3A_519, %dma_start3A_520] : memref<2x256x32xf32, #tpu.memory_space<vmem>> -> memref<1x256x32xf32, #tpu.memory_space<vmem>>
      %dma_start3A_522 = tpu.memref_squeeze %dma_start3A_521 : memref<1x256x32xf32, #tpu.memory_space<vmem>> -> memref<256x32xf32, #tpu.memory_space<vmem>>
      tpu.enqueue_dma source(%dma_start3A_522 : memref<256x32xf32, #tpu.memory_space<vmem>>) target(%dma_start3A_518 : memref<256x32xf32, #tpu.memory_space<hbm>>) target_semaphore(%arg13 : memref<!tpu.dma_semaphore, #tpu.memory_space<semaphore_mem>>)
      %add3A_523 = arith.addi %mul3A_2, %add3A_98 : i32
      %jit3A_524 = arith.constant 64 : i32
      %div3A_525 = arith.divsi %add3A_523, %jit3A_524 : i32
      %sign3A_526 = arith.constant 0 : i32
      %sign3A_527 = arith.cmpi sgt, %add3A_523, %sign3A_526 : i32
      %sign3A_528 = arith.extui %sign3A_527 : i1 to i32
      %sign3A_529 = arith.constant 0 : i32
      %sign3A_530 = arith.cmpi slt, %add3A_523, %sign3A_529 : i32
      %sign3A_531 = arith.extui %sign3A_530 : i1 to i32
      %sign3A_532 = arith.subi %sign3A_528, %sign3A_531 : i32
      %sign3A_533 = arith.constant 0 : i32
      %sign3A_534 = arith.cmpi sgt, %jit3A_524, %sign3A_533 : i32
      %sign3A_535 = arith.extui %sign3A_534 : i1 to i32
      %sign3A_536 = arith.constant 0 : i32
      %sign3A_537 = arith.cmpi slt, %jit3A_524, %sign3A_536 : i32
      %sign3A_538 = arith.extui %sign3A_537 : i1 to i32
      %sign3A_539 = arith.subi %sign3A_535, %sign3A_538 : i32
      %ne3A_540 = arith.cmpi ne, %sign3A_532, %sign3A_539 : i32
      %rem3A_541 = arith.remsi %add3A_523, %jit3A_524 : i32
      %ne3A_542 = arith.constant 0 : i32
      %ne3A_543 = arith.cmpi ne, %rem3A_541, %ne3A_542 : i32
      %and3A_544 = arith.andi %ne3A_540, %ne3A_543 : i1
      %sub3A_545 = arith.constant 1 : i32
      %sub3A_546 = arith.subi %div3A_525, %sub3A_545 : i32
      %select_n3A_547 = arith.select %and3A_544, %sub3A_546, %div3A_525 : i32
      %jit3A_548 = arith.constant 16 : i32
      %div3A_549 = arith.divsi %add3A_523, %jit3A_548 : i32
      %sign3A_550 = arith.constant 0 : i32
      %sign3A_551 = arith.cmpi sgt, %add3A_523, %sign3A_550 : i32
      %sign3A_552 = arith.extui %sign3A_551 : i1 to i32
      %sign3A_553 = arith.constant 0 : i32
      %sign3A_554 = arith.cmpi slt, %add3A_523, %sign3A_553 : i32
      %sign3A_555 = arith.extui %sign3A_554 : i1 to i32
      %sign3A_556 = arith.subi %sign3A_552, %sign3A_555 : i32
      %sign3A_557 = arith.constant 0 : i32
      %sign3A_558 = arith.cmpi sgt, %jit3A_548, %sign3A_557 : i32
      %sign3A_559 = arith.extui %sign3A_558 : i1 to i32
      %sign3A_560 = arith.constant 0 : i32
      %sign3A_561 = arith.cmpi slt, %jit3A_548, %sign3A_560 : i32
      %sign3A_562 = arith.extui %sign3A_561 : i1 to i32
      %sign3A_563 = arith.subi %sign3A_559, %sign3A_562 : i32
      %ne3A_564 = arith.cmpi ne, %sign3A_556, %sign3A_563 : i32
      %rem3A_565 = arith.remsi %add3A_523, %jit3A_548 : i32
      %ne3A_566 = arith.constant 0 : i32
      %ne3A_567 = arith.cmpi ne, %rem3A_565, %ne3A_566 : i32
      %and3A_568 = arith.andi %ne3A_564, %ne3A_567 : i1
      %sub3A_569 = arith.constant 1 : i32
      %sub3A_570 = arith.subi %div3A_549, %sub3A_569 : i32
      %select_n3A_571 = arith.select %and3A_568, %sub3A_570, %div3A_549 : i32
      %jit3A_572 = arith.constant 4 : i32
      %eq3A_573 = arith.constant 0 : i32
      %eq3A_574 = arith.cmpi eq, %jit3A_572, %eq3A_573 : i32
      %jit3A_575 = arith.constant 1 : i32
      %select_n3A_576 = arith.select %eq3A_574, %jit3A_575, %jit3A_572 : i32
      %rem3A_577 = arith.remsi %select_n3A_571, %select_n3A_576 : i32
      %ne3A_578 = arith.constant 0 : i32
      %ne3A_579 = arith.cmpi ne, %rem3A_577, %ne3A_578 : i32
      %lt3A_580 = arith.constant 0 : i32
      %lt3A_581 = arith.cmpi slt, %rem3A_577, %lt3A_580 : i32
      %lt3A_582 = arith.constant 0 : i32
      %lt3A_583 = arith.cmpi slt, %select_n3A_576, %lt3A_582 : i32
      %ne3A_584 = arith.xori %lt3A_581, %lt3A_583 : i1
      %and3A_585 = arith.andi %ne3A_584, %ne3A_579 : i1
      %add3A_586 = arith.addi %rem3A_577, %select_n3A_576 : i32
      %select_n3A_587 = arith.select %and3A_585, %add3A_586, %rem3A_577 : i32
      %jit3A_588 = arith.constant 16 : i32
      %eq3A_589 = arith.constant 0 : i32
      %eq3A_590 = arith.cmpi eq, %jit3A_588, %eq3A_589 : i32
      %jit3A_591 = arith.constant 1 : i32
      %select_n3A_592 = arith.select %eq3A_590, %jit3A_591, %jit3A_588 : i32
      %rem3A_593 = arith.remsi %add3A_523, %select_n3A_592 : i32
      %ne3A_594 = arith.constant 0 : i32
      %ne3A_595 = arith.cmpi ne, %rem3A_593, %ne3A_594 : i32
      %lt3A_596 = arith.constant 0 : i32
      %lt3A_597 = arith.cmpi slt, %rem3A_593, %lt3A_596 : i32
      %lt3A_598 = arith.constant 0 : i32
      %lt3A_599 = arith.cmpi slt, %select_n3A_592, %lt3A_598 : i32
      %ne3A_600 = arith.xori %lt3A_597, %lt3A_599 : i1
      %and3A_601 = arith.andi %ne3A_600, %ne3A_595 : i1
      %add3A_602 = arith.addi %rem3A_593, %select_n3A_592 : i32
      %select_n3A_603 = arith.select %and3A_601, %add3A_602, %rem3A_593 : i32
      %mul3A_604 = arith.constant 256 : i32
      %mul3A_605 = arith.muli %select_n3A_603, %mul3A_604 : i32
      %dma_wait3A_606 = arith.constant 1 : i32
      %dma_wait3A_607 = arith.constant 0 : i32
      %dma_wait3A_608 = arith.constant 0 : i32
      %dma_wait3A_609 = tpu.memref_slice %arg6[%dma_wait3A_606, %dma_wait3A_607, %dma_wait3A_608] : memref<2x256x32xf32, #tpu.memory_space<vmem>> -> memref<1x256x32xf32, #tpu.memory_space<vmem>>
      %dma_wait3A_610 = tpu.memref_squeeze %dma_wait3A_609 : memref<1x256x32xf32, #tpu.memory_space<vmem>> -> memref<256x32xf32, #tpu.memory_space<vmem>>
      %dma_wait3A_611 = arith.constant 0 : i32
      %dma_wait3A_612 = tpu.memref_slice %arg4[%select_n3A_547, %mul3A_605, %select_n3A_587, %dma_wait3A_611] : memref<50x4096x4x32xf32, #tpu.memory_space<hbm>> -> memref<1x256x1x32xf32, #tpu.memory_space<hbm>>
      %dma_wait3A_613 = tpu.memref_squeeze %dma_wait3A_612 : memref<1x256x1x32xf32, #tpu.memory_space<hbm>> -> memref<256x32xf32, #tpu.memory_space<hbm>>
      %dma_wait3A_614 = arith.constant 0 : i32
      %dma_wait3A_615 = tpu.memref_slice %arg4[%select_n3A_547, %mul3A_605, %select_n3A_587, %dma_wait3A_614] : memref<50x4096x4x32xf32, #tpu.memory_space<hbm>> -> memref<1x256x1x32xf32, #tpu.memory_space<hbm>>
      %dma_wait3A_616 = tpu.memref_squeeze %dma_wait3A_615 : memref<1x256x1x32xf32, #tpu.memory_space<hbm>> -> memref<256x32xf32, #tpu.memory_space<hbm>>
      %dma_wait3A_617 = arith.constant 0 : i32
      %dma_wait3A_618 = arith.constant 0 : i32
      %dma_wait3A_619 = tpu.memref_slice %arg6[%dma_wait3A_606, %dma_wait3A_617, %dma_wait3A_618] : memref<2x256x32xf32, #tpu.memory_space<vmem>> -> memref<1x256x32xf32, #tpu.memory_space<vmem>>
      %dma_wait3A_620 = tpu.memref_squeeze %dma_wait3A_619 : memref<1x256x32xf32, #tpu.memory_space<vmem>> -> memref<256x32xf32, #tpu.memory_space<vmem>>
      tpu.wait_dma2 semaphore(%arg13 : memref<!tpu.dma_semaphore, #tpu.memory_space<semaphore_mem>>) src(%dma_wait3A_620 : memref<256x32xf32, #tpu.memory_space<vmem>>) dst(%dma_wait3A_616 : memref<256x32xf32, #tpu.memory_space<hbm>>)
    }
    %scan3A_66 = arith.constant 50 : i32
    %dma_wait3A_67 = arith.constant 0 : i32
    %dma_wait3A_68 = arith.constant 0 : i32
    %dma_wait3A_69 = arith.constant 0 : i32
    %dma_wait3A_70 = arith.constant 0 : i32
    %dma_wait3A_71 = tpu.memref_slice %arg6[%dma_wait3A_68, %dma_wait3A_69, %dma_wait3A_70] : memref<2x256x32xf32, #tpu.memory_space<vmem>> -> memref<1x256x32xf32, #tpu.memory_space<vmem>>
    %dma_wait3A_72 = tpu.memref_squeeze %dma_wait3A_71 : memref<1x256x32xf32, #tpu.memory_space<vmem>> -> memref<256x32xf32, #tpu.memory_space<vmem>>
    %dma_wait3A_73 = arith.constant 0 : i32
    %dma_wait3A_74 = tpu.memref_slice %arg5[%dma_wait3A_67, %dma_wait3A_73] : memref<2x256xi32, #tpu.memory_space<vmem>> -> memref<1x256xi32, #tpu.memory_space<vmem>>
    %dma_wait3A_75 = tpu.memref_squeeze %dma_wait3A_74 : memref<1x256xi32, #tpu.memory_space<vmem>> -> memref<256xi32, #tpu.memory_space<vmem>>
    %dma_wait3A_76 = arith.constant 0 : i32
    %dma_wait3A_77 = arith.constant 0 : i32
    %dma_wait3A_78 = tpu.memref_slice %arg7[%dma_wait3A_76, %dma_wait3A_77] : memref<50000x32xf32, #tpu.memory_space<vmem_shared>> -> memref<50000x32xf32, #tpu.memory_space<vmem_shared>>
    tpu.wait_indirect_dma semaphore(%arg10 : memref<!tpu.dma_semaphore, #tpu.memory_space<semaphore_mem>>) src(%dma_wait3A_78 : memref<50000x32xf32, #tpu.memory_space<vmem_shared>>) dst(%dma_wait3A_72 : memref<256x32xf32, #tpu.memory_space<vmem>>)
    %add3A_79 = arith.constant 1 : i32
    %add3A_80 = arith.addi %mul3A_2, %add3A_79 : i32
    %mul3A_81 = arith.constant 256 : i32
    %mul3A_82 = arith.muli %add3A_80, %mul3A_81 : i32
    %add3A_83 = arith.constant 819200 : i32
    %add3A_84 = arith.addi %add3A_83, %mul3A_82 : i32
    %dma_wait3A_85 = arith.constant 1 : i32
    %dma_wait3A_86 = arith.constant 0 : i32
    %dma_wait3A_87 = tpu.memref_slice %arg5[%dma_wait3A_85, %dma_wait3A_86] : memref<2x256xi32, #tpu.memory_space<vmem>> -> memref<1x256xi32, #tpu.memory_space<vmem>>
    %dma_wait3A_88 = tpu.memref_squeeze %dma_wait3A_87 : memref<1x256xi32, #tpu.memory_space<vmem>> -> memref<256xi32, #tpu.memory_space<vmem>>
    %dma_wait3A_89 = tpu.memref_slice %arg2[%add3A_84] : memref<3276800xi32, #tpu.memory_space<hbm>> -> memref<256xi32, #tpu.memory_space<hbm>>
    %dma_wait3A_90 = arith.constant 0 : i32
    %dma_wait3A_91 = tpu.memref_slice %arg5[%dma_wait3A_85, %dma_wait3A_90] : memref<2x256xi32, #tpu.memory_space<vmem>> -> memref<1x256xi32, #tpu.memory_space<vmem>>
    %dma_wait3A_92 = tpu.memref_squeeze %dma_wait3A_91 : memref<1x256xi32, #tpu.memory_space<vmem>> -> memref<256xi32, #tpu.memory_space<vmem>>
    %dma_wait3A_93 = tpu.memref_slice %arg2[%add3A_84] : memref<3276800xi32, #tpu.memory_space<hbm>> -> memref<256xi32, #tpu.memory_space<hbm>>
    tpu.wait_dma2 semaphore(%arg9 : memref<!tpu.dma_semaphore, #tpu.memory_space<semaphore_mem>>) src(%dma_wait3A_93 : memref<256xi32, #tpu.memory_space<hbm>>) dst(%dma_wait3A_92 : memref<256xi32, #tpu.memory_space<vmem>>)
    return
  }
}

#map = affine_map<(d0, d1) -> (0)>
#map1 = affine_map<(d0, d1) -> (0, 0)>
#map2 = affine_map<(d0, d1) -> (0, 0, 0, 0)>
module attributes {stable_mosaic.version = 14 : i64} {
  func.func @_lookup(%arg0: i32, %arg1: i32, %arg2: memref<3276800xi32, #tpu.memory_space<hbm>>, %arg3: memref<50000x32xf32, #tpu.memory_space<hbm>>, %arg4: memref<50x4096x4x32xf32, #tpu.memory_space<hbm>>, %arg5: memref<2x256xi32, #tpu.memory_space<vmem>>, %arg6: memref<2x256x32xf32, #tpu.memory_space<vmem>>, %arg7: memref<50000x32xf32, #tpu.memory_space<vmem_shared>>, %arg8: memref<!tpu.dma_semaphore, #tpu.memory_space<semaphore_mem>>, %arg9: memref<!tpu.dma_semaphore, #tpu.memory_space<semaphore_mem>>, %arg10: memref<!tpu.dma_semaphore, #tpu.memory_space<semaphore_mem>>, %arg11: memref<!tpu.dma_semaphore, #tpu.memory_space<semaphore_mem>>, %arg12: memref<!tpu.dma_semaphore, #tpu.memory_space<semaphore_mem>>, %arg13: memref<!tpu.dma_semaphore, #tpu.memory_space<semaphore_mem>>) attributes {dimension_semantics = [#tpu.dimension_semantics<core_parallel>, #tpu.dimension_semantics<subcore_parallel>], iteration_bounds = array<i64: 2, 16>, scalar_prefetch = 0 : i64, scratch_operands = 9 : i64, tpu.core_type = #tpu.core_type<sc_vector_subcore>, window_params = [{transform_indices = #map}, {transform_indices = #map1}, {transform_indices = #map2}]} {
    %mul3A = arith.constant 2 : i32
    %mul3A_0 = arith.muli %arg1, %mul3A : i32
    %add3A = arith.addi %mul3A_0, %arg0 : i32
    %mul3A_1 = arith.constant 100 : i32
    %mul3A_2 = arith.muli %add3A, %mul3A_1 : i32
    %mul3A_3 = arith.constant 3125 : i32
    %mul3A_4 = arith.muli %arg1, %mul3A_3 : i32
    %mul3A_5 = arith.constant 3125 : i32
    %mul3A_6 = arith.muli %arg1, %mul3A_5 : i32
    "tpu.region"() ({
      %run_scoped3A = tpu.sem_alloc : memref<!tpu.dma_semaphore, #tpu.memory_space<semaphore_mem>>
      %dma_start3A_94 = arith.constant 0 : i32
      %dma_start3A_95 = tpu.memref_slice %arg7[%mul3A_6, %dma_start3A_94] : memref<50000x32xf32, #tpu.memory_space<vmem_shared>> -> memref<3125x32xf32, #tpu.memory_space<vmem_shared>>
      %dma_start3A_96 = arith.constant 0 : i32
      %dma_start3A_97 = tpu.memref_slice %arg3[%mul3A_4, %dma_start3A_96] : memref<50000x32xf32, #tpu.memory_space<hbm>> -> memref<3125x32xf32, #tpu.memory_space<hbm>>
      tpu.enqueue_dma source(%dma_start3A_97 : memref<3125x32xf32, #tpu.memory_space<hbm>>) target(%dma_start3A_95 : memref<3125x32xf32, #tpu.memory_space<vmem_shared>>) target_semaphore(%run_scoped3A : memref<!tpu.dma_semaphore, #tpu.memory_space<semaphore_mem>>)
      %dma_wait3A_98 = arith.constant 0 : i32
      %dma_wait3A_99 = tpu.memref_slice %arg7[%mul3A_6, %dma_wait3A_98] : memref<50000x32xf32, #tpu.memory_space<vmem_shared>> -> memref<3125x32xf32, #tpu.memory_space<vmem_shared>>
      %dma_wait3A_100 = arith.constant 0 : i32
      %dma_wait3A_101 = tpu.memref_slice %arg3[%mul3A_4, %dma_wait3A_100] : memref<50000x32xf32, #tpu.memory_space<hbm>> -> memref<3125x32xf32, #tpu.memory_space<hbm>>
      tpu.wait_dma2 semaphore(%run_scoped3A : memref<!tpu.dma_semaphore, #tpu.memory_space<semaphore_mem>>) src(%dma_wait3A_101 : memref<3125x32xf32, #tpu.memory_space<hbm>>) dst(%dma_wait3A_99 : memref<3125x32xf32, #tpu.memory_space<vmem_shared>>)
      tpu.yield
    }) : () -> ()
    %barrier3A = arith.constant 0 : index
    tpu.barrier barrier_id(%barrier3A)
    %add3A_7 = arith.constant 0 : i32
    %add3A_8 = arith.addi %mul3A_2, %add3A_7 : i32
    %mul3A_9 = arith.constant 256 : i32
    %mul3A_10 = arith.muli %add3A_8, %mul3A_9 : i32
    %add3A_11 = arith.constant 0 : i32
    %add3A_12 = arith.addi %add3A_11, %mul3A_10 : i32
    %dma_start3A = arith.constant 0 : i32
    %dma_start3A_13 = arith.constant 0 : i32
    %dma_start3A_14 = tpu.memref_slice %arg5[%dma_start3A, %dma_start3A_13] : memref<2x256xi32, #tpu.memory_space<vmem>> -> memref<1x256xi32, #tpu.memory_space<vmem>>
    %dma_start3A_15 = tpu.memref_squeeze %dma_start3A_14 : memref<1x256xi32, #tpu.memory_space<vmem>> -> memref<256xi32, #tpu.memory_space<vmem>>
    %dma_start3A_16 = tpu.memref_slice %arg2[%add3A_12] : memref<3276800xi32, #tpu.memory_space<hbm>> -> memref<256xi32, #tpu.memory_space<hbm>>
    %dma_start3A_17 = arith.constant 0 : i32
    %dma_start3A_18 = tpu.memref_slice %arg5[%dma_start3A, %dma_start3A_17] : memref<2x256xi32, #tpu.memory_space<vmem>> -> memref<1x256xi32, #tpu.memory_space<vmem>>
    %dma_start3A_19 = tpu.memref_squeeze %dma_start3A_18 : memref<1x256xi32, #tpu.memory_space<vmem>> -> memref<256xi32, #tpu.memory_space<vmem>>
    %dma_start3A_20 = tpu.memref_slice %arg2[%add3A_12] : memref<3276800xi32, #tpu.memory_space<hbm>> -> memref<256xi32, #tpu.memory_space<hbm>>
    tpu.enqueue_dma source(%dma_start3A_20 : memref<256xi32, #tpu.memory_space<hbm>>) target(%dma_start3A_19 : memref<256xi32, #tpu.memory_space<vmem>>) target_semaphore(%arg8 : memref<!tpu.dma_semaphore, #tpu.memory_space<semaphore_mem>>)
    %add3A_21 = arith.constant 1 : i32
    %add3A_22 = arith.addi %mul3A_2, %add3A_21 : i32
    %mul3A_23 = arith.constant 256 : i32
    %mul3A_24 = arith.muli %add3A_22, %mul3A_23 : i32
    %add3A_25 = arith.constant 0 : i32
    %add3A_26 = arith.addi %add3A_25, %mul3A_24 : i32
    %dma_start3A_27 = arith.constant 1 : i32
    %dma_start3A_28 = arith.constant 0 : i32
    %dma_start3A_29 = tpu.memref_slice %arg5[%dma_start3A_27, %dma_start3A_28] : memref<2x256xi32, #tpu.memory_space<vmem>> -> memref<1x256xi32, #tpu.memory_space<vmem>>
    %dma_start3A_30 = tpu.memref_squeeze %dma_start3A_29 : memref<1x256xi32, #tpu.memory_space<vmem>> -> memref<256xi32, #tpu.memory_space<vmem>>
    %dma_start3A_31 = tpu.memref_slice %arg2[%add3A_26] : memref<3276800xi32, #tpu.memory_space<hbm>> -> memref<256xi32, #tpu.memory_space<hbm>>
    %dma_start3A_32 = arith.constant 0 : i32
    %dma_start3A_33 = tpu.memref_slice %arg5[%dma_start3A_27, %dma_start3A_32] : memref<2x256xi32, #tpu.memory_space<vmem>> -> memref<1x256xi32, #tpu.memory_space<vmem>>
    %dma_start3A_34 = tpu.memref_squeeze %dma_start3A_33 : memref<1x256xi32, #tpu.memory_space<vmem>> -> memref<256xi32, #tpu.memory_space<vmem>>
    %dma_start3A_35 = tpu.memref_slice %arg2[%add3A_26] : memref<3276800xi32, #tpu.memory_space<hbm>> -> memref<256xi32, #tpu.memory_space<hbm>>
    tpu.enqueue_dma source(%dma_start3A_35 : memref<256xi32, #tpu.memory_space<hbm>>) target(%dma_start3A_34 : memref<256xi32, #tpu.memory_space<vmem>>) target_semaphore(%arg9 : memref<!tpu.dma_semaphore, #tpu.memory_space<semaphore_mem>>)
    %add3A_36 = arith.constant 0 : i32
    %add3A_37 = arith.addi %mul3A_2, %add3A_36 : i32
    %mul3A_38 = arith.constant 256 : i32
    %mul3A_39 = arith.muli %add3A_37, %mul3A_38 : i32
    %add3A_40 = arith.constant 0 : i32
    %add3A_41 = arith.addi %add3A_40, %mul3A_39 : i32
    %dma_wait3A = arith.constant 0 : i32
    %dma_wait3A_42 = arith.constant 0 : i32
    %dma_wait3A_43 = tpu.memref_slice %arg5[%dma_wait3A, %dma_wait3A_42] : memref<2x256xi32, #tpu.memory_space<vmem>> -> memref<1x256xi32, #tpu.memory_space<vmem>>
    %dma_wait3A_44 = tpu.memref_squeeze %dma_wait3A_43 : memref<1x256xi32, #tpu.memory_space<vmem>> -> memref<256xi32, #tpu.memory_space<vmem>>
    %dma_wait3A_45 = tpu.memref_slice %arg2[%add3A_41] : memref<3276800xi32, #tpu.memory_space<hbm>> -> memref<256xi32, #tpu.memory_space<hbm>>
    %dma_wait3A_46 = arith.constant 0 : i32
    %dma_wait3A_47 = tpu.memref_slice %arg5[%dma_wait3A, %dma_wait3A_46] : memref<2x256xi32, #tpu.memory_space<vmem>> -> memref<1x256xi32, #tpu.memory_space<vmem>>
    %dma_wait3A_48 = tpu.memref_squeeze %dma_wait3A_47 : memref<1x256xi32, #tpu.memory_space<vmem>> -> memref<256xi32, #tpu.memory_space<vmem>>
    %dma_wait3A_49 = tpu.memref_slice %arg2[%add3A_41] : memref<3276800xi32, #tpu.memory_space<hbm>> -> memref<256xi32, #tpu.memory_space<hbm>>
    tpu.wait_dma2 semaphore(%arg8 : memref<!tpu.dma_semaphore, #tpu.memory_space<semaphore_mem>>) src(%dma_wait3A_49 : memref<256xi32, #tpu.memory_space<hbm>>) dst(%dma_wait3A_48 : memref<256xi32, #tpu.memory_space<vmem>>)
    %dma_start3A_50 = arith.constant 0 : i32
    %dma_start3A_51 = arith.constant 0 : i32
    %dma_start3A_52 = arith.constant 0 : i32
    %dma_start3A_53 = arith.constant 0 : i32
    %dma_start3A_54 = tpu.memref_slice %arg6[%dma_start3A_51, %dma_start3A_52, %dma_start3A_53] : memref<2x256x32xf32, #tpu.memory_space<vmem>> -> memref<1x256x32xf32, #tpu.memory_space<vmem>>
    %dma_start3A_55 = tpu.memref_squeeze %dma_start3A_54 : memref<1x256x32xf32, #tpu.memory_space<vmem>> -> memref<256x32xf32, #tpu.memory_space<vmem>>
    %dma_start3A_56 = arith.constant 0 : i32
    %dma_start3A_57 = tpu.memref_slice %arg5[%dma_start3A_50, %dma_start3A_56] : memref<2x256xi32, #tpu.memory_space<vmem>> -> memref<1x256xi32, #tpu.memory_space<vmem>>
    %dma_start3A_58 = tpu.memref_squeeze %dma_start3A_57 : memref<1x256xi32, #tpu.memory_space<vmem>> -> memref<256xi32, #tpu.memory_space<vmem>>
    %dma_start3A_59 = arith.constant 0 : i32
    %dma_start3A_60 = arith.constant 0 : i32
    %dma_start3A_61 = tpu.memref_slice %arg7[%dma_start3A_59, %dma_start3A_60] : memref<50000x32xf32, #tpu.memory_space<vmem_shared>> -> memref<50000x32xf32, #tpu.memory_space<vmem_shared>>
    tpu.enqueue_indirect_dma source(%dma_start3A_61 : memref<50000x32xf32, #tpu.memory_space<vmem_shared>>) target(%dma_start3A_55 : memref<256x32xf32, #tpu.memory_space<vmem>>) offsets(%dma_start3A_58 : memref<256xi32, #tpu.memory_space<vmem>>) semaphore(%arg10 : memref<!tpu.dma_semaphore, #tpu.memory_space<semaphore_mem>>)
    %scan3A = arith.constant 0 : i32
    %scan3A_62 = arith.constant 0 : i32
    %scan3A_63 = arith.constant 50 : i32
    %scan3A_64 = arith.addi %scan3A_62, %scan3A_63 : i32
    %scan3A_65 = arith.constant 1 : i32
    scf.for %scan3A_94 = %scan3A_62 to %scan3A_64 step %scan3A_65  : i32 {
      %mul3A_95 = arith.constant 2 : i32
      %mul3A_96 = arith.muli %mul3A_95, %scan3A_94 : i32
      %add3A_97 = arith.constant 1 : i32
      %add3A_98 = arith.addi %mul3A_96, %add3A_97 : i32
      %add3A_99 = arith.constant 2 : i32
      %add3A_100 = arith.addi %mul3A_96, %add3A_99 : i32
      %jit3A = arith.constant 100 : i32
      %eq3A = arith.constant 0 : i32
      %eq3A_101 = arith.cmpi eq, %jit3A, %eq3A : i32
      %jit3A_102 = arith.constant 1 : i32
      %select_n3A = arith.select %eq3A_101, %jit3A_102, %jit3A : i32
      %rem3A = arith.remsi %add3A_100, %select_n3A : i32
      %ne3A = arith.constant 0 : i32
      %ne3A_103 = arith.cmpi ne, %rem3A, %ne3A : i32
      %lt3A = arith.constant 0 : i32
      %lt3A_104 = arith.cmpi slt, %rem3A, %lt3A : i32
      %lt3A_105 = arith.constant 0 : i32
      %lt3A_106 = arith.cmpi slt, %select_n3A, %lt3A_105 : i32
      %ne3A_107 = arith.xori %lt3A_104, %lt3A_106 : i1
      %and3A = arith.andi %ne3A_107, %ne3A_103 : i1
      %add3A_108 = arith.addi %rem3A, %select_n3A : i32
      %select_n3A_109 = arith.select %and3A, %add3A_108, %rem3A : i32
      %add3A_110 = arith.constant 3 : i32
      %add3A_111 = arith.addi %mul3A_96, %add3A_110 : i32
      %jit3A_112 = arith.constant 100 : i32
      %eq3A_113 = arith.constant 0 : i32
      %eq3A_114 = arith.cmpi eq, %jit3A_112, %eq3A_113 : i32
      %jit3A_115 = arith.constant 1 : i32
      %select_n3A_116 = arith.select %eq3A_114, %jit3A_115, %jit3A_112 : i32
      %rem3A_117 = arith.remsi %add3A_111, %select_n3A_116 : i32
      %ne3A_118 = arith.constant 0 : i32
      %ne3A_119 = arith.cmpi ne, %rem3A_117, %ne3A_118 : i32
      %lt3A_120 = arith.constant 0 : i32
      %lt3A_121 = arith.cmpi slt, %rem3A_117, %lt3A_120 : i32
      %lt3A_122 = arith.constant 0 : i32
      %lt3A_123 = arith.cmpi slt, %select_n3A_116, %lt3A_122 : i32
      %ne3A_124 = arith.xori %lt3A_121, %lt3A_123 : i1
      %and3A_125 = arith.andi %ne3A_124, %ne3A_119 : i1
      %add3A_126 = arith.addi %rem3A_117, %select_n3A_116 : i32
      %select_n3A_127 = arith.select %and3A_125, %add3A_126, %rem3A_117 : i32
      %add3A_128 = arith.addi %mul3A_2, %add3A_98 : i32
      %mul3A_129 = arith.constant 256 : i32
      %mul3A_130 = arith.muli %add3A_128, %mul3A_129 : i32
      %add3A_131 = arith.constant 0 : i32
      %add3A_132 = arith.addi %add3A_131, %mul3A_130 : i32
      %dma_wait3A_133 = arith.constant 1 : i32
      %dma_wait3A_134 = arith.constant 0 : i32
      %dma_wait3A_135 = tpu.memref_slice %arg5[%dma_wait3A_133, %dma_wait3A_134] : memref<2x256xi32, #tpu.memory_space<vmem>> -> memref<1x256xi32, #tpu.memory_space<vmem>>
      %dma_wait3A_136 = tpu.memref_squeeze %dma_wait3A_135 : memref<1x256xi32, #tpu.memory_space<vmem>> -> memref<256xi32, #tpu.memory_space<vmem>>
      %dma_wait3A_137 = tpu.memref_slice %arg2[%add3A_132] : memref<3276800xi32, #tpu.memory_space<hbm>> -> memref<256xi32, #tpu.memory_space<hbm>>
      %dma_wait3A_138 = arith.constant 0 : i32
      %dma_wait3A_139 = tpu.memref_slice %arg5[%dma_wait3A_133, %dma_wait3A_138] : memref<2x256xi32, #tpu.memory_space<vmem>> -> memref<1x256xi32, #tpu.memory_space<vmem>>
      %dma_wait3A_140 = tpu.memref_squeeze %dma_wait3A_139 : memref<1x256xi32, #tpu.memory_space<vmem>> -> memref<256xi32, #tpu.memory_space<vmem>>
      %dma_wait3A_141 = tpu.memref_slice %arg2[%add3A_132] : memref<3276800xi32, #tpu.memory_space<hbm>> -> memref<256xi32, #tpu.memory_space<hbm>>
      tpu.wait_dma2 semaphore(%arg9 : memref<!tpu.dma_semaphore, #tpu.memory_space<semaphore_mem>>) src(%dma_wait3A_141 : memref<256xi32, #tpu.memory_space<hbm>>) dst(%dma_wait3A_140 : memref<256xi32, #tpu.memory_space<vmem>>)
      %dma_wait3A_142 = arith.constant 0 : i32
      %dma_wait3A_143 = arith.constant 0 : i32
      %dma_wait3A_144 = arith.constant 0 : i32
      %dma_wait3A_145 = arith.constant 0 : i32
      %dma_wait3A_146 = tpu.memref_slice %arg6[%dma_wait3A_143, %dma_wait3A_144, %dma_wait3A_145] : memref<2x256x32xf32, #tpu.memory_space<vmem>> -> memref<1x256x32xf32, #tpu.memory_space<vmem>>
      %dma_wait3A_147 = tpu.memref_squeeze %dma_wait3A_146 : memref<1x256x32xf32, #tpu.memory_space<vmem>> -> memref<256x32xf32, #tpu.memory_space<vmem>>
      %dma_wait3A_148 = arith.constant 0 : i32
      %dma_wait3A_149 = tpu.memref_slice %arg5[%dma_wait3A_142, %dma_wait3A_148] : memref<2x256xi32, #tpu.memory_space<vmem>> -> memref<1x256xi32, #tpu.memory_space<vmem>>
      %dma_wait3A_150 = tpu.memref_squeeze %dma_wait3A_149 : memref<1x256xi32, #tpu.memory_space<vmem>> -> memref<256xi32, #tpu.memory_space<vmem>>
      %dma_wait3A_151 = arith.constant 0 : i32
      %dma_wait3A_152 = arith.constant 0 : i32
      %dma_wait3A_153 = tpu.memref_slice %arg7[%dma_wait3A_151, %dma_wait3A_152] : memref<50000x32xf32, #tpu.memory_space<vmem_shared>> -> memref<50000x32xf32, #tpu.memory_space<vmem_shared>>
      tpu.wait_indirect_dma semaphore(%arg10 : memref<!tpu.dma_semaphore, #tpu.memory_space<semaphore_mem>>) src(%dma_wait3A_153 : memref<50000x32xf32, #tpu.memory_space<vmem_shared>>) dst(%dma_wait3A_147 : memref<256x32xf32, #tpu.memory_space<vmem>>)
      %add3A_154 = arith.addi %mul3A_2, %select_n3A_109 : i32
      %mul3A_155 = arith.constant 256 : i32
      %mul3A_156 = arith.muli %add3A_154, %mul3A_155 : i32
      %add3A_157 = arith.constant 0 : i32
      %add3A_158 = arith.addi %add3A_157, %mul3A_156 : i32
      %dma_start3A_159 = arith.constant 0 : i32
      %dma_start3A_160 = arith.constant 0 : i32
      %dma_start3A_161 = tpu.memref_slice %arg5[%dma_start3A_159, %dma_start3A_160] : memref<2x256xi32, #tpu.memory_space<vmem>> -> memref<1x256xi32, #tpu.memory_space<vmem>>
      %dma_start3A_162 = tpu.memref_squeeze %dma_start3A_161 : memref<1x256xi32, #tpu.memory_space<vmem>> -> memref<256xi32, #tpu.memory_space<vmem>>
      %dma_start3A_163 = tpu.memref_slice %arg2[%add3A_158] : memref<3276800xi32, #tpu.memory_space<hbm>> -> memref<256xi32, #tpu.memory_space<hbm>>
      %dma_start3A_164 = arith.constant 0 : i32
      %dma_start3A_165 = tpu.memref_slice %arg5[%dma_start3A_159, %dma_start3A_164] : memref<2x256xi32, #tpu.memory_space<vmem>> -> memref<1x256xi32, #tpu.memory_space<vmem>>
      %dma_start3A_166 = tpu.memref_squeeze %dma_start3A_165 : memref<1x256xi32, #tpu.memory_space<vmem>> -> memref<256xi32, #tpu.memory_space<vmem>>
      %dma_start3A_167 = tpu.memref_slice %arg2[%add3A_158] : memref<3276800xi32, #tpu.memory_space<hbm>> -> memref<256xi32, #tpu.memory_space<hbm>>
      tpu.enqueue_dma source(%dma_start3A_167 : memref<256xi32, #tpu.memory_space<hbm>>) target(%dma_start3A_166 : memref<256xi32, #tpu.memory_space<vmem>>) target_semaphore(%arg8 : memref<!tpu.dma_semaphore, #tpu.memory_space<semaphore_mem>>)
      %dma_start3A_168 = arith.constant 1 : i32
      %dma_start3A_169 = arith.constant 1 : i32
      %dma_start3A_170 = arith.constant 0 : i32
      %dma_start3A_171 = arith.constant 0 : i32
      %dma_start3A_172 = tpu.memref_slice %arg6[%dma_start3A_169, %dma_start3A_170, %dma_start3A_171] : memref<2x256x32xf32, #tpu.memory_space<vmem>> -> memref<1x256x32xf32, #tpu.memory_space<vmem>>
      %dma_start3A_173 = tpu.memref_squeeze %dma_start3A_172 : memref<1x256x32xf32, #tpu.memory_space<vmem>> -> memref<256x32xf32, #tpu.memory_space<vmem>>
      %dma_start3A_174 = arith.constant 0 : i32
      %dma_start3A_175 = tpu.memref_slice %arg5[%dma_start3A_168, %dma_start3A_174] : memref<2x256xi32, #tpu.memory_space<vmem>> -> memref<1x256xi32, #tpu.memory_space<vmem>>
      %dma_start3A_176 = tpu.memref_squeeze %dma_start3A_175 : memref<1x256xi32, #tpu.memory_space<vmem>> -> memref<256xi32, #tpu.memory_space<vmem>>
      %dma_start3A_177 = arith.constant 0 : i32
      %dma_start3A_178 = arith.constant 0 : i32
      %dma_start3A_179 = tpu.memref_slice %arg7[%dma_start3A_177, %dma_start3A_178] : memref<50000x32xf32, #tpu.memory_space<vmem_shared>> -> memref<50000x32xf32, #tpu.memory_space<vmem_shared>>
      tpu.enqueue_indirect_dma source(%dma_start3A_179 : memref<50000x32xf32, #tpu.memory_space<vmem_shared>>) target(%dma_start3A_173 : memref<256x32xf32, #tpu.memory_space<vmem>>) offsets(%dma_start3A_176 : memref<256xi32, #tpu.memory_space<vmem>>) semaphore(%arg11 : memref<!tpu.dma_semaphore, #tpu.memory_space<semaphore_mem>>)
      %add3A_180 = arith.addi %mul3A_2, %mul3A_96 : i32
      %jit3A_181 = arith.constant 64 : i32
      %div3A = arith.divsi %add3A_180, %jit3A_181 : i32
      %sign3A = arith.constant 0 : i32
      %sign3A_182 = arith.cmpi sgt, %add3A_180, %sign3A : i32
      %sign3A_183 = arith.extui %sign3A_182 : i1 to i32
      %sign3A_184 = arith.constant 0 : i32
      %sign3A_185 = arith.cmpi slt, %add3A_180, %sign3A_184 : i32
      %sign3A_186 = arith.extui %sign3A_185 : i1 to i32
      %sign3A_187 = arith.subi %sign3A_183, %sign3A_186 : i32
      %sign3A_188 = arith.constant 0 : i32
      %sign3A_189 = arith.cmpi sgt, %jit3A_181, %sign3A_188 : i32
      %sign3A_190 = arith.extui %sign3A_189 : i1 to i32
      %sign3A_191 = arith.constant 0 : i32
      %sign3A_192 = arith.cmpi slt, %jit3A_181, %sign3A_191 : i32
      %sign3A_193 = arith.extui %sign3A_192 : i1 to i32
      %sign3A_194 = arith.subi %sign3A_190, %sign3A_193 : i32
      %ne3A_195 = arith.cmpi ne, %sign3A_187, %sign3A_194 : i32
      %rem3A_196 = arith.remsi %add3A_180, %jit3A_181 : i32
      %ne3A_197 = arith.constant 0 : i32
      %ne3A_198 = arith.cmpi ne, %rem3A_196, %ne3A_197 : i32
      %and3A_199 = arith.andi %ne3A_195, %ne3A_198 : i1
      %sub3A = arith.constant 1 : i32
      %sub3A_200 = arith.subi %div3A, %sub3A : i32
      %select_n3A_201 = arith.select %and3A_199, %sub3A_200, %div3A : i32
      %jit3A_202 = arith.constant 16 : i32
      %div3A_203 = arith.divsi %add3A_180, %jit3A_202 : i32
      %sign3A_204 = arith.constant 0 : i32
      %sign3A_205 = arith.cmpi sgt, %add3A_180, %sign3A_204 : i32
      %sign3A_206 = arith.extui %sign3A_205 : i1 to i32
      %sign3A_207 = arith.constant 0 : i32
      %sign3A_208 = arith.cmpi slt, %add3A_180, %sign3A_207 : i32
      %sign3A_209 = arith.extui %sign3A_208 : i1 to i32
      %sign3A_210 = arith.subi %sign3A_206, %sign3A_209 : i32
      %sign3A_211 = arith.constant 0 : i32
      %sign3A_212 = arith.cmpi sgt, %jit3A_202, %sign3A_211 : i32
      %sign3A_213 = arith.extui %sign3A_212 : i1 to i32
      %sign3A_214 = arith.constant 0 : i32
      %sign3A_215 = arith.cmpi slt, %jit3A_202, %sign3A_214 : i32
      %sign3A_216 = arith.extui %sign3A_215 : i1 to i32
      %sign3A_217 = arith.subi %sign3A_213, %sign3A_216 : i32
      %ne3A_218 = arith.cmpi ne, %sign3A_210, %sign3A_217 : i32
      %rem3A_219 = arith.remsi %add3A_180, %jit3A_202 : i32
      %ne3A_220 = arith.constant 0 : i32
      %ne3A_221 = arith.cmpi ne, %rem3A_219, %ne3A_220 : i32
      %and3A_222 = arith.andi %ne3A_218, %ne3A_221 : i1
      %sub3A_223 = arith.constant 1 : i32
      %sub3A_224 = arith.subi %div3A_203, %sub3A_223 : i32
      %select_n3A_225 = arith.select %and3A_222, %sub3A_224, %div3A_203 : i32
      %jit3A_226 = arith.constant 4 : i32
      %eq3A_227 = arith.constant 0 : i32
      %eq3A_228 = arith.cmpi eq, %jit3A_226, %eq3A_227 : i32
      %jit3A_229 = arith.constant 1 : i32
      %select_n3A_230 = arith.select %eq3A_228, %jit3A_229, %jit3A_226 : i32
      %rem3A_231 = arith.remsi %select_n3A_225, %select_n3A_230 : i32
      %ne3A_232 = arith.constant 0 : i32
      %ne3A_233 = arith.cmpi ne, %rem3A_231, %ne3A_232 : i32
      %lt3A_234 = arith.constant 0 : i32
      %lt3A_235 = arith.cmpi slt, %rem3A_231, %lt3A_234 : i32
      %lt3A_236 = arith.constant 0 : i32
      %lt3A_237 = arith.cmpi slt, %select_n3A_230, %lt3A_236 : i32
      %ne3A_238 = arith.xori %lt3A_235, %lt3A_237 : i1
      %and3A_239 = arith.andi %ne3A_238, %ne3A_233 : i1
      %add3A_240 = arith.addi %rem3A_231, %select_n3A_230 : i32
      %select_n3A_241 = arith.select %and3A_239, %add3A_240, %rem3A_231 : i32
      %jit3A_242 = arith.constant 16 : i32
      %eq3A_243 = arith.constant 0 : i32
      %eq3A_244 = arith.cmpi eq, %jit3A_242, %eq3A_243 : i32
      %jit3A_245 = arith.constant 1 : i32
      %select_n3A_246 = arith.select %eq3A_244, %jit3A_245, %jit3A_242 : i32
      %rem3A_247 = arith.remsi %add3A_180, %select_n3A_246 : i32
      %ne3A_248 = arith.constant 0 : i32
      %ne3A_249 = arith.cmpi ne, %rem3A_247, %ne3A_248 : i32
      %lt3A_250 = arith.constant 0 : i32
      %lt3A_251 = arith.cmpi slt, %rem3A_247, %lt3A_250 : i32
      %lt3A_252 = arith.constant 0 : i32
      %lt3A_253 = arith.cmpi slt, %select_n3A_246, %lt3A_252 : i32
      %ne3A_254 = arith.xori %lt3A_251, %lt3A_253 : i1
      %and3A_255 = arith.andi %ne3A_254, %ne3A_249 : i1
      %add3A_256 = arith.addi %rem3A_247, %select_n3A_246 : i32
      %select_n3A_257 = arith.select %and3A_255, %add3A_256, %rem3A_247 : i32
      %mul3A_258 = arith.constant 256 : i32
      %mul3A_259 = arith.muli %select_n3A_257, %mul3A_258 : i32
      %dma_start3A_260 = arith.constant 0 : i32
      %dma_start3A_261 = arith.constant 0 : i32
      %dma_start3A_262 = arith.constant 0 : i32
      %dma_start3A_263 = tpu.memref_slice %arg6[%dma_start3A_260, %dma_start3A_261, %dma_start3A_262] : memref<2x256x32xf32, #tpu.memory_space<vmem>> -> memref<1x256x32xf32, #tpu.memory_space<vmem>>
      %dma_start3A_264 = tpu.memref_squeeze %dma_start3A_263 : memref<1x256x32xf32, #tpu.memory_space<vmem>> -> memref<256x32xf32, #tpu.memory_space<vmem>>
      %dma_start3A_265 = arith.constant 0 : i32
      %dma_start3A_266 = tpu.memref_slice %arg4[%select_n3A_201, %mul3A_259, %select_n3A_241, %dma_start3A_265] : memref<50x4096x4x32xf32, #tpu.memory_space<hbm>> -> memref<1x256x1x32xf32, #tpu.memory_space<hbm>>
      %dma_start3A_267 = tpu.memref_squeeze %dma_start3A_266 : memref<1x256x1x32xf32, #tpu.memory_space<hbm>> -> memref<256x32xf32, #tpu.memory_space<hbm>>
      %dma_start3A_268 = arith.constant 0 : i32
      %dma_start3A_269 = tpu.memref_slice %arg4[%select_n3A_201, %mul3A_259, %select_n3A_241, %dma_start3A_268] : memref<50x4096x4x32xf32, #tpu.memory_space<hbm>> -> memref<1x256x1x32xf32, #tpu.memory_space<hbm>>
      %dma_start3A_270 = tpu.memref_squeeze %dma_start3A_269 : memref<1x256x1x32xf32, #tpu.memory_space<hbm>> -> memref<256x32xf32, #tpu.memory_space<hbm>>
      %dma_start3A_271 = arith.constant 0 : i32
      %dma_start3A_272 = arith.constant 0 : i32
      %dma_start3A_273 = tpu.memref_slice %arg6[%dma_start3A_260, %dma_start3A_271, %dma_start3A_272] : memref<2x256x32xf32, #tpu.memory_space<vmem>> -> memref<1x256x32xf32, #tpu.memory_space<vmem>>
      %dma_start3A_274 = tpu.memref_squeeze %dma_start3A_273 : memref<1x256x32xf32, #tpu.memory_space<vmem>> -> memref<256x32xf32, #tpu.memory_space<vmem>>
      tpu.enqueue_dma source(%dma_start3A_274 : memref<256x32xf32, #tpu.memory_space<vmem>>) target(%dma_start3A_270 : memref<256x32xf32, #tpu.memory_space<hbm>>) target_semaphore(%arg12 : memref<!tpu.dma_semaphore, #tpu.memory_space<semaphore_mem>>)
      %dma_wait3A_275 = arith.constant 1 : i32
      %dma_wait3A_276 = arith.constant 1 : i32
      %dma_wait3A_277 = arith.constant 0 : i32
      %dma_wait3A_278 = arith.constant 0 : i32
      %dma_wait3A_279 = tpu.memref_slice %arg6[%dma_wait3A_276, %dma_wait3A_277, %dma_wait3A_278] : memref<2x256x32xf32, #tpu.memory_space<vmem>> -> memref<1x256x32xf32, #tpu.memory_space<vmem>>
      %dma_wait3A_280 = tpu.memref_squeeze %dma_wait3A_279 : memref<1x256x32xf32, #tpu.memory_space<vmem>> -> memref<256x32xf32, #tpu.memory_space<vmem>>
      %dma_wait3A_281 = arith.constant 0 : i32
      %dma_wait3A_282 = tpu.memref_slice %arg5[%dma_wait3A_275, %dma_wait3A_281] : memref<2x256xi32, #tpu.memory_space<vmem>> -> memref<1x256xi32, #tpu.memory_space<vmem>>
      %dma_wait3A_283 = tpu.memref_squeeze %dma_wait3A_282 : memref<1x256xi32, #tpu.memory_space<vmem>> -> memref<256xi32, #tpu.memory_space<vmem>>
      %dma_wait3A_284 = arith.constant 0 : i32
      %dma_wait3A_285 = arith.constant 0 : i32
      %dma_wait3A_286 = tpu.memref_slice %arg7[%dma_wait3A_284, %dma_wait3A_285] : memref<50000x32xf32, #tpu.memory_space<vmem_shared>> -> memref<50000x32xf32, #tpu.memory_space<vmem_shared>>
      tpu.wait_indirect_dma semaphore(%arg11 : memref<!tpu.dma_semaphore, #tpu.memory_space<semaphore_mem>>) src(%dma_wait3A_286 : memref<50000x32xf32, #tpu.memory_space<vmem_shared>>) dst(%dma_wait3A_280 : memref<256x32xf32, #tpu.memory_space<vmem>>)
      %add3A_287 = arith.addi %mul3A_2, %select_n3A_127 : i32
      %mul3A_288 = arith.constant 256 : i32
      %mul3A_289 = arith.muli %add3A_287, %mul3A_288 : i32
      %add3A_290 = arith.constant 0 : i32
      %add3A_291 = arith.addi %add3A_290, %mul3A_289 : i32
      %dma_start3A_292 = arith.constant 1 : i32
      %dma_start3A_293 = arith.constant 0 : i32
      %dma_start3A_294 = tpu.memref_slice %arg5[%dma_start3A_292, %dma_start3A_293] : memref<2x256xi32, #tpu.memory_space<vmem>> -> memref<1x256xi32, #tpu.memory_space<vmem>>
      %dma_start3A_295 = tpu.memref_squeeze %dma_start3A_294 : memref<1x256xi32, #tpu.memory_space<vmem>> -> memref<256xi32, #tpu.memory_space<vmem>>
      %dma_start3A_296 = tpu.memref_slice %arg2[%add3A_291] : memref<3276800xi32, #tpu.memory_space<hbm>> -> memref<256xi32, #tpu.memory_space<hbm>>
      %dma_start3A_297 = arith.constant 0 : i32
      %dma_start3A_298 = tpu.memref_slice %arg5[%dma_start3A_292, %dma_start3A_297] : memref<2x256xi32, #tpu.memory_space<vmem>> -> memref<1x256xi32, #tpu.memory_space<vmem>>
      %dma_start3A_299 = tpu.memref_squeeze %dma_start3A_298 : memref<1x256xi32, #tpu.memory_space<vmem>> -> memref<256xi32, #tpu.memory_space<vmem>>
      %dma_start3A_300 = tpu.memref_slice %arg2[%add3A_291] : memref<3276800xi32, #tpu.memory_space<hbm>> -> memref<256xi32, #tpu.memory_space<hbm>>
      tpu.enqueue_dma source(%dma_start3A_300 : memref<256xi32, #tpu.memory_space<hbm>>) target(%dma_start3A_299 : memref<256xi32, #tpu.memory_space<vmem>>) target_semaphore(%arg9 : memref<!tpu.dma_semaphore, #tpu.memory_space<semaphore_mem>>)
      %add3A_301 = arith.addi %mul3A_2, %mul3A_96 : i32
      %jit3A_302 = arith.constant 64 : i32
      %div3A_303 = arith.divsi %add3A_301, %jit3A_302 : i32
      %sign3A_304 = arith.constant 0 : i32
      %sign3A_305 = arith.cmpi sgt, %add3A_301, %sign3A_304 : i32
      %sign3A_306 = arith.extui %sign3A_305 : i1 to i32
      %sign3A_307 = arith.constant 0 : i32
      %sign3A_308 = arith.cmpi slt, %add3A_301, %sign3A_307 : i32
      %sign3A_309 = arith.extui %sign3A_308 : i1 to i32
      %sign3A_310 = arith.subi %sign3A_306, %sign3A_309 : i32
      %sign3A_311 = arith.constant 0 : i32
      %sign3A_312 = arith.cmpi sgt, %jit3A_302, %sign3A_311 : i32
      %sign3A_313 = arith.extui %sign3A_312 : i1 to i32
      %sign3A_314 = arith.constant 0 : i32
      %sign3A_315 = arith.cmpi slt, %jit3A_302, %sign3A_314 : i32
      %sign3A_316 = arith.extui %sign3A_315 : i1 to i32
      %sign3A_317 = arith.subi %sign3A_313, %sign3A_316 : i32
      %ne3A_318 = arith.cmpi ne, %sign3A_310, %sign3A_317 : i32
      %rem3A_319 = arith.remsi %add3A_301, %jit3A_302 : i32
      %ne3A_320 = arith.constant 0 : i32
      %ne3A_321 = arith.cmpi ne, %rem3A_319, %ne3A_320 : i32
      %and3A_322 = arith.andi %ne3A_318, %ne3A_321 : i1
      %sub3A_323 = arith.constant 1 : i32
      %sub3A_324 = arith.subi %div3A_303, %sub3A_323 : i32
      %select_n3A_325 = arith.select %and3A_322, %sub3A_324, %div3A_303 : i32
      %jit3A_326 = arith.constant 16 : i32
      %div3A_327 = arith.divsi %add3A_301, %jit3A_326 : i32
      %sign3A_328 = arith.constant 0 : i32
      %sign3A_329 = arith.cmpi sgt, %add3A_301, %sign3A_328 : i32
      %sign3A_330 = arith.extui %sign3A_329 : i1 to i32
      %sign3A_331 = arith.constant 0 : i32
      %sign3A_332 = arith.cmpi slt, %add3A_301, %sign3A_331 : i32
      %sign3A_333 = arith.extui %sign3A_332 : i1 to i32
      %sign3A_334 = arith.subi %sign3A_330, %sign3A_333 : i32
      %sign3A_335 = arith.constant 0 : i32
      %sign3A_336 = arith.cmpi sgt, %jit3A_326, %sign3A_335 : i32
      %sign3A_337 = arith.extui %sign3A_336 : i1 to i32
      %sign3A_338 = arith.constant 0 : i32
      %sign3A_339 = arith.cmpi slt, %jit3A_326, %sign3A_338 : i32
      %sign3A_340 = arith.extui %sign3A_339 : i1 to i32
      %sign3A_341 = arith.subi %sign3A_337, %sign3A_340 : i32
      %ne3A_342 = arith.cmpi ne, %sign3A_334, %sign3A_341 : i32
      %rem3A_343 = arith.remsi %add3A_301, %jit3A_326 : i32
      %ne3A_344 = arith.constant 0 : i32
      %ne3A_345 = arith.cmpi ne, %rem3A_343, %ne3A_344 : i32
      %and3A_346 = arith.andi %ne3A_342, %ne3A_345 : i1
      %sub3A_347 = arith.constant 1 : i32
      %sub3A_348 = arith.subi %div3A_327, %sub3A_347 : i32
      %select_n3A_349 = arith.select %and3A_346, %sub3A_348, %div3A_327 : i32
      %jit3A_350 = arith.constant 4 : i32
      %eq3A_351 = arith.constant 0 : i32
      %eq3A_352 = arith.cmpi eq, %jit3A_350, %eq3A_351 : i32
      %jit3A_353 = arith.constant 1 : i32
      %select_n3A_354 = arith.select %eq3A_352, %jit3A_353, %jit3A_350 : i32
      %rem3A_355 = arith.remsi %select_n3A_349, %select_n3A_354 : i32
      %ne3A_356 = arith.constant 0 : i32
      %ne3A_357 = arith.cmpi ne, %rem3A_355, %ne3A_356 : i32
      %lt3A_358 = arith.constant 0 : i32
      %lt3A_359 = arith.cmpi slt, %rem3A_355, %lt3A_358 : i32
      %lt3A_360 = arith.constant 0 : i32
      %lt3A_361 = arith.cmpi slt, %select_n3A_354, %lt3A_360 : i32
      %ne3A_362 = arith.xori %lt3A_359, %lt3A_361 : i1
      %and3A_363 = arith.andi %ne3A_362, %ne3A_357 : i1
      %add3A_364 = arith.addi %rem3A_355, %select_n3A_354 : i32
      %select_n3A_365 = arith.select %and3A_363, %add3A_364, %rem3A_355 : i32
      %jit3A_366 = arith.constant 16 : i32
      %eq3A_367 = arith.constant 0 : i32
      %eq3A_368 = arith.cmpi eq, %jit3A_366, %eq3A_367 : i32
      %jit3A_369 = arith.constant 1 : i32
      %select_n3A_370 = arith.select %eq3A_368, %jit3A_369, %jit3A_366 : i32
      %rem3A_371 = arith.remsi %add3A_301, %select_n3A_370 : i32
      %ne3A_372 = arith.constant 0 : i32
      %ne3A_373 = arith.cmpi ne, %rem3A_371, %ne3A_372 : i32
      %lt3A_374 = arith.constant 0 : i32
      %lt3A_375 = arith.cmpi slt, %rem3A_371, %lt3A_374 : i32
      %lt3A_376 = arith.constant 0 : i32
      %lt3A_377 = arith.cmpi slt, %select_n3A_370, %lt3A_376 : i32
      %ne3A_378 = arith.xori %lt3A_375, %lt3A_377 : i1
      %and3A_379 = arith.andi %ne3A_378, %ne3A_373 : i1
      %add3A_380 = arith.addi %rem3A_371, %select_n3A_370 : i32
      %select_n3A_381 = arith.select %and3A_379, %add3A_380, %rem3A_371 : i32
      %mul3A_382 = arith.constant 256 : i32
      %mul3A_383 = arith.muli %select_n3A_381, %mul3A_382 : i32
      %dma_wait3A_384 = arith.constant 0 : i32
      %dma_wait3A_385 = arith.constant 0 : i32
      %dma_wait3A_386 = arith.constant 0 : i32
      %dma_wait3A_387 = tpu.memref_slice %arg6[%dma_wait3A_384, %dma_wait3A_385, %dma_wait3A_386] : memref<2x256x32xf32, #tpu.memory_space<vmem>> -> memref<1x256x32xf32, #tpu.memory_space<vmem>>
      %dma_wait3A_388 = tpu.memref_squeeze %dma_wait3A_387 : memref<1x256x32xf32, #tpu.memory_space<vmem>> -> memref<256x32xf32, #tpu.memory_space<vmem>>
      %dma_wait3A_389 = arith.constant 0 : i32
      %dma_wait3A_390 = tpu.memref_slice %arg4[%select_n3A_325, %mul3A_383, %select_n3A_365, %dma_wait3A_389] : memref<50x4096x4x32xf32, #tpu.memory_space<hbm>> -> memref<1x256x1x32xf32, #tpu.memory_space<hbm>>
      %dma_wait3A_391 = tpu.memref_squeeze %dma_wait3A_390 : memref<1x256x1x32xf32, #tpu.memory_space<hbm>> -> memref<256x32xf32, #tpu.memory_space<hbm>>
      %dma_wait3A_392 = arith.constant 0 : i32
      %dma_wait3A_393 = tpu.memref_slice %arg4[%select_n3A_325, %mul3A_383, %select_n3A_365, %dma_wait3A_392] : memref<50x4096x4x32xf32, #tpu.memory_space<hbm>> -> memref<1x256x1x32xf32, #tpu.memory_space<hbm>>
      %dma_wait3A_394 = tpu.memref_squeeze %dma_wait3A_393 : memref<1x256x1x32xf32, #tpu.memory_space<hbm>> -> memref<256x32xf32, #tpu.memory_space<hbm>>
      %dma_wait3A_395 = arith.constant 0 : i32
      %dma_wait3A_396 = arith.constant 0 : i32
      %dma_wait3A_397 = tpu.memref_slice %arg6[%dma_wait3A_384, %dma_wait3A_395, %dma_wait3A_396] : memref<2x256x32xf32, #tpu.memory_space<vmem>> -> memref<1x256x32xf32, #tpu.memory_space<vmem>>
      %dma_wait3A_398 = tpu.memref_squeeze %dma_wait3A_397 : memref<1x256x32xf32, #tpu.memory_space<vmem>> -> memref<256x32xf32, #tpu.memory_space<vmem>>
      tpu.wait_dma2 semaphore(%arg12 : memref<!tpu.dma_semaphore, #tpu.memory_space<semaphore_mem>>) src(%dma_wait3A_398 : memref<256x32xf32, #tpu.memory_space<vmem>>) dst(%dma_wait3A_394 : memref<256x32xf32, #tpu.memory_space<hbm>>)
      %add3A_399 = arith.addi %mul3A_2, %select_n3A_109 : i32
      %mul3A_400 = arith.constant 256 : i32
      %mul3A_401 = arith.muli %add3A_399, %mul3A_400 : i32
      %add3A_402 = arith.constant 0 : i32
      %add3A_403 = arith.addi %add3A_402, %mul3A_401 : i32
      %dma_wait3A_404 = arith.constant 0 : i32
      %dma_wait3A_405 = arith.constant 0 : i32
      %dma_wait3A_406 = tpu.memref_slice %arg5[%dma_wait3A_404, %dma_wait3A_405] : memref<2x256xi32, #tpu.memory_space<vmem>> -> memref<1x256xi32, #tpu.memory_space<vmem>>
      %dma_wait3A_407 = tpu.memref_squeeze %dma_wait3A_406 : memref<1x256xi32, #tpu.memory_space<vmem>> -> memref<256xi32, #tpu.memory_space<vmem>>
      %dma_wait3A_408 = tpu.memref_slice %arg2[%add3A_403] : memref<3276800xi32, #tpu.memory_space<hbm>> -> memref<256xi32, #tpu.memory_space<hbm>>
      %dma_wait3A_409 = arith.constant 0 : i32
      %dma_wait3A_410 = tpu.memref_slice %arg5[%dma_wait3A_404, %dma_wait3A_409] : memref<2x256xi32, #tpu.memory_space<vmem>> -> memref<1x256xi32, #tpu.memory_space<vmem>>
      %dma_wait3A_411 = tpu.memref_squeeze %dma_wait3A_410 : memref<1x256xi32, #tpu.memory_space<vmem>> -> memref<256xi32, #tpu.memory_space<vmem>>
      %dma_wait3A_412 = tpu.memref_slice %arg2[%add3A_403] : memref<3276800xi32, #tpu.memory_space<hbm>> -> memref<256xi32, #tpu.memory_space<hbm>>
      tpu.wait_dma2 semaphore(%arg8 : memref<!tpu.dma_semaphore, #tpu.memory_space<semaphore_mem>>) src(%dma_wait3A_412 : memref<256xi32, #tpu.memory_space<hbm>>) dst(%dma_wait3A_411 : memref<256xi32, #tpu.memory_space<vmem>>)
      %dma_start3A_413 = arith.constant 0 : i32
      %dma_start3A_414 = arith.constant 0 : i32
      %dma_start3A_415 = arith.constant 0 : i32
      %dma_start3A_416 = arith.constant 0 : i32
      %dma_start3A_417 = tpu.memref_slice %arg6[%dma_start3A_414, %dma_start3A_415, %dma_start3A_416] : memref<2x256x32xf32, #tpu.memory_space<vmem>> -> memref<1x256x32xf32, #tpu.memory_space<vmem>>
      %dma_start3A_418 = tpu.memref_squeeze %dma_start3A_417 : memref<1x256x32xf32, #tpu.memory_space<vmem>> -> memref<256x32xf32, #tpu.memory_space<vmem>>
      %dma_start3A_419 = arith.constant 0 : i32
      %dma_start3A_420 = tpu.memref_slice %arg5[%dma_start3A_413, %dma_start3A_419] : memref<2x256xi32, #tpu.memory_space<vmem>> -> memref<1x256xi32, #tpu.memory_space<vmem>>
      %dma_start3A_421 = tpu.memref_squeeze %dma_start3A_420 : memref<1x256xi32, #tpu.memory_space<vmem>> -> memref<256xi32, #tpu.memory_space<vmem>>
      %dma_start3A_422 = arith.constant 0 : i32
      %dma_start3A_423 = arith.constant 0 : i32
      %dma_start3A_424 = tpu.memref_slice %arg7[%dma_start3A_422, %dma_start3A_423] : memref<50000x32xf32, #tpu.memory_space<vmem_shared>> -> memref<50000x32xf32, #tpu.memory_space<vmem_shared>>
      tpu.enqueue_indirect_dma source(%dma_start3A_424 : memref<50000x32xf32, #tpu.memory_space<vmem_shared>>) target(%dma_start3A_418 : memref<256x32xf32, #tpu.memory_space<vmem>>) offsets(%dma_start3A_421 : memref<256xi32, #tpu.memory_space<vmem>>) semaphore(%arg10 : memref<!tpu.dma_semaphore, #tpu.memory_space<semaphore_mem>>)
      %add3A_425 = arith.addi %mul3A_2, %add3A_98 : i32
      %jit3A_426 = arith.constant 64 : i32
      %div3A_427 = arith.divsi %add3A_425, %jit3A_426 : i32
      %sign3A_428 = arith.constant 0 : i32
      %sign3A_429 = arith.cmpi sgt, %add3A_425, %sign3A_428 : i32
      %sign3A_430 = arith.extui %sign3A_429 : i1 to i32
      %sign3A_431 = arith.constant 0 : i32
      %sign3A_432 = arith.cmpi slt, %add3A_425, %sign3A_431 : i32
      %sign3A_433 = arith.extui %sign3A_432 : i1 to i32
      %sign3A_434 = arith.subi %sign3A_430, %sign3A_433 : i32
      %sign3A_435 = arith.constant 0 : i32
      %sign3A_436 = arith.cmpi sgt, %jit3A_426, %sign3A_435 : i32
      %sign3A_437 = arith.extui %sign3A_436 : i1 to i32
      %sign3A_438 = arith.constant 0 : i32
      %sign3A_439 = arith.cmpi slt, %jit3A_426, %sign3A_438 : i32
      %sign3A_440 = arith.extui %sign3A_439 : i1 to i32
      %sign3A_441 = arith.subi %sign3A_437, %sign3A_440 : i32
      %ne3A_442 = arith.cmpi ne, %sign3A_434, %sign3A_441 : i32
      %rem3A_443 = arith.remsi %add3A_425, %jit3A_426 : i32
      %ne3A_444 = arith.constant 0 : i32
      %ne3A_445 = arith.cmpi ne, %rem3A_443, %ne3A_444 : i32
      %and3A_446 = arith.andi %ne3A_442, %ne3A_445 : i1
      %sub3A_447 = arith.constant 1 : i32
      %sub3A_448 = arith.subi %div3A_427, %sub3A_447 : i32
      %select_n3A_449 = arith.select %and3A_446, %sub3A_448, %div3A_427 : i32
      %jit3A_450 = arith.constant 16 : i32
      %div3A_451 = arith.divsi %add3A_425, %jit3A_450 : i32
      %sign3A_452 = arith.constant 0 : i32
      %sign3A_453 = arith.cmpi sgt, %add3A_425, %sign3A_452 : i32
      %sign3A_454 = arith.extui %sign3A_453 : i1 to i32
      %sign3A_455 = arith.constant 0 : i32
      %sign3A_456 = arith.cmpi slt, %add3A_425, %sign3A_455 : i32
      %sign3A_457 = arith.extui %sign3A_456 : i1 to i32
      %sign3A_458 = arith.subi %sign3A_454, %sign3A_457 : i32
      %sign3A_459 = arith.constant 0 : i32
      %sign3A_460 = arith.cmpi sgt, %jit3A_450, %sign3A_459 : i32
      %sign3A_461 = arith.extui %sign3A_460 : i1 to i32
      %sign3A_462 = arith.constant 0 : i32
      %sign3A_463 = arith.cmpi slt, %jit3A_450, %sign3A_462 : i32
      %sign3A_464 = arith.extui %sign3A_463 : i1 to i32
      %sign3A_465 = arith.subi %sign3A_461, %sign3A_464 : i32
      %ne3A_466 = arith.cmpi ne, %sign3A_458, %sign3A_465 : i32
      %rem3A_467 = arith.remsi %add3A_425, %jit3A_450 : i32
      %ne3A_468 = arith.constant 0 : i32
      %ne3A_469 = arith.cmpi ne, %rem3A_467, %ne3A_468 : i32
      %and3A_470 = arith.andi %ne3A_466, %ne3A_469 : i1
      %sub3A_471 = arith.constant 1 : i32
      %sub3A_472 = arith.subi %div3A_451, %sub3A_471 : i32
      %select_n3A_473 = arith.select %and3A_470, %sub3A_472, %div3A_451 : i32
      %jit3A_474 = arith.constant 4 : i32
      %eq3A_475 = arith.constant 0 : i32
      %eq3A_476 = arith.cmpi eq, %jit3A_474, %eq3A_475 : i32
      %jit3A_477 = arith.constant 1 : i32
      %select_n3A_478 = arith.select %eq3A_476, %jit3A_477, %jit3A_474 : i32
      %rem3A_479 = arith.remsi %select_n3A_473, %select_n3A_478 : i32
      %ne3A_480 = arith.constant 0 : i32
      %ne3A_481 = arith.cmpi ne, %rem3A_479, %ne3A_480 : i32
      %lt3A_482 = arith.constant 0 : i32
      %lt3A_483 = arith.cmpi slt, %rem3A_479, %lt3A_482 : i32
      %lt3A_484 = arith.constant 0 : i32
      %lt3A_485 = arith.cmpi slt, %select_n3A_478, %lt3A_484 : i32
      %ne3A_486 = arith.xori %lt3A_483, %lt3A_485 : i1
      %and3A_487 = arith.andi %ne3A_486, %ne3A_481 : i1
      %add3A_488 = arith.addi %rem3A_479, %select_n3A_478 : i32
      %select_n3A_489 = arith.select %and3A_487, %add3A_488, %rem3A_479 : i32
      %jit3A_490 = arith.constant 16 : i32
      %eq3A_491 = arith.constant 0 : i32
      %eq3A_492 = arith.cmpi eq, %jit3A_490, %eq3A_491 : i32
      %jit3A_493 = arith.constant 1 : i32
      %select_n3A_494 = arith.select %eq3A_492, %jit3A_493, %jit3A_490 : i32
      %rem3A_495 = arith.remsi %add3A_425, %select_n3A_494 : i32
      %ne3A_496 = arith.constant 0 : i32
      %ne3A_497 = arith.cmpi ne, %rem3A_495, %ne3A_496 : i32
      %lt3A_498 = arith.constant 0 : i32
      %lt3A_499 = arith.cmpi slt, %rem3A_495, %lt3A_498 : i32
      %lt3A_500 = arith.constant 0 : i32
      %lt3A_501 = arith.cmpi slt, %select_n3A_494, %lt3A_500 : i32
      %ne3A_502 = arith.xori %lt3A_499, %lt3A_501 : i1
      %and3A_503 = arith.andi %ne3A_502, %ne3A_497 : i1
      %add3A_504 = arith.addi %rem3A_495, %select_n3A_494 : i32
      %select_n3A_505 = arith.select %and3A_503, %add3A_504, %rem3A_495 : i32
      %mul3A_506 = arith.constant 256 : i32
      %mul3A_507 = arith.muli %select_n3A_505, %mul3A_506 : i32
      %dma_start3A_508 = arith.constant 1 : i32
      %dma_start3A_509 = arith.constant 0 : i32
      %dma_start3A_510 = arith.constant 0 : i32
      %dma_start3A_511 = tpu.memref_slice %arg6[%dma_start3A_508, %dma_start3A_509, %dma_start3A_510] : memref<2x256x32xf32, #tpu.memory_space<vmem>> -> memref<1x256x32xf32, #tpu.memory_space<vmem>>
      %dma_start3A_512 = tpu.memref_squeeze %dma_start3A_511 : memref<1x256x32xf32, #tpu.memory_space<vmem>> -> memref<256x32xf32, #tpu.memory_space<vmem>>
      %dma_start3A_513 = arith.constant 0 : i32
      %dma_start3A_514 = tpu.memref_slice %arg4[%select_n3A_449, %mul3A_507, %select_n3A_489, %dma_start3A_513] : memref<50x4096x4x32xf32, #tpu.memory_space<hbm>> -> memref<1x256x1x32xf32, #tpu.memory_space<hbm>>
      %dma_start3A_515 = tpu.memref_squeeze %dma_start3A_514 : memref<1x256x1x32xf32, #tpu.memory_space<hbm>> -> memref<256x32xf32, #tpu.memory_space<hbm>>
      %dma_start3A_516 = arith.constant 0 : i32
      %dma_start3A_517 = tpu.memref_slice %arg4[%select_n3A_449, %mul3A_507, %select_n3A_489, %dma_start3A_516] : memref<50x4096x4x32xf32, #tpu.memory_space<hbm>> -> memref<1x256x1x32xf32, #tpu.memory_space<hbm>>
      %dma_start3A_518 = tpu.memref_squeeze %dma_start3A_517 : memref<1x256x1x32xf32, #tpu.memory_space<hbm>> -> memref<256x32xf32, #tpu.memory_space<hbm>>
      %dma_start3A_519 = arith.constant 0 : i32
      %dma_start3A_520 = arith.constant 0 : i32
      %dma_start3A_521 = tpu.memref_slice %arg6[%dma_start3A_508, %dma_start3A_519, %dma_start3A_520] : memref<2x256x32xf32, #tpu.memory_space<vmem>> -> memref<1x256x32xf32, #tpu.memory_space<vmem>>
      %dma_start3A_522 = tpu.memref_squeeze %dma_start3A_521 : memref<1x256x32xf32, #tpu.memory_space<vmem>> -> memref<256x32xf32, #tpu.memory_space<vmem>>
      tpu.enqueue_dma source(%dma_start3A_522 : memref<256x32xf32, #tpu.memory_space<vmem>>) target(%dma_start3A_518 : memref<256x32xf32, #tpu.memory_space<hbm>>) target_semaphore(%arg13 : memref<!tpu.dma_semaphore, #tpu.memory_space<semaphore_mem>>)
      %add3A_523 = arith.addi %mul3A_2, %add3A_98 : i32
      %jit3A_524 = arith.constant 64 : i32
      %div3A_525 = arith.divsi %add3A_523, %jit3A_524 : i32
      %sign3A_526 = arith.constant 0 : i32
      %sign3A_527 = arith.cmpi sgt, %add3A_523, %sign3A_526 : i32
      %sign3A_528 = arith.extui %sign3A_527 : i1 to i32
      %sign3A_529 = arith.constant 0 : i32
      %sign3A_530 = arith.cmpi slt, %add3A_523, %sign3A_529 : i32
      %sign3A_531 = arith.extui %sign3A_530 : i1 to i32
      %sign3A_532 = arith.subi %sign3A_528, %sign3A_531 : i32
      %sign3A_533 = arith.constant 0 : i32
      %sign3A_534 = arith.cmpi sgt, %jit3A_524, %sign3A_533 : i32
      %sign3A_535 = arith.extui %sign3A_534 : i1 to i32
      %sign3A_536 = arith.constant 0 : i32
      %sign3A_537 = arith.cmpi slt, %jit3A_524, %sign3A_536 : i32
      %sign3A_538 = arith.extui %sign3A_537 : i1 to i32
      %sign3A_539 = arith.subi %sign3A_535, %sign3A_538 : i32
      %ne3A_540 = arith.cmpi ne, %sign3A_532, %sign3A_539 : i32
      %rem3A_541 = arith.remsi %add3A_523, %jit3A_524 : i32
      %ne3A_542 = arith.constant 0 : i32
      %ne3A_543 = arith.cmpi ne, %rem3A_541, %ne3A_542 : i32
      %and3A_544 = arith.andi %ne3A_540, %ne3A_543 : i1
      %sub3A_545 = arith.constant 1 : i32
      %sub3A_546 = arith.subi %div3A_525, %sub3A_545 : i32
      %select_n3A_547 = arith.select %and3A_544, %sub3A_546, %div3A_525 : i32
      %jit3A_548 = arith.constant 16 : i32
      %div3A_549 = arith.divsi %add3A_523, %jit3A_548 : i32
      %sign3A_550 = arith.constant 0 : i32
      %sign3A_551 = arith.cmpi sgt, %add3A_523, %sign3A_550 : i32
      %sign3A_552 = arith.extui %sign3A_551 : i1 to i32
      %sign3A_553 = arith.constant 0 : i32
      %sign3A_554 = arith.cmpi slt, %add3A_523, %sign3A_553 : i32
      %sign3A_555 = arith.extui %sign3A_554 : i1 to i32
      %sign3A_556 = arith.subi %sign3A_552, %sign3A_555 : i32
      %sign3A_557 = arith.constant 0 : i32
      %sign3A_558 = arith.cmpi sgt, %jit3A_548, %sign3A_557 : i32
      %sign3A_559 = arith.extui %sign3A_558 : i1 to i32
      %sign3A_560 = arith.constant 0 : i32
      %sign3A_561 = arith.cmpi slt, %jit3A_548, %sign3A_560 : i32
      %sign3A_562 = arith.extui %sign3A_561 : i1 to i32
      %sign3A_563 = arith.subi %sign3A_559, %sign3A_562 : i32
      %ne3A_564 = arith.cmpi ne, %sign3A_556, %sign3A_563 : i32
      %rem3A_565 = arith.remsi %add3A_523, %jit3A_548 : i32
      %ne3A_566 = arith.constant 0 : i32
      %ne3A_567 = arith.cmpi ne, %rem3A_565, %ne3A_566 : i32
      %and3A_568 = arith.andi %ne3A_564, %ne3A_567 : i1
      %sub3A_569 = arith.constant 1 : i32
      %sub3A_570 = arith.subi %div3A_549, %sub3A_569 : i32
      %select_n3A_571 = arith.select %and3A_568, %sub3A_570, %div3A_549 : i32
      %jit3A_572 = arith.constant 4 : i32
      %eq3A_573 = arith.constant 0 : i32
      %eq3A_574 = arith.cmpi eq, %jit3A_572, %eq3A_573 : i32
      %jit3A_575 = arith.constant 1 : i32
      %select_n3A_576 = arith.select %eq3A_574, %jit3A_575, %jit3A_572 : i32
      %rem3A_577 = arith.remsi %select_n3A_571, %select_n3A_576 : i32
      %ne3A_578 = arith.constant 0 : i32
      %ne3A_579 = arith.cmpi ne, %rem3A_577, %ne3A_578 : i32
      %lt3A_580 = arith.constant 0 : i32
      %lt3A_581 = arith.cmpi slt, %rem3A_577, %lt3A_580 : i32
      %lt3A_582 = arith.constant 0 : i32
      %lt3A_583 = arith.cmpi slt, %select_n3A_576, %lt3A_582 : i32
      %ne3A_584 = arith.xori %lt3A_581, %lt3A_583 : i1
      %and3A_585 = arith.andi %ne3A_584, %ne3A_579 : i1
      %add3A_586 = arith.addi %rem3A_577, %select_n3A_576 : i32
      %select_n3A_587 = arith.select %and3A_585, %add3A_586, %rem3A_577 : i32
      %jit3A_588 = arith.constant 16 : i32
      %eq3A_589 = arith.constant 0 : i32
      %eq3A_590 = arith.cmpi eq, %jit3A_588, %eq3A_589 : i32
      %jit3A_591 = arith.constant 1 : i32
      %select_n3A_592 = arith.select %eq3A_590, %jit3A_591, %jit3A_588 : i32
      %rem3A_593 = arith.remsi %add3A_523, %select_n3A_592 : i32
      %ne3A_594 = arith.constant 0 : i32
      %ne3A_595 = arith.cmpi ne, %rem3A_593, %ne3A_594 : i32
      %lt3A_596 = arith.constant 0 : i32
      %lt3A_597 = arith.cmpi slt, %rem3A_593, %lt3A_596 : i32
      %lt3A_598 = arith.constant 0 : i32
      %lt3A_599 = arith.cmpi slt, %select_n3A_592, %lt3A_598 : i32
      %ne3A_600 = arith.xori %lt3A_597, %lt3A_599 : i1
      %and3A_601 = arith.andi %ne3A_600, %ne3A_595 : i1
      %add3A_602 = arith.addi %rem3A_593, %select_n3A_592 : i32
      %select_n3A_603 = arith.select %and3A_601, %add3A_602, %rem3A_593 : i32
      %mul3A_604 = arith.constant 256 : i32
      %mul3A_605 = arith.muli %select_n3A_603, %mul3A_604 : i32
      %dma_wait3A_606 = arith.constant 1 : i32
      %dma_wait3A_607 = arith.constant 0 : i32
      %dma_wait3A_608 = arith.constant 0 : i32
      %dma_wait3A_609 = tpu.memref_slice %arg6[%dma_wait3A_606, %dma_wait3A_607, %dma_wait3A_608] : memref<2x256x32xf32, #tpu.memory_space<vmem>> -> memref<1x256x32xf32, #tpu.memory_space<vmem>>
      %dma_wait3A_610 = tpu.memref_squeeze %dma_wait3A_609 : memref<1x256x32xf32, #tpu.memory_space<vmem>> -> memref<256x32xf32, #tpu.memory_space<vmem>>
      %dma_wait3A_611 = arith.constant 0 : i32
      %dma_wait3A_612 = tpu.memref_slice %arg4[%select_n3A_547, %mul3A_605, %select_n3A_587, %dma_wait3A_611] : memref<50x4096x4x32xf32, #tpu.memory_space<hbm>> -> memref<1x256x1x32xf32, #tpu.memory_space<hbm>>
      %dma_wait3A_613 = tpu.memref_squeeze %dma_wait3A_612 : memref<1x256x1x32xf32, #tpu.memory_space<hbm>> -> memref<256x32xf32, #tpu.memory_space<hbm>>
      %dma_wait3A_614 = arith.constant 0 : i32
      %dma_wait3A_615 = tpu.memref_slice %arg4[%select_n3A_547, %mul3A_605, %select_n3A_587, %dma_wait3A_614] : memref<50x4096x4x32xf32, #tpu.memory_space<hbm>> -> memref<1x256x1x32xf32, #tpu.memory_space<hbm>>
      %dma_wait3A_616 = tpu.memref_squeeze %dma_wait3A_615 : memref<1x256x1x32xf32, #tpu.memory_space<hbm>> -> memref<256x32xf32, #tpu.memory_space<hbm>>
      %dma_wait3A_617 = arith.constant 0 : i32
      %dma_wait3A_618 = arith.constant 0 : i32
      %dma_wait3A_619 = tpu.memref_slice %arg6[%dma_wait3A_606, %dma_wait3A_617, %dma_wait3A_618] : memref<2x256x32xf32, #tpu.memory_space<vmem>> -> memref<1x256x32xf32, #tpu.memory_space<vmem>>
      %dma_wait3A_620 = tpu.memref_squeeze %dma_wait3A_619 : memref<1x256x32xf32, #tpu.memory_space<vmem>> -> memref<256x32xf32, #tpu.memory_space<vmem>>
      tpu.wait_dma2 semaphore(%arg13 : memref<!tpu.dma_semaphore, #tpu.memory_space<semaphore_mem>>) src(%dma_wait3A_620 : memref<256x32xf32, #tpu.memory_space<vmem>>) dst(%dma_wait3A_616 : memref<256x32xf32, #tpu.memory_space<hbm>>)
    }
    %scan3A_66 = arith.constant 50 : i32
    %dma_wait3A_67 = arith.constant 0 : i32
    %dma_wait3A_68 = arith.constant 0 : i32
    %dma_wait3A_69 = arith.constant 0 : i32
    %dma_wait3A_70 = arith.constant 0 : i32
    %dma_wait3A_71 = tpu.memref_slice %arg6[%dma_wait3A_68, %dma_wait3A_69, %dma_wait3A_70] : memref<2x256x32xf32, #tpu.memory_space<vmem>> -> memref<1x256x32xf32, #tpu.memory_space<vmem>>
    %dma_wait3A_72 = tpu.memref_squeeze %dma_wait3A_71 : memref<1x256x32xf32, #tpu.memory_space<vmem>> -> memref<256x32xf32, #tpu.memory_space<vmem>>
    %dma_wait3A_73 = arith.constant 0 : i32
    %dma_wait3A_74 = tpu.memref_slice %arg5[%dma_wait3A_67, %dma_wait3A_73] : memref<2x256xi32, #tpu.memory_space<vmem>> -> memref<1x256xi32, #tpu.memory_space<vmem>>
    %dma_wait3A_75 = tpu.memref_squeeze %dma_wait3A_74 : memref<1x256xi32, #tpu.memory_space<vmem>> -> memref<256xi32, #tpu.memory_space<vmem>>
    %dma_wait3A_76 = arith.constant 0 : i32
    %dma_wait3A_77 = arith.constant 0 : i32
    %dma_wait3A_78 = tpu.memref_slice %arg7[%dma_wait3A_76, %dma_wait3A_77] : memref<50000x32xf32, #tpu.memory_space<vmem_shared>> -> memref<50000x32xf32, #tpu.memory_space<vmem_shared>>
    tpu.wait_indirect_dma semaphore(%arg10 : memref<!tpu.dma_semaphore, #tpu.memory_space<semaphore_mem>>) src(%dma_wait3A_78 : memref<50000x32xf32, #tpu.memory_space<vmem_shared>>) dst(%dma_wait3A_72 : memref<256x32xf32, #tpu.memory_space<vmem>>)
    %add3A_79 = arith.constant 1 : i32
    %add3A_80 = arith.addi %mul3A_2, %add3A_79 : i32
    %mul3A_81 = arith.constant 256 : i32
    %mul3A_82 = arith.muli %add3A_80, %mul3A_81 : i32
    %add3A_83 = arith.constant 0 : i32
    %add3A_84 = arith.addi %add3A_83, %mul3A_82 : i32
    %dma_wait3A_85 = arith.constant 1 : i32
    %dma_wait3A_86 = arith.constant 0 : i32
    %dma_wait3A_87 = tpu.memref_slice %arg5[%dma_wait3A_85, %dma_wait3A_86] : memref<2x256xi32, #tpu.memory_space<vmem>> -> memref<1x256xi32, #tpu.memory_space<vmem>>
    %dma_wait3A_88 = tpu.memref_squeeze %dma_wait3A_87 : memref<1x256xi32, #tpu.memory_space<vmem>> -> memref<256xi32, #tpu.memory_space<vmem>>
    %dma_wait3A_89 = tpu.memref_slice %arg2[%add3A_84] : memref<3276800xi32, #tpu.memory_space<hbm>> -> memref<256xi32, #tpu.memory_space<hbm>>
    %dma_wait3A_90 = arith.constant 0 : i32
    %dma_wait3A_91 = tpu.memref_slice %arg5[%dma_wait3A_85, %dma_wait3A_90] : memref<2x256xi32, #tpu.memory_space<vmem>> -> memref<1x256xi32, #tpu.memory_space<vmem>>
    %dma_wait3A_92 = tpu.memref_squeeze %dma_wait3A_91 : memref<1x256xi32, #tpu.memory_space<vmem>> -> memref<256xi32, #tpu.memory_space<vmem>>
    %dma_wait3A_93 = tpu.memref_slice %arg2[%add3A_84] : memref<3276800xi32, #tpu.memory_space<hbm>> -> memref<256xi32, #tpu.memory_space<hbm>>
    tpu.wait_dma2 semaphore(%arg9 : memref<!tpu.dma_semaphore, #tpu.memory_space<semaphore_mem>>) src(%dma_wait3A_93 : memref<256xi32, #tpu.memory_space<hbm>>) dst(%dma_wait3A_92 : memref<256xi32, #tpu.memory_space<vmem>>)
    return
  }
}

module attributes {stable_mosaic.version = 14 : i64} {
  func.func @_transpose_body(%arg0: i32, %arg1: memref<4096x128xf32, #tpu.memory_space<vmem>>, %arg2: memref<1x32x16384xf32, #tpu.memory_space<vmem>>) attributes {dimension_semantics = [#tpu.dimension_semantics<arbitrary>], iteration_bounds = array<i64: 50>, scalar_prefetch = 0 : i64, scratch_operands = 0 : i64, tpu.core_type = #tpu.core_type<tc>, window_params = [{transform_indices = @transform_0, window_bounds = array<i64: 4096, 128>}, {transform_indices = @transform_1, window_bounds = array<i64: 1, 32, 16384>}]} {
    %get3A = arith.constant 0 : index
    %get3A_0 = arith.constant 0 : index
    %get3A_1 = vector.load %arg1[%get3A, %get3A_0] : memref<4096x128xf32, #tpu.memory_space<vmem>>, vector<4096x128xf32>
    %transpose3A = tpu.transpose %get3A_1, [1, 0] : vector<4096x128xf32> -> vector<128x4096xf32>
    %slice3A = vector.extract_strided_slice %transpose3A {offsets = [0, 0], sizes = [32, 4096], strides = [1, 1]} : vector<128x4096xf32> to vector<32x4096xf32>
    %swap3A = arith.constant 0 : index
    %swap3A_2 = arith.constant 0 : index
    %swap3A_3 = arith.constant 0 : index
    %swap3A_4 = vector.load %arg2[%swap3A, %swap3A_2, %swap3A_3] : memref<1x32x16384xf32, #tpu.memory_space<vmem>>, vector<1x32x4096xf32>
    %swap3A_5 = vector.shape_cast %swap3A_4 : vector<1x32x4096xf32> to vector<32x4096xf32>
    %swap3A_6 = vector.shape_cast %slice3A : vector<32x4096xf32> to vector<1x32x4096xf32>
    tpu.vector_store %arg2[%swap3A, %swap3A_2, %swap3A_3], %swap3A_6 {strides = array<i32>} : memref<1x32x16384xf32, #tpu.memory_space<vmem>>, vector<1x32x4096xf32>,
    %slice3A_7 = vector.extract_strided_slice %transpose3A {offsets = [32, 0], sizes = [32, 4096], strides = [1, 1]} : vector<128x4096xf32> to vector<32x4096xf32>
    %swap3A_8 = arith.constant 0 : index
    %swap3A_9 = arith.constant 0 : index
    %swap3A_10 = arith.constant 4096 : index
    %swap3A_11 = vector.load %arg2[%swap3A_8, %swap3A_9, %swap3A_10] : memref<1x32x16384xf32, #tpu.memory_space<vmem>>, vector<1x32x4096xf32>
    %swap3A_12 = vector.shape_cast %swap3A_11 : vector<1x32x4096xf32> to vector<32x4096xf32>
    %swap3A_13 = vector.shape_cast %slice3A_7 : vector<32x4096xf32> to vector<1x32x4096xf32>
    tpu.vector_store %arg2[%swap3A_8, %swap3A_9, %swap3A_10], %swap3A_13 {strides = array<i32>} : memref<1x32x16384xf32, #tpu.memory_space<vmem>>, vector<1x32x4096xf32>,
    %slice3A_14 = vector.extract_strided_slice %transpose3A {offsets = [64, 0], sizes = [32, 4096], strides = [1, 1]} : vector<128x4096xf32> to vector<32x4096xf32>
    %swap3A_15 = arith.constant 0 : index
    %swap3A_16 = arith.constant 0 : index
    %swap3A_17 = arith.constant 8192 : index
    %swap3A_18 = vector.load %arg2[%swap3A_15, %swap3A_16, %swap3A_17] : memref<1x32x16384xf32, #tpu.memory_space<vmem>>, vector<1x32x4096xf32>
    %swap3A_19 = vector.shape_cast %swap3A_18 : vector<1x32x4096xf32> to vector<32x4096xf32>
    %swap3A_20 = vector.shape_cast %slice3A_14 : vector<32x4096xf32> to vector<1x32x4096xf32>
    tpu.vector_store %arg2[%swap3A_15, %swap3A_16, %swap3A_17], %swap3A_20 {strides = array<i32>} : memref<1x32x16384xf32, #tpu.memory_space<vmem>>, vector<1x32x4096xf32>,
    %slice3A_21 = vector.extract_strided_slice %transpose3A {offsets = [96, 0], sizes = [32, 4096], strides = [1, 1]} : vector<128x4096xf32> to vector<32x4096xf32>
    %swap3A_22 = arith.constant 0 : index
    %swap3A_23 = arith.constant 0 : index
    %swap3A_24 = arith.constant 12288 : index
    %swap3A_25 = vector.load %arg2[%swap3A_22, %swap3A_23, %swap3A_24] : memref<1x32x16384xf32, #tpu.memory_space<vmem>>, vector<1x32x4096xf32>
    %swap3A_26 = vector.shape_cast %swap3A_25 : vector<1x32x4096xf32> to vector<32x4096xf32>
    %swap3A_27 = vector.shape_cast %slice3A_21 : vector<32x4096xf32> to vector<1x32x4096xf32>
    tpu.vector_store %arg2[%swap3A_22, %swap3A_23, %swap3A_24], %swap3A_27 {strides = array<i32>} : memref<1x32x16384xf32, #tpu.memory_space<vmem>>, vector<1x32x4096xf32>,
    return
  }
  func.func @transform_0(%arg0: i32) -> (i32, i32) {
    %c0_i32 = arith.constant 0 : i32
    %c0_i32_0 = arith.constant 0 : i32
    return %arg0, %c0_i32 : i32, i32
  }
  func.func @transform_1(%arg0: i32) -> (i32, i32, i32) {
    %add3A = arith.constant 0 : i32
    %add3A_0 = arith.addi %add3A, %arg0 : i32
    %c0_i32 = arith.constant 0 : i32
    %c0_i32_1 = arith.constant 0 : i32
    %c0_i32_2 = arith.constant 0 : i32
    return %add3A_0, %c0_i32, %c0_i32_1 : i32, i32, i32
  }
}

module attributes {stable_mosaic.version = 14 : i64} {
  func.func @_transpose_body_acc(%arg0: i32, %arg1: memref<4096x128xf32, #tpu.memory_space<vmem>>, %arg2: memref<200x32x16384xf32, #tpu.memory_space<any>>, %arg3: memref<1x32x16384xf32, #tpu.memory_space<vmem>>) attributes {dimension_semantics = [#tpu.dimension_semantics<arbitrary>], iteration_bounds = array<i64: 50>, scalar_prefetch = 0 : i64, scratch_operands = 0 : i64, tpu.core_type = #tpu.core_type<tc>, window_params = [{transform_indices = @transform_0, window_bounds = array<i64: 4096, 128>}, {}, {transform_indices = @transform_2, window_bounds = array<i64: 1, 32, 16384>}]} {
    %get3A = arith.constant 0 : index
    %get3A_0 = arith.constant 0 : index
    %get3A_1 = vector.load %arg1[%get3A, %get3A_0] : memref<4096x128xf32, #tpu.memory_space<vmem>>, vector<4096x128xf32>
    %transpose3A = tpu.transpose %get3A_1, [1, 0] : vector<4096x128xf32> -> vector<128x4096xf32>
    %slice3A = vector.extract_strided_slice %transpose3A {offsets = [0, 0], sizes = [32, 4096], strides = [1, 1]} : vector<128x4096xf32> to vector<32x4096xf32>
    %swap3A = arith.constant 0 : index
    %swap3A_2 = arith.constant 0 : index
    %swap3A_3 = arith.constant 0 : index
    %swap3A_4 = vector.load %arg3[%swap3A, %swap3A_2, %swap3A_3] : memref<1x32x16384xf32, #tpu.memory_space<vmem>>, vector<1x32x4096xf32>
    %swap3A_5 = vector.shape_cast %swap3A_4 : vector<1x32x4096xf32> to vector<32x4096xf32>
    %swap3A_6 = vector.shape_cast %slice3A : vector<32x4096xf32> to vector<1x32x4096xf32>
    tpu.vector_store %arg3[%swap3A, %swap3A_2, %swap3A_3], %swap3A_6 {strides = array<i32>} : memref<1x32x16384xf32, #tpu.memory_space<vmem>>, vector<1x32x4096xf32>,
    %slice3A_7 = vector.extract_strided_slice %transpose3A {offsets = [32, 0], sizes = [32, 4096], strides = [1, 1]} : vector<128x4096xf32> to vector<32x4096xf32>
    %swap3A_8 = arith.constant 0 : index
    %swap3A_9 = arith.constant 0 : index
    %swap3A_10 = arith.constant 4096 : index
    %swap3A_11 = vector.load %arg3[%swap3A_8, %swap3A_9, %swap3A_10] : memref<1x32x16384xf32, #tpu.memory_space<vmem>>, vector<1x32x4096xf32>
    %swap3A_12 = vector.shape_cast %swap3A_11 : vector<1x32x4096xf32> to vector<32x4096xf32>
    %swap3A_13 = vector.shape_cast %slice3A_7 : vector<32x4096xf32> to vector<1x32x4096xf32>
    tpu.vector_store %arg3[%swap3A_8, %swap3A_9, %swap3A_10], %swap3A_13 {strides = array<i32>} : memref<1x32x16384xf32, #tpu.memory_space<vmem>>, vector<1x32x4096xf32>,
    %slice3A_14 = vector.extract_strided_slice %transpose3A {offsets = [64, 0], sizes = [32, 4096], strides = [1, 1]} : vector<128x4096xf32> to vector<32x4096xf32>
    %swap3A_15 = arith.constant 0 : index
    %swap3A_16 = arith.constant 0 : index
    %swap3A_17 = arith.constant 8192 : index
    %swap3A_18 = vector.load %arg3[%swap3A_15, %swap3A_16, %swap3A_17] : memref<1x32x16384xf32, #tpu.memory_space<vmem>>, vector<1x32x4096xf32>
    %swap3A_19 = vector.shape_cast %swap3A_18 : vector<1x32x4096xf32> to vector<32x4096xf32>
    %swap3A_20 = vector.shape_cast %slice3A_14 : vector<32x4096xf32> to vector<1x32x4096xf32>
    tpu.vector_store %arg3[%swap3A_15, %swap3A_16, %swap3A_17], %swap3A_20 {strides = array<i32>} : memref<1x32x16384xf32, #tpu.memory_space<vmem>>, vector<1x32x4096xf32>,
    %slice3A_21 = vector.extract_strided_slice %transpose3A {offsets = [96, 0], sizes = [32, 4096], strides = [1, 1]} : vector<128x4096xf32> to vector<32x4096xf32>
    %swap3A_22 = arith.constant 0 : index
    %swap3A_23 = arith.constant 0 : index
    %swap3A_24 = arith.constant 12288 : index
    %swap3A_25 = vector.load %arg3[%swap3A_22, %swap3A_23, %swap3A_24] : memref<1x32x16384xf32, #tpu.memory_space<vmem>>, vector<1x32x4096xf32>
    %swap3A_26 = vector.shape_cast %swap3A_25 : vector<1x32x4096xf32> to vector<32x4096xf32>
    %swap3A_27 = vector.shape_cast %slice3A_21 : vector<32x4096xf32> to vector<1x32x4096xf32>
    tpu.vector_store %arg3[%swap3A_22, %swap3A_23, %swap3A_24], %swap3A_27 {strides = array<i32>} : memref<1x32x16384xf32, #tpu.memory_space<vmem>>, vector<1x32x4096xf32>,
    return
  }
  func.func @transform_0(%arg0: i32) -> (i32, i32) {
    %c0_i32 = arith.constant 0 : i32
    %c0_i32_0 = arith.constant 0 : i32
    return %arg0, %c0_i32 : i32, i32
  }
  func.func @transform_2(%arg0: i32) -> (i32, i32, i32) {
    %add3A = arith.constant 50 : i32
    %add3A_0 = arith.addi %add3A, %arg0 : i32
    %c0_i32 = arith.constant 0 : i32
    %c0_i32_1 = arith.constant 0 : i32
    %c0_i32_2 = arith.constant 0 : i32
    return %add3A_0, %c0_i32, %c0_i32_1 : i32, i32, i32
  }
}

module attributes {stable_mosaic.version = 14 : i64} {
  func.func @_transpose_body_acc(%arg0: i32, %arg1: memref<4096x128xf32, #tpu.memory_space<vmem>>, %arg2: memref<200x32x16384xf32, #tpu.memory_space<any>>, %arg3: memref<1x32x16384xf32, #tpu.memory_space<vmem>>) attributes {dimension_semantics = [#tpu.dimension_semantics<arbitrary>], iteration_bounds = array<i64: 50>, scalar_prefetch = 0 : i64, scratch_operands = 0 : i64, tpu.core_type = #tpu.core_type<tc>, window_params = [{transform_indices = @transform_0, window_bounds = array<i64: 4096, 128>}, {}, {transform_indices = @transform_2, window_bounds = array<i64: 1, 32, 16384>}]} {
    %get3A = arith.constant 0 : index
    %get3A_0 = arith.constant 0 : index
    %get3A_1 = vector.load %arg1[%get3A, %get3A_0] : memref<4096x128xf32, #tpu.memory_space<vmem>>, vector<4096x128xf32>
    %transpose3A = tpu.transpose %get3A_1, [1, 0] : vector<4096x128xf32> -> vector<128x4096xf32>
    %slice3A = vector.extract_strided_slice %transpose3A {offsets = [0, 0], sizes = [32, 4096], strides = [1, 1]} : vector<128x4096xf32> to vector<32x4096xf32>
    %swap3A = arith.constant 0 : index
    %swap3A_2 = arith.constant 0 : index
    %swap3A_3 = arith.constant 0 : index
    %swap3A_4 = vector.load %arg3[%swap3A, %swap3A_2, %swap3A_3] : memref<1x32x16384xf32, #tpu.memory_space<vmem>>, vector<1x32x4096xf32>
    %swap3A_5 = vector.shape_cast %swap3A_4 : vector<1x32x4096xf32> to vector<32x4096xf32>
    %swap3A_6 = vector.shape_cast %slice3A : vector<32x4096xf32> to vector<1x32x4096xf32>
    tpu.vector_store %arg3[%swap3A, %swap3A_2, %swap3A_3], %swap3A_6 {strides = array<i32>} : memref<1x32x16384xf32, #tpu.memory_space<vmem>>, vector<1x32x4096xf32>,
    %slice3A_7 = vector.extract_strided_slice %transpose3A {offsets = [32, 0], sizes = [32, 4096], strides = [1, 1]} : vector<128x4096xf32> to vector<32x4096xf32>
    %swap3A_8 = arith.constant 0 : index
    %swap3A_9 = arith.constant 0 : index
    %swap3A_10 = arith.constant 4096 : index
    %swap3A_11 = vector.load %arg3[%swap3A_8, %swap3A_9, %swap3A_10] : memref<1x32x16384xf32, #tpu.memory_space<vmem>>, vector<1x32x4096xf32>
    %swap3A_12 = vector.shape_cast %swap3A_11 : vector<1x32x4096xf32> to vector<32x4096xf32>
    %swap3A_13 = vector.shape_cast %slice3A_7 : vector<32x4096xf32> to vector<1x32x4096xf32>
    tpu.vector_store %arg3[%swap3A_8, %swap3A_9, %swap3A_10], %swap3A_13 {strides = array<i32>} : memref<1x32x16384xf32, #tpu.memory_space<vmem>>, vector<1x32x4096xf32>,
    %slice3A_14 = vector.extract_strided_slice %transpose3A {offsets = [64, 0], sizes = [32, 4096], strides = [1, 1]} : vector<128x4096xf32> to vector<32x4096xf32>
    %swap3A_15 = arith.constant 0 : index
    %swap3A_16 = arith.constant 0 : index
    %swap3A_17 = arith.constant 8192 : index
    %swap3A_18 = vector.load %arg3[%swap3A_15, %swap3A_16, %swap3A_17] : memref<1x32x16384xf32, #tpu.memory_space<vmem>>, vector<1x32x4096xf32>
    %swap3A_19 = vector.shape_cast %swap3A_18 : vector<1x32x4096xf32> to vector<32x4096xf32>
    %swap3A_20 = vector.shape_cast %slice3A_14 : vector<32x4096xf32> to vector<1x32x4096xf32>
    tpu.vector_store %arg3[%swap3A_15, %swap3A_16, %swap3A_17], %swap3A_20 {strides = array<i32>} : memref<1x32x16384xf32, #tpu.memory_space<vmem>>, vector<1x32x4096xf32>,
    %slice3A_21 = vector.extract_strided_slice %transpose3A {offsets = [96, 0], sizes = [32, 4096], strides = [1, 1]} : vector<128x4096xf32> to vector<32x4096xf32>
    %swap3A_22 = arith.constant 0 : index
    %swap3A_23 = arith.constant 0 : index
    %swap3A_24 = arith.constant 12288 : index
    %swap3A_25 = vector.load %arg3[%swap3A_22, %swap3A_23, %swap3A_24] : memref<1x32x16384xf32, #tpu.memory_space<vmem>>, vector<1x32x4096xf32>
    %swap3A_26 = vector.shape_cast %swap3A_25 : vector<1x32x4096xf32> to vector<32x4096xf32>
    %swap3A_27 = vector.shape_cast %slice3A_21 : vector<32x4096xf32> to vector<1x32x4096xf32>
    tpu.vector_store %arg3[%swap3A_22, %swap3A_23, %swap3A_24], %swap3A_27 {strides = array<i32>} : memref<1x32x16384xf32, #tpu.memory_space<vmem>>, vector<1x32x4096xf32>,
    return
  }
  func.func @transform_0(%arg0: i32) -> (i32, i32) {
    %c0_i32 = arith.constant 0 : i32
    %c0_i32_0 = arith.constant 0 : i32
    return %arg0, %c0_i32 : i32, i32
  }
  func.func @transform_2(%arg0: i32) -> (i32, i32, i32) {
    %add3A = arith.constant 100 : i32
    %add3A_0 = arith.addi %add3A, %arg0 : i32
    %c0_i32 = arith.constant 0 : i32
    %c0_i32_1 = arith.constant 0 : i32
    %c0_i32_2 = arith.constant 0 : i32
    return %add3A_0, %c0_i32, %c0_i32_1 : i32, i32, i32
  }
}

module attributes {stable_mosaic.version = 14 : i64} {
  func.func @_transpose_body_acc(%arg0: i32, %arg1: memref<4096x128xf32, #tpu.memory_space<vmem>>, %arg2: memref<200x32x16384xf32, #tpu.memory_space<any>>, %arg3: memref<1x32x16384xf32, #tpu.memory_space<vmem>>) attributes {dimension_semantics = [#tpu.dimension_semantics<arbitrary>], iteration_bounds = array<i64: 50>, scalar_prefetch = 0 : i64, scratch_operands = 0 : i64, tpu.core_type = #tpu.core_type<tc>, window_params = [{transform_indices = @transform_0, window_bounds = array<i64: 4096, 128>}, {}, {transform_indices = @transform_2, window_bounds = array<i64: 1, 32, 16384>}]} {
    %get3A = arith.constant 0 : index
    %get3A_0 = arith.constant 0 : index
    %get3A_1 = vector.load %arg1[%get3A, %get3A_0] : memref<4096x128xf32, #tpu.memory_space<vmem>>, vector<4096x128xf32>
    %transpose3A = tpu.transpose %get3A_1, [1, 0] : vector<4096x128xf32> -> vector<128x4096xf32>
    %slice3A = vector.extract_strided_slice %transpose3A {offsets = [0, 0], sizes = [32, 4096], strides = [1, 1]} : vector<128x4096xf32> to vector<32x4096xf32>
    %swap3A = arith.constant 0 : index
    %swap3A_2 = arith.constant 0 : index
    %swap3A_3 = arith.constant 0 : index
    %swap3A_4 = vector.load %arg3[%swap3A, %swap3A_2, %swap3A_3] : memref<1x32x16384xf32, #tpu.memory_space<vmem>>, vector<1x32x4096xf32>
    %swap3A_5 = vector.shape_cast %swap3A_4 : vector<1x32x4096xf32> to vector<32x4096xf32>
    %swap3A_6 = vector.shape_cast %slice3A : vector<32x4096xf32> to vector<1x32x4096xf32>
    tpu.vector_store %arg3[%swap3A, %swap3A_2, %swap3A_3], %swap3A_6 {strides = array<i32>} : memref<1x32x16384xf32, #tpu.memory_space<vmem>>, vector<1x32x4096xf32>,
    %slice3A_7 = vector.extract_strided_slice %transpose3A {offsets = [32, 0], sizes = [32, 4096], strides = [1, 1]} : vector<128x4096xf32> to vector<32x4096xf32>
    %swap3A_8 = arith.constant 0 : index
    %swap3A_9 = arith.constant 0 : index
    %swap3A_10 = arith.constant 4096 : index
    %swap3A_11 = vector.load %arg3[%swap3A_8, %swap3A_9, %swap3A_10] : memref<1x32x16384xf32, #tpu.memory_space<vmem>>, vector<1x32x4096xf32>
    %swap3A_12 = vector.shape_cast %swap3A_11 : vector<1x32x4096xf32> to vector<32x4096xf32>
    %swap3A_13 = vector.shape_cast %slice3A_7 : vector<32x4096xf32> to vector<1x32x4096xf32>
    tpu.vector_store %arg3[%swap3A_8, %swap3A_9, %swap3A_10], %swap3A_13 {strides = array<i32>} : memref<1x32x16384xf32, #tpu.memory_space<vmem>>, vector<1x32x4096xf32>,
    %slice3A_14 = vector.extract_strided_slice %transpose3A {offsets = [64, 0], sizes = [32, 4096], strides = [1, 1]} : vector<128x4096xf32> to vector<32x4096xf32>
    %swap3A_15 = arith.constant 0 : index
    %swap3A_16 = arith.constant 0 : index
    %swap3A_17 = arith.constant 8192 : index
    %swap3A_18 = vector.load %arg3[%swap3A_15, %swap3A_16, %swap3A_17] : memref<1x32x16384xf32, #tpu.memory_space<vmem>>, vector<1x32x4096xf32>
    %swap3A_19 = vector.shape_cast %swap3A_18 : vector<1x32x4096xf32> to vector<32x4096xf32>
    %swap3A_20 = vector.shape_cast %slice3A_14 : vector<32x4096xf32> to vector<1x32x4096xf32>
    tpu.vector_store %arg3[%swap3A_15, %swap3A_16, %swap3A_17], %swap3A_20 {strides = array<i32>} : memref<1x32x16384xf32, #tpu.memory_space<vmem>>, vector<1x32x4096xf32>,
    %slice3A_21 = vector.extract_strided_slice %transpose3A {offsets = [96, 0], sizes = [32, 4096], strides = [1, 1]} : vector<128x4096xf32> to vector<32x4096xf32>
    %swap3A_22 = arith.constant 0 : index
    %swap3A_23 = arith.constant 0 : index
    %swap3A_24 = arith.constant 12288 : index
    %swap3A_25 = vector.load %arg3[%swap3A_22, %swap3A_23, %swap3A_24] : memref<1x32x16384xf32, #tpu.memory_space<vmem>>, vector<1x32x4096xf32>
    %swap3A_26 = vector.shape_cast %swap3A_25 : vector<1x32x4096xf32> to vector<32x4096xf32>
    %swap3A_27 = vector.shape_cast %slice3A_21 : vector<32x4096xf32> to vector<1x32x4096xf32>
    tpu.vector_store %arg3[%swap3A_22, %swap3A_23, %swap3A_24], %swap3A_27 {strides = array<i32>} : memref<1x32x16384xf32, #tpu.memory_space<vmem>>, vector<1x32x4096xf32>,
    return
  }
  func.func @transform_0(%arg0: i32) -> (i32, i32) {
    %c0_i32 = arith.constant 0 : i32
    %c0_i32_0 = arith.constant 0 : i32
    return %arg0, %c0_i32 : i32, i32
  }
  func.func @transform_2(%arg0: i32) -> (i32, i32, i32) {
    %add3A = arith.constant 150 : i32
    %add3A_0 = arith.addi %add3A, %arg0 : i32
    %c0_i32 = arith.constant 0 : i32
    %c0_i32_1 = arith.constant 0 : i32
    %c0_i32_2 = arith.constant 0 : i32
    return %add3A_0, %c0_i32, %c0_i32_1 : i32, i32, i32
  }
}

</mosaic_0001>

<sc_bundles>
// kernel: kernel.10.cloned.1.call-start
scs
__scs_entry_jumppad:
0x0: {  	(pc) =	sbr.rel $0x88, $3  }
0x1: {  	(tag) =	ssettag $0x0;
	lr =	simm.s32 $0x1  }
0x2: {  	[smem:$0x3F9F] =	sst lr;
	_ =	strace $0xD0000000  }
0x3: {  	_ = 	snop  }
0x4: {  	_ = 	snop  }
0x5: {  	_ = 	snop  }
0x6: {  	_ = 	snop  }
0x7: {  	_ = 	snop  }
__scs_overlays_trampoline_lowered:
0x8: {  	[smem:$0x3FAE] =	sst s0  }
0x9: {  	[smem:$0x3FAF] =	sst s1  }
0xa: {  	[smem:$0x3FB0] =	sst s2  }
0xb: {  	[smem:$0x3FB1] =	sst s3  }
0xc: {  	[smem:$0x3FB2] =	sst s4  }
0xd: {  	[smem:$0x3FB3] =	sst s5  }
0xe: {  	[smem:$0x3FB4] =	sst s6  }
0xf: {  	[smem:$0x3FB5] =	sst s7  }
0x10: {  	[smem:$0x3FB6] =	sst s8  }
0x11: {  	[smem:$0x3FB7] =	sst s9;
	s0 =	simm.s32 @!p0 $0x0  }
0x12: {  	s1 =	sld [smem:$0x3F9D];
	s0 =	simm.s32 @p0 $0x1  }
0x13: {  	[smem:$0x3FB8] =	sst s0;
	s0 =	simm.s32 @!p1 $0x0  }
0x14: {  	s2 =	sld [smem:$0x3F9C];
	s0 =	simm.s32 @p1 $0x1  }
0x15: {  	[smem:$0x3FB9] =	sst s0;
	s0 =	simm.s32 @!p2 $0x0  }
0x16: {  	s3 =	sld [smem:$0x3FDB];
	s0 =	simm.s32 @p2 $0x1  }
0x17: {  	s4 =	simm.s32 $0x1BF5;
	[smem:$0x3FBB] =	sst s0  }
0x18: {  	s0 =	sld [smem:$0x3F9E];
	_ =	swait.ge [sflag:s4], $0x0  }
0x19: {  	s7 =	sld [smem:$0x3F9F]  }
0x1a: {  	s8 =	sadd.s32 $0xFFFFE003, lr  }
0x1b: {  	s9 =	sadd.s32 $0xFFFFFEF7, lr;
	s5 =	simm.s32 $0xFFFFFFFF;
	p2 =	slt.u32 s8, $0xFFFFF086  }
0x1c: {  	p1 =	slt.u32 s9, $0xF7A;
	s5 =	simm.s32 @!p2 $0x0  }
0x1d: {  	s5 =	simm.s32 @p1 $0x1;
	p0 =	seq.s32 s7, s2  }
0x1e: {  	s7 =	smul.u32 @!p0 $0xF7A, s2;
	p2 =	seq.s32 @!p0 s5, $0x0  }
0x1f: {  	s9 =	smul.u32 $0xF7A, s1;
	s8 =	simm.s32 @!p0 $0x1BF5;
	p2 =	por !p2, p0  }
0x20: {  	[sflag:s8] =	ssyncset.s32 @!p0 $0xFFFFF086;
	s6 =	sadd.s32 @!p0 s3, s7;
	s7 =	simm.s32 @!p0 $0x108  }
0x21: {  	s3 =	sadd.s32 s3, s9;
	s6 =	sadd.s32 @!p0 $0x88, s6;
	s7 =	simm.s32 @p2 $0x1082  }
0x22: {  	[simem:s7], [sflag:s8] =	dma.local @!p0 [hbm:s6], $0xF7A  }
0x23: {  	s9 =	sor.u32 $0xD0000000, s2;
	s6 =	simm.s32 $0x108;
	_ =	swait.ge @!p0 [sflag:s8], $0x0  }
0x24: {  	s3 =	sadd.s32 $0x88, s3;
	s6 =	simm.s32 @!p1 $0x1082;
	[sflag:s4] =	ssyncset.s32 $0xFFFFF086  }
0x25: {  	[simem:s6], [sflag:s4] =	dma.local [hbm:s3], $0xF7A  }
0x26: {  	[smem:$0x3F9F] =	sst s1;
	(tag) =	ssettag s2;
	_ =	strace s9  }
0x27: {  	s1 =	sld [smem:$0x3FAF]  }
0x28: {  	s2 =	sld [smem:$0x3FB0]  }
0x29: {  	s4 =	sld [smem:$0x3FB2]  }
0x2a: {  	p0 =	seq.s32 s5, $0x0;
	s5 =	sld [smem:$0x3FB3]  }
0x2b: {  	s6 =	sld [smem:$0x3FB4]  }
0x2c: {  	s7 =	sld [smem:$0x3FB5]  }
0x2d: {  	s3 =	simm.s32 $0x108;
	s8 =	sld [smem:$0x3FB6]  }
0x2e: {  	s3 =	simm.s32 @!p0 $0x1082;
	s9 =	sld [smem:$0x3FB7]  }
0x2f: {  	lr =	sadd.s32 s0, s3;
	s0 =	sld [smem:$0x3FAE]  }
0x30: {  	s3 =	sld [smem:$0x3FB1]  }
0x31: {  	[smem:$0x3FBA] =	sst s10  }
0x32: {  	s10 =	sld [smem:$0x3FB8];
	_ =	sdelay $0x3  }
0x33: {  	p0 =	seq.s32 s10, $0x1;
	s10 =	sld [smem:$0x3FBA];
	_ =	sdelay $0x3  }
0x34: {  	[smem:$0x3FBA] =	sst s10  }
0x35: {  	s10 =	sld [smem:$0x3FB9];
	_ =	sdelay $0x3  }
0x36: {  	p1 =	seq.s32 s10, $0x1;
	s10 =	sld [smem:$0x3FBA];
	_ =	sdelay $0x3  }
0x37: {  	[smem:$0x3FBA] =	sst s10  }
0x38: {  	s10 =	sld [smem:$0x3FBB]  }
0x39: {  	_ = 	snop;
	(pc) =	sbr.ind lr, $3  }
0x3a: {  	_ = 	snop  }
0x3b: {  	_ = 	snop  }
0x3c: {  	p2 =	seq.s32 s10, $0x1;
	s10 =	sld [smem:$0x3FBA]  }
0x3d: {  	_ =	shalt  }
0x3e: {  	_ =	shalt  }
0x3f: {  	_ =	shalt  }
0x40: {  	_ =	shalt  }
0x41: {  	_ =	shalt  }
0x42: {  	_ =	shalt  }
0x43: {  	_ =	shalt  }
0x44: {  	_ =	shalt  }
0x45: {  	_ =	shalt  }
0x46: {  	_ =	shalt  }
0x47: {  	_ =	shalt  }
0x48: {  	_ =	shalt  }
0x49: {  	_ =	shalt  }
0x4a: {  	_ =	shalt  }
0x4b: {  	_ =	shalt  }
0x4c: {  	_ =	shalt  }
0x4d: {  	_ =	shalt  }
0x4e: {  	_ =	shalt  }
0x4f: {  	_ =	shalt  }
0x50: {  	_ =	shalt  }
0x51: {  	_ =	shalt  }
0x52: {  	_ =	shalt  }
0x53: {  	_ =	shalt  }
0x54: {  	_ =	shalt  }
0x55: {  	_ =	shalt  }
0x56: {  	_ =	shalt  }
0x57: {  	_ =	shalt  }
0x58: {  	_ =	shalt  }
0x59: {  	_ =	shalt  }
0x5a: {  	_ =	shalt  }
0x5b: {  	_ =	shalt  }
0x5c: {  	_ =	shalt  }
0x5d: {  	_ =	shalt  }
0x5e: {  	_ =	shalt  }
0x5f: {  	_ =	shalt  }
0x60: {  	_ =	shalt  }
0x61: {  	_ =	shalt  }
0x62: {  	_ =	shalt  }
0x63: {  	_ =	shalt  }
0x64: {  	_ =	shalt  }
0x65: {  	_ =	shalt  }
0x66: {  	_ =	shalt  }
0x67: {  	_ =	shalt  }
0x68: {  	_ =	shalt  }
0x69: {  	_ =	shalt  }
0x6a: {  	_ =	shalt  }
0x6b: {  	_ =	shalt  }
0x6c: {  	_ =	shalt  }
0x6d: {  	_ =	shalt  }
0x6e: {  	_ =	shalt  }
0x6f: {  	_ =	shalt  }
0x70: {  	_ =	shalt  }
0x71: {  	_ =	shalt  }
0x72: {  	_ =	shalt  }
0x73: {  	_ =	shalt  }
0x74: {  	_ =	shalt  }
0x75: {  	_ =	shalt  }
0x76: {  	_ =	shalt  }
0x77: {  	_ =	shalt  }
0x78: {  	_ =	shalt  }
0x79: {  	_ =	shalt  }
0x7a: {  	_ =	shalt  }
0x7b: {  	_ =	shalt  }
0x7c: {  	_ =	shalt  }
0x7d: {  	_ =	shalt  }
0x7e: {  	_ =	shalt  }
0x7f: {  	_ =	shalt  }
0x80: {  	_ =	shalt  }
0x81: {  	_ =	shalt  }
0x82: {  	_ =	shalt  }
0x83: {  	_ =	shalt  }
0x84: {  	_ =	shalt  }
0x85: {  	_ =	shalt  }
0x86: {  	_ =	shalt  }
0x87: {  	_ =	shalt  }
.Lfunc_end0:
.L_simem_size_0:
called_computation_lowered:
.L_overlay_start_0:
0x88: {  	s2 =	sld [smem:$0x3FD9]  }
0x89: {  	s3 =	sld [smem:$0x3FFE];
	_ =	sdelay $0x1  }
0x8a: {  	s1 =	srdreg.scid  }
0x8b: {  	s0 =	sand.u32 $0x1, s1  }
0x8c: {  	s16 =	sshll.u32 s0, $0xA;
	s2 =	sadd.s32 s3, s2  }
0x8d: {  	s2 =	sadd.s32 s2, s16  }
0x8e: {  	[smem:$0x3FC6] =	sst s2  }
0x8f: {  	_ = 	snop  }
0x90: {  	(tm) =	ssettm $0x1  }
0x91: {  	s17 =	sld [smem:$0x3FFB];
	_ =	sdelay $0x3  }
0x92: {  	_ =	strace s17  }
0x93: {  	s2 =	sld [smem:$0x3FFC];
	_ =	sdelay $0x3  }
0x94: {  	_ =	strace s2  }
0x95: {  	s2 =	sld [smem:$0x3FFD];
	_ =	sdelay $0x3  }
0x96: {  	_ =	strace s2  }
0x97: {  	_ =	strace $0x8FFFFFFF  }
0x98: {  	s18 =	sld [smem:$0x3FDB];
	_ =	sdelay $0x1  }
0x99: {  	s19 =	simm.s32 $_scs_section_size  }
0x9a: {  	s4 =	simm.s32 $_size__tile_overlayer_lowered;
	s5 =	simm.s32 $_tile_overlayer_lowered  }
0x9b: {  	s22 =	simm.s32 $0x1BFF;
	s21 =	sshll.u32 s5, $0x1;
	s2 =	sadd.s32 s19, s18  }
0x9c: {  	s6 =	simm.s32 $0x0;
	s20 =	sshll.u32 s4, $0x1;
	s4 =	sadd.s32 s21, s2  }
0x9d: {  	[timem:s6], [sflag:s22] =	dma.local [hbm:s4], s20  }
0x9e: {  	_ =	swait.ge [sflag:s22], s20  }
0x9f: {  	s3 =	ssub.s32 $0x0, s20;
	[sflag:s22] =	ssyncset.done $0x0  }
0xa0: {  	[sflag:s22] =	ssyncadd.s32 s3;
	_ =	sdelay $0x1  }
0xa1: {  	s23 =	simm.s32 $0x1B8B  }
0xa2: {  	_ =	swait.ge [sflag:s23], $0x1  }
0xa3: {  	[sflag:s23] =	ssyncset.done $0x0  }
0xa4: {  	s25 =	simm.s32 $0x1B8E;
	s24 =	sld [smem:$0x3FFE];
	[sflag:s23] =	ssyncadd.s32 $0xFFFFFFFF  }
0xa5: {  	s26 =	simm.s32 $execute0_lowered;
	[smem:$0x3FD2] =	sst s25  }
0xa6: {  	s4 =	sshll.u32 s26, $0x1;
	_ =	strace $0x80000046;
	[dreg:$0x1] =	wrdreg $0xFFFFFFFF  }
0xa7: {  	s28 =	simm.s32 $_size_execute0_lowered;
	s2 =	sadd.s32 s2, s4;
	[dreg:$0x0] =	wrdreg $0x0  }
0xa8: {  	s4 =	sshll.u32 s28, $0x1;
	[dreg:$0x2] =	wrdreg s2  }
0xa9: {  	[dreg:$0x3] =	wrdreg s4  }
0xaa: {  	[dreg:$0x4] =	wrdreg $0xC0  }
0xab: {  	_ =	task [dreg:s6], $0x5FFFF  }
0xac: {  	[dreg:$0x1] =	wrdreg $0xFFFFFFFF  }
0xad: {  	[dreg:$0x0] =	wrdreg $0x60  }
0xae: {  	[dreg:$0x2] =	wrdreg s24  }
0xaf: {  	[dreg:$0x3] =	wrdreg $0x42000  }
0xb0: {  	[dreg:$0x4] =	wrdreg $0x9  }
0xb1: {  	_ =	task.clear_ibuf [dreg:s6], $0x5FFFF;
	_ =	strace $0x90000046  }
0xb2: {  	s29 =	simm.s32 $0x9;
	_ =	strace $0x80000048  }
0xb3: {  	_ =	swait.ge [sflag:s29], $0x1  }
0xb4: {  	[sflag:s29] =	ssyncadd.s32 $0xFFFFFFFF  }
0xb5: {  	_ =	strace $0x90000048  }
0xb6: {  	_ =	sfence  }
0xb7: {  	s30 =	sld [smem:$0x0];
	_ =	sdelay $0x2  }
0xb8: {  	s31 =	sshll.u32 s1, $0xD;
	s1 =	sshrl.u32 s1, $0x2  }
0xb9: {  	s3 =	sand.u32 $0x4000, s31;
	s1 =	sadd.s32 s1, s30  }
0xba: {  	s0 =	sor.u32 s3, s0;
	s1 =	sshll.u32 s1, $0x11  }
0xbb: {  	s0 =	sor.u32 s1, s0  }
0xbc: {  	s0 =	sadd.s32 $0x8F2B, s0  }
0xbd: {  	[sflag:s0] =	ssyncadd.remote.s32 $0x1  }
0xbe: {  	_ =	sfence.sel $0xFFFF  }
0xbf: {  	[dreg:$0x0] =	wrdreg $0xFFFFFFFF;
	(pc) =	sbr.abs _section_cstart, $3  }
0xc0: {  	[dreg:$0x1] =	wrdreg $0xFFFFFFFF  }
0xc1: {  	_ =	task.clear_ibuf [dreg:s6], $0x2FFFF;
	_ =	strace $0x9FFFFFFF  }
0xc2: {  	(tm) =	ssettm $0x7FFFFFFF  }
0xc3: {  	_ =	shalt  }
tec
execute0_lowered:
.L_overlay_start_1:
0x0: {  	(tag) =	ssettag $0x1  }
0x1: {  	s0 =	rddreg [dreg:$0x0]  }
0x2: {  	s2 =	rddreg [dreg:$0x1];
	s17 =	stileid.u32  }
0x3: {  	s1 =	srdreg.scid;
	s3 =	simm.s32 $0x0;
	s18 =	simm.s32 $0x1  }
0x4: {  	s19 =	simm.s32 $0x200;
	s20 =	simm.s32 $0x2;
	s7 =	smul.u32 $0x186A0, s17  }
0x5: {  	s21 =	simm.s32 $0x3;
	s22 =	simm.s32 $0x2200;
	s12 =	smul.u32 $0x190, s17  }
0x6: {  	s28 =	simm.s32 $0x6;
	s1 =	sand.u32 $0x1, s1;
	s14 =	smul.u32 $0x190000, s17  }
0x7: {  	s4 =	sshll.u32 s17, $0x1;
	s26 =	sshll.u32 s17, $0x6;
	s17 =	smul.u32 $0x640000, s17  }
0x8: {  	s29 =	simm.s32 $0x0;
	[smem:$0x7FF] =	sst s3;
	s13 =	smul.u32 $0xC8, s1  }
0x9: {  	s5 =	sadd.s32 $0x31E00, s0;
	s6 =	sor.u32 s1, s4;
	s16 =	smul.u32 $0xC8000, s1  }
0xa: {  	_ =	strace $0x80000047;
	s9 =	ssub.s32 $0x2, s1;
	s1 =	smul.u32 $0x320000, s1  }
0xb: {  	s30 =	sor.u32 $0x1C07, s26;
	s26 =	simm.s32 $0x5;
	s4 =	smul.u32 $0x64, s6  }
0xc: {  	s8 =	smul.u32 $0xC80, s6;
	s23 =	sshrl.u32 s7, $0x3;
	s11 =	sshrl.u32 s9, $0x1  }
0xd: {  	s6 =	sadd.s32 $0x95E00, s0;
	s15 =	sadd.s32 s7, s2;
	[dreg:$0x4] =	wrdreg s30  }
0xe: {  	s10 =	sadd.s32 s23, s0;
	s24 =	ssub.s32 s9, s11;
	s12 =	sadd.s32 s13, s12  }
0xf: {  	s1 =	sadd.s32 s1, s17;
	s15 =	sshrl.u32 s15, $0x3;
	s17 =	simm.s32 $0x100  }
0x10: {  	s23 =	simm.s32 $0x20;
	s25 =	sadd.s32 $0x1000, s10;
	s8 =	sadd.s32 s5, s8  }
0x11: {  	s0 =	smax.u32 s24, $0x1;
	s24 =	simm.s32 $0x80;
	[dreg:$0x3] =	wrdreg s25  }
0x12: {  	s31 =	sadd.s32 $0x20, s8;
	[dreg:$0x6] =	wrdreg s0;
	s0 =	sadd.s32 s16, s14  }
0x13: {  	s16 =	simm.s32 $0x7;
	s25 =	simm.s32 $0x4;
	[dreg:$0x5] =	wrdreg s31  }
.LBB2_1:
0x14: {  	s7 =	rddreg [dreg:$0x3]  }
0x15: {  	s9 =	rddreg [dreg:$0x4]  }
0x16: {  	[spmem:s15], [sflag:s9] =	dma.local [hbm:s7], $0x30D4  }
0x17: {  	_ =	swait.ge [sflag:s16], $0x30D4  }
0x18: {  	[sflag:s16] =	ssyncset.done $0x0  }
0x19: {  	[sflag:s16] =	ssyncadd.s32 $0xFFFFCF2C  }
0x1a: {  	[bflag:$0x0] =	sbarrier.arrive $0xFFFF  }
0x1b: {  	[tilespmem:s3], [sflag:$0x1] =	stream.linear.gather [hbm4b:s8+s3], $0x100, $0x38;
	[tilespmem:$0x1C8A0] =	vst v63  }
0x1c: {  	s14 =	rddreg [dreg:$0x5]  }
0x1d: {  	[tilespmem:s17], [sflag:$0x2] =	stream.linear.gather [hbm4b:s14+s3], $0x100, $0x38;
	[tilespmem:$0x1C8A0] =	vst v63  }
0x1e: {  	_ =	swait.ge [sflag:s18], $0x100  }
0x1f: {  	[sflag:s18] =	ssyncset.done $0x0  }
0x20: {  	p0 =	por $0x0, $0x0;
	[sflag:s18] =	ssyncadd.s32 $0xFFFFFF00  }
0x21: {  	[tilespmem:s19], [sflag:$0x3] =	stream.indirect.gather [spmem:s2], $0x20, s3, s17, $0xb8;
	[tilespmem:$0x1C8A0] =	vst v63  }
0x22: {  	s13 =	simm.s32 $0x2;
	s30 =	sand.u32 $0x70000, s1;
	_ =	swait.ge [sflag:s20], $0x100  }
0x23: {  	s31 =	sand.u32 $0x7FF80000, s0;
	s13 =	simm.s32 @p0 $0x0;
	[sflag:s20] =	ssyncset.done $0x0  }
0x24: {  	s30 =	sor.u32 s30, s31;
	s13 =	sadd.s32 s4, s13;
	[sflag:s20] =	ssyncadd.s32 $0xFFFFFF00  }
0x25: {  	s31 =	sand.u32 $0x60, s12;
	s13 =	sshll.u32 s13, $0x5;
	_ =	swait.ge [sflag:s21], $0x2000  }
0x26: {  	s30 =	sor.u32 s31, s30;
	s13 =	sand.u32 $0x1FFFFFC0, s13;
	[sflag:s21] =	ssyncset.done $0x0  }
0x27: {  	s13 =	sadd.s32 s5, s13;
	s14 =	simm.s32 $0x3;
	[sflag:s21] =	ssyncadd.s32 $0xFFFFE000  }
0x28: {  	[tilespmem:s3], [sflag:$0x1] =	stream.linear.gather [hbm4b:s13+s3], $0x100, $0x38;
	[tilespmem:$0x1C8A0] =	vst v63  }
0x29: {  	s7 =	sshrl.u32 s30, $0x3;
	s14 =	simm.s32 @p0 $0x1  }
0x2a: {  	[tilespmem:s22], [sflag:$0x4] =	stream.indirect.gather [spmem:s2], $0x20, s17, s17, $0xb8;
	[tilespmem:$0x1C8A0] =	vst v63  }
0x2b: {  	s14 =	sadd.s32 s4, s14;
	s13 =	sadd.s32 s6, s7  }
0x2c: {  	[hbm4b:s13+s23] =	stream.strided.scatter [tilespmem:s19], [sflag:$0x5], $0x2000, s24, s23, $0x38;
	[tilespmem:$0x1C8A0] =	vst v63  }
0x2d: {  	s9 =	sshll.u32 s14, $0x5;
	_ =	swait.ge [sflag:s25], $0x2000  }
0x2e: {  	s13 =	sand.u32 $0x1FFFFFE0, s9;
	[sflag:s25] =	ssyncset.done $0x0  }
0x2f: {  	s13 =	sadd.s32 s5, s13;
	[sflag:s25] =	ssyncadd.s32 $0xFFFFE000  }
0x30: {  	[tilespmem:s17], [sflag:$0x2] =	stream.linear.gather [hbm4b:s13+s3], $0x100, $0x38;
	[tilespmem:$0x1C8A0] =	vst v63  }
0x31: {  	s10 =	sadd.s32 $0x2, s12;
	_ =	swait.ge [sflag:s26], $0x2000  }
0x32: {  	s11 =	sadd.s32 $0x2000, s0;
	s30 =	sadd.s32 $0x8000, s1;
	[sflag:s26] =	ssyncset.done $0x0  }
0x33: {  	s30 =	sand.u32 $0x78000, s30;
	s14 =	sand.u32 $0x7FF80000, s11;
	[sflag:s26] =	ssyncadd.s32 $0xFFFFE000  }
0x34: {  	s14 =	sor.u32 s30, s14;
	s13 =	sand.u32 $0x60, s10;
	_ =	swait.ge [sflag:s18], $0x100  }
0x35: {  	s13 =	sor.u32 s13, s14;
	[sflag:s18] =	ssyncset.done $0x0  }
0x36: {  	s13 =	sshrl.u32 s13, $0x3;
	[sflag:s18] =	ssyncadd.s32 $0xFFFFFF00  }
0x37: {  	[tilespmem:s19], [sflag:$0x3] =	stream.indirect.gather [spmem:s2], $0x20, s3, s17, $0xb8;
	[tilespmem:$0x1C8A0] =	vst v63  }
0x38: {  	s31 =	smov.u32 s12;
	s13 =	sadd.s32 s6, s13  }
0x39: {  	[hbm4b:s13+s23] =	stream.strided.scatter [tilespmem:s22], [sflag:$0x6], $0x2000, s24, s23, $0x38;
	[tilespmem:$0x1C8A0] =	vst v63  }
0x3a: {  	s30 =	simm.s32 $0x5;
	s14 =	smov.u32 s1;
	s13 =	smov.u32 s0  }
.LBB2_2:
0x3b: {  	s31 =	sadd.s32 $0x4, s31  }
0x3c: {  	s13 =	sadd.s32 $0x4000, s13;
	s14 =	sadd.s32 $0x10000, s14;
	s7 =	smov.u32 s30  }
0x3d: {  	p0 =	sne.s32 s30, $0x65;
	s30 =	sadd.s32 $0x2, s30;
	_ =	swait.ge [sflag:s28], $0x2000  }
0x3e: {  	p1 =	seq.s32 s7, $0x65;
	s9 =	sadd.s32 $0xFFFFFFFF, s7;
	[sflag:s28] =	ssyncset.done $0x0  }
0x3f: {  	s7 =	simm.s32 @p1 $0x1;
	s9 =	simm.s32 @p1 $0x0;
	[sflag:s28] =	ssyncadd.s32 $0xFFFFE000  }
0x40: {  	s9 =	sadd.s32 s4, s9;
	s7 =	sadd.s32 s4, s7;
	_ =	swait.ge [sflag:s20], $0x100  }
0x41: {  	s9 =	sshll.u32 s9, $0x5;
	s7 =	sshll.u32 s7, $0x5;
	[sflag:s20] =	ssyncset.done $0x0  }
0x42: {  	s10 =	sand.u32 $0x70000, s14;
	s9 =	sand.u32 $0x1FFFFFC0, s9;
	[sflag:s20] =	ssyncadd.s32 $0xFFFFFF00  }
0x43: {  	s11 =	sand.u32 $0x7FF80000, s13;
	s9 =	sadd.s32 s5, s9;
	_ =	swait.ge [sflag:s21], $0x2000  }
0x44: {  	s10 =	sor.u32 s10, s11;
	s11 =	sand.u32 $0x60, s31;
	[sflag:s21] =	ssyncset.done $0x0  }
0x45: {  	s10 =	sor.u32 s11, s10;
	s7 =	sand.u32 $0x1FFFFFE0, s7;
	[sflag:s21] =	ssyncadd.s32 $0xFFFFE000  }
0x46: {  	[tilespmem:s3], [sflag:$0x1] =	stream.linear.gather [hbm4b:s9+s3], $0x100, $0x38;
	[tilespmem:$0x1C8A0] =	vst v63  }
0x47: {  	s9 =	sshrl.u32 s10, $0x3  }
0x48: {  	[tilespmem:s22], [sflag:$0x4] =	stream.indirect.gather [spmem:s2], $0x20, s17, s17, $0xb8;
	[tilespmem:$0x1C8A0] =	vst v63  }
0x49: {  	s9 =	sadd.s32 s6, s9  }
0x4a: {  	[hbm4b:s9+s23] =	stream.strided.scatter [tilespmem:s19], [sflag:$0x5], $0x2000, s24, s23, $0x38;
	[tilespmem:$0x1C8A0] =	vst v63  }
0x4b: {  	_ =	swait.ge [sflag:s25], $0x2000  }
0x4c: {  	[sflag:s25] =	ssyncset.done $0x0  }
0x4d: {  	s7 =	sadd.s32 s5, s7;
	[sflag:s25] =	ssyncadd.s32 $0xFFFFE000  }
0x4e: {  	[tilespmem:s17], [sflag:$0x2] =	stream.linear.gather [hbm4b:s7+s3], $0x100, $0x38;
	[tilespmem:$0x1C8A0] =	vst v63  }
0x4f: {  	s7 =	sadd.s32 $0x2, s31;
	_ =	swait.ge [sflag:s26], $0x2000  }
0x50: {  	s10 =	sadd.s32 $0x8000, s14;
	s9 =	sadd.s32 $0x2000, s13;
	[sflag:s26] =	ssyncset.done $0x0  }
0x51: {  	s10 =	sand.u32 $0x78000, s10;
	s9 =	sand.u32 $0x7FF80000, s9;
	[sflag:s26] =	ssyncadd.s32 $0xFFFFE000  }
0x52: {  	s9 =	sor.u32 s10, s9;
	s7 =	sand.u32 $0x60, s7;
	_ =	swait.ge [sflag:s18], $0x100  }
.Ltmp0:
0x53: {  	s7 =	sor.u32 s7, s9;
	[sflag:s18] =	ssyncset.done $0x0;
	(pc) =	sbr.rel @p0 .LBB2_2-.Ltmp0, $4  }
0x54: {  	s7 =	sshrl.u32 s7, $0x3;
	[sflag:s18] =	ssyncadd.s32 $0xFFFFFF00  }
0x55: {  	[tilespmem:s19], [sflag:$0x3] =	stream.indirect.gather [spmem:s2], $0x20, s3, s17, $0xb8;
	[tilespmem:$0x1C8A0] =	vst v63  }
0x56: {  	s7 =	sadd.s32 s6, s7  }
0x57: {  	[hbm4b:s7+s23] =	stream.strided.scatter [tilespmem:s22], [sflag:$0x6], $0x2000, s24, s23, $0x38;
	[tilespmem:$0x1C8A0] =	vst v63  }
0x58: {  	_ =	swait.ge [sflag:s28], $0x2000  }
0x59: {  	[sflag:s28] =	ssyncset.done $0x0  }
0x5a: {  	[sflag:s28] =	ssyncadd.s32 $0xFFFFE000  }
0x5b: {  	_ =	swait.ge [sflag:s21], $0x2000  }
0x5c: {  	[sflag:s21] =	ssyncset.done $0x0  }
0x5d: {  	[sflag:s21] =	ssyncadd.s32 $0xFFFFE000  }
0x5e: {  	_ =	swait.ge [sflag:s20], $0x100  }
0x5f: {  	s29 =	sadd.s32 $0x1, s29;
	s7 =	rddreg [dreg:$0x6]  }
0x60: {  	p0 =	sne.s32 s29, s7  }
.Ltmp1:
0x61: {  	_ = 	snop;
	(pc) =	sbr.rel @p0 .LBB2_1-.Ltmp1, $3  }
0x62: {  	_ =	sdelay $0x1  }
0x63: {  	[sflag:s20] =	ssyncset.done $0x0  }
0x64: {  	[sflag:s20] =	ssyncadd.s32 $0xFFFFFF00  }
0x65: {  	_ =	sfence.sel $0x180000  }
0x66: {  	[bflag:$0x0] =	sbarrier.arrive $0xFFFF  }
0x67: {  	_ =	strace $0x90000047  }
0x68: {  	s0 =	stileid.u32;
	[bflag:$0x2] =	sbarrier.arrive $0xFFFF  }
0x69: {  	p0 =	sne.s32 s0, $0x0;
	s0 =	rddreg [dreg:$0x2]  }
0x6a: {  	s0 =	sadd.s32 @!p0 $0x100000, s0  }
0x6b: {  	[sflag:s0] =	ssyncadd.tile.s32 @!p0 $0x1;
	_ =	shalt  }
.Lfunc_end2:
_tile_overlayer_lowered:
.L_overlay_start_2:
0x6c: {  	(tag) =	ssettag $0x2  }
0x6d: {  	s0 =	rddreg [dreg:$0x0];
	s2 =	stileid.u32  }
0x6e: {  	s1 =	rddreg [dreg:$0x1];
	p0 =	sne.s32 s2, $0x0  }
0x6f: {  	s3 =	rddreg [dreg:$0x2];
	[bflag:$0x3] =	sbarrier.arrive $0xFFFF;
	s2 =	simm.s32 @!p0 $0x1C07  }
0x70: {  	[timem:s3], [sflag:s2] =	dma.local @!p0 [hbm:s0], s1  }
0x71: {  	s0 =	simm.s32 @!p0 $0x7  }
0x72: {  	_ =	swait.ge @!p0 [sflag:s0], s1  }
0x73: {  	s1 =	ssub.s32 @!p0 $0x0, s1;
	[sflag:s0] =	ssyncset.done @!p0 $0x0  }
0x74: {  	[sflag:s0] =	ssyncadd.s32 @!p0 s1  }
0x75: {  	[bflag:$0x3] =	sbarrier.arrive $0xFFFF  }
0x76: {  	_ =	shalt  }

// kernel: kernel.13.cloned.1.call-start
scs
__scs_entry_jumppad:
0x0: {  	(pc) =	sbr.rel $0x88, $3  }
0x1: {  	(tag) =	ssettag $0x0;
	lr =	simm.s32 $0x1  }
0x2: {  	[smem:$0x3F9F] =	sst lr;
	_ =	strace $0xD0000000  }
0x3: {  	_ = 	snop  }
0x4: {  	_ = 	snop  }
0x5: {  	_ = 	snop  }
0x6: {  	_ = 	snop  }
0x7: {  	_ = 	snop  }
__scs_overlays_trampoline_lowered:
0x8: {  	[smem:$0x3FAE] =	sst s0  }
0x9: {  	[smem:$0x3FAF] =	sst s1  }
0xa: {  	[smem:$0x3FB0] =	sst s2  }
0xb: {  	[smem:$0x3FB1] =	sst s3  }
0xc: {  	[smem:$0x3FB2] =	sst s4  }
0xd: {  	[smem:$0x3FB3] =	sst s5  }
0xe: {  	[smem:$0x3FB4] =	sst s6  }
0xf: {  	[smem:$0x3FB5] =	sst s7  }
0x10: {  	[smem:$0x3FB6] =	sst s8  }
0x11: {  	[smem:$0x3FB7] =	sst s9;
	s0 =	simm.s32 @!p0 $0x0  }
0x12: {  	s1 =	sld [smem:$0x3F9D];
	s0 =	simm.s32 @p0 $0x1  }
0x13: {  	[smem:$0x3FB8] =	sst s0;
	s0 =	simm.s32 @!p1 $0x0  }
0x14: {  	s2 =	sld [smem:$0x3F9C];
	s0 =	simm.s32 @p1 $0x1  }
0x15: {  	[smem:$0x3FB9] =	sst s0;
	s0 =	simm.s32 @!p2 $0x0  }
0x16: {  	s3 =	sld [smem:$0x3FDB];
	s0 =	simm.s32 @p2 $0x1  }
0x17: {  	s4 =	simm.s32 $0x1BF5;
	[smem:$0x3FBB] =	sst s0  }
0x18: {  	s0 =	sld [smem:$0x3F9E];
	_ =	swait.ge [sflag:s4], $0x0  }
0x19: {  	s7 =	sld [smem:$0x3F9F]  }
0x1a: {  	s8 =	sadd.s32 $0xFFFFE003, lr  }
0x1b: {  	s9 =	sadd.s32 $0xFFFFFEF7, lr;
	s5 =	simm.s32 $0xFFFFFFFF;
	p2 =	slt.u32 s8, $0xFFFFF086  }
0x1c: {  	p1 =	slt.u32 s9, $0xF7A;
	s5 =	simm.s32 @!p2 $0x0  }
0x1d: {  	s5 =	simm.s32 @p1 $0x1;
	p0 =	seq.s32 s7, s2  }
0x1e: {  	s7 =	smul.u32 @!p0 $0xF7A, s2;
	p2 =	seq.s32 @!p0 s5, $0x0  }
0x1f: {  	s9 =	smul.u32 $0xF7A, s1;
	s8 =	simm.s32 @!p0 $0x1BF5;
	p2 =	por !p2, p0  }
0x20: {  	[sflag:s8] =	ssyncset.s32 @!p0 $0xFFFFF086;
	s6 =	sadd.s32 @!p0 s3, s7;
	s7 =	simm.s32 @!p0 $0x108  }
0x21: {  	s3 =	sadd.s32 s3, s9;
	s6 =	sadd.s32 @!p0 $0x88, s6;
	s7 =	simm.s32 @p2 $0x1082  }
0x22: {  	[simem:s7], [sflag:s8] =	dma.local @!p0 [hbm:s6], $0xF7A  }
0x23: {  	s9 =	sor.u32 $0xD0000000, s2;
	s6 =	simm.s32 $0x108;
	_ =	swait.ge @!p0 [sflag:s8], $0x0  }
0x24: {  	s3 =	sadd.s32 $0x88, s3;
	s6 =	simm.s32 @!p1 $0x1082;
	[sflag:s4] =	ssyncset.s32 $0xFFFFF086  }
0x25: {  	[simem:s6], [sflag:s4] =	dma.local [hbm:s3], $0xF7A  }
0x26: {  	[smem:$0x3F9F] =	sst s1;
	(tag) =	ssettag s2;
	_ =	strace s9  }
0x27: {  	s1 =	sld [smem:$0x3FAF]  }
0x28: {  	s2 =	sld [smem:$0x3FB0]  }
0x29: {  	s4 =	sld [smem:$0x3FB2]  }
0x2a: {  	p0 =	seq.s32 s5, $0x0;
	s5 =	sld [smem:$0x3FB3]  }
0x2b: {  	s6 =	sld [smem:$0x3FB4]  }
0x2c: {  	s7 =	sld [smem:$0x3FB5]  }
0x2d: {  	s3 =	simm.s32 $0x108;
	s8 =	sld [smem:$0x3FB6]  }
0x2e: {  	s3 =	simm.s32 @!p0 $0x1082;
	s9 =	sld [smem:$0x3FB7]  }
0x2f: {  	lr =	sadd.s32 s0, s3;
	s0 =	sld [smem:$0x3FAE]  }
0x30: {  	s3 =	sld [smem:$0x3FB1]  }
0x31: {  	[smem:$0x3FBA] =	sst s10  }
0x32: {  	s10 =	sld [smem:$0x3FB8];
	_ =	sdelay $0x3  }
0x33: {  	p0 =	seq.s32 s10, $0x1;
	s10 =	sld [smem:$0x3FBA];
	_ =	sdelay $0x3  }
0x34: {  	[smem:$0x3FBA] =	sst s10  }
0x35: {  	s10 =	sld [smem:$0x3FB9];
	_ =	sdelay $0x3  }
0x36: {  	p1 =	seq.s32 s10, $0x1;
	s10 =	sld [smem:$0x3FBA];
	_ =	sdelay $0x3  }
0x37: {  	[smem:$0x3FBA] =	sst s10  }
0x38: {  	s10 =	sld [smem:$0x3FBB]  }
0x39: {  	_ = 	snop;
	(pc) =	sbr.ind lr, $3  }
0x3a: {  	_ = 	snop  }
0x3b: {  	_ = 	snop  }
0x3c: {  	p2 =	seq.s32 s10, $0x1;
	s10 =	sld [smem:$0x3FBA]  }
0x3d: {  	_ =	shalt  }
0x3e: {  	_ =	shalt  }
0x3f: {  	_ =	shalt  }
0x40: {  	_ =	shalt  }
0x41: {  	_ =	shalt  }
0x42: {  	_ =	shalt  }
0x43: {  	_ =	shalt  }
0x44: {  	_ =	shalt  }
0x45: {  	_ =	shalt  }
0x46: {  	_ =	shalt  }
0x47: {  	_ =	shalt  }
0x48: {  	_ =	shalt  }
0x49: {  	_ =	shalt  }
0x4a: {  	_ =	shalt  }
0x4b: {  	_ =	shalt  }
0x4c: {  	_ =	shalt  }
0x4d: {  	_ =	shalt  }
0x4e: {  	_ =	shalt  }
0x4f: {  	_ =	shalt  }
0x50: {  	_ =	shalt  }
0x51: {  	_ =	shalt  }
0x52: {  	_ =	shalt  }
0x53: {  	_ =	shalt  }
0x54: {  	_ =	shalt  }
0x55: {  	_ =	shalt  }
0x56: {  	_ =	shalt  }
0x57: {  	_ =	shalt  }
0x58: {  	_ =	shalt  }
0x59: {  	_ =	shalt  }
0x5a: {  	_ =	shalt  }
0x5b: {  	_ =	shalt  }
0x5c: {  	_ =	shalt  }
0x5d: {  	_ =	shalt  }
0x5e: {  	_ =	shalt  }
0x5f: {  	_ =	shalt  }
0x60: {  	_ =	shalt  }
0x61: {  	_ =	shalt  }
0x62: {  	_ =	shalt  }
0x63: {  	_ =	shalt  }
0x64: {  	_ =	shalt  }
0x65: {  	_ =	shalt  }
0x66: {  	_ =	shalt  }
0x67: {  	_ =	shalt  }
0x68: {  	_ =	shalt  }
0x69: {  	_ =	shalt  }
0x6a: {  	_ =	shalt  }
0x6b: {  	_ =	shalt  }
0x6c: {  	_ =	shalt  }
0x6d: {  	_ =	shalt  }
0x6e: {  	_ =	shalt  }
0x6f: {  	_ =	shalt  }
0x70: {  	_ =	shalt  }
0x71: {  	_ =	shalt  }
0x72: {  	_ =	shalt  }
0x73: {  	_ =	shalt  }
0x74: {  	_ =	shalt  }
0x75: {  	_ =	shalt  }
0x76: {  	_ =	shalt  }
0x77: {  	_ =	shalt  }
0x78: {  	_ =	shalt  }
0x79: {  	_ =	shalt  }
0x7a: {  	_ =	shalt  }
0x7b: {  	_ =	shalt  }
0x7c: {  	_ =	shalt  }
0x7d: {  	_ =	shalt  }
0x7e: {  	_ =	shalt  }
0x7f: {  	_ =	shalt  }
0x80: {  	_ =	shalt  }
0x81: {  	_ =	shalt  }
0x82: {  	_ =	shalt  }
0x83: {  	_ =	shalt  }
0x84: {  	_ =	shalt  }
0x85: {  	_ =	shalt  }
0x86: {  	_ =	shalt  }
0x87: {  	_ =	shalt  }
.Lfunc_end0:
.L_simem_size_0:
called_computation.1_lowered:
.L_overlay_start_0:
0x88: {  	s2 =	sld [smem:$0x3FD9]  }
0x89: {  	s3 =	sld [smem:$0x3FFE];
	_ =	sdelay $0x1  }
0x8a: {  	s1 =	srdreg.scid  }
0x8b: {  	s0 =	sand.u32 $0x1, s1  }
0x8c: {  	s17 =	sshll.u32 s0, $0xA;
	s2 =	sadd.s32 s3, s2  }
0x8d: {  	s2 =	sadd.s32 s2, s17  }
0x8e: {  	[smem:$0x3FC6] =	sst s2  }
0x8f: {  	_ = 	snop  }
0x90: {  	(tm) =	ssettm $0x1  }
0x91: {  	s18 =	sld [smem:$0x3FFB];
	_ =	sdelay $0x3  }
0x92: {  	_ =	strace s18  }
0x93: {  	s2 =	sld [smem:$0x3FFC];
	_ =	sdelay $0x3  }
0x94: {  	_ =	strace s2  }
0x95: {  	s2 =	sld [smem:$0x3FFD];
	_ =	sdelay $0x3  }
0x96: {  	_ =	strace s2  }
0x97: {  	_ =	strace $0x8FFFFFFF  }
0x98: {  	s19 =	sld [smem:$0x3FDB];
	_ =	sdelay $0x1  }
0x99: {  	s20 =	simm.s32 $_scs_section_size  }
0x9a: {  	s4 =	simm.s32 $_size__tile_overlayer_lowered;
	s5 =	simm.s32 $_tile_overlayer_lowered  }
0x9b: {  	s6 =	simm.s32 $0x1BFF;
	s21 =	sshll.u32 s5, $0x1;
	s3 =	sadd.s32 s20, s19  }
0x9c: {  	s22 =	simm.s32 $0x0;
	s4 =	sshll.u32 s4, $0x1;
	s5 =	sadd.s32 s21, s3  }
0x9d: {  	[timem:s22], [sflag:s6] =	dma.local [hbm:s5], s4  }
0x9e: {  	_ =	swait.ge [sflag:s6], s4  }
0x9f: {  	s4 =	ssub.s32 $0x0, s4;
	[sflag:s6] =	ssyncset.done $0x0  }
0xa0: {  	[sflag:s6] =	ssyncadd.s32 s4;
	_ =	sdelay $0x1  }
0xa1: {  	s23 =	simm.s32 $0x1B8B  }
0xa2: {  	_ =	swait.ge [sflag:s23], $0x1  }
0xa3: {  	[sflag:s23] =	ssyncset.done $0x0  }
0xa4: {  	[sflag:s23] =	ssyncadd.s32 $0xFFFFFFFF  }
0xa5: {  	s4 =	sld [smem:$0x0]  }
0xa6: {  	s5 =	sand.u32 $0xFFFFFFFE, s1  }
0xa7: {  	p0 =	sne.s32 s1, s5  }
0xa8: {  	s5 =	sshll.u32 @p0 s5, $0xE  }
0xa9: {  	s5 =	sadd.s32 @p0 $0x11B8D, s5;
	s6 =	sshll.u32 @p0 s4, $0x11  }
0xaa: {  	s5 =	sor.u32 @p0 s6, s5  }
0xab: {  	[sflag:s5] =	ssyncadd.remote.s32 @p0 $0x1;
	_ =	sdelay $0x1  }
0xac: {  	s5 =	simm.s32 @p0 $0x1B8D  }
0xad: {  	_ =	swait.eq @p0 [sflag:s5], $0x1  }
0xae: {  	[sflag:s5] =	ssyncadd.s32 @p0 $0xFFFFFFFF  }
0xaf: {  	s6 =	sshll.u32 @!p0 s1, $0xE  }
0xb0: {  	s6 =	sor.u32 @!p0 $0x4000, s6;
	s5 =	simm.s32 @!p0 $0x1B8D  }
0xb1: {  	s4 =	sshll.u32 @!p0 s4, $0x11;
	s6 =	sadd.s32 @!p0 $0x11B8D, s6;
	_ =	swait.eq @!p0 [sflag:s5], $0x1  }
0xb2: {  	s4 =	sor.u32 @!p0 s4, s6;
	[sflag:s5] =	ssyncadd.s32 @!p0 $0xFFFFFFFF  }
0xb3: {  	s25 =	simm.s32 $0x1B8E;
	s24 =	sld [smem:$0x3FFE];
	[sflag:s4] =	ssyncadd.remote.s32 @!p0 $0x1  }
0xb4: {  	s26 =	simm.s32 $execute0_lowered;
	[smem:$0x3FD2] =	sst s25  }
0xb5: {  	s5 =	sshll.u32 s26, $0x1;
	_ =	strace $0x80000049;
	[dreg:$0x1] =	wrdreg $0xFFFFFFFF  }
0xb6: {  	s28 =	simm.s32 $_size_execute0_lowered;
	s3 =	sadd.s32 s3, s5;
	[dreg:$0x0] =	wrdreg $0x0  }
0xb7: {  	s5 =	sshll.u32 s28, $0x1;
	[dreg:$0x2] =	wrdreg s3  }
0xb8: {  	[dreg:$0x3] =	wrdreg s5  }
0xb9: {  	[dreg:$0x4] =	wrdreg $0xC0  }
0xba: {  	_ =	task [dreg:s22], $0x5FFFF  }
0xbb: {  	[dreg:$0x1] =	wrdreg $0xFFFFFFFF  }
0xbc: {  	[dreg:$0x0] =	wrdreg $0x60  }
0xbd: {  	[dreg:$0x2] =	wrdreg s24  }
0xbe: {  	[dreg:$0x3] =	wrdreg $0x42000  }
0xbf: {  	[dreg:$0x4] =	wrdreg $0xA  }
0xc0: {  	_ =	task.clear_ibuf [dreg:s22], $0x5FFFF;
	_ =	strace $0x90000049  }
0xc1: {  	s29 =	simm.s32 $0xA;
	_ =	strace $0x8000004B  }
0xc2: {  	_ =	swait.ge [sflag:s29], $0x1  }
0xc3: {  	[sflag:s29] =	ssyncadd.s32 $0xFFFFFFFF  }
0xc4: {  	_ =	strace $0x9000004B  }
0xc5: {  	_ =	sfence  }
0xc6: {  	s30 =	sld [smem:$0x0];
	_ =	sdelay $0x2  }
0xc7: {  	s31 =	sshll.u32 s1, $0xD;
	s1 =	sshrl.u32 s1, $0x2  }
0xc8: {  	s4 =	sand.u32 $0x4000, s31;
	s1 =	sadd.s32 s1, s30  }
0xc9: {  	s0 =	sor.u32 s4, s0;
	s1 =	sshll.u32 s1, $0x11  }
0xca: {  	s0 =	sor.u32 s1, s0  }
0xcb: {  	s0 =	sadd.s32 $0x8F2B, s0  }
0xcc: {  	[sflag:s0] =	ssyncadd.remote.s32 $0x1  }
0xcd: {  	_ =	sfence.sel $0xFFFF  }
0xce: {  	[dreg:$0x0] =	wrdreg $0xFFFFFFFF;
	(pc) =	sbr.abs _section_cstart, $3  }
0xcf: {  	[dreg:$0x1] =	wrdreg $0xFFFFFFFF  }
0xd0: {  	_ =	task.clear_ibuf [dreg:s22], $0x2FFFF;
	_ =	strace $0x9FFFFFFF  }
0xd1: {  	(tm) =	ssettm $0x7FFFFFFF  }
tec
execute0_lowered:
.L_overlay_start_1:
0x0: {  	(tag) =	ssettag $0x1  }
0x1: {  	s0 =	rddreg [dreg:$0x0]  }
0x2: {  	s2 =	rddreg [dreg:$0x1]  }
0x3: {  	s3 =	simm.s32 $0x0;
	s21 =	stileid.u32;
	s4 =	srdreg.scid  }
0x4: {  	s28 =	simm.s32 $0x4;
	s29 =	simm.s32 $0x5;
	s30 =	simm.s32 $0x6  }
0x5: {  	s31 =	simm.s32 $0x0;
	[smem:$0x7FF] =	sst s3;
	s1 =	smul.u32 $0x186A0, s21  }
0x6: {  	s5 =	sadd.s32 $0x31E00, s0;
	s6 =	sand.u32 $0x1, s4;
	s24 =	sshll.u32 s21, $0x1  }
0x7: {  	s4 =	sadd.s32 $0x3B5E00, s0;
	s12 =	sshll.u32 s21, $0x6;
	s9 =	sor.u32 s6, s24  }
0x8: {  	_ =	strace $0x8000004A;
	s8 =	ssub.s32 $0x2, s6;
	s11 =	smul.u32 $0x6400, s9  }
0x9: {  	s7 =	sshrl.u32 s1, $0x3;
	s10 =	sshrl.u32 s8, $0x1;
	s26 =	smul.u32 $0x64, s9  }
0xa: {  	s14 =	sadd.s32 s1, s2;
	s1 =	sor.u32 $0x1C07, s12;
	s9 =	smul.u32 $0xC80, s9  }
0xb: {  	s7 =	sadd.s32 s7, s0;
	s25 =	ssub.s32 s8, s10;
	[dreg:$0x5] =	wrdreg s1  }
0xc: {  	s13 =	sshrl.u32 s11, $0x3;
	s7 =	sadd.s32 $0x1000, s7;
	s17 =	sadd.s32 $0x62, s26  }
0xd: {  	s0 =	smax.u32 s25, $0x1;
	s19 =	sadd.s32 $0x63, s26;
	s25 =	smul.u32 $0x640000, s21  }
0xe: {  	[dreg:$0x4] =	wrdreg s7;
	s15 =	sadd.s32 s5, s13;
	s18 =	sshll.u32 s17, $0xD  }
0xf: {  	s12 =	sshll.u32 s17, $0xF;
	s13 =	sadd.s32 s9, s5;
	[dreg:$0x8] =	wrdreg s0  }
0x10: {  	s22 =	sshll.u32 s19, $0xD;
	s23 =	sshll.u32 s19, $0xF;
	s0 =	sshll.u32 s19, $0x1  }
0x11: {  	s19 =	smul.u32 $0x190000, s21;
	s16 =	sadd.s32 $0x19000, s15;
	s1 =	sadd.s32 $0x19020, s15  }
0x12: {  	s11 =	sand.u32 $0x3F80000, s18;
	s12 =	sand.u32 $0x70000, s12;
	s15 =	smul.u32 $0x1900, s21  }
0x13: {  	s20 =	sadd.s32 $0x19000, s13;
	s18 =	smul.u32 $0xC8, s6;
	[dreg:$0x6] =	wrdreg s16  }
0x14: {  	s0 =	sand.u32 $0x60, s0;
	[dreg:$0x7] =	wrdreg s1;
	s16 =	smul.u32 $0xC80, s6  }
0x15: {  	s1 =	sshll.u32 s17, $0x1;
	s11 =	sor.u32 s12, s11;
	s17 =	smul.u32 $0x190, s21  }
0x16: {  	[dreg:$0x9] =	wrdreg s20;
	s12 =	sand.u32 $0x78000, s23;
	s20 =	smul.u32 $0xC8000, s6  }
0x17: {  	s6 =	smul.u32 $0x320000, s6;
	s21 =	simm.s32 $0x200;
	s1 =	sand.u32 $0x60, s1  }
0x18: {  	s23 =	simm.s32 $0x3;
	s24 =	sadd.s32 s15, s5;
	s1 =	sor.u32 s1, s11  }
0x19: {  	s26 =	sadd.s32 s16, s24;
	s5 =	sadd.s32 s20, s19;
	s6 =	sadd.s32 s6, s25  }
0x1a: {  	s19 =	simm.s32 $0x100;
	s20 =	simm.s32 $0x1;
	s1 =	sshrl.u32 s1, $0x3  }
0x1b: {  	s24 =	simm.s32 $0x2200;
	s11 =	sadd.s32 s4, s1;
	s1 =	sand.u32 $0x3F80000, s22  }
0x1c: {  	s25 =	simm.s32 $0x20;
	[dreg:$0x3] =	wrdreg s26;
	s1 =	sor.u32 s12, s1  }
0x1d: {  	s26 =	simm.s32 $0x80;
	s22 =	simm.s32 $0x2;
	s0 =	sor.u32 s0, s1  }
0x1e: {  	s12 =	sadd.s32 $0x19020, s13;
	s1 =	sadd.s32 s18, s17;
	s0 =	sshrl.u32 s0, $0x3  }
0x1f: {  	s17 =	sshrl.u32 s14, $0x3;
	s18 =	simm.s32 $0x7;
	s13 =	sadd.s32 s4, s0  }
.LBB2_1:
0x20: {  	s0 =	rddreg [dreg:$0x4]  }
0x21: {  	s7 =	rddreg [dreg:$0x5]  }
0x22: {  	[spmem:s17], [sflag:s7] =	dma.local [hbm:s0], $0x30D4  }
0x23: {  	_ =	swait.ge [sflag:s18], $0x30D4  }
0x24: {  	[sflag:s18] =	ssyncset.done $0x0  }
0x25: {  	[sflag:s18] =	ssyncadd.s32 $0xFFFFCF2C  }
0x26: {  	[bflag:$0x0] =	sbarrier.arrive $0xFFFF  }
0x27: {  	s16 =	rddreg [dreg:$0x6]  }
0x28: {  	[tilespmem:s3], [sflag:$0x1] =	stream.linear.gather [hbm4b:s16+s3], $0x100, $0x38;
	[tilespmem:$0x1C8A0] =	vst v63  }
0x29: {  	s7 =	rddreg [dreg:$0x7]  }
0x2a: {  	[tilespmem:s19], [sflag:$0x2] =	stream.linear.gather [hbm4b:s7+s3], $0x100, $0x38;
	[tilespmem:$0x1C8A0] =	vst v63  }
0x2b: {  	_ =	swait.ge [sflag:s20], $0x100  }
0x2c: {  	[sflag:s20] =	ssyncset.done $0x0  }
0x2d: {  	[sflag:s20] =	ssyncadd.s32 $0xFFFFFF00  }
0x2e: {  	[tilespmem:s21], [sflag:$0x3] =	stream.indirect.gather [spmem:s2], $0x20, s3, s19, $0xb8;
	[tilespmem:$0x1C8A0] =	vst v63  }
0x2f: {  	_ =	swait.ge [sflag:s22], $0x100  }
0x30: {  	[sflag:s22] =	ssyncset.done $0x0  }
0x31: {  	[sflag:s22] =	ssyncadd.s32 $0xFFFFFF00  }
0x32: {  	s14 =	sand.u32 $0x7FF80000, s5;
	_ =	swait.ge [sflag:s23], $0x2000  }
0x33: {  	s15 =	sand.u32 $0x70000, s6;
	s9 =	sand.u32 $0x60, s1;
	s8 =	rddreg [dreg:$0x3]  }
0x34: {  	s14 =	sor.u32 s15, s14;
	[sflag:s23] =	ssyncset.done $0x0;
	s0 =	sadd.s32 $0x0, s8  }
0x35: {  	s14 =	sor.u32 s9, s14;
	[sflag:s23] =	ssyncadd.s32 $0xFFFFE000;
	s16 =	sadd.s32 $0x19040, s0  }
0x36: {  	[tilespmem:s3], [sflag:$0x1] =	stream.linear.gather [hbm4b:s16+s3], $0x100, $0x38;
	[tilespmem:$0x1C8A0] =	vst v63  }
0x37: {  	s14 =	sshrl.u32 s14, $0x3  }
0x38: {  	[tilespmem:s24], [sflag:$0x4] =	stream.indirect.gather [spmem:s2], $0x20, s19, s19, $0xb8;
	[tilespmem:$0x1C8A0] =	vst v63  }
0x39: {  	s14 =	sadd.s32 s4, s14  }
0x3a: {  	[hbm4b:s14+s25] =	stream.strided.scatter [tilespmem:s21], [sflag:$0x5], $0x2000, s26, s25, $0x38;
	[tilespmem:$0x1C8A0] =	vst v63  }
0x3b: {  	_ =	swait.ge [sflag:s28], $0x2000  }
0x3c: {  	[sflag:s28] =	ssyncset.done $0x0  }
0x3d: {  	s0 =	sadd.s32 $0x19060, s0;
	[sflag:s28] =	ssyncadd.s32 $0xFFFFE000  }
0x3e: {  	[tilespmem:s19], [sflag:$0x2] =	stream.linear.gather [hbm4b:s0+s3], $0x100, $0x38;
	[tilespmem:$0x1C8A0] =	vst v63  }
0x3f: {  	s10 =	sadd.s32 $0x2, s1;
	_ =	swait.ge [sflag:s29], $0x2000  }
0x40: {  	s15 =	sadd.s32 $0x2000, s5;
	s16 =	sadd.s32 $0x8000, s6;
	[sflag:s29] =	ssyncset.done $0x0  }
0x41: {  	s14 =	sand.u32 $0x7FF80000, s15;
	s15 =	sand.u32 $0x78000, s16;
	[sflag:s29] =	ssyncadd.s32 $0xFFFFE000  }
0x42: {  	s14 =	sor.u32 s15, s14;
	s0 =	sand.u32 $0x60, s10;
	_ =	swait.ge [sflag:s20], $0x100  }
0x43: {  	s0 =	sor.u32 s0, s14;
	[sflag:s20] =	ssyncset.done $0x0  }
0x44: {  	s0 =	sshrl.u32 s0, $0x3;
	[sflag:s20] =	ssyncadd.s32 $0xFFFFFF00  }
0x45: {  	[tilespmem:s21], [sflag:$0x3] =	stream.indirect.gather [spmem:s2], $0x20, s3, s19, $0xb8;
	[tilespmem:$0x1C8A0] =	vst v63  }
0x46: {  	s16 =	smov.u32 s6;
	s0 =	sadd.s32 s4, s0  }
0x47: {  	[hbm4b:s0+s25] =	stream.strided.scatter [tilespmem:s24], [sflag:$0x6], $0x2000, s26, s25, $0x38;
	[tilespmem:$0x1C8A0] =	vst v63  }
0x48: {  	s15 =	smov.u32 s5;
	s14 =	smov.u32 s1;
	s0 =	simm.s32 $0x40  }
.LBB2_2:
0x49: {  	_ =	swait.ge [sflag:s30], $0x2000  }
0x4a: {  	[sflag:s30] =	ssyncset.done $0x0  }
0x4b: {  	[sflag:s30] =	ssyncadd.s32 $0xFFFFE000  }
0x4c: {  	_ =	swait.ge [sflag:s22], $0x100  }
0x4d: {  	s14 =	sadd.s32 $0x4, s14;
	[sflag:s22] =	ssyncset.done $0x0  }
0x4e: {  	s15 =	sadd.s32 $0x4000, s15;
	s16 =	sadd.s32 $0x10000, s16;
	[sflag:s22] =	ssyncadd.s32 $0xFFFFFF00  }
0x4f: {  	s7 =	smov.u32 s0;
	s9 =	sand.u32 $0x7FF80000, s15;
	_ =	swait.ge [sflag:s23], $0x2000  }
0x50: {  	s10 =	sand.u32 $0x70000, s16;
	s8 =	rddreg [dreg:$0x3];
	[sflag:s23] =	ssyncset.done $0x0  }
0x51: {  	s7 =	sadd.s32 s7, s8;
	s8 =	sor.u32 s10, s9;
	s9 =	sand.u32 $0x60, s14  }
0x52: {  	[sflag:s23] =	ssyncadd.s32 $0xFFFFE000;
	s10 =	sadd.s32 $0x19040, s7;
	s8 =	sor.u32 s9, s8  }
0x53: {  	[tilespmem:s3], [sflag:$0x1] =	stream.linear.gather [hbm4b:s10+s3], $0x100, $0x38;
	[tilespmem:$0x1C8A0] =	vst v63  }
0x54: {  	s8 =	sshrl.u32 s8, $0x3  }
0x55: {  	[tilespmem:s24], [sflag:$0x4] =	stream.indirect.gather [spmem:s2], $0x20, s19, s19, $0xb8;
	[tilespmem:$0x1C8A0] =	vst v63  }
0x56: {  	s8 =	sadd.s32 s4, s8  }
0x57: {  	[hbm4b:s8+s25] =	stream.strided.scatter [tilespmem:s21], [sflag:$0x5], $0x2000, s26, s25, $0x38;
	[tilespmem:$0x1C8A0] =	vst v63  }
0x58: {  	_ =	swait.ge [sflag:s28], $0x2000  }
0x59: {  	[sflag:s28] =	ssyncset.done $0x0  }
0x5a: {  	s7 =	sadd.s32 $0x19060, s7;
	[sflag:s28] =	ssyncadd.s32 $0xFFFFE000  }
0x5b: {  	[tilespmem:s19], [sflag:$0x2] =	stream.linear.gather [hbm4b:s7+s3], $0x100, $0x38;
	[tilespmem:$0x1C8A0] =	vst v63  }
0x5c: {  	p0 =	sne.s32 s0, $0xC00;
	s9 =	sadd.s32 $0x2000, s15;
	_ =	swait.ge [sflag:s29], $0x2000  }
0x5d: {  	s10 =	sadd.s32 $0x8000, s16;
	s8 =	sand.u32 $0x7FF80000, s9;
	[sflag:s29] =	ssyncset.done $0x0  }
0x5e: {  	s9 =	sand.u32 $0x78000, s10;
	s7 =	sadd.s32 $0x2, s14;
	[sflag:s29] =	ssyncadd.s32 $0xFFFFE000  }
0x5f: {  	s8 =	sor.u32 s9, s8;
	s7 =	sand.u32 $0x60, s7;
	_ =	swait.ge [sflag:s20], $0x100  }
.Ltmp0:
0x60: {  	s7 =	sor.u32 s7, s8;
	[sflag:s20] =	ssyncset.done $0x0;
	(pc) =	sbr.rel @p0 .LBB2_2-.Ltmp0, $4  }
0x61: {  	s7 =	sshrl.u32 s7, $0x3;
	[sflag:s20] =	ssyncadd.s32 $0xFFFFFF00  }
0x62: {  	[tilespmem:s21], [sflag:$0x3] =	stream.indirect.gather [spmem:s2], $0x20, s3, s19, $0xb8;
	[tilespmem:$0x1C8A0] =	vst v63  }
0x63: {  	s0 =	sadd.s32 $0x40, s0;
	s7 =	sadd.s32 s4, s7  }
0x64: {  	[hbm4b:s7+s25] =	stream.strided.scatter [tilespmem:s24], [sflag:$0x6], $0x2000, s26, s25, $0x38;
	[tilespmem:$0x1C8A0] =	vst v63  }
0x65: {  	_ =	swait.ge [sflag:s30], $0x2000  }
0x66: {  	[sflag:s30] =	ssyncset.done $0x0  }
0x67: {  	[sflag:s30] =	ssyncadd.s32 $0xFFFFE000  }
0x68: {  	_ =	swait.ge [sflag:s22], $0x100  }
0x69: {  	[sflag:s22] =	ssyncset.done $0x0  }
0x6a: {  	[sflag:s22] =	ssyncadd.s32 $0xFFFFFF00  }
0x6b: {  	_ =	swait.ge [sflag:s23], $0x2000  }
0x6c: {  	[sflag:s23] =	ssyncset.done $0x0  }
0x6d: {  	s0 =	rddreg [dreg:$0x9];
	[sflag:s23] =	ssyncadd.s32 $0xFFFFE000  }
0x6e: {  	[tilespmem:s3], [sflag:$0x1] =	stream.linear.gather [hbm4b:s0+s3], $0x100, $0x38;
	[tilespmem:$0x1C8A0] =	vst v63  }
0x6f: {  	_ = 	snop  }
0x70: {  	[tilespmem:s24], [sflag:$0x4] =	stream.indirect.gather [spmem:s2], $0x20, s19, s19, $0xb8;
	[tilespmem:$0x1C8A0] =	vst v63  }
0x71: {  	_ = 	snop  }
0x72: {  	[hbm4b:s11+s25] =	stream.strided.scatter [tilespmem:s21], [sflag:$0x5], $0x2000, s26, s25, $0x38;
	[tilespmem:$0x1C8A0] =	vst v63  }
0x73: {  	_ =	swait.ge [sflag:s28], $0x2000  }
0x74: {  	[sflag:s28] =	ssyncset.done $0x0  }
0x75: {  	[sflag:s28] =	ssyncadd.s32 $0xFFFFE000  }
0x76: {  	[tilespmem:s19], [sflag:$0x2] =	stream.linear.gather [hbm4b:s12+s3], $0x100, $0x38;
	[tilespmem:$0x1C8A0] =	vst v63  }
0x77: {  	_ =	swait.ge [sflag:s29], $0x2000  }
0x78: {  	[sflag:s29] =	ssyncset.done $0x0  }
0x79: {  	[sflag:s29] =	ssyncadd.s32 $0xFFFFE000  }
0x7a: {  	_ =	swait.ge [sflag:s20], $0x100  }
0x7b: {  	[sflag:s20] =	ssyncset.done $0x0  }
0x7c: {  	[sflag:s20] =	ssyncadd.s32 $0xFFFFFF00  }
0x7d: {  	[tilespmem:s21], [sflag:$0x3] =	stream.indirect.gather [spmem:s2], $0x20, s3, s19, $0xb8;
	[tilespmem:$0x1C8A0] =	vst v63  }
0x7e: {  	_ = 	snop  }
0x7f: {  	[hbm4b:s13+s25] =	stream.strided.scatter [tilespmem:s24], [sflag:$0x6], $0x2000, s26, s25, $0x38;
	[tilespmem:$0x1C8A0] =	vst v63  }
0x80: {  	_ =	swait.ge [sflag:s30], $0x2000  }
0x81: {  	[sflag:s30] =	ssyncset.done $0x0  }
0x82: {  	[sflag:s30] =	ssyncadd.s32 $0xFFFFE000  }
0x83: {  	_ =	swait.ge [sflag:s23], $0x2000  }
0x84: {  	[sflag:s23] =	ssyncset.done $0x0  }
0x85: {  	[sflag:s23] =	ssyncadd.s32 $0xFFFFE000  }
0x86: {  	_ =	swait.ge [sflag:s22], $0x100  }
0x87: {  	s31 =	sadd.s32 $0x1, s31;
	s16 =	rddreg [dreg:$0x8]  }
0x88: {  	p0 =	sne.s32 s31, s16  }
.Ltmp1:
0x89: {  	_ = 	snop;
	(pc) =	sbr.rel @p0 .LBB2_1-.Ltmp1, $3  }
0x8a: {  	_ =	sdelay $0x1  }
0x8b: {  	[sflag:s22] =	ssyncset.done $0x0  }
0x8c: {  	[sflag:s22] =	ssyncadd.s32 $0xFFFFFF00  }
0x8d: {  	_ =	sfence.sel $0x180000  }
0x8e: {  	[bflag:$0x0] =	sbarrier.arrive $0xFFFF  }
0x8f: {  	_ =	strace $0x9000004A  }
0x90: {  	s0 =	stileid.u32;
	[bflag:$0x2] =	sbarrier.arrive $0xFFFF  }
0x91: {  	p0 =	sne.s32 s0, $0x0;
	s0 =	rddreg [dreg:$0x2]  }
0x92: {  	s0 =	sadd.s32 @!p0 $0x100000, s0  }
0x93: {  	[sflag:s0] =	ssyncadd.tile.s32 @!p0 $0x1;
	_ =	shalt  }
.Lfunc_end2:
_tile_overlayer_lowered:
.L_overlay_start_2:
0x94: {  	(tag) =	ssettag $0x2  }
0x95: {  	s0 =	rddreg [dreg:$0x0];
	s2 =	stileid.u32  }
0x96: {  	s1 =	rddreg [dreg:$0x1];
	p0 =	sne.s32 s2, $0x0  }
0x97: {  	s3 =	rddreg [dreg:$0x2];
	[bflag:$0x3] =	sbarrier.arrive $0xFFFF;
	s2 =	simm.s32 @!p0 $0x1C07  }
0x98: {  	[timem:s3], [sflag:s2] =	dma.local @!p0 [hbm:s0], s1  }
0x99: {  	s0 =	simm.s32 @!p0 $0x7  }
0x9a: {  	_ =	swait.ge @!p0 [sflag:s0], s1  }
0x9b: {  	s1 =	ssub.s32 @!p0 $0x0, s1;
	[sflag:s0] =	ssyncset.done @!p0 $0x0  }
0x9c: {  	[sflag:s0] =	ssyncadd.s32 @!p0 s1  }
0x9d: {  	[bflag:$0x3] =	sbarrier.arrive $0xFFFF  }
0x9e: {  	_ =	shalt  }

// kernel: kernel.16.cloned.1.call-start
scs
__scs_entry_jumppad:
0x0: {  	(pc) =	sbr.rel $0x88, $3  }
0x1: {  	(tag) =	ssettag $0x0;
	lr =	simm.s32 $0x1  }
0x2: {  	[smem:$0x3F9F] =	sst lr;
	_ =	strace $0xD0000000  }
0x3: {  	_ = 	snop  }
0x4: {  	_ = 	snop  }
0x5: {  	_ = 	snop  }
0x6: {  	_ = 	snop  }
0x7: {  	_ = 	snop  }
__scs_overlays_trampoline_lowered:
0x8: {  	[smem:$0x3FAE] =	sst s0  }
0x9: {  	[smem:$0x3FAF] =	sst s1  }
0xa: {  	[smem:$0x3FB0] =	sst s2  }
0xb: {  	[smem:$0x3FB1] =	sst s3  }
0xc: {  	[smem:$0x3FB2] =	sst s4  }
0xd: {  	[smem:$0x3FB3] =	sst s5  }
0xe: {  	[smem:$0x3FB4] =	sst s6  }
0xf: {  	[smem:$0x3FB5] =	sst s7  }
0x10: {  	[smem:$0x3FB6] =	sst s8  }
0x11: {  	[smem:$0x3FB7] =	sst s9;
	s0 =	simm.s32 @!p0 $0x0  }
0x12: {  	s1 =	sld [smem:$0x3F9D];
	s0 =	simm.s32 @p0 $0x1  }
0x13: {  	[smem:$0x3FB8] =	sst s0;
	s0 =	simm.s32 @!p1 $0x0  }
0x14: {  	s2 =	sld [smem:$0x3F9C];
	s0 =	simm.s32 @p1 $0x1  }
0x15: {  	[smem:$0x3FB9] =	sst s0;
	s0 =	simm.s32 @!p2 $0x0  }
0x16: {  	s3 =	sld [smem:$0x3FDB];
	s0 =	simm.s32 @p2 $0x1  }
0x17: {  	s4 =	simm.s32 $0x1BF5;
	[smem:$0x3FBB] =	sst s0  }
0x18: {  	s0 =	sld [smem:$0x3F9E];
	_ =	swait.ge [sflag:s4], $0x0  }
0x19: {  	s7 =	sld [smem:$0x3F9F]  }
0x1a: {  	s8 =	sadd.s32 $0xFFFFE003, lr  }
0x1b: {  	s9 =	sadd.s32 $0xFFFFFEF7, lr;
	s5 =	simm.s32 $0xFFFFFFFF;
	p2 =	slt.u32 s8, $0xFFFFF086  }
0x1c: {  	p1 =	slt.u32 s9, $0xF7A;
	s5 =	simm.s32 @!p2 $0x0  }
0x1d: {  	s5 =	simm.s32 @p1 $0x1;
	p0 =	seq.s32 s7, s2  }
0x1e: {  	s7 =	smul.u32 @!p0 $0xF7A, s2;
	p2 =	seq.s32 @!p0 s5, $0x0  }
0x1f: {  	s9 =	smul.u32 $0xF7A, s1;
	s8 =	simm.s32 @!p0 $0x1BF5;
	p2 =	por !p2, p0  }
0x20: {  	[sflag:s8] =	ssyncset.s32 @!p0 $0xFFFFF086;
	s6 =	sadd.s32 @!p0 s3, s7;
	s7 =	simm.s32 @!p0 $0x108  }
0x21: {  	s3 =	sadd.s32 s3, s9;
	s6 =	sadd.s32 @!p0 $0x88, s6;
	s7 =	simm.s32 @p2 $0x1082  }
0x22: {  	[simem:s7], [sflag:s8] =	dma.local @!p0 [hbm:s6], $0xF7A  }
0x23: {  	s9 =	sor.u32 $0xD0000000, s2;
	s6 =	simm.s32 $0x108;
	_ =	swait.ge @!p0 [sflag:s8], $0x0  }
0x24: {  	s3 =	sadd.s32 $0x88, s3;
	s6 =	simm.s32 @!p1 $0x1082;
	[sflag:s4] =	ssyncset.s32 $0xFFFFF086  }
0x25: {  	[simem:s6], [sflag:s4] =	dma.local [hbm:s3], $0xF7A  }
0x26: {  	[smem:$0x3F9F] =	sst s1;
	(tag) =	ssettag s2;
	_ =	strace s9  }
0x27: {  	s1 =	sld [smem:$0x3FAF]  }
0x28: {  	s2 =	sld [smem:$0x3FB0]  }
0x29: {  	s4 =	sld [smem:$0x3FB2]  }
0x2a: {  	p0 =	seq.s32 s5, $0x0;
	s5 =	sld [smem:$0x3FB3]  }
0x2b: {  	s6 =	sld [smem:$0x3FB4]  }
0x2c: {  	s7 =	sld [smem:$0x3FB5]  }
0x2d: {  	s3 =	simm.s32 $0x108;
	s8 =	sld [smem:$0x3FB6]  }
0x2e: {  	s3 =	simm.s32 @!p0 $0x1082;
	s9 =	sld [smem:$0x3FB7]  }
0x2f: {  	lr =	sadd.s32 s0, s3;
	s0 =	sld [smem:$0x3FAE]  }
0x30: {  	s3 =	sld [smem:$0x3FB1]  }
0x31: {  	[smem:$0x3FBA] =	sst s10  }
0x32: {  	s10 =	sld [smem:$0x3FB8];
	_ =	sdelay $0x3  }
0x33: {  	p0 =	seq.s32 s10, $0x1;
	s10 =	sld [smem:$0x3FBA];
	_ =	sdelay $0x3  }
0x34: {  	[smem:$0x3FBA] =	sst s10  }
0x35: {  	s10 =	sld [smem:$0x3FB9];
	_ =	sdelay $0x3  }
0x36: {  	p1 =	seq.s32 s10, $0x1;
	s10 =	sld [smem:$0x3FBA];
	_ =	sdelay $0x3  }
0x37: {  	[smem:$0x3FBA] =	sst s10  }
0x38: {  	s10 =	sld [smem:$0x3FBB]  }
0x39: {  	_ = 	snop;
	(pc) =	sbr.ind lr, $3  }
0x3a: {  	_ = 	snop  }
0x3b: {  	_ = 	snop  }
0x3c: {  	p2 =	seq.s32 s10, $0x1;
	s10 =	sld [smem:$0x3FBA]  }
0x3d: {  	_ =	shalt  }
0x3e: {  	_ =	shalt  }
0x3f: {  	_ =	shalt  }
0x40: {  	_ =	shalt  }
0x41: {  	_ =	shalt  }
0x42: {  	_ =	shalt  }
0x43: {  	_ =	shalt  }
0x44: {  	_ =	shalt  }
0x45: {  	_ =	shalt  }
0x46: {  	_ =	shalt  }
0x47: {  	_ =	shalt  }
0x48: {  	_ =	shalt  }
0x49: {  	_ =	shalt  }
0x4a: {  	_ =	shalt  }
0x4b: {  	_ =	shalt  }
0x4c: {  	_ =	shalt  }
0x4d: {  	_ =	shalt  }
0x4e: {  	_ =	shalt  }
0x4f: {  	_ =	shalt  }
0x50: {  	_ =	shalt  }
0x51: {  	_ =	shalt  }
0x52: {  	_ =	shalt  }
0x53: {  	_ =	shalt  }
0x54: {  	_ =	shalt  }
0x55: {  	_ =	shalt  }
0x56: {  	_ =	shalt  }
0x57: {  	_ =	shalt  }
0x58: {  	_ =	shalt  }
0x59: {  	_ =	shalt  }
0x5a: {  	_ =	shalt  }
0x5b: {  	_ =	shalt  }
0x5c: {  	_ =	shalt  }
0x5d: {  	_ =	shalt  }
0x5e: {  	_ =	shalt  }
0x5f: {  	_ =	shalt  }
0x60: {  	_ =	shalt  }
0x61: {  	_ =	shalt  }
0x62: {  	_ =	shalt  }
0x63: {  	_ =	shalt  }
0x64: {  	_ =	shalt  }
0x65: {  	_ =	shalt  }
0x66: {  	_ =	shalt  }
0x67: {  	_ =	shalt  }
0x68: {  	_ =	shalt  }
0x69: {  	_ =	shalt  }
0x6a: {  	_ =	shalt  }
0x6b: {  	_ =	shalt  }
0x6c: {  	_ =	shalt  }
0x6d: {  	_ =	shalt  }
0x6e: {  	_ =	shalt  }
0x6f: {  	_ =	shalt  }
0x70: {  	_ =	shalt  }
0x71: {  	_ =	shalt  }
0x72: {  	_ =	shalt  }
0x73: {  	_ =	shalt  }
0x74: {  	_ =	shalt  }
0x75: {  	_ =	shalt  }
0x76: {  	_ =	shalt  }
0x77: {  	_ =	shalt  }
0x78: {  	_ =	shalt  }
0x79: {  	_ =	shalt  }
0x7a: {  	_ =	shalt  }
0x7b: {  	_ =	shalt  }
0x7c: {  	_ =	shalt  }
0x7d: {  	_ =	shalt  }
0x7e: {  	_ =	shalt  }
0x7f: {  	_ =	shalt  }
0x80: {  	_ =	shalt  }
0x81: {  	_ =	shalt  }
0x82: {  	_ =	shalt  }
0x83: {  	_ =	shalt  }
0x84: {  	_ =	shalt  }
0x85: {  	_ =	shalt  }
0x86: {  	_ =	shalt  }
0x87: {  	_ =	shalt  }
.Lfunc_end0:
.L_simem_size_0:
called_computation.2_lowered:
.L_overlay_start_0:
0x88: {  	s2 =	sld [smem:$0x3FD9]  }
0x89: {  	s3 =	sld [smem:$0x3FFE];
	_ =	sdelay $0x1  }
0x8a: {  	s1 =	srdreg.scid  }
0x8b: {  	s0 =	sand.u32 $0x1, s1  }
0x8c: {  	s17 =	sshll.u32 s0, $0xA;
	s2 =	sadd.s32 s3, s2  }
0x8d: {  	s2 =	sadd.s32 s2, s17  }
0x8e: {  	[smem:$0x3FC6] =	sst s2  }
0x8f: {  	_ = 	snop  }
0x90: {  	(tm) =	ssettm $0x1  }
0x91: {  	s18 =	sld [smem:$0x3FFB];
	_ =	sdelay $0x3  }
0x92: {  	_ =	strace s18  }
0x93: {  	s2 =	sld [smem:$0x3FFC];
	_ =	sdelay $0x3  }
0x94: {  	_ =	strace s2  }
0x95: {  	s2 =	sld [smem:$0x3FFD];
	_ =	sdelay $0x3  }
0x96: {  	_ =	strace s2  }
0x97: {  	_ =	strace $0x8FFFFFFF  }
0x98: {  	s19 =	sld [smem:$0x3FDB];
	_ =	sdelay $0x1  }
0x99: {  	s20 =	simm.s32 $_scs_section_size  }
0x9a: {  	s4 =	simm.s32 $_size__tile_overlayer_lowered;
	s5 =	simm.s32 $_tile_overlayer_lowered  }
0x9b: {  	s6 =	simm.s32 $0x1BFF;
	s21 =	sshll.u32 s5, $0x1;
	s3 =	sadd.s32 s20, s19  }
0x9c: {  	s22 =	simm.s32 $0x0;
	s4 =	sshll.u32 s4, $0x1;
	s5 =	sadd.s32 s21, s3  }
0x9d: {  	[timem:s22], [sflag:s6] =	dma.local [hbm:s5], s4  }
0x9e: {  	_ =	swait.ge [sflag:s6], s4  }
0x9f: {  	s4 =	ssub.s32 $0x0, s4;
	[sflag:s6] =	ssyncset.done $0x0  }
0xa0: {  	[sflag:s6] =	ssyncadd.s32 s4;
	_ =	sdelay $0x1  }
0xa1: {  	s23 =	simm.s32 $0x1B8B  }
0xa2: {  	_ =	swait.ge [sflag:s23], $0x1  }
0xa3: {  	[sflag:s23] =	ssyncset.done $0x0  }
0xa4: {  	[sflag:s23] =	ssyncadd.s32 $0xFFFFFFFF  }
0xa5: {  	s4 =	sld [smem:$0x0]  }
0xa6: {  	s5 =	sand.u32 $0xFFFFFFFE, s1  }
0xa7: {  	p0 =	sne.s32 s1, s5  }
0xa8: {  	s5 =	sshll.u32 @p0 s5, $0xE  }
0xa9: {  	s5 =	sadd.s32 @p0 $0x11B8D, s5;
	s6 =	sshll.u32 @p0 s4, $0x11  }
0xaa: {  	s5 =	sor.u32 @p0 s6, s5  }
0xab: {  	[sflag:s5] =	ssyncadd.remote.s32 @p0 $0x1;
	_ =	sdelay $0x1  }
0xac: {  	s5 =	simm.s32 @p0 $0x1B8D  }
0xad: {  	_ =	swait.eq @p0 [sflag:s5], $0x1  }
0xae: {  	[sflag:s5] =	ssyncadd.s32 @p0 $0xFFFFFFFF  }
0xaf: {  	s6 =	sshll.u32 @!p0 s1, $0xE  }
0xb0: {  	s6 =	sor.u32 @!p0 $0x4000, s6;
	s5 =	simm.s32 @!p0 $0x1B8D  }
0xb1: {  	s4 =	sshll.u32 @!p0 s4, $0x11;
	s6 =	sadd.s32 @!p0 $0x11B8D, s6;
	_ =	swait.eq @!p0 [sflag:s5], $0x1  }
0xb2: {  	s4 =	sor.u32 @!p0 s4, s6;
	[sflag:s5] =	ssyncadd.s32 @!p0 $0xFFFFFFFF  }
0xb3: {  	s25 =	simm.s32 $0x1B8E;
	s24 =	sld [smem:$0x3FFE];
	[sflag:s4] =	ssyncadd.remote.s32 @!p0 $0x1  }
0xb4: {  	s26 =	simm.s32 $execute0_lowered;
	[smem:$0x3FD2] =	sst s25  }
0xb5: {  	s5 =	sshll.u32 s26, $0x1;
	_ =	strace $0x8000004C;
	[dreg:$0x1] =	wrdreg $0xFFFFFFFF  }
0xb6: {  	s28 =	simm.s32 $_size_execute0_lowered;
	s3 =	sadd.s32 s3, s5;
	[dreg:$0x0] =	wrdreg $0x0  }
0xb7: {  	s5 =	sshll.u32 s28, $0x1;
	[dreg:$0x2] =	wrdreg s3  }
0xb8: {  	[dreg:$0x3] =	wrdreg s5  }
0xb9: {  	[dreg:$0x4] =	wrdreg $0xC0  }
0xba: {  	_ =	task [dreg:s22], $0x5FFFF  }
0xbb: {  	[dreg:$0x1] =	wrdreg $0xFFFFFFFF  }
0xbc: {  	[dreg:$0x0] =	wrdreg $0x60  }
0xbd: {  	[dreg:$0x2] =	wrdreg s24  }
0xbe: {  	[dreg:$0x3] =	wrdreg $0x42000  }
0xbf: {  	[dreg:$0x4] =	wrdreg $0xB  }
0xc0: {  	_ =	task.clear_ibuf [dreg:s22], $0x5FFFF;
	_ =	strace $0x9000004C  }
0xc1: {  	s29 =	simm.s32 $0xB;
	_ =	strace $0x8000004E  }
0xc2: {  	_ =	swait.ge [sflag:s29], $0x1  }
0xc3: {  	[sflag:s29] =	ssyncadd.s32 $0xFFFFFFFF  }
0xc4: {  	_ =	strace $0x9000004E  }
0xc5: {  	_ =	sfence  }
0xc6: {  	s30 =	sld [smem:$0x0];
	_ =	sdelay $0x2  }
0xc7: {  	s31 =	sshll.u32 s1, $0xD;
	s1 =	sshrl.u32 s1, $0x2  }
0xc8: {  	s4 =	sand.u32 $0x4000, s31;
	s1 =	sadd.s32 s1, s30  }
0xc9: {  	s0 =	sor.u32 s4, s0;
	s1 =	sshll.u32 s1, $0x11  }
0xca: {  	s0 =	sor.u32 s1, s0  }
0xcb: {  	s0 =	sadd.s32 $0x8F2B, s0  }
0xcc: {  	[sflag:s0] =	ssyncadd.remote.s32 $0x1  }
0xcd: {  	_ =	sfence.sel $0xFFFF  }
0xce: {  	[dreg:$0x0] =	wrdreg $0xFFFFFFFF;
	(pc) =	sbr.abs _section_cstart, $3  }
0xcf: {  	[dreg:$0x1] =	wrdreg $0xFFFFFFFF  }
0xd0: {  	_ =	task.clear_ibuf [dreg:s22], $0x2FFFF;
	_ =	strace $0x9FFFFFFF  }
0xd1: {  	(tm) =	ssettm $0x7FFFFFFF  }
tec
execute0_lowered:
.L_overlay_start_1:
0x0: {  	(tag) =	ssettag $0x1  }
0x1: {  	s0 =	rddreg [dreg:$0x0]  }
0x2: {  	s2 =	rddreg [dreg:$0x1]  }
0x3: {  	s3 =	simm.s32 $0x0;
	s21 =	stileid.u32;
	s4 =	srdreg.scid  }
0x4: {  	s28 =	simm.s32 $0x4;
	s29 =	simm.s32 $0x5;
	s30 =	simm.s32 $0x6  }
0x5: {  	s31 =	simm.s32 $0x0;
	[smem:$0x7FF] =	sst s3;
	s1 =	smul.u32 $0x186A0, s21  }
0x6: {  	s5 =	sadd.s32 $0x31E00, s0;
	s6 =	sand.u32 $0x1, s4;
	s24 =	sshll.u32 s21, $0x1  }
0x7: {  	s4 =	sadd.s32 $0x6D5E00, s0;
	s12 =	sshll.u32 s21, $0x6;
	s9 =	sor.u32 s6, s24  }
0x8: {  	_ =	strace $0x8000004D;
	s8 =	ssub.s32 $0x2, s6;
	s11 =	smul.u32 $0x6400, s9  }
0x9: {  	s7 =	sshrl.u32 s1, $0x3;
	s10 =	sshrl.u32 s8, $0x1;
	s26 =	smul.u32 $0x64, s9  }
0xa: {  	s14 =	sadd.s32 s1, s2;
	s1 =	sor.u32 $0x1C07, s12;
	s9 =	smul.u32 $0xC80, s9  }
0xb: {  	s7 =	sadd.s32 s7, s0;
	s25 =	ssub.s32 s8, s10;
	[dreg:$0x5] =	wrdreg s1  }
0xc: {  	s13 =	sshrl.u32 s11, $0x3;
	s7 =	sadd.s32 $0x1000, s7;
	s17 =	sadd.s32 $0x62, s26  }
0xd: {  	s0 =	smax.u32 s25, $0x1;
	s19 =	sadd.s32 $0x63, s26;
	s25 =	smul.u32 $0x640000, s21  }
0xe: {  	[dreg:$0x4] =	wrdreg s7;
	s15 =	sadd.s32 s5, s13;
	s18 =	sshll.u32 s17, $0xD  }
0xf: {  	s12 =	sshll.u32 s17, $0xF;
	s13 =	sadd.s32 s9, s5;
	[dreg:$0x8] =	wrdreg s0  }
0x10: {  	s22 =	sshll.u32 s19, $0xD;
	s23 =	sshll.u32 s19, $0xF;
	s0 =	sshll.u32 s19, $0x1  }
0x11: {  	s19 =	smul.u32 $0x190000, s21;
	s16 =	sadd.s32 $0x32000, s15;
	s1 =	sadd.s32 $0x32020, s15  }
0x12: {  	s11 =	sand.u32 $0x3F80000, s18;
	s12 =	sand.u32 $0x70000, s12;
	s15 =	smul.u32 $0x1900, s21  }
0x13: {  	s20 =	sadd.s32 $0x32000, s13;
	s18 =	smul.u32 $0xC8, s6;
	[dreg:$0x6] =	wrdreg s16  }
0x14: {  	s0 =	sand.u32 $0x60, s0;
	[dreg:$0x7] =	wrdreg s1;
	s16 =	smul.u32 $0xC80, s6  }
0x15: {  	s1 =	sshll.u32 s17, $0x1;
	s11 =	sor.u32 s12, s11;
	s17 =	smul.u32 $0x190, s21  }
0x16: {  	[dreg:$0x9] =	wrdreg s20;
	s12 =	sand.u32 $0x78000, s23;
	s20 =	smul.u32 $0xC8000, s6  }
0x17: {  	s6 =	smul.u32 $0x320000, s6;
	s21 =	simm.s32 $0x200;
	s1 =	sand.u32 $0x60, s1  }
0x18: {  	s23 =	simm.s32 $0x3;
	s24 =	sadd.s32 s15, s5;
	s1 =	sor.u32 s1, s11  }
0x19: {  	s26 =	sadd.s32 s16, s24;
	s5 =	sadd.s32 s20, s19;
	s6 =	sadd.s32 s6, s25  }
0x1a: {  	s19 =	simm.s32 $0x100;
	s20 =	simm.s32 $0x1;
	s1 =	sshrl.u32 s1, $0x3  }
0x1b: {  	s24 =	simm.s32 $0x2200;
	s11 =	sadd.s32 s4, s1;
	s1 =	sand.u32 $0x3F80000, s22  }
0x1c: {  	s25 =	simm.s32 $0x20;
	[dreg:$0x3] =	wrdreg s26;
	s1 =	sor.u32 s12, s1  }
0x1d: {  	s26 =	simm.s32 $0x80;
	s22 =	simm.s32 $0x2;
	s0 =	sor.u32 s0, s1  }
0x1e: {  	s12 =	sadd.s32 $0x32020, s13;
	s1 =	sadd.s32 s18, s17;
	s0 =	sshrl.u32 s0, $0x3  }
0x1f: {  	s17 =	sshrl.u32 s14, $0x3;
	s18 =	simm.s32 $0x7;
	s13 =	sadd.s32 s4, s0  }
.LBB2_1:
0x20: {  	s0 =	rddreg [dreg:$0x4]  }
0x21: {  	s7 =	rddreg [dreg:$0x5]  }
0x22: {  	[spmem:s17], [sflag:s7] =	dma.local [hbm:s0], $0x30D4  }
0x23: {  	_ =	swait.ge [sflag:s18], $0x30D4  }
0x24: {  	[sflag:s18] =	ssyncset.done $0x0  }
0x25: {  	[sflag:s18] =	ssyncadd.s32 $0xFFFFCF2C  }
0x26: {  	[bflag:$0x0] =	sbarrier.arrive $0xFFFF  }
0x27: {  	s16 =	rddreg [dreg:$0x6]  }
0x28: {  	[tilespmem:s3], [sflag:$0x1] =	stream.linear.gather [hbm4b:s16+s3], $0x100, $0x38;
	[tilespmem:$0x1C8A0] =	vst v63  }
0x29: {  	s7 =	rddreg [dreg:$0x7]  }
0x2a: {  	[tilespmem:s19], [sflag:$0x2] =	stream.linear.gather [hbm4b:s7+s3], $0x100, $0x38;
	[tilespmem:$0x1C8A0] =	vst v63  }
0x2b: {  	_ =	swait.ge [sflag:s20], $0x100  }
0x2c: {  	[sflag:s20] =	ssyncset.done $0x0  }
0x2d: {  	[sflag:s20] =	ssyncadd.s32 $0xFFFFFF00  }
0x2e: {  	[tilespmem:s21], [sflag:$0x3] =	stream.indirect.gather [spmem:s2], $0x20, s3, s19, $0xb8;
	[tilespmem:$0x1C8A0] =	vst v63  }
0x2f: {  	_ =	swait.ge [sflag:s22], $0x100  }
0x30: {  	[sflag:s22] =	ssyncset.done $0x0  }
0x31: {  	[sflag:s22] =	ssyncadd.s32 $0xFFFFFF00  }
0x32: {  	s14 =	sand.u32 $0x7FF80000, s5;
	_ =	swait.ge [sflag:s23], $0x2000  }
0x33: {  	s15 =	sand.u32 $0x70000, s6;
	s9 =	sand.u32 $0x60, s1;
	s8 =	rddreg [dreg:$0x3]  }
0x34: {  	s14 =	sor.u32 s15, s14;
	[sflag:s23] =	ssyncset.done $0x0;
	s0 =	sadd.s32 $0x0, s8  }
0x35: {  	s14 =	sor.u32 s9, s14;
	[sflag:s23] =	ssyncadd.s32 $0xFFFFE000;
	s16 =	sadd.s32 $0x32040, s0  }
0x36: {  	[tilespmem:s3], [sflag:$0x1] =	stream.linear.gather [hbm4b:s16+s3], $0x100, $0x38;
	[tilespmem:$0x1C8A0] =	vst v63  }
0x37: {  	s14 =	sshrl.u32 s14, $0x3  }
0x38: {  	[tilespmem:s24], [sflag:$0x4] =	stream.indirect.gather [spmem:s2], $0x20, s19, s19, $0xb8;
	[tilespmem:$0x1C8A0] =	vst v63  }
0x39: {  	s14 =	sadd.s32 s4, s14  }
0x3a: {  	[hbm4b:s14+s25] =	stream.strided.scatter [tilespmem:s21], [sflag:$0x5], $0x2000, s26, s25, $0x38;
	[tilespmem:$0x1C8A0] =	vst v63  }
0x3b: {  	_ =	swait.ge [sflag:s28], $0x2000  }
0x3c: {  	[sflag:s28] =	ssyncset.done $0x0  }
0x3d: {  	s0 =	sadd.s32 $0x32060, s0;
	[sflag:s28] =	ssyncadd.s32 $0xFFFFE000  }
0x3e: {  	[tilespmem:s19], [sflag:$0x2] =	stream.linear.gather [hbm4b:s0+s3], $0x100, $0x38;
	[tilespmem:$0x1C8A0] =	vst v63  }
0x3f: {  	s10 =	sadd.s32 $0x2, s1;
	_ =	swait.ge [sflag:s29], $0x2000  }
0x40: {  	s15 =	sadd.s32 $0x2000, s5;
	s16 =	sadd.s32 $0x8000, s6;
	[sflag:s29] =	ssyncset.done $0x0  }
0x41: {  	s14 =	sand.u32 $0x7FF80000, s15;
	s15 =	sand.u32 $0x78000, s16;
	[sflag:s29] =	ssyncadd.s32 $0xFFFFE000  }
0x42: {  	s14 =	sor.u32 s15, s14;
	s0 =	sand.u32 $0x60, s10;
	_ =	swait.ge [sflag:s20], $0x100  }
0x43: {  	s0 =	sor.u32 s0, s14;
	[sflag:s20] =	ssyncset.done $0x0  }
0x44: {  	s0 =	sshrl.u32 s0, $0x3;
	[sflag:s20] =	ssyncadd.s32 $0xFFFFFF00  }
0x45: {  	[tilespmem:s21], [sflag:$0x3] =	stream.indirect.gather [spmem:s2], $0x20, s3, s19, $0xb8;
	[tilespmem:$0x1C8A0] =	vst v63  }
0x46: {  	s16 =	smov.u32 s6;
	s0 =	sadd.s32 s4, s0  }
0x47: {  	[hbm4b:s0+s25] =	stream.strided.scatter [tilespmem:s24], [sflag:$0x6], $0x2000, s26, s25, $0x38;
	[tilespmem:$0x1C8A0] =	vst v63  }
0x48: {  	s15 =	smov.u32 s5;
	s14 =	smov.u32 s1;
	s0 =	simm.s32 $0x40  }
.LBB2_2:
0x49: {  	_ =	swait.ge [sflag:s30], $0x2000  }
0x4a: {  	[sflag:s30] =	ssyncset.done $0x0  }
0x4b: {  	[sflag:s30] =	ssyncadd.s32 $0xFFFFE000  }
0x4c: {  	_ =	swait.ge [sflag:s22], $0x100  }
0x4d: {  	s14 =	sadd.s32 $0x4, s14;
	[sflag:s22] =	ssyncset.done $0x0  }
0x4e: {  	s15 =	sadd.s32 $0x4000, s15;
	s16 =	sadd.s32 $0x10000, s16;
	[sflag:s22] =	ssyncadd.s32 $0xFFFFFF00  }
0x4f: {  	s7 =	smov.u32 s0;
	s9 =	sand.u32 $0x7FF80000, s15;
	_ =	swait.ge [sflag:s23], $0x2000  }
0x50: {  	s10 =	sand.u32 $0x70000, s16;
	s8 =	rddreg [dreg:$0x3];
	[sflag:s23] =	ssyncset.done $0x0  }
0x51: {  	s7 =	sadd.s32 s7, s8;
	s8 =	sor.u32 s10, s9;
	s9 =	sand.u32 $0x60, s14  }
0x52: {  	[sflag:s23] =	ssyncadd.s32 $0xFFFFE000;
	s10 =	sadd.s32 $0x32040, s7;
	s8 =	sor.u32 s9, s8  }
0x53: {  	[tilespmem:s3], [sflag:$0x1] =	stream.linear.gather [hbm4b:s10+s3], $0x100, $0x38;
	[tilespmem:$0x1C8A0] =	vst v63  }
0x54: {  	s8 =	sshrl.u32 s8, $0x3  }
0x55: {  	[tilespmem:s24], [sflag:$0x4] =	stream.indirect.gather [spmem:s2], $0x20, s19, s19, $0xb8;
	[tilespmem:$0x1C8A0] =	vst v63  }
0x56: {  	s8 =	sadd.s32 s4, s8  }
0x57: {  	[hbm4b:s8+s25] =	stream.strided.scatter [tilespmem:s21], [sflag:$0x5], $0x2000, s26, s25, $0x38;
	[tilespmem:$0x1C8A0] =	vst v63  }
0x58: {  	_ =	swait.ge [sflag:s28], $0x2000  }
0x59: {  	[sflag:s28] =	ssyncset.done $0x0  }
0x5a: {  	s7 =	sadd.s32 $0x32060, s7;
	[sflag:s28] =	ssyncadd.s32 $0xFFFFE000  }
0x5b: {  	[tilespmem:s19], [sflag:$0x2] =	stream.linear.gather [hbm4b:s7+s3], $0x100, $0x38;
	[tilespmem:$0x1C8A0] =	vst v63  }
0x5c: {  	p0 =	sne.s32 s0, $0xC00;
	s9 =	sadd.s32 $0x2000, s15;
	_ =	swait.ge [sflag:s29], $0x2000  }
0x5d: {  	s10 =	sadd.s32 $0x8000, s16;
	s8 =	sand.u32 $0x7FF80000, s9;
	[sflag:s29] =	ssyncset.done $0x0  }
0x5e: {  	s9 =	sand.u32 $0x78000, s10;
	s7 =	sadd.s32 $0x2, s14;
	[sflag:s29] =	ssyncadd.s32 $0xFFFFE000  }
0x5f: {  	s8 =	sor.u32 s9, s8;
	s7 =	sand.u32 $0x60, s7;
	_ =	swait.ge [sflag:s20], $0x100  }
.Ltmp0:
0x60: {  	s7 =	sor.u32 s7, s8;
	[sflag:s20] =	ssyncset.done $0x0;
	(pc) =	sbr.rel @p0 .LBB2_2-.Ltmp0, $4  }
0x61: {  	s7 =	sshrl.u32 s7, $0x3;
	[sflag:s20] =	ssyncadd.s32 $0xFFFFFF00  }
0x62: {  	[tilespmem:s21], [sflag:$0x3] =	stream.indirect.gather [spmem:s2], $0x20, s3, s19, $0xb8;
	[tilespmem:$0x1C8A0] =	vst v63  }
0x63: {  	s0 =	sadd.s32 $0x40, s0;
	s7 =	sadd.s32 s4, s7  }
0x64: {  	[hbm4b:s7+s25] =	stream.strided.scatter [tilespmem:s24], [sflag:$0x6], $0x2000, s26, s25, $0x38;
	[tilespmem:$0x1C8A0] =	vst v63  }
0x65: {  	_ =	swait.ge [sflag:s30], $0x2000  }
0x66: {  	[sflag:s30] =	ssyncset.done $0x0  }
0x67: {  	[sflag:s30] =	ssyncadd.s32 $0xFFFFE000  }
0x68: {  	_ =	swait.ge [sflag:s22], $0x100  }
0x69: {  	[sflag:s22] =	ssyncset.done $0x0  }
0x6a: {  	[sflag:s22] =	ssyncadd.s32 $0xFFFFFF00  }
0x6b: {  	_ =	swait.ge [sflag:s23], $0x2000  }
0x6c: {  	[sflag:s23] =	ssyncset.done $0x0  }
0x6d: {  	s0 =	rddreg [dreg:$0x9];
	[sflag:s23] =	ssyncadd.s32 $0xFFFFE000  }
0x6e: {  	[tilespmem:s3], [sflag:$0x1] =	stream.linear.gather [hbm4b:s0+s3], $0x100, $0x38;
	[tilespmem:$0x1C8A0] =	vst v63  }
0x6f: {  	_ = 	snop  }
0x70: {  	[tilespmem:s24], [sflag:$0x4] =	stream.indirect.gather [spmem:s2], $0x20, s19, s19, $0xb8;
	[tilespmem:$0x1C8A0] =	vst v63  }
0x71: {  	_ = 	snop  }
0x72: {  	[hbm4b:s11+s25] =	stream.strided.scatter [tilespmem:s21], [sflag:$0x5], $0x2000, s26, s25, $0x38;
	[tilespmem:$0x1C8A0] =	vst v63  }
0x73: {  	_ =	swait.ge [sflag:s28], $0x2000  }
0x74: {  	[sflag:s28] =	ssyncset.done $0x0  }
0x75: {  	[sflag:s28] =	ssyncadd.s32 $0xFFFFE000  }
0x76: {  	[tilespmem:s19], [sflag:$0x2] =	stream.linear.gather [hbm4b:s12+s3], $0x100, $0x38;
	[tilespmem:$0x1C8A0] =	vst v63  }
0x77: {  	_ =	swait.ge [sflag:s29], $0x2000  }
0x78: {  	[sflag:s29] =	ssyncset.done $0x0  }
0x79: {  	[sflag:s29] =	ssyncadd.s32 $0xFFFFE000  }
0x7a: {  	_ =	swait.ge [sflag:s20], $0x100  }
0x7b: {  	[sflag:s20] =	ssyncset.done $0x0  }
0x7c: {  	[sflag:s20] =	ssyncadd.s32 $0xFFFFFF00  }
0x7d: {  	[tilespmem:s21], [sflag:$0x3] =	stream.indirect.gather [spmem:s2], $0x20, s3, s19, $0xb8;
	[tilespmem:$0x1C8A0] =	vst v63  }
0x7e: {  	_ = 	snop  }
0x7f: {  	[hbm4b:s13+s25] =	stream.strided.scatter [tilespmem:s24], [sflag:$0x6], $0x2000, s26, s25, $0x38;
	[tilespmem:$0x1C8A0] =	vst v63  }
0x80: {  	_ =	swait.ge [sflag:s30], $0x2000  }
0x81: {  	[sflag:s30] =	ssyncset.done $0x0  }
0x82: {  	[sflag:s30] =	ssyncadd.s32 $0xFFFFE000  }
0x83: {  	_ =	swait.ge [sflag:s23], $0x2000  }
0x84: {  	[sflag:s23] =	ssyncset.done $0x0  }
0x85: {  	[sflag:s23] =	ssyncadd.s32 $0xFFFFE000  }
0x86: {  	_ =	swait.ge [sflag:s22], $0x100  }
0x87: {  	s31 =	sadd.s32 $0x1, s31;
	s16 =	rddreg [dreg:$0x8]  }
0x88: {  	p0 =	sne.s32 s31, s16  }
.Ltmp1:
0x89: {  	_ = 	snop;
	(pc) =	sbr.rel @p0 .LBB2_1-.Ltmp1, $3  }
0x8a: {  	_ =	sdelay $0x1  }
0x8b: {  	[sflag:s22] =	ssyncset.done $0x0  }
0x8c: {  	[sflag:s22] =	ssyncadd.s32 $0xFFFFFF00  }
0x8d: {  	_ =	sfence.sel $0x180000  }
0x8e: {  	[bflag:$0x0] =	sbarrier.arrive $0xFFFF  }
0x8f: {  	_ =	strace $0x9000004D  }
0x90: {  	s0 =	stileid.u32;
	[bflag:$0x2] =	sbarrier.arrive $0xFFFF  }
0x91: {  	p0 =	sne.s32 s0, $0x0;
	s0 =	rddreg [dreg:$0x2]  }
0x92: {  	s0 =	sadd.s32 @!p0 $0x100000, s0  }
0x93: {  	[sflag:s0] =	ssyncadd.tile.s32 @!p0 $0x1;
	_ =	shalt  }
.Lfunc_end2:
_tile_overlayer_lowered:
.L_overlay_start_2:
0x94: {  	(tag) =	ssettag $0x2  }
0x95: {  	s0 =	rddreg [dreg:$0x0];
	s2 =	stileid.u32  }
0x96: {  	s1 =	rddreg [dreg:$0x1];
	p0 =	sne.s32 s2, $0x0  }
0x97: {  	s3 =	rddreg [dreg:$0x2];
	[bflag:$0x3] =	sbarrier.arrive $0xFFFF;
	s2 =	simm.s32 @!p0 $0x1C07  }
0x98: {  	[timem:s3], [sflag:s2] =	dma.local @!p0 [hbm:s0], s1  }
0x99: {  	s0 =	simm.s32 @!p0 $0x7  }
0x9a: {  	_ =	swait.ge @!p0 [sflag:s0], s1  }
0x9b: {  	s1 =	ssub.s32 @!p0 $0x0, s1;
	[sflag:s0] =	ssyncset.done @!p0 $0x0  }
0x9c: {  	[sflag:s0] =	ssyncadd.s32 @!p0 s1  }
0x9d: {  	[bflag:$0x3] =	sbarrier.arrive $0xFFFF  }
0x9e: {  	_ =	shalt  }

// kernel: kernel.19.cloned.1.call-start
scs
__scs_entry_jumppad:
0x0: {  	(pc) =	sbr.rel $0x88, $3  }
0x1: {  	(tag) =	ssettag $0x0;
	lr =	simm.s32 $0x1  }
0x2: {  	[smem:$0x3F9F] =	sst lr;
	_ =	strace $0xD0000000  }
0x3: {  	_ = 	snop  }
0x4: {  	_ = 	snop  }
0x5: {  	_ = 	snop  }
0x6: {  	_ = 	snop  }
0x7: {  	_ = 	snop  }
__scs_overlays_trampoline_lowered:
0x8: {  	[smem:$0x3FAE] =	sst s0  }
0x9: {  	[smem:$0x3FAF] =	sst s1  }
0xa: {  	[smem:$0x3FB0] =	sst s2  }
0xb: {  	[smem:$0x3FB1] =	sst s3  }
0xc: {  	[smem:$0x3FB2] =	sst s4  }
0xd: {  	[smem:$0x3FB3] =	sst s5  }
0xe: {  	[smem:$0x3FB4] =	sst s6  }
0xf: {  	[smem:$0x3FB5] =	sst s7  }
0x10: {  	[smem:$0x3FB6] =	sst s8  }
0x11: {  	[smem:$0x3FB7] =	sst s9;
	s0 =	simm.s32 @!p0 $0x0  }
0x12: {  	s1 =	sld [smem:$0x3F9D];
	s0 =	simm.s32 @p0 $0x1  }
0x13: {  	[smem:$0x3FB8] =	sst s0;
	s0 =	simm.s32 @!p1 $0x0  }
0x14: {  	s2 =	sld [smem:$0x3F9C];
	s0 =	simm.s32 @p1 $0x1  }
0x15: {  	[smem:$0x3FB9] =	sst s0;
	s0 =	simm.s32 @!p2 $0x0  }
0x16: {  	s3 =	sld [smem:$0x3FDB];
	s0 =	simm.s32 @p2 $0x1  }
0x17: {  	s4 =	simm.s32 $0x1BF5;
	[smem:$0x3FBB] =	sst s0  }
0x18: {  	s0 =	sld [smem:$0x3F9E];
	_ =	swait.ge [sflag:s4], $0x0  }
0x19: {  	s7 =	sld [smem:$0x3F9F]  }
0x1a: {  	s8 =	sadd.s32 $0xFFFFE003, lr  }
0x1b: {  	s9 =	sadd.s32 $0xFFFFFEF7, lr;
	s5 =	simm.s32 $0xFFFFFFFF;
	p2 =	slt.u32 s8, $0xFFFFF086  }
0x1c: {  	p1 =	slt.u32 s9, $0xF7A;
	s5 =	simm.s32 @!p2 $0x0  }
0x1d: {  	s5 =	simm.s32 @p1 $0x1;
	p0 =	seq.s32 s7, s2  }
0x1e: {  	s7 =	smul.u32 @!p0 $0xF7A, s2;
	p2 =	seq.s32 @!p0 s5, $0x0  }
0x1f: {  	s9 =	smul.u32 $0xF7A, s1;
	s8 =	simm.s32 @!p0 $0x1BF5;
	p2 =	por !p2, p0  }
0x20: {  	[sflag:s8] =	ssyncset.s32 @!p0 $0xFFFFF086;
	s6 =	sadd.s32 @!p0 s3, s7;
	s7 =	simm.s32 @!p0 $0x108  }
0x21: {  	s3 =	sadd.s32 s3, s9;
	s6 =	sadd.s32 @!p0 $0x88, s6;
	s7 =	simm.s32 @p2 $0x1082  }
0x22: {  	[simem:s7], [sflag:s8] =	dma.local @!p0 [hbm:s6], $0xF7A  }
0x23: {  	s9 =	sor.u32 $0xD0000000, s2;
	s6 =	simm.s32 $0x108;
	_ =	swait.ge @!p0 [sflag:s8], $0x0  }
0x24: {  	s3 =	sadd.s32 $0x88, s3;
	s6 =	simm.s32 @!p1 $0x1082;
	[sflag:s4] =	ssyncset.s32 $0xFFFFF086  }
0x25: {  	[simem:s6], [sflag:s4] =	dma.local [hbm:s3], $0xF7A  }
0x26: {  	[smem:$0x3F9F] =	sst s1;
	(tag) =	ssettag s2;
	_ =	strace s9  }
0x27: {  	s1 =	sld [smem:$0x3FAF]  }
0x28: {  	s2 =	sld [smem:$0x3FB0]  }
0x29: {  	s4 =	sld [smem:$0x3FB2]  }
0x2a: {  	p0 =	seq.s32 s5, $0x0;
	s5 =	sld [smem:$0x3FB3]  }
0x2b: {  	s6 =	sld [smem:$0x3FB4]  }
0x2c: {  	s7 =	sld [smem:$0x3FB5]  }
0x2d: {  	s3 =	simm.s32 $0x108;
	s8 =	sld [smem:$0x3FB6]  }
0x2e: {  	s3 =	simm.s32 @!p0 $0x1082;
	s9 =	sld [smem:$0x3FB7]  }
0x2f: {  	lr =	sadd.s32 s0, s3;
	s0 =	sld [smem:$0x3FAE]  }
0x30: {  	s3 =	sld [smem:$0x3FB1]  }
0x31: {  	[smem:$0x3FBA] =	sst s10  }
0x32: {  	s10 =	sld [smem:$0x3FB8];
	_ =	sdelay $0x3  }
0x33: {  	p0 =	seq.s32 s10, $0x1;
	s10 =	sld [smem:$0x3FBA];
	_ =	sdelay $0x3  }
0x34: {  	[smem:$0x3FBA] =	sst s10  }
0x35: {  	s10 =	sld [smem:$0x3FB9];
	_ =	sdelay $0x3  }
0x36: {  	p1 =	seq.s32 s10, $0x1;
	s10 =	sld [smem:$0x3FBA];
	_ =	sdelay $0x3  }
0x37: {  	[smem:$0x3FBA] =	sst s10  }
0x38: {  	s10 =	sld [smem:$0x3FBB]  }
0x39: {  	_ = 	snop;
	(pc) =	sbr.ind lr, $3  }
0x3a: {  	_ = 	snop  }
0x3b: {  	_ = 	snop  }
0x3c: {  	p2 =	seq.s32 s10, $0x1;
	s10 =	sld [smem:$0x3FBA]  }
0x3d: {  	_ =	shalt  }
0x3e: {  	_ =	shalt  }
0x3f: {  	_ =	shalt  }
0x40: {  	_ =	shalt  }
0x41: {  	_ =	shalt  }
0x42: {  	_ =	shalt  }
0x43: {  	_ =	shalt  }
0x44: {  	_ =	shalt  }
0x45: {  	_ =	shalt  }
0x46: {  	_ =	shalt  }
0x47: {  	_ =	shalt  }
0x48: {  	_ =	shalt  }
0x49: {  	_ =	shalt  }
0x4a: {  	_ =	shalt  }
0x4b: {  	_ =	shalt  }
0x4c: {  	_ =	shalt  }
0x4d: {  	_ =	shalt  }
0x4e: {  	_ =	shalt  }
0x4f: {  	_ =	shalt  }
0x50: {  	_ =	shalt  }
0x51: {  	_ =	shalt  }
0x52: {  	_ =	shalt  }
0x53: {  	_ =	shalt  }
0x54: {  	_ =	shalt  }
0x55: {  	_ =	shalt  }
0x56: {  	_ =	shalt  }
0x57: {  	_ =	shalt  }
0x58: {  	_ =	shalt  }
0x59: {  	_ =	shalt  }
0x5a: {  	_ =	shalt  }
0x5b: {  	_ =	shalt  }
0x5c: {  	_ =	shalt  }
0x5d: {  	_ =	shalt  }
0x5e: {  	_ =	shalt  }
0x5f: {  	_ =	shalt  }
0x60: {  	_ =	shalt  }
0x61: {  	_ =	shalt  }
0x62: {  	_ =	shalt  }
0x63: {  	_ =	shalt  }
0x64: {  	_ =	shalt  }
0x65: {  	_ =	shalt  }
0x66: {  	_ =	shalt  }
0x67: {  	_ =	shalt  }
0x68: {  	_ =	shalt  }
0x69: {  	_ =	shalt  }
0x6a: {  	_ =	shalt  }
0x6b: {  	_ =	shalt  }
0x6c: {  	_ =	shalt  }
0x6d: {  	_ =	shalt  }
0x6e: {  	_ =	shalt  }
0x6f: {  	_ =	shalt  }
0x70: {  	_ =	shalt  }
0x71: {  	_ =	shalt  }
0x72: {  	_ =	shalt  }
0x73: {  	_ =	shalt  }
0x74: {  	_ =	shalt  }
0x75: {  	_ =	shalt  }
0x76: {  	_ =	shalt  }
0x77: {  	_ =	shalt  }
0x78: {  	_ =	shalt  }
0x79: {  	_ =	shalt  }
0x7a: {  	_ =	shalt  }
0x7b: {  	_ =	shalt  }
0x7c: {  	_ =	shalt  }
0x7d: {  	_ =	shalt  }
0x7e: {  	_ =	shalt  }
0x7f: {  	_ =	shalt  }
0x80: {  	_ =	shalt  }
0x81: {  	_ =	shalt  }
0x82: {  	_ =	shalt  }
0x83: {  	_ =	shalt  }
0x84: {  	_ =	shalt  }
0x85: {  	_ =	shalt  }
0x86: {  	_ =	shalt  }
0x87: {  	_ =	shalt  }
.Lfunc_end0:
.L_simem_size_0:
called_computation.3_lowered:
.L_overlay_start_0:
0x88: {  	s2 =	sld [smem:$0x3FD9]  }
0x89: {  	s3 =	sld [smem:$0x3FFE];
	_ =	sdelay $0x1  }
0x8a: {  	s1 =	srdreg.scid  }
0x8b: {  	s0 =	sand.u32 $0x1, s1  }
0x8c: {  	s17 =	sshll.u32 s0, $0xA;
	s2 =	sadd.s32 s3, s2  }
0x8d: {  	s2 =	sadd.s32 s2, s17  }
0x8e: {  	[smem:$0x3FC6] =	sst s2  }
0x8f: {  	_ = 	snop  }
0x90: {  	(tm) =	ssettm $0x1  }
0x91: {  	s18 =	sld [smem:$0x3FFB];
	_ =	sdelay $0x3  }
0x92: {  	_ =	strace s18  }
0x93: {  	s2 =	sld [smem:$0x3FFC];
	_ =	sdelay $0x3  }
0x94: {  	_ =	strace s2  }
0x95: {  	s2 =	sld [smem:$0x3FFD];
	_ =	sdelay $0x3  }
0x96: {  	_ =	strace s2  }
0x97: {  	_ =	strace $0x8FFFFFFF  }
0x98: {  	s19 =	sld [smem:$0x3FDB];
	_ =	sdelay $0x1  }
0x99: {  	s20 =	simm.s32 $_scs_section_size  }
0x9a: {  	s4 =	simm.s32 $_size__tile_overlayer_lowered;
	s5 =	simm.s32 $_tile_overlayer_lowered  }
0x9b: {  	s6 =	simm.s32 $0x1BFF;
	s21 =	sshll.u32 s5, $0x1;
	s3 =	sadd.s32 s20, s19  }
0x9c: {  	s22 =	simm.s32 $0x0;
	s4 =	sshll.u32 s4, $0x1;
	s5 =	sadd.s32 s21, s3  }
0x9d: {  	[timem:s22], [sflag:s6] =	dma.local [hbm:s5], s4  }
0x9e: {  	_ =	swait.ge [sflag:s6], s4  }
0x9f: {  	s4 =	ssub.s32 $0x0, s4;
	[sflag:s6] =	ssyncset.done $0x0  }
0xa0: {  	[sflag:s6] =	ssyncadd.s32 s4;
	_ =	sdelay $0x1  }
0xa1: {  	s23 =	simm.s32 $0x1B8B  }
0xa2: {  	_ =	swait.ge [sflag:s23], $0x1  }
0xa3: {  	[sflag:s23] =	ssyncset.done $0x0  }
0xa4: {  	[sflag:s23] =	ssyncadd.s32 $0xFFFFFFFF  }
0xa5: {  	s4 =	sld [smem:$0x0]  }
0xa6: {  	s5 =	sand.u32 $0xFFFFFFFE, s1  }
0xa7: {  	p0 =	sne.s32 s1, s5  }
0xa8: {  	s5 =	sshll.u32 @p0 s5, $0xE  }
0xa9: {  	s5 =	sadd.s32 @p0 $0x11B8D, s5;
	s6 =	sshll.u32 @p0 s4, $0x11  }
0xaa: {  	s5 =	sor.u32 @p0 s6, s5  }
0xab: {  	[sflag:s5] =	ssyncadd.remote.s32 @p0 $0x1;
	_ =	sdelay $0x1  }
0xac: {  	s5 =	simm.s32 @p0 $0x1B8D  }
0xad: {  	_ =	swait.eq @p0 [sflag:s5], $0x1  }
0xae: {  	[sflag:s5] =	ssyncadd.s32 @p0 $0xFFFFFFFF  }
0xaf: {  	s6 =	sshll.u32 @!p0 s1, $0xE  }
0xb0: {  	s6 =	sor.u32 @!p0 $0x4000, s6;
	s5 =	simm.s32 @!p0 $0x1B8D  }
0xb1: {  	s4 =	sshll.u32 @!p0 s4, $0x11;
	s6 =	sadd.s32 @!p0 $0x11B8D, s6;
	_ =	swait.eq @!p0 [sflag:s5], $0x1  }
0xb2: {  	s4 =	sor.u32 @!p0 s4, s6;
	[sflag:s5] =	ssyncadd.s32 @!p0 $0xFFFFFFFF  }
0xb3: {  	s25 =	simm.s32 $0x1B8E;
	s24 =	sld [smem:$0x3FFE];
	[sflag:s4] =	ssyncadd.remote.s32 @!p0 $0x1  }
0xb4: {  	s26 =	simm.s32 $execute0_lowered;
	[smem:$0x3FD2] =	sst s25  }
0xb5: {  	s5 =	sshll.u32 s26, $0x1;
	_ =	strace $0x8000004F;
	[dreg:$0x1] =	wrdreg $0xFFFFFFFF  }
0xb6: {  	s28 =	simm.s32 $_size_execute0_lowered;
	s3 =	sadd.s32 s3, s5;
	[dreg:$0x0] =	wrdreg $0x0  }
0xb7: {  	s5 =	sshll.u32 s28, $0x1;
	[dreg:$0x2] =	wrdreg s3  }
0xb8: {  	[dreg:$0x3] =	wrdreg s5  }
0xb9: {  	[dreg:$0x4] =	wrdreg $0xC0  }
0xba: {  	_ =	task [dreg:s22], $0x5FFFF  }
0xbb: {  	[dreg:$0x1] =	wrdreg $0xFFFFFFFF  }
0xbc: {  	[dreg:$0x0] =	wrdreg $0x60  }
0xbd: {  	[dreg:$0x2] =	wrdreg s24  }
0xbe: {  	[dreg:$0x3] =	wrdreg $0x42000  }
0xbf: {  	[dreg:$0x4] =	wrdreg $0xC  }
0xc0: {  	_ =	task.clear_ibuf [dreg:s22], $0x5FFFF;
	_ =	strace $0x9000004F  }
0xc1: {  	s29 =	simm.s32 $0xC;
	_ =	strace $0x80000051  }
0xc2: {  	_ =	swait.ge [sflag:s29], $0x1  }
0xc3: {  	[sflag:s29] =	ssyncadd.s32 $0xFFFFFFFF  }
0xc4: {  	_ =	strace $0x90000051  }
0xc5: {  	_ =	sfence  }
0xc6: {  	s30 =	sld [smem:$0x0];
	_ =	sdelay $0x2  }
0xc7: {  	s31 =	sshll.u32 s1, $0xD;
	s1 =	sshrl.u32 s1, $0x2  }
0xc8: {  	s4 =	sand.u32 $0x4000, s31;
	s1 =	sadd.s32 s1, s30  }
0xc9: {  	s0 =	sor.u32 s4, s0;
	s1 =	sshll.u32 s1, $0x11  }
0xca: {  	s0 =	sor.u32 s1, s0  }
0xcb: {  	s0 =	sadd.s32 $0x8F2B, s0  }
0xcc: {  	[sflag:s0] =	ssyncadd.remote.s32 $0x1  }
0xcd: {  	_ =	sfence.sel $0xFFFF  }
0xce: {  	[dreg:$0x0] =	wrdreg $0xFFFFFFFF;
	(pc) =	sbr.abs _section_cstart, $3  }
0xcf: {  	[dreg:$0x1] =	wrdreg $0xFFFFFFFF  }
0xd0: {  	_ =	task.clear_ibuf [dreg:s22], $0x2FFFF;
	_ =	strace $0x9FFFFFFF  }
0xd1: {  	(tm) =	ssettm $0x7FFFFFFF  }
tec
execute0_lowered:
.L_overlay_start_1:
0x0: {  	(tag) =	ssettag $0x1  }
0x1: {  	s0 =	rddreg [dreg:$0x0]  }
0x2: {  	s2 =	rddreg [dreg:$0x1]  }
0x3: {  	s3 =	simm.s32 $0x0;
	s21 =	stileid.u32;
	s4 =	srdreg.scid  }
0x4: {  	s28 =	simm.s32 $0x4;
	s29 =	simm.s32 $0x5;
	s30 =	simm.s32 $0x6  }
0x5: {  	s31 =	simm.s32 $0x0;
	[smem:$0x7FF] =	sst s3;
	s1 =	smul.u32 $0x186A0, s21  }
0x6: {  	s5 =	sadd.s32 $0x31E00, s0;
	s6 =	sand.u32 $0x1, s4;
	s24 =	sshll.u32 s21, $0x1  }
0x7: {  	s4 =	sadd.s32 $0x9F5E00, s0;
	s12 =	sshll.u32 s21, $0x6;
	s9 =	sor.u32 s6, s24  }
0x8: {  	_ =	strace $0x80000050;
	s8 =	ssub.s32 $0x2, s6;
	s11 =	smul.u32 $0x6400, s9  }
0x9: {  	s7 =	sshrl.u32 s1, $0x3;
	s10 =	sshrl.u32 s8, $0x1;
	s26 =	smul.u32 $0x64, s9  }
0xa: {  	s14 =	sadd.s32 s1, s2;
	s1 =	sor.u32 $0x1C07, s12;
	s9 =	smul.u32 $0xC80, s9  }
0xb: {  	s7 =	sadd.s32 s7, s0;
	s25 =	ssub.s32 s8, s10;
	[dreg:$0x5] =	wrdreg s1  }
0xc: {  	s13 =	sshrl.u32 s11, $0x3;
	s7 =	sadd.s32 $0x1000, s7;
	s17 =	sadd.s32 $0x62, s26  }
0xd: {  	s0 =	smax.u32 s25, $0x1;
	s19 =	sadd.s32 $0x63, s26;
	s25 =	smul.u32 $0x640000, s21  }
0xe: {  	[dreg:$0x4] =	wrdreg s7;
	s15 =	sadd.s32 s5, s13;
	s18 =	sshll.u32 s17, $0xD  }
0xf: {  	s12 =	sshll.u32 s17, $0xF;
	s13 =	sadd.s32 s9, s5;
	[dreg:$0x8] =	wrdreg s0  }
0x10: {  	s22 =	sshll.u32 s19, $0xD;
	s23 =	sshll.u32 s19, $0xF;
	s0 =	sshll.u32 s19, $0x1  }
0x11: {  	s19 =	smul.u32 $0x190000, s21;
	s16 =	sadd.s32 $0x4B000, s15;
	s1 =	sadd.s32 $0x4B020, s15  }
0x12: {  	s11 =	sand.u32 $0x3F80000, s18;
	s12 =	sand.u32 $0x70000, s12;
	s15 =	smul.u32 $0x1900, s21  }
0x13: {  	s20 =	sadd.s32 $0x4B000, s13;
	s18 =	smul.u32 $0xC8, s6;
	[dreg:$0x6] =	wrdreg s16  }
0x14: {  	s0 =	sand.u32 $0x60, s0;
	[dreg:$0x7] =	wrdreg s1;
	s16 =	smul.u32 $0xC80, s6  }
0x15: {  	s1 =	sshll.u32 s17, $0x1;
	s11 =	sor.u32 s12, s11;
	s17 =	smul.u32 $0x190, s21  }
0x16: {  	[dreg:$0x9] =	wrdreg s20;
	s12 =	sand.u32 $0x78000, s23;
	s20 =	smul.u32 $0xC8000, s6  }
0x17: {  	s6 =	smul.u32 $0x320000, s6;
	s21 =	simm.s32 $0x200;
	s1 =	sand.u32 $0x60, s1  }
0x18: {  	s23 =	simm.s32 $0x3;
	s24 =	sadd.s32 s15, s5;
	s1 =	sor.u32 s1, s11  }
0x19: {  	s26 =	sadd.s32 s16, s24;
	s5 =	sadd.s32 s20, s19;
	s6 =	sadd.s32 s6, s25  }
0x1a: {  	s19 =	simm.s32 $0x100;
	s20 =	simm.s32 $0x1;
	s1 =	sshrl.u32 s1, $0x3  }
0x1b: {  	s24 =	simm.s32 $0x2200;
	s11 =	sadd.s32 s4, s1;
	s1 =	sand.u32 $0x3F80000, s22  }
0x1c: {  	s25 =	simm.s32 $0x20;
	[dreg:$0x3] =	wrdreg s26;
	s1 =	sor.u32 s12, s1  }
0x1d: {  	s26 =	simm.s32 $0x80;
	s22 =	simm.s32 $0x2;
	s0 =	sor.u32 s0, s1  }
0x1e: {  	s12 =	sadd.s32 $0x4B020, s13;
	s1 =	sadd.s32 s18, s17;
	s0 =	sshrl.u32 s0, $0x3  }
0x1f: {  	s17 =	sshrl.u32 s14, $0x3;
	s18 =	simm.s32 $0x7;
	s13 =	sadd.s32 s4, s0  }
.LBB2_1:
0x20: {  	s0 =	rddreg [dreg:$0x4]  }
0x21: {  	s7 =	rddreg [dreg:$0x5]  }
0x22: {  	[spmem:s17], [sflag:s7] =	dma.local [hbm:s0], $0x30D4  }
0x23: {  	_ =	swait.ge [sflag:s18], $0x30D4  }
0x24: {  	[sflag:s18] =	ssyncset.done $0x0  }
0x25: {  	[sflag:s18] =	ssyncadd.s32 $0xFFFFCF2C  }
0x26: {  	[bflag:$0x0] =	sbarrier.arrive $0xFFFF  }
0x27: {  	s16 =	rddreg [dreg:$0x6]  }
0x28: {  	[tilespmem:s3], [sflag:$0x1] =	stream.linear.gather [hbm4b:s16+s3], $0x100, $0x38;
	[tilespmem:$0x1C8A0] =	vst v63  }
0x29: {  	s7 =	rddreg [dreg:$0x7]  }
0x2a: {  	[tilespmem:s19], [sflag:$0x2] =	stream.linear.gather [hbm4b:s7+s3], $0x100, $0x38;
	[tilespmem:$0x1C8A0] =	vst v63  }
0x2b: {  	_ =	swait.ge [sflag:s20], $0x100  }
0x2c: {  	[sflag:s20] =	ssyncset.done $0x0  }
0x2d: {  	[sflag:s20] =	ssyncadd.s32 $0xFFFFFF00  }
0x2e: {  	[tilespmem:s21], [sflag:$0x3] =	stream.indirect.gather [spmem:s2], $0x20, s3, s19, $0xb8;
	[tilespmem:$0x1C8A0] =	vst v63  }
0x2f: {  	_ =	swait.ge [sflag:s22], $0x100  }
0x30: {  	[sflag:s22] =	ssyncset.done $0x0  }
0x31: {  	[sflag:s22] =	ssyncadd.s32 $0xFFFFFF00  }
0x32: {  	s14 =	sand.u32 $0x7FF80000, s5;
	_ =	swait.ge [sflag:s23], $0x2000  }
0x33: {  	s15 =	sand.u32 $0x70000, s6;
	s9 =	sand.u32 $0x60, s1;
	s8 =	rddreg [dreg:$0x3]  }
0x34: {  	s14 =	sor.u32 s15, s14;
	[sflag:s23] =	ssyncset.done $0x0;
	s0 =	sadd.s32 $0x0, s8  }
0x35: {  	s14 =	sor.u32 s9, s14;
	[sflag:s23] =	ssyncadd.s32 $0xFFFFE000;
	s16 =	sadd.s32 $0x4B040, s0  }
0x36: {  	[tilespmem:s3], [sflag:$0x1] =	stream.linear.gather [hbm4b:s16+s3], $0x100, $0x38;
	[tilespmem:$0x1C8A0] =	vst v63  }
0x37: {  	s14 =	sshrl.u32 s14, $0x3  }
0x38: {  	[tilespmem:s24], [sflag:$0x4] =	stream.indirect.gather [spmem:s2], $0x20, s19, s19, $0xb8;
	[tilespmem:$0x1C8A0] =	vst v63  }
0x39: {  	s14 =	sadd.s32 s4, s14  }
0x3a: {  	[hbm4b:s14+s25] =	stream.strided.scatter [tilespmem:s21], [sflag:$0x5], $0x2000, s26, s25, $0x38;
	[tilespmem:$0x1C8A0] =	vst v63  }
0x3b: {  	_ =	swait.ge [sflag:s28], $0x2000  }
0x3c: {  	[sflag:s28] =	ssyncset.done $0x0  }
0x3d: {  	s0 =	sadd.s32 $0x4B060, s0;
	[sflag:s28] =	ssyncadd.s32 $0xFFFFE000  }
0x3e: {  	[tilespmem:s19], [sflag:$0x2] =	stream.linear.gather [hbm4b:s0+s3], $0x100, $0x38;
	[tilespmem:$0x1C8A0] =	vst v63  }
0x3f: {  	s10 =	sadd.s32 $0x2, s1;
	_ =	swait.ge [sflag:s29], $0x2000  }
0x40: {  	s15 =	sadd.s32 $0x2000, s5;
	s16 =	sadd.s32 $0x8000, s6;
	[sflag:s29] =	ssyncset.done $0x0  }
0x41: {  	s14 =	sand.u32 $0x7FF80000, s15;
	s15 =	sand.u32 $0x78000, s16;
	[sflag:s29] =	ssyncadd.s32 $0xFFFFE000  }
0x42: {  	s14 =	sor.u32 s15, s14;
	s0 =	sand.u32 $0x60, s10;
	_ =	swait.ge [sflag:s20], $0x100  }
0x43: {  	s0 =	sor.u32 s0, s14;
	[sflag:s20] =	ssyncset.done $0x0  }
0x44: {  	s0 =	sshrl.u32 s0, $0x3;
	[sflag:s20] =	ssyncadd.s32 $0xFFFFFF00  }
0x45: {  	[tilespmem:s21], [sflag:$0x3] =	stream.indirect.gather [spmem:s2], $0x20, s3, s19, $0xb8;
	[tilespmem:$0x1C8A0] =	vst v63  }
0x46: {  	s16 =	smov.u32 s6;
	s0 =	sadd.s32 s4, s0  }
0x47: {  	[hbm4b:s0+s25] =	stream.strided.scatter [tilespmem:s24], [sflag:$0x6], $0x2000, s26, s25, $0x38;
	[tilespmem:$0x1C8A0] =	vst v63  }
0x48: {  	s15 =	smov.u32 s5;
	s14 =	smov.u32 s1;
	s0 =	simm.s32 $0x40  }
.LBB2_2:
0x49: {  	_ =	swait.ge [sflag:s30], $0x2000  }
0x4a: {  	[sflag:s30] =	ssyncset.done $0x0  }
0x4b: {  	[sflag:s30] =	ssyncadd.s32 $0xFFFFE000  }
0x4c: {  	_ =	swait.ge [sflag:s22], $0x100  }
0x4d: {  	s14 =	sadd.s32 $0x4, s14;
	[sflag:s22] =	ssyncset.done $0x0  }
0x4e: {  	s15 =	sadd.s32 $0x4000, s15;
	s16 =	sadd.s32 $0x10000, s16;
	[sflag:s22] =	ssyncadd.s32 $0xFFFFFF00  }
0x4f: {  	s7 =	smov.u32 s0;
	s9 =	sand.u32 $0x7FF80000, s15;
	_ =	swait.ge [sflag:s23], $0x2000  }
0x50: {  	s10 =	sand.u32 $0x70000, s16;
	s8 =	rddreg [dreg:$0x3];
	[sflag:s23] =	ssyncset.done $0x0  }
0x51: {  	s7 =	sadd.s32 s7, s8;
	s8 =	sor.u32 s10, s9;
	s9 =	sand.u32 $0x60, s14  }
0x52: {  	[sflag:s23] =	ssyncadd.s32 $0xFFFFE000;
	s10 =	sadd.s32 $0x4B040, s7;
	s8 =	sor.u32 s9, s8  }
0x53: {  	[tilespmem:s3], [sflag:$0x1] =	stream.linear.gather [hbm4b:s10+s3], $0x100, $0x38;
	[tilespmem:$0x1C8A0] =	vst v63  }
0x54: {  	s8 =	sshrl.u32 s8, $0x3  }
0x55: {  	[tilespmem:s24], [sflag:$0x4] =	stream.indirect.gather [spmem:s2], $0x20, s19, s19, $0xb8;
	[tilespmem:$0x1C8A0] =	vst v63  }
0x56: {  	s8 =	sadd.s32 s4, s8  }
0x57: {  	[hbm4b:s8+s25] =	stream.strided.scatter [tilespmem:s21], [sflag:$0x5], $0x2000, s26, s25, $0x38;
	[tilespmem:$0x1C8A0] =	vst v63  }
0x58: {  	_ =	swait.ge [sflag:s28], $0x2000  }
0x59: {  	[sflag:s28] =	ssyncset.done $0x0  }
0x5a: {  	s7 =	sadd.s32 $0x4B060, s7;
	[sflag:s28] =	ssyncadd.s32 $0xFFFFE000  }
0x5b: {  	[tilespmem:s19], [sflag:$0x2] =	stream.linear.gather [hbm4b:s7+s3], $0x100, $0x38;
	[tilespmem:$0x1C8A0] =	vst v63  }
0x5c: {  	p0 =	sne.s32 s0, $0xC00;
	s9 =	sadd.s32 $0x2000, s15;
	_ =	swait.ge [sflag:s29], $0x2000  }
0x5d: {  	s10 =	sadd.s32 $0x8000, s16;
	s8 =	sand.u32 $0x7FF80000, s9;
	[sflag:s29] =	ssyncset.done $0x0  }
0x5e: {  	s9 =	sand.u32 $0x78000, s10;
	s7 =	sadd.s32 $0x2, s14;
	[sflag:s29] =	ssyncadd.s32 $0xFFFFE000  }
0x5f: {  	s8 =	sor.u32 s9, s8;
	s7 =	sand.u32 $0x60, s7;
	_ =	swait.ge [sflag:s20], $0x100  }
.Ltmp0:
0x60: {  	s7 =	sor.u32 s7, s8;
	[sflag:s20] =	ssyncset.done $0x0;
	(pc) =	sbr.rel @p0 .LBB2_2-.Ltmp0, $4  }
0x61: {  	s7 =	sshrl.u32 s7, $0x3;
	[sflag:s20] =	ssyncadd.s32 $0xFFFFFF00  }
0x62: {  	[tilespmem:s21], [sflag:$0x3] =	stream.indirect.gather [spmem:s2], $0x20, s3, s19, $0xb8;
	[tilespmem:$0x1C8A0] =	vst v63  }
0x63: {  	s0 =	sadd.s32 $0x40, s0;
	s7 =	sadd.s32 s4, s7  }
0x64: {  	[hbm4b:s7+s25] =	stream.strided.scatter [tilespmem:s24], [sflag:$0x6], $0x2000, s26, s25, $0x38;
	[tilespmem:$0x1C8A0] =	vst v63  }
0x65: {  	_ =	swait.ge [sflag:s30], $0x2000  }
0x66: {  	[sflag:s30] =	ssyncset.done $0x0  }
0x67: {  	[sflag:s30] =	ssyncadd.s32 $0xFFFFE000  }
0x68: {  	_ =	swait.ge [sflag:s22], $0x100  }
0x69: {  	[sflag:s22] =	ssyncset.done $0x0  }
0x6a: {  	[sflag:s22] =	ssyncadd.s32 $0xFFFFFF00  }
0x6b: {  	_ =	swait.ge [sflag:s23], $0x2000  }
0x6c: {  	[sflag:s23] =	ssyncset.done $0x0  }
0x6d: {  	s0 =	rddreg [dreg:$0x9];
	[sflag:s23] =	ssyncadd.s32 $0xFFFFE000  }
0x6e: {  	[tilespmem:s3], [sflag:$0x1] =	stream.linear.gather [hbm4b:s0+s3], $0x100, $0x38;
	[tilespmem:$0x1C8A0] =	vst v63  }
0x6f: {  	_ = 	snop  }
0x70: {  	[tilespmem:s24], [sflag:$0x4] =	stream.indirect.gather [spmem:s2], $0x20, s19, s19, $0xb8;
	[tilespmem:$0x1C8A0] =	vst v63  }
0x71: {  	_ = 	snop  }
0x72: {  	[hbm4b:s11+s25] =	stream.strided.scatter [tilespmem:s21], [sflag:$0x5], $0x2000, s26, s25, $0x38;
	[tilespmem:$0x1C8A0] =	vst v63  }
0x73: {  	_ =	swait.ge [sflag:s28], $0x2000  }
0x74: {  	[sflag:s28] =	ssyncset.done $0x0  }
0x75: {  	[sflag:s28] =	ssyncadd.s32 $0xFFFFE000  }
0x76: {  	[tilespmem:s19], [sflag:$0x2] =	stream.linear.gather [hbm4b:s12+s3], $0x100, $0x38;
	[tilespmem:$0x1C8A0] =	vst v63  }
0x77: {  	_ =	swait.ge [sflag:s29], $0x2000  }
0x78: {  	[sflag:s29] =	ssyncset.done $0x0  }
0x79: {  	[sflag:s29] =	ssyncadd.s32 $0xFFFFE000  }
0x7a: {  	_ =	swait.ge [sflag:s20], $0x100  }
0x7b: {  	[sflag:s20] =	ssyncset.done $0x0  }
0x7c: {  	[sflag:s20] =	ssyncadd.s32 $0xFFFFFF00  }
0x7d: {  	[tilespmem:s21], [sflag:$0x3] =	stream.indirect.gather [spmem:s2], $0x20, s3, s19, $0xb8;
	[tilespmem:$0x1C8A0] =	vst v63  }
0x7e: {  	_ = 	snop  }
0x7f: {  	[hbm4b:s13+s25] =	stream.strided.scatter [tilespmem:s24], [sflag:$0x6], $0x2000, s26, s25, $0x38;
	[tilespmem:$0x1C8A0] =	vst v63  }
0x80: {  	_ =	swait.ge [sflag:s30], $0x2000  }
0x81: {  	[sflag:s30] =	ssyncset.done $0x0  }
0x82: {  	[sflag:s30] =	ssyncadd.s32 $0xFFFFE000  }
0x83: {  	_ =	swait.ge [sflag:s23], $0x2000  }
0x84: {  	[sflag:s23] =	ssyncset.done $0x0  }
0x85: {  	[sflag:s23] =	ssyncadd.s32 $0xFFFFE000  }
0x86: {  	_ =	swait.ge [sflag:s22], $0x100  }
0x87: {  	s31 =	sadd.s32 $0x1, s31;
	s16 =	rddreg [dreg:$0x8]  }
0x88: {  	p0 =	sne.s32 s31, s16  }
.Ltmp1:
0x89: {  	_ = 	snop;
	(pc) =	sbr.rel @p0 .LBB2_1-.Ltmp1, $3  }
0x8a: {  	_ =	sdelay $0x1  }
0x8b: {  	[sflag:s22] =	ssyncset.done $0x0  }
0x8c: {  	[sflag:s22] =	ssyncadd.s32 $0xFFFFFF00  }
0x8d: {  	_ =	sfence.sel $0x180000  }
0x8e: {  	[bflag:$0x0] =	sbarrier.arrive $0xFFFF  }
0x8f: {  	_ =	strace $0x90000050  }
0x90: {  	s0 =	stileid.u32;
	[bflag:$0x2] =	sbarrier.arrive $0xFFFF  }
0x91: {  	p0 =	sne.s32 s0, $0x0;
	s0 =	rddreg [dreg:$0x2]  }
0x92: {  	s0 =	sadd.s32 @!p0 $0x100000, s0  }
0x93: {  	[sflag:s0] =	ssyncadd.tile.s32 @!p0 $0x1;
	_ =	shalt  }
.Lfunc_end2:
_tile_overlayer_lowered:
.L_overlay_start_2:
0x94: {  	(tag) =	ssettag $0x2  }
0x95: {  	s0 =	rddreg [dreg:$0x0];
	s2 =	stileid.u32  }
0x96: {  	s1 =	rddreg [dreg:$0x1];
	p0 =	sne.s32 s2, $0x0  }
0x97: {  	s3 =	rddreg [dreg:$0x2];
	[bflag:$0x3] =	sbarrier.arrive $0xFFFF;
	s2 =	simm.s32 @!p0 $0x1C07  }
0x98: {  	[timem:s3], [sflag:s2] =	dma.local @!p0 [hbm:s0], s1  }
0x99: {  	s0 =	simm.s32 @!p0 $0x7  }
0x9a: {  	_ =	swait.ge @!p0 [sflag:s0], s1  }
0x9b: {  	s1 =	ssub.s32 @!p0 $0x0, s1;
	[sflag:s0] =	ssyncset.done @!p0 $0x0  }
0x9c: {  	[sflag:s0] =	ssyncadd.s32 @!p0 s1  }
0x9d: {  	[bflag:$0x3] =	sbarrier.arrive $0xFFFF  }
0x9e: {  	_ =	shalt  }

</sc_bundles>
